<compile_context>
chip_gen: v7x
topology: tpu7x:2x2x1
jax: 0.10.2.dev20260603
libtpu: 0.0.44.dev20260713+nightly
codegen_flags: <defaults>
</compile_context>

<pallas_src>
import functools

import jax
import jax.numpy as jnp
import numpy as np
from jax import lax
from jax.experimental import pallas as pl
from jax.experimental.pallas import tpu as pltpu
from jax.experimental.pallas import tpu_sc as plsc

_CHUNK = 640
_NSLOTS = 4
_SPLIT = 2


@functools.partial(jax.jit, static_argnames=("nb", "nc", "ns", "bpw", "nrounds"))
def _sc_gather(flat_idx, table4, *, nb, nc, ns, bpw, nrounds):
    SP = _SPLIT
    D4 = table4.shape[1]
    C = _CHUNK
    N = _NSLOTS
    mesh = plsc.VectorSubcoreMesh(core_axis_name="c", subcore_axis_name="s")
    rows_per_grp = 16 // SP
    sp_shift = SP.bit_length() - 1

    @functools.partial(
        pl.kernel,
        mesh=mesh,
        out_type=jax.ShapeDtypeStruct((nb * SP, D4), jnp.float32),
        scratch_types=[
            pltpu.VMEM((bpw,), jnp.int32),
            [pltpu.VMEM((C * SP, D4), jnp.float32) for _ in range(N)],
            [pltpu.SemaphoreType.DMA for _ in range(N)],
            [pltpu.SemaphoreType.DMA for _ in range(N)],
        ],
        compiler_params=pltpu.CompilerParams(
            use_tc_tiling_on_sc=False, needs_layout_passes=False
        ),
    )
    def k(idx_hbm, table_hbm, out_hbm, idx_all, rows, sg, sw):
        wid = lax.axis_index("s") * nc + lax.axis_index("c")
        base = wid * bpw
        lanes = lax.iota(jnp.int32, 16)
        rep_const = lax.shift_right_logical(lanes, sp_shift)
        off_const = lax.bitwise_and(lanes, SP - 1)
        pltpu.sync_copy(idx_hbm.at[pl.ds(base, bpw)], idx_all)

        def gather(j, buf, sem):
            def gbody(g, carry):
                rbase = j * C + g * rows_per_grp
                vals = plsc.load_gather(idx_all, [rbase + rep_const])
                ov = vals * SP + off_const
                pltpu.async_copy(table_hbm.at[ov], buf.at[pl.ds(g * 16, 16)], sem)
                return carry

            lax.fori_loop(0, C // rows_per_grp, gbody, 0, unroll=16)

        def wait_gather(buf, sem):
            pltpu.make_async_copy(out_hbm.at[pl.ds(0, C * SP)], buf, sem).wait()

        def write(j, buf, sem):
            pltpu.async_copy(buf, out_hbm.at[pl.ds((base + j * C) * SP, C * SP)], sem)

        def wait_write(j, buf, sem):
            pltpu.make_async_copy(
                buf, out_hbm.at[pl.ds((base + j * C) * SP, C * SP)], sem
            ).wait()

        for s in range(N):
            gather(s, rows[s], sg[s])

        def body(t, carry):
            for s in range(N):
                j = N * t + s
                wait_gather(rows[s], sg[s])
                write(j, rows[s], sw[s])

                @pl.when(t < nrounds - 1)
                def _():
                    wait_write(j, rows[s], sw[s])
                    gather(j + N, rows[s], sg[s])

            return carry

        lax.fori_loop(0, nrounds, body, 0, unroll=False)
        for s in range(N):
            wait_write(N * (nrounds - 1) + s, rows[s], sw[s])

    return k(flat_idx, table4)


def kernel(input_tokens, table):
    B, H = input_tokens.shape
    V, D = table.shape
    info = plsc.get_sparse_core_info()
    nc, ns = info.num_cores, info.num_subcores
    nb = B * H
    nw = nc * ns
    bpw = nb // nw
    nrounds = bpw // (_NSLOTS * _CHUNK)
    flat = input_tokens.reshape(nb).astype(jnp.int32)
    table4 = table.reshape(V * _SPLIT, D // _SPLIT)
    out = _sc_gather(flat, table4, nb=nb, nc=nc, ns=ns, bpw=bpw, nrounds=nrounds)
    return out.reshape(B, H, D)

# --- scband reference (transcript-rebuilt; emitter-appended) ---
"""Pipeline reference for scband-learnable-tokens-25116968747646 (READ-ONLY COPY).

The authoritative reference and input builder live on the scoring server;
editing this copy changes nothing except your own understanding.
"""

import jax, jax.numpy as jnp
import numpy as np

NUM_TOKENS = 1000000
EMBEDDING_DIM = 32
BATCH = 16384
HIST = 50

def setup_inputs(seed: int = 0) -> dict:
    key = jax.random.key(seed)
    k_idx, k_tab = jax.random.split(key)
    input_tokens = jax.random.randint(k_idx, (BATCH, HIST), 0, NUM_TOKENS, dtype=jnp.int64 if jax.config.jax_enable_x64 else jnp.int32)
    table = jax.random.normal(k_tab, (NUM_TOKENS, EMBEDDING_DIM), dtype=jnp.float32)
    return {"input_tokens": input_tokens, "table": table}

def reference(input_tokens, table):
    # nn.Embedding forward: gather rows of the table by index
    return jnp.take(table, input_tokens, axis=0)

if __name__ == "__main__":
    import jax
    _d = setup_inputs()
    print(jax.jit(kernel)(*tuple(_d.values())))

</pallas_src>

<mosaic_0001>
#map = affine_map<(d0, d1) -> (0)>
#map1 = affine_map<(d0, d1) -> (0, 0)>
module attributes {stable_mosaic.version = 14 : i64} {
  func.func @k(%arg0: i32, %arg1: i32, %arg2: memref<819200xi32, #tpu.memory_space<hbm>>, %arg3: memref<2000000x16xf32, #tpu.memory_space<hbm>>, %arg4: memref<1638400x16xf32, #tpu.memory_space<hbm>>, %arg5: memref<25600xi32, #tpu.memory_space<vmem>>, %arg6: memref<1280x16xf32, #tpu.memory_space<vmem>>, %arg7: memref<1280x16xf32, #tpu.memory_space<vmem>>, %arg8: memref<1280x16xf32, #tpu.memory_space<vmem>>, %arg9: memref<1280x16xf32, #tpu.memory_space<vmem>>, %arg10: memref<!tpu.dma_semaphore, #tpu.memory_space<semaphore_mem>>, %arg11: memref<!tpu.dma_semaphore, #tpu.memory_space<semaphore_mem>>, %arg12: memref<!tpu.dma_semaphore, #tpu.memory_space<semaphore_mem>>, %arg13: memref<!tpu.dma_semaphore, #tpu.memory_space<semaphore_mem>>, %arg14: memref<!tpu.dma_semaphore, #tpu.memory_space<semaphore_mem>>, %arg15: memref<!tpu.dma_semaphore, #tpu.memory_space<semaphore_mem>>, %arg16: memref<!tpu.dma_semaphore, #tpu.memory_space<semaphore_mem>>, %arg17: memref<!tpu.dma_semaphore, #tpu.memory_space<semaphore_mem>>) attributes {dimension_semantics = [#tpu.dimension_semantics<core_parallel>, #tpu.dimension_semantics<subcore_parallel>], iteration_bounds = array<i64: 2, 16>, scalar_prefetch = 0 : i64, scratch_operands = 13 : i64, tpu.core_type = #tpu.core_type<sc_vector_subcore>, window_params = [{transform_indices = #map}, {transform_indices = #map1}, {transform_indices = #map1}]} {
    %mul3A = arith.constant 2 : i32
    %mul3A_0 = arith.muli %arg1, %mul3A : i32
    %add3A = arith.addi %mul3A_0, %arg0 : i32
    %mul3A_1 = arith.constant 25600 : i32
    %mul3A_2 = arith.muli %add3A, %mul3A_1 : i32
    %iota3A = tpu.iota {dimensions = array<i32: 0>} : vector<16xi32>
    %shift_right_logical3A = arith.constant 1 : i32
    %shift_right_logical3A_3 = vector.broadcast %shift_right_logical3A : i32 to vector<16xi32>
    %shift_right_logical3A_4 = arith.shrui %iota3A, %shift_right_logical3A_3 : vector<16xi32>
    %and3A = arith.constant 1 : i32
    %and3A_5 = vector.broadcast %and3A : i32 to vector<16xi32>
    %and3A_6 = arith.andi %iota3A, %and3A_5 : vector<16xi32>
    "tpu.region"() ({
      %run_scoped3A = tpu.sem_alloc : memref<!tpu.dma_semaphore, #tpu.memory_space<semaphore_mem>>
      %dma_start3A = tpu.memref_slice %arg2[%mul3A_2] : memref<819200xi32, #tpu.memory_space<hbm>> -> memref<25600xi32, #tpu.memory_space<hbm>>
      %dma_start3A_67 = tpu.memref_slice %arg2[%mul3A_2] : memref<819200xi32, #tpu.memory_space<hbm>> -> memref<25600xi32, #tpu.memory_space<hbm>>
      tpu.enqueue_dma source(%dma_start3A_67 : memref<25600xi32, #tpu.memory_space<hbm>>) target(%arg5 : memref<25600xi32, #tpu.memory_space<vmem>>) target_semaphore(%run_scoped3A : memref<!tpu.dma_semaphore, #tpu.memory_space<semaphore_mem>>)
      %dma_wait3A_68 = tpu.memref_slice %arg2[%mul3A_2] : memref<819200xi32, #tpu.memory_space<hbm>> -> memref<25600xi32, #tpu.memory_space<hbm>>
      %dma_wait3A_69 = tpu.memref_slice %arg2[%mul3A_2] : memref<819200xi32, #tpu.memory_space<hbm>> -> memref<25600xi32, #tpu.memory_space<hbm>>
      tpu.wait_dma2 semaphore(%run_scoped3A : memref<!tpu.dma_semaphore, #tpu.memory_space<semaphore_mem>>) src(%dma_wait3A_69 : memref<25600xi32, #tpu.memory_space<hbm>>) dst(%arg5 : memref<25600xi32, #tpu.memory_space<vmem>>)
      tpu.yield
    }) : () -> ()
    %scan3A = arith.constant 0 : i32
    %scan3A_7 = arith.constant 0 : i32
    %scan3A_8 = arith.constant 80 : i32
    %scan3A_9 = arith.addi %scan3A_7, %scan3A_8 : i32
    %scan3A_10 = arith.constant 16 : i32
    scf.for %scan3A_67 = %scan3A_7 to %scan3A_9 step %scan3A_10  : i32 {
      %mul3A_68 = arith.constant 8 : i32
      %mul3A_69 = arith.muli %scan3A_67, %mul3A_68 : i32
      %add3A_70 = arith.constant 0 : i32
      %add3A_71 = arith.addi %add3A_70, %mul3A_69 : i32
      %add3A_72 = vector.broadcast %add3A_71 : i32 to vector<16xi32>
      %add3A_73 = arith.addi %add3A_72, %shift_right_logical3A_4 : vector<16xi32>
      %gather3A = tpu.vector_load_idx %arg5[%add3A_73] : memref<25600xi32, #tpu.memory_space<vmem>>[vector<16xi32>], vector<16xi32>,
      %mul3A_74 = arith.constant 2 : i32
      %mul3A_75 = vector.broadcast %mul3A_74 : i32 to vector<16xi32>
      %mul3A_76 = arith.muli %gather3A, %mul3A_75 : vector<16xi32>
      %add3A_77 = arith.addi %mul3A_76, %and3A_6 : vector<16xi32>
      %mul3A_78 = arith.constant 16 : i32
      %mul3A_79 = arith.muli %scan3A_67, %mul3A_78 : i32
      %dma_start3A = arith.constant 0 : i32
      %dma_start3A_80 = tpu.memref_slice %arg6[%mul3A_79, %dma_start3A] : memref<1280x16xf32, #tpu.memory_space<vmem>> -> memref<16x16xf32, #tpu.memory_space<vmem>>
      %dma_start3A_81 = arith.constant 0 : i32
      %dma_start3A_82 = arith.constant 0 : i32
      %dma_start3A_83 = tpu.memref_slice %arg3[%dma_start3A_81, %dma_start3A_82] : memref<2000000x16xf32, #tpu.memory_space<hbm>> -> memref<2000000x16xf32, #tpu.memory_space<hbm>>
      tpu.enqueue_indirect_dma source(%dma_start3A_83 : memref<2000000x16xf32, #tpu.memory_space<hbm>>) target(%dma_start3A_80 : memref<16x16xf32, #tpu.memory_space<vmem>>) offsets(%add3A_77 : vector<16xi32>) semaphore(%arg10 : memref<!tpu.dma_semaphore, #tpu.memory_space<semaphore_mem>>)
      %scan3A_84 = arith.constant 1 : i32
      %scan3A_85 = arith.addi %scan3A_67, %scan3A_84 : i32
      %mul3A_86 = arith.constant 8 : i32
      %mul3A_87 = arith.muli %scan3A_85, %mul3A_86 : i32
      %add3A_88 = arith.constant 0 : i32
      %add3A_89 = arith.addi %add3A_88, %mul3A_87 : i32
      %add3A_90 = vector.broadcast %add3A_89 : i32 to vector<16xi32>
      %add3A_91 = arith.addi %add3A_90, %shift_right_logical3A_4 : vector<16xi32>
      %gather3A_92 = tpu.vector_load_idx %arg5[%add3A_91] : memref<25600xi32, #tpu.memory_space<vmem>>[vector<16xi32>], vector<16xi32>,
      %mul3A_93 = arith.constant 2 : i32
      %mul3A_94 = vector.broadcast %mul3A_93 : i32 to vector<16xi32>
      %mul3A_95 = arith.muli %gather3A_92, %mul3A_94 : vector<16xi32>
      %add3A_96 = arith.addi %mul3A_95, %and3A_6 : vector<16xi32>
      %mul3A_97 = arith.constant 16 : i32
      %mul3A_98 = arith.muli %scan3A_85, %mul3A_97 : i32
      %dma_start3A_99 = arith.constant 0 : i32
      %dma_start3A_100 = tpu.memref_slice %arg6[%mul3A_98, %dma_start3A_99] : memref<1280x16xf32, #tpu.memory_space<vmem>> -> memref<16x16xf32, #tpu.memory_space<vmem>>
      %dma_start3A_101 = arith.constant 0 : i32
      %dma_start3A_102 = arith.constant 0 : i32
      %dma_start3A_103 = tpu.memref_slice %arg3[%dma_start3A_101, %dma_start3A_102] : memref<2000000x16xf32, #tpu.memory_space<hbm>> -> memref<2000000x16xf32, #tpu.memory_space<hbm>>
      tpu.enqueue_indirect_dma source(%dma_start3A_103 : memref<2000000x16xf32, #tpu.memory_space<hbm>>) target(%dma_start3A_100 : memref<16x16xf32, #tpu.memory_space<vmem>>) offsets(%add3A_96 : vector<16xi32>) semaphore(%arg10 : memref<!tpu.dma_semaphore, #tpu.memory_space<semaphore_mem>>)
      %scan3A_104 = arith.constant 2 : i32
      %scan3A_105 = arith.addi %scan3A_67, %scan3A_104 : i32
      %mul3A_106 = arith.constant 8 : i32
      %mul3A_107 = arith.muli %scan3A_105, %mul3A_106 : i32
      %add3A_108 = arith.constant 0 : i32
      %add3A_109 = arith.addi %add3A_108, %mul3A_107 : i32
      %add3A_110 = vector.broadcast %add3A_109 : i32 to vector<16xi32>
      %add3A_111 = arith.addi %add3A_110, %shift_right_logical3A_4 : vector<16xi32>
      %gather3A_112 = tpu.vector_load_idx %arg5[%add3A_111] : memref<25600xi32, #tpu.memory_space<vmem>>[vector<16xi32>], vector<16xi32>,
      %mul3A_113 = arith.constant 2 : i32
      %mul3A_114 = vector.broadcast %mul3A_113 : i32 to vector<16xi32>
      %mul3A_115 = arith.muli %gather3A_112, %mul3A_114 : vector<16xi32>
      %add3A_116 = arith.addi %mul3A_115, %and3A_6 : vector<16xi32>
      %mul3A_117 = arith.constant 16 : i32
      %mul3A_118 = arith.muli %scan3A_105, %mul3A_117 : i32
      %dma_start3A_119 = arith.constant 0 : i32
      %dma_start3A_120 = tpu.memref_slice %arg6[%mul3A_118, %dma_start3A_119] : memref<1280x16xf32, #tpu.memory_space<vmem>> -> memref<16x16xf32, #tpu.memory_space<vmem>>
      %dma_start3A_121 = arith.constant 0 : i32
      %dma_start3A_122 = arith.constant 0 : i32
      %dma_start3A_123 = tpu.memref_slice %arg3[%dma_start3A_121, %dma_start3A_122] : memref<2000000x16xf32, #tpu.memory_space<hbm>> -> memref<2000000x16xf32, #tpu.memory_space<hbm>>
      tpu.enqueue_indirect_dma source(%dma_start3A_123 : memref<2000000x16xf32, #tpu.memory_space<hbm>>) target(%dma_start3A_120 : memref<16x16xf32, #tpu.memory_space<vmem>>) offsets(%add3A_116 : vector<16xi32>) semaphore(%arg10 : memref<!tpu.dma_semaphore, #tpu.memory_space<semaphore_mem>>)
      %scan3A_124 = arith.constant 3 : i32
      %scan3A_125 = arith.addi %scan3A_67, %scan3A_124 : i32
      %mul3A_126 = arith.constant 8 : i32
      %mul3A_127 = arith.muli %scan3A_125, %mul3A_126 : i32
      %add3A_128 = arith.constant 0 : i32
      %add3A_129 = arith.addi %add3A_128, %mul3A_127 : i32
      %add3A_130 = vector.broadcast %add3A_129 : i32 to vector<16xi32>
      %add3A_131 = arith.addi %add3A_130, %shift_right_logical3A_4 : vector<16xi32>
      %gather3A_132 = tpu.vector_load_idx %arg5[%add3A_131] : memref<25600xi32, #tpu.memory_space<vmem>>[vector<16xi32>], vector<16xi32>,
      %mul3A_133 = arith.constant 2 : i32
      %mul3A_134 = vector.broadcast %mul3A_133 : i32 to vector<16xi32>
      %mul3A_135 = arith.muli %gather3A_132, %mul3A_134 : vector<16xi32>
      %add3A_136 = arith.addi %mul3A_135, %and3A_6 : vector<16xi32>
      %mul3A_137 = arith.constant 16 : i32
      %mul3A_138 = arith.muli %scan3A_125, %mul3A_137 : i32
      %dma_start3A_139 = arith.constant 0 : i32
      %dma_start3A_140 = tpu.memref_slice %arg6[%mul3A_138, %dma_start3A_139] : memref<1280x16xf32, #tpu.memory_space<vmem>> -> memref<16x16xf32, #tpu.memory_space<vmem>>
      %dma_start3A_141 = arith.constant 0 : i32
      %dma_start3A_142 = arith.constant 0 : i32
      %dma_start3A_143 = tpu.memref_slice %arg3[%dma_start3A_141, %dma_start3A_142] : memref<2000000x16xf32, #tpu.memory_space<hbm>> -> memref<2000000x16xf32, #tpu.memory_space<hbm>>
      tpu.enqueue_indirect_dma source(%dma_start3A_143 : memref<2000000x16xf32, #tpu.memory_space<hbm>>) target(%dma_start3A_140 : memref<16x16xf32, #tpu.memory_space<vmem>>) offsets(%add3A_136 : vector<16xi32>) semaphore(%arg10 : memref<!tpu.dma_semaphore, #tpu.memory_space<semaphore_mem>>)
      %scan3A_144 = arith.constant 4 : i32
      %scan3A_145 = arith.addi %scan3A_67, %scan3A_144 : i32
      %mul3A_146 = arith.constant 8 : i32
      %mul3A_147 = arith.muli %scan3A_145, %mul3A_146 : i32
      %add3A_148 = arith.constant 0 : i32
      %add3A_149 = arith.addi %add3A_148, %mul3A_147 : i32
      %add3A_150 = vector.broadcast %add3A_149 : i32 to vector<16xi32>
      %add3A_151 = arith.addi %add3A_150, %shift_right_logical3A_4 : vector<16xi32>
      %gather3A_152 = tpu.vector_load_idx %arg5[%add3A_151] : memref<25600xi32, #tpu.memory_space<vmem>>[vector<16xi32>], vector<16xi32>,
      %mul3A_153 = arith.constant 2 : i32
      %mul3A_154 = vector.broadcast %mul3A_153 : i32 to vector<16xi32>
      %mul3A_155 = arith.muli %gather3A_152, %mul3A_154 : vector<16xi32>
      %add3A_156 = arith.addi %mul3A_155, %and3A_6 : vector<16xi32>
      %mul3A_157 = arith.constant 16 : i32
      %mul3A_158 = arith.muli %scan3A_145, %mul3A_157 : i32
      %dma_start3A_159 = arith.constant 0 : i32
      %dma_start3A_160 = tpu.memref_slice %arg6[%mul3A_158, %dma_start3A_159] : memref<1280x16xf32, #tpu.memory_space<vmem>> -> memref<16x16xf32, #tpu.memory_space<vmem>>
      %dma_start3A_161 = arith.constant 0 : i32
      %dma_start3A_162 = arith.constant 0 : i32
      %dma_start3A_163 = tpu.memref_slice %arg3[%dma_start3A_161, %dma_start3A_162] : memref<2000000x16xf32, #tpu.memory_space<hbm>> -> memref<2000000x16xf32, #tpu.memory_space<hbm>>
      tpu.enqueue_indirect_dma source(%dma_start3A_163 : memref<2000000x16xf32, #tpu.memory_space<hbm>>) target(%dma_start3A_160 : memref<16x16xf32, #tpu.memory_space<vmem>>) offsets(%add3A_156 : vector<16xi32>) semaphore(%arg10 : memref<!tpu.dma_semaphore, #tpu.memory_space<semaphore_mem>>)
      %scan3A_164 = arith.constant 5 : i32
      %scan3A_165 = arith.addi %scan3A_67, %scan3A_164 : i32
      %mul3A_166 = arith.constant 8 : i32
      %mul3A_167 = arith.muli %scan3A_165, %mul3A_166 : i32
      %add3A_168 = arith.constant 0 : i32
      %add3A_169 = arith.addi %add3A_168, %mul3A_167 : i32
      %add3A_170 = vector.broadcast %add3A_169 : i32 to vector<16xi32>
      %add3A_171 = arith.addi %add3A_170, %shift_right_logical3A_4 : vector<16xi32>
      %gather3A_172 = tpu.vector_load_idx %arg5[%add3A_171] : memref<25600xi32, #tpu.memory_space<vmem>>[vector<16xi32>], vector<16xi32>,
      %mul3A_173 = arith.constant 2 : i32
      %mul3A_174 = vector.broadcast %mul3A_173 : i32 to vector<16xi32>
      %mul3A_175 = arith.muli %gather3A_172, %mul3A_174 : vector<16xi32>
      %add3A_176 = arith.addi %mul3A_175, %and3A_6 : vector<16xi32>
      %mul3A_177 = arith.constant 16 : i32
      %mul3A_178 = arith.muli %scan3A_165, %mul3A_177 : i32
      %dma_start3A_179 = arith.constant 0 : i32
      %dma_start3A_180 = tpu.memref_slice %arg6[%mul3A_178, %dma_start3A_179] : memref<1280x16xf32, #tpu.memory_space<vmem>> -> memref<16x16xf32, #tpu.memory_space<vmem>>
      %dma_start3A_181 = arith.constant 0 : i32
      %dma_start3A_182 = arith.constant 0 : i32
      %dma_start3A_183 = tpu.memref_slice %arg3[%dma_start3A_181, %dma_start3A_182] : memref<2000000x16xf32, #tpu.memory_space<hbm>> -> memref<2000000x16xf32, #tpu.memory_space<hbm>>
      tpu.enqueue_indirect_dma source(%dma_start3A_183 : memref<2000000x16xf32, #tpu.memory_space<hbm>>) target(%dma_start3A_180 : memref<16x16xf32, #tpu.memory_space<vmem>>) offsets(%add3A_176 : vector<16xi32>) semaphore(%arg10 : memref<!tpu.dma_semaphore, #tpu.memory_space<semaphore_mem>>)
      %scan3A_184 = arith.constant 6 : i32
      %scan3A_185 = arith.addi %scan3A_67, %scan3A_184 : i32
      %mul3A_186 = arith.constant 8 : i32
      %mul3A_187 = arith.muli %scan3A_185, %mul3A_186 : i32
      %add3A_188 = arith.constant 0 : i32
      %add3A_189 = arith.addi %add3A_188, %mul3A_187 : i32
      %add3A_190 = vector.broadcast %add3A_189 : i32 to vector<16xi32>
      %add3A_191 = arith.addi %add3A_190, %shift_right_logical3A_4 : vector<16xi32>
      %gather3A_192 = tpu.vector_load_idx %arg5[%add3A_191] : memref<25600xi32, #tpu.memory_space<vmem>>[vector<16xi32>], vector<16xi32>,
      %mul3A_193 = arith.constant 2 : i32
      %mul3A_194 = vector.broadcast %mul3A_193 : i32 to vector<16xi32>
      %mul3A_195 = arith.muli %gather3A_192, %mul3A_194 : vector<16xi32>
      %add3A_196 = arith.addi %mul3A_195, %and3A_6 : vector<16xi32>
      %mul3A_197 = arith.constant 16 : i32
      %mul3A_198 = arith.muli %scan3A_185, %mul3A_197 : i32
      %dma_start3A_199 = arith.constant 0 : i32
      %dma_start3A_200 = tpu.memref_slice %arg6[%mul3A_198, %dma_start3A_199] : memref<1280x16xf32, #tpu.memory_space<vmem>> -> memref<16x16xf32, #tpu.memory_space<vmem>>
      %dma_start3A_201 = arith.constant 0 : i32
      %dma_start3A_202 = arith.constant 0 : i32
      %dma_start3A_203 = tpu.memref_slice %arg3[%dma_start3A_201, %dma_start3A_202] : memref<2000000x16xf32, #tpu.memory_space<hbm>> -> memref<2000000x16xf32, #tpu.memory_space<hbm>>
      tpu.enqueue_indirect_dma source(%dma_start3A_203 : memref<2000000x16xf32, #tpu.memory_space<hbm>>) target(%dma_start3A_200 : memref<16x16xf32, #tpu.memory_space<vmem>>) offsets(%add3A_196 : vector<16xi32>) semaphore(%arg10 : memref<!tpu.dma_semaphore, #tpu.memory_space<semaphore_mem>>)
      %scan3A_204 = arith.constant 7 : i32
      %scan3A_205 = arith.addi %scan3A_67, %scan3A_204 : i32
      %mul3A_206 = arith.constant 8 : i32
      %mul3A_207 = arith.muli %scan3A_205, %mul3A_206 : i32
      %add3A_208 = arith.constant 0 : i32
      %add3A_209 = arith.addi %add3A_208, %mul3A_207 : i32
      %add3A_210 = vector.broadcast %add3A_209 : i32 to vector<16xi32>
      %add3A_211 = arith.addi %add3A_210, %shift_right_logical3A_4 : vector<16xi32>
      %gather3A_212 = tpu.vector_load_idx %arg5[%add3A_211] : memref<25600xi32, #tpu.memory_space<vmem>>[vector<16xi32>], vector<16xi32>,
      %mul3A_213 = arith.constant 2 : i32
      %mul3A_214 = vector.broadcast %mul3A_213 : i32 to vector<16xi32>
      %mul3A_215 = arith.muli %gather3A_212, %mul3A_214 : vector<16xi32>
      %add3A_216 = arith.addi %mul3A_215, %and3A_6 : vector<16xi32>
      %mul3A_217 = arith.constant 16 : i32
      %mul3A_218 = arith.muli %scan3A_205, %mul3A_217 : i32
      %dma_start3A_219 = arith.constant 0 : i32
      %dma_start3A_220 = tpu.memref_slice %arg6[%mul3A_218, %dma_start3A_219] : memref<1280x16xf32, #tpu.memory_space<vmem>> -> memref<16x16xf32, #tpu.memory_space<vmem>>
      %dma_start3A_221 = arith.constant 0 : i32
      %dma_start3A_222 = arith.constant 0 : i32
      %dma_start3A_223 = tpu.memref_slice %arg3[%dma_start3A_221, %dma_start3A_222] : memref<2000000x16xf32, #tpu.memory_space<hbm>> -> memref<2000000x16xf32, #tpu.memory_space<hbm>>
      tpu.enqueue_indirect_dma source(%dma_start3A_223 : memref<2000000x16xf32, #tpu.memory_space<hbm>>) target(%dma_start3A_220 : memref<16x16xf32, #tpu.memory_space<vmem>>) offsets(%add3A_216 : vector<16xi32>) semaphore(%arg10 : memref<!tpu.dma_semaphore, #tpu.memory_space<semaphore_mem>>)
      %scan3A_224 = arith.constant 8 : i32
      %scan3A_225 = arith.addi %scan3A_67, %scan3A_224 : i32
      %mul3A_226 = arith.constant 8 : i32
      %mul3A_227 = arith.muli %scan3A_225, %mul3A_226 : i32
      %add3A_228 = arith.constant 0 : i32
      %add3A_229 = arith.addi %add3A_228, %mul3A_227 : i32
      %add3A_230 = vector.broadcast %add3A_229 : i32 to vector<16xi32>
      %add3A_231 = arith.addi %add3A_230, %shift_right_logical3A_4 : vector<16xi32>
      %gather3A_232 = tpu.vector_load_idx %arg5[%add3A_231] : memref<25600xi32, #tpu.memory_space<vmem>>[vector<16xi32>], vector<16xi32>,
      %mul3A_233 = arith.constant 2 : i32
      %mul3A_234 = vector.broadcast %mul3A_233 : i32 to vector<16xi32>
      %mul3A_235 = arith.muli %gather3A_232, %mul3A_234 : vector<16xi32>
      %add3A_236 = arith.addi %mul3A_235, %and3A_6 : vector<16xi32>
      %mul3A_237 = arith.constant 16 : i32
      %mul3A_238 = arith.muli %scan3A_225, %mul3A_237 : i32
      %dma_start3A_239 = arith.constant 0 : i32
      %dma_start3A_240 = tpu.memref_slice %arg6[%mul3A_238, %dma_start3A_239] : memref<1280x16xf32, #tpu.memory_space<vmem>> -> memref<16x16xf32, #tpu.memory_space<vmem>>
      %dma_start3A_241 = arith.constant 0 : i32
      %dma_start3A_242 = arith.constant 0 : i32
      %dma_start3A_243 = tpu.memref_slice %arg3[%dma_start3A_241, %dma_start3A_242] : memref<2000000x16xf32, #tpu.memory_space<hbm>> -> memref<2000000x16xf32, #tpu.memory_space<hbm>>
      tpu.enqueue_indirect_dma source(%dma_start3A_243 : memref<2000000x16xf32, #tpu.memory_space<hbm>>) target(%dma_start3A_240 : memref<16x16xf32, #tpu.memory_space<vmem>>) offsets(%add3A_236 : vector<16xi32>) semaphore(%arg10 : memref<!tpu.dma_semaphore, #tpu.memory_space<semaphore_mem>>)
      %scan3A_244 = arith.constant 9 : i32
      %scan3A_245 = arith.addi %scan3A_67, %scan3A_244 : i32
      %mul3A_246 = arith.constant 8 : i32
      %mul3A_247 = arith.muli %scan3A_245, %mul3A_246 : i32
      %add3A_248 = arith.constant 0 : i32
      %add3A_249 = arith.addi %add3A_248, %mul3A_247 : i32
      %add3A_250 = vector.broadcast %add3A_249 : i32 to vector<16xi32>
      %add3A_251 = arith.addi %add3A_250, %shift_right_logical3A_4 : vector<16xi32>
      %gather3A_252 = tpu.vector_load_idx %arg5[%add3A_251] : memref<25600xi32, #tpu.memory_space<vmem>>[vector<16xi32>], vector<16xi32>,
      %mul3A_253 = arith.constant 2 : i32
      %mul3A_254 = vector.broadcast %mul3A_253 : i32 to vector<16xi32>
      %mul3A_255 = arith.muli %gather3A_252, %mul3A_254 : vector<16xi32>
      %add3A_256 = arith.addi %mul3A_255, %and3A_6 : vector<16xi32>
      %mul3A_257 = arith.constant 16 : i32
      %mul3A_258 = arith.muli %scan3A_245, %mul3A_257 : i32
      %dma_start3A_259 = arith.constant 0 : i32
      %dma_start3A_260 = tpu.memref_slice %arg6[%mul3A_258, %dma_start3A_259] : memref<1280x16xf32, #tpu.memory_space<vmem>> -> memref<16x16xf32, #tpu.memory_space<vmem>>
      %dma_start3A_261 = arith.constant 0 : i32
      %dma_start3A_262 = arith.constant 0 : i32
      %dma_start3A_263 = tpu.memref_slice %arg3[%dma_start3A_261, %dma_start3A_262] : memref<2000000x16xf32, #tpu.memory_space<hbm>> -> memref<2000000x16xf32, #tpu.memory_space<hbm>>
      tpu.enqueue_indirect_dma source(%dma_start3A_263 : memref<2000000x16xf32, #tpu.memory_space<hbm>>) target(%dma_start3A_260 : memref<16x16xf32, #tpu.memory_space<vmem>>) offsets(%add3A_256 : vector<16xi32>) semaphore(%arg10 : memref<!tpu.dma_semaphore, #tpu.memory_space<semaphore_mem>>)
      %scan3A_264 = arith.constant 10 : i32
      %scan3A_265 = arith.addi %scan3A_67, %scan3A_264 : i32
      %mul3A_266 = arith.constant 8 : i32
      %mul3A_267 = arith.muli %scan3A_265, %mul3A_266 : i32
      %add3A_268 = arith.constant 0 : i32
      %add3A_269 = arith.addi %add3A_268, %mul3A_267 : i32
      %add3A_270 = vector.broadcast %add3A_269 : i32 to vector<16xi32>
      %add3A_271 = arith.addi %add3A_270, %shift_right_logical3A_4 : vector<16xi32>
      %gather3A_272 = tpu.vector_load_idx %arg5[%add3A_271] : memref<25600xi32, #tpu.memory_space<vmem>>[vector<16xi32>], vector<16xi32>,
      %mul3A_273 = arith.constant 2 : i32
      %mul3A_274 = vector.broadcast %mul3A_273 : i32 to vector<16xi32>
      %mul3A_275 = arith.muli %gather3A_272, %mul3A_274 : vector<16xi32>
      %add3A_276 = arith.addi %mul3A_275, %and3A_6 : vector<16xi32>
      %mul3A_277 = arith.constant 16 : i32
      %mul3A_278 = arith.muli %scan3A_265, %mul3A_277 : i32
      %dma_start3A_279 = arith.constant 0 : i32
      %dma_start3A_280 = tpu.memref_slice %arg6[%mul3A_278, %dma_start3A_279] : memref<1280x16xf32, #tpu.memory_space<vmem>> -> memref<16x16xf32, #tpu.memory_space<vmem>>
      %dma_start3A_281 = arith.constant 0 : i32
      %dma_start3A_282 = arith.constant 0 : i32
      %dma_start3A_283 = tpu.memref_slice %arg3[%dma_start3A_281, %dma_start3A_282] : memref<2000000x16xf32, #tpu.memory_space<hbm>> -> memref<2000000x16xf32, #tpu.memory_space<hbm>>
      tpu.enqueue_indirect_dma source(%dma_start3A_283 : memref<2000000x16xf32, #tpu.memory_space<hbm>>) target(%dma_start3A_280 : memref<16x16xf32, #tpu.memory_space<vmem>>) offsets(%add3A_276 : vector<16xi32>) semaphore(%arg10 : memref<!tpu.dma_semaphore, #tpu.memory_space<semaphore_mem>>)
      %scan3A_284 = arith.constant 11 : i32
      %scan3A_285 = arith.addi %scan3A_67, %scan3A_284 : i32
      %mul3A_286 = arith.constant 8 : i32
      %mul3A_287 = arith.muli %scan3A_285, %mul3A_286 : i32
      %add3A_288 = arith.constant 0 : i32
      %add3A_289 = arith.addi %add3A_288, %mul3A_287 : i32
      %add3A_290 = vector.broadcast %add3A_289 : i32 to vector<16xi32>
      %add3A_291 = arith.addi %add3A_290, %shift_right_logical3A_4 : vector<16xi32>
      %gather3A_292 = tpu.vector_load_idx %arg5[%add3A_291] : memref<25600xi32, #tpu.memory_space<vmem>>[vector<16xi32>], vector<16xi32>,
      %mul3A_293 = arith.constant 2 : i32
      %mul3A_294 = vector.broadcast %mul3A_293 : i32 to vector<16xi32>
      %mul3A_295 = arith.muli %gather3A_292, %mul3A_294 : vector<16xi32>
      %add3A_296 = arith.addi %mul3A_295, %and3A_6 : vector<16xi32>
      %mul3A_297 = arith.constant 16 : i32
      %mul3A_298 = arith.muli %scan3A_285, %mul3A_297 : i32
      %dma_start3A_299 = arith.constant 0 : i32
      %dma_start3A_300 = tpu.memref_slice %arg6[%mul3A_298, %dma_start3A_299] : memref<1280x16xf32, #tpu.memory_space<vmem>> -> memref<16x16xf32, #tpu.memory_space<vmem>>
      %dma_start3A_301 = arith.constant 0 : i32
      %dma_start3A_302 = arith.constant 0 : i32
      %dma_start3A_303 = tpu.memref_slice %arg3[%dma_start3A_301, %dma_start3A_302] : memref<2000000x16xf32, #tpu.memory_space<hbm>> -> memref<2000000x16xf32, #tpu.memory_space<hbm>>
      tpu.enqueue_indirect_dma source(%dma_start3A_303 : memref<2000000x16xf32, #tpu.memory_space<hbm>>) target(%dma_start3A_300 : memref<16x16xf32, #tpu.memory_space<vmem>>) offsets(%add3A_296 : vector<16xi32>) semaphore(%arg10 : memref<!tpu.dma_semaphore, #tpu.memory_space<semaphore_mem>>)
      %scan3A_304 = arith.constant 12 : i32
      %scan3A_305 = arith.addi %scan3A_67, %scan3A_304 : i32
      %mul3A_306 = arith.constant 8 : i32
      %mul3A_307 = arith.muli %scan3A_305, %mul3A_306 : i32
      %add3A_308 = arith.constant 0 : i32
      %add3A_309 = arith.addi %add3A_308, %mul3A_307 : i32
      %add3A_310 = vector.broadcast %add3A_309 : i32 to vector<16xi32>
      %add3A_311 = arith.addi %add3A_310, %shift_right_logical3A_4 : vector<16xi32>
      %gather3A_312 = tpu.vector_load_idx %arg5[%add3A_311] : memref<25600xi32, #tpu.memory_space<vmem>>[vector<16xi32>], vector<16xi32>,
      %mul3A_313 = arith.constant 2 : i32
      %mul3A_314 = vector.broadcast %mul3A_313 : i32 to vector<16xi32>
      %mul3A_315 = arith.muli %gather3A_312, %mul3A_314 : vector<16xi32>
      %add3A_316 = arith.addi %mul3A_315, %and3A_6 : vector<16xi32>
      %mul3A_317 = arith.constant 16 : i32
      %mul3A_318 = arith.muli %scan3A_305, %mul3A_317 : i32
      %dma_start3A_319 = arith.constant 0 : i32
      %dma_start3A_320 = tpu.memref_slice %arg6[%mul3A_318, %dma_start3A_319] : memref<1280x16xf32, #tpu.memory_space<vmem>> -> memref<16x16xf32, #tpu.memory_space<vmem>>
      %dma_start3A_321 = arith.constant 0 : i32
      %dma_start3A_322 = arith.constant 0 : i32
      %dma_start3A_323 = tpu.memref_slice %arg3[%dma_start3A_321, %dma_start3A_322] : memref<2000000x16xf32, #tpu.memory_space<hbm>> -> memref<2000000x16xf32, #tpu.memory_space<hbm>>
      tpu.enqueue_indirect_dma source(%dma_start3A_323 : memref<2000000x16xf32, #tpu.memory_space<hbm>>) target(%dma_start3A_320 : memref<16x16xf32, #tpu.memory_space<vmem>>) offsets(%add3A_316 : vector<16xi32>) semaphore(%arg10 : memref<!tpu.dma_semaphore, #tpu.memory_space<semaphore_mem>>)
      %scan3A_324 = arith.constant 13 : i32
      %scan3A_325 = arith.addi %scan3A_67, %scan3A_324 : i32
      %mul3A_326 = arith.constant 8 : i32
      %mul3A_327 = arith.muli %scan3A_325, %mul3A_326 : i32
      %add3A_328 = arith.constant 0 : i32
      %add3A_329 = arith.addi %add3A_328, %mul3A_327 : i32
      %add3A_330 = vector.broadcast %add3A_329 : i32 to vector<16xi32>
      %add3A_331 = arith.addi %add3A_330, %shift_right_logical3A_4 : vector<16xi32>
      %gather3A_332 = tpu.vector_load_idx %arg5[%add3A_331] : memref<25600xi32, #tpu.memory_space<vmem>>[vector<16xi32>], vector<16xi32>,
      %mul3A_333 = arith.constant 2 : i32
      %mul3A_334 = vector.broadcast %mul3A_333 : i32 to vector<16xi32>
      %mul3A_335 = arith.muli %gather3A_332, %mul3A_334 : vector<16xi32>
      %add3A_336 = arith.addi %mul3A_335, %and3A_6 : vector<16xi32>
      %mul3A_337 = arith.constant 16 : i32
      %mul3A_338 = arith.muli %scan3A_325, %mul3A_337 : i32
      %dma_start3A_339 = arith.constant 0 : i32
      %dma_start3A_340 = tpu.memref_slice %arg6[%mul3A_338, %dma_start3A_339] : memref<1280x16xf32, #tpu.memory_space<vmem>> -> memref<16x16xf32, #tpu.memory_space<vmem>>
      %dma_start3A_341 = arith.constant 0 : i32
      %dma_start3A_342 = arith.constant 0 : i32
      %dma_start3A_343 = tpu.memref_slice %arg3[%dma_start3A_341, %dma_start3A_342] : memref<2000000x16xf32, #tpu.memory_space<hbm>> -> memref<2000000x16xf32, #tpu.memory_space<hbm>>
      tpu.enqueue_indirect_dma source(%dma_start3A_343 : memref<2000000x16xf32, #tpu.memory_space<hbm>>) target(%dma_start3A_340 : memref<16x16xf32, #tpu.memory_space<vmem>>) offsets(%add3A_336 : vector<16xi32>) semaphore(%arg10 : memref<!tpu.dma_semaphore, #tpu.memory_space<semaphore_mem>>)
      %scan3A_344 = arith.constant 14 : i32
      %scan3A_345 = arith.addi %scan3A_67, %scan3A_344 : i32
      %mul3A_346 = arith.constant 8 : i32
      %mul3A_347 = arith.muli %scan3A_345, %mul3A_346 : i32
      %add3A_348 = arith.constant 0 : i32
      %add3A_349 = arith.addi %add3A_348, %mul3A_347 : i32
      %add3A_350 = vector.broadcast %add3A_349 : i32 to vector<16xi32>
      %add3A_351 = arith.addi %add3A_350, %shift_right_logical3A_4 : vector<16xi32>
      %gather3A_352 = tpu.vector_load_idx %arg5[%add3A_351] : memref<25600xi32, #tpu.memory_space<vmem>>[vector<16xi32>], vector<16xi32>,
      %mul3A_353 = arith.constant 2 : i32
      %mul3A_354 = vector.broadcast %mul3A_353 : i32 to vector<16xi32>
      %mul3A_355 = arith.muli %gather3A_352, %mul3A_354 : vector<16xi32>
      %add3A_356 = arith.addi %mul3A_355, %and3A_6 : vector<16xi32>
      %mul3A_357 = arith.constant 16 : i32
      %mul3A_358 = arith.muli %scan3A_345, %mul3A_357 : i32
      %dma_start3A_359 = arith.constant 0 : i32
      %dma_start3A_360 = tpu.memref_slice %arg6[%mul3A_358, %dma_start3A_359] : memref<1280x16xf32, #tpu.memory_space<vmem>> -> memref<16x16xf32, #tpu.memory_space<vmem>>
      %dma_start3A_361 = arith.constant 0 : i32
      %dma_start3A_362 = arith.constant 0 : i32
      %dma_start3A_363 = tpu.memref_slice %arg3[%dma_start3A_361, %dma_start3A_362] : memref<2000000x16xf32, #tpu.memory_space<hbm>> -> memref<2000000x16xf32, #tpu.memory_space<hbm>>
      tpu.enqueue_indirect_dma source(%dma_start3A_363 : memref<2000000x16xf32, #tpu.memory_space<hbm>>) target(%dma_start3A_360 : memref<16x16xf32, #tpu.memory_space<vmem>>) offsets(%add3A_356 : vector<16xi32>) semaphore(%arg10 : memref<!tpu.dma_semaphore, #tpu.memory_space<semaphore_mem>>)
      %scan3A_364 = arith.constant 15 : i32
      %scan3A_365 = arith.addi %scan3A_67, %scan3A_364 : i32
      %mul3A_366 = arith.constant 8 : i32
      %mul3A_367 = arith.muli %scan3A_365, %mul3A_366 : i32
      %add3A_368 = arith.constant 0 : i32
      %add3A_369 = arith.addi %add3A_368, %mul3A_367 : i32
      %add3A_370 = vector.broadcast %add3A_369 : i32 to vector<16xi32>
      %add3A_371 = arith.addi %add3A_370, %shift_right_logical3A_4 : vector<16xi32>
      %gather3A_372 = tpu.vector_load_idx %arg5[%add3A_371] : memref<25600xi32, #tpu.memory_space<vmem>>[vector<16xi32>], vector<16xi32>,
      %mul3A_373 = arith.constant 2 : i32
      %mul3A_374 = vector.broadcast %mul3A_373 : i32 to vector<16xi32>
      %mul3A_375 = arith.muli %gather3A_372, %mul3A_374 : vector<16xi32>
      %add3A_376 = arith.addi %mul3A_375, %and3A_6 : vector<16xi32>
      %mul3A_377 = arith.constant 16 : i32
      %mul3A_378 = arith.muli %scan3A_365, %mul3A_377 : i32
      %dma_start3A_379 = arith.constant 0 : i32
      %dma_start3A_380 = tpu.memref_slice %arg6[%mul3A_378, %dma_start3A_379] : memref<1280x16xf32, #tpu.memory_space<vmem>> -> memref<16x16xf32, #tpu.memory_space<vmem>>
      %dma_start3A_381 = arith.constant 0 : i32
      %dma_start3A_382 = arith.constant 0 : i32
      %dma_start3A_383 = tpu.memref_slice %arg3[%dma_start3A_381, %dma_start3A_382] : memref<2000000x16xf32, #tpu.memory_space<hbm>> -> memref<2000000x16xf32, #tpu.memory_space<hbm>>
      tpu.enqueue_indirect_dma source(%dma_start3A_383 : memref<2000000x16xf32, #tpu.memory_space<hbm>>) target(%dma_start3A_380 : memref<16x16xf32, #tpu.memory_space<vmem>>) offsets(%add3A_376 : vector<16xi32>) semaphore(%arg10 : memref<!tpu.dma_semaphore, #tpu.memory_space<semaphore_mem>>)
    }
    %scan3A_11 = arith.constant 80 : i32
    %scan3A_12 = arith.constant 0 : i32
    %scan3A_13 = arith.constant 0 : i32
    %scan3A_14 = arith.constant 80 : i32
    %scan3A_15 = arith.addi %scan3A_13, %scan3A_14 : i32
    %scan3A_16 = arith.constant 16 : i32
    scf.for %scan3A_67 = %scan3A_13 to %scan3A_15 step %scan3A_16  : i32 {
      %mul3A_68 = arith.constant 8 : i32
      %mul3A_69 = arith.muli %scan3A_67, %mul3A_68 : i32
      %add3A_70 = arith.constant 640 : i32
      %add3A_71 = arith.addi %add3A_70, %mul3A_69 : i32
      %add3A_72 = vector.broadcast %add3A_71 : i32 to vector<16xi32>
      %add3A_73 = arith.addi %add3A_72, %shift_right_logical3A_4 : vector<16xi32>
      %gather3A = tpu.vector_load_idx %arg5[%add3A_73] : memref<25600xi32, #tpu.memory_space<vmem>>[vector<16xi32>], vector<16xi32>,
      %mul3A_74 = arith.constant 2 : i32
      %mul3A_75 = vector.broadcast %mul3A_74 : i32 to vector<16xi32>
      %mul3A_76 = arith.muli %gather3A, %mul3A_75 : vector<16xi32>
      %add3A_77 = arith.addi %mul3A_76, %and3A_6 : vector<16xi32>
      %mul3A_78 = arith.constant 16 : i32
      %mul3A_79 = arith.muli %scan3A_67, %mul3A_78 : i32
      %dma_start3A = arith.constant 0 : i32
      %dma_start3A_80 = tpu.memref_slice %arg7[%mul3A_79, %dma_start3A] : memref<1280x16xf32, #tpu.memory_space<vmem>> -> memref<16x16xf32, #tpu.memory_space<vmem>>
      %dma_start3A_81 = arith.constant 0 : i32
      %dma_start3A_82 = arith.constant 0 : i32
      %dma_start3A_83 = tpu.memref_slice %arg3[%dma_start3A_81, %dma_start3A_82] : memref<2000000x16xf32, #tpu.memory_space<hbm>> -> memref<2000000x16xf32, #tpu.memory_space<hbm>>
      tpu.enqueue_indirect_dma source(%dma_start3A_83 : memref<2000000x16xf32, #tpu.memory_space<hbm>>) target(%dma_start3A_80 : memref<16x16xf32, #tpu.memory_space<vmem>>) offsets(%add3A_77 : vector<16xi32>) semaphore(%arg11 : memref<!tpu.dma_semaphore, #tpu.memory_space<semaphore_mem>>)
      %scan3A_84 = arith.constant 1 : i32
      %scan3A_85 = arith.addi %scan3A_67, %scan3A_84 : i32
      %mul3A_86 = arith.constant 8 : i32
      %mul3A_87 = arith.muli %scan3A_85, %mul3A_86 : i32
      %add3A_88 = arith.constant 640 : i32
      %add3A_89 = arith.addi %add3A_88, %mul3A_87 : i32
      %add3A_90 = vector.broadcast %add3A_89 : i32 to vector<16xi32>
      %add3A_91 = arith.addi %add3A_90, %shift_right_logical3A_4 : vector<16xi32>
      %gather3A_92 = tpu.vector_load_idx %arg5[%add3A_91] : memref<25600xi32, #tpu.memory_space<vmem>>[vector<16xi32>], vector<16xi32>,
      %mul3A_93 = arith.constant 2 : i32
      %mul3A_94 = vector.broadcast %mul3A_93 : i32 to vector<16xi32>
      %mul3A_95 = arith.muli %gather3A_92, %mul3A_94 : vector<16xi32>
      %add3A_96 = arith.addi %mul3A_95, %and3A_6 : vector<16xi32>
      %mul3A_97 = arith.constant 16 : i32
      %mul3A_98 = arith.muli %scan3A_85, %mul3A_97 : i32
      %dma_start3A_99 = arith.constant 0 : i32
      %dma_start3A_100 = tpu.memref_slice %arg7[%mul3A_98, %dma_start3A_99] : memref<1280x16xf32, #tpu.memory_space<vmem>> -> memref<16x16xf32, #tpu.memory_space<vmem>>
      %dma_start3A_101 = arith.constant 0 : i32
      %dma_start3A_102 = arith.constant 0 : i32
      %dma_start3A_103 = tpu.memref_slice %arg3[%dma_start3A_101, %dma_start3A_102] : memref<2000000x16xf32, #tpu.memory_space<hbm>> -> memref<2000000x16xf32, #tpu.memory_space<hbm>>
      tpu.enqueue_indirect_dma source(%dma_start3A_103 : memref<2000000x16xf32, #tpu.memory_space<hbm>>) target(%dma_start3A_100 : memref<16x16xf32, #tpu.memory_space<vmem>>) offsets(%add3A_96 : vector<16xi32>) semaphore(%arg11 : memref<!tpu.dma_semaphore, #tpu.memory_space<semaphore_mem>>)
      %scan3A_104 = arith.constant 2 : i32
      %scan3A_105 = arith.addi %scan3A_67, %scan3A_104 : i32
      %mul3A_106 = arith.constant 8 : i32
      %mul3A_107 = arith.muli %scan3A_105, %mul3A_106 : i32
      %add3A_108 = arith.constant 640 : i32
      %add3A_109 = arith.addi %add3A_108, %mul3A_107 : i32
      %add3A_110 = vector.broadcast %add3A_109 : i32 to vector<16xi32>
      %add3A_111 = arith.addi %add3A_110, %shift_right_logical3A_4 : vector<16xi32>
      %gather3A_112 = tpu.vector_load_idx %arg5[%add3A_111] : memref<25600xi32, #tpu.memory_space<vmem>>[vector<16xi32>], vector<16xi32>,
      %mul3A_113 = arith.constant 2 : i32
      %mul3A_114 = vector.broadcast %mul3A_113 : i32 to vector<16xi32>
      %mul3A_115 = arith.muli %gather3A_112, %mul3A_114 : vector<16xi32>
      %add3A_116 = arith.addi %mul3A_115, %and3A_6 : vector<16xi32>
      %mul3A_117 = arith.constant 16 : i32
      %mul3A_118 = arith.muli %scan3A_105, %mul3A_117 : i32
      %dma_start3A_119 = arith.constant 0 : i32
      %dma_start3A_120 = tpu.memref_slice %arg7[%mul3A_118, %dma_start3A_119] : memref<1280x16xf32, #tpu.memory_space<vmem>> -> memref<16x16xf32, #tpu.memory_space<vmem>>
      %dma_start3A_121 = arith.constant 0 : i32
      %dma_start3A_122 = arith.constant 0 : i32
      %dma_start3A_123 = tpu.memref_slice %arg3[%dma_start3A_121, %dma_start3A_122] : memref<2000000x16xf32, #tpu.memory_space<hbm>> -> memref<2000000x16xf32, #tpu.memory_space<hbm>>
      tpu.enqueue_indirect_dma source(%dma_start3A_123 : memref<2000000x16xf32, #tpu.memory_space<hbm>>) target(%dma_start3A_120 : memref<16x16xf32, #tpu.memory_space<vmem>>) offsets(%add3A_116 : vector<16xi32>) semaphore(%arg11 : memref<!tpu.dma_semaphore, #tpu.memory_space<semaphore_mem>>)
      %scan3A_124 = arith.constant 3 : i32
      %scan3A_125 = arith.addi %scan3A_67, %scan3A_124 : i32
      %mul3A_126 = arith.constant 8 : i32
      %mul3A_127 = arith.muli %scan3A_125, %mul3A_126 : i32
      %add3A_128 = arith.constant 640 : i32
      %add3A_129 = arith.addi %add3A_128, %mul3A_127 : i32
      %add3A_130 = vector.broadcast %add3A_129 : i32 to vector<16xi32>
      %add3A_131 = arith.addi %add3A_130, %shift_right_logical3A_4 : vector<16xi32>
      %gather3A_132 = tpu.vector_load_idx %arg5[%add3A_131] : memref<25600xi32, #tpu.memory_space<vmem>>[vector<16xi32>], vector<16xi32>,
      %mul3A_133 = arith.constant 2 : i32
      %mul3A_134 = vector.broadcast %mul3A_133 : i32 to vector<16xi32>
      %mul3A_135 = arith.muli %gather3A_132, %mul3A_134 : vector<16xi32>
      %add3A_136 = arith.addi %mul3A_135, %and3A_6 : vector<16xi32>
      %mul3A_137 = arith.constant 16 : i32
      %mul3A_138 = arith.muli %scan3A_125, %mul3A_137 : i32
      %dma_start3A_139 = arith.constant 0 : i32
      %dma_start3A_140 = tpu.memref_slice %arg7[%mul3A_138, %dma_start3A_139] : memref<1280x16xf32, #tpu.memory_space<vmem>> -> memref<16x16xf32, #tpu.memory_space<vmem>>
      %dma_start3A_141 = arith.constant 0 : i32
      %dma_start3A_142 = arith.constant 0 : i32
      %dma_start3A_143 = tpu.memref_slice %arg3[%dma_start3A_141, %dma_start3A_142] : memref<2000000x16xf32, #tpu.memory_space<hbm>> -> memref<2000000x16xf32, #tpu.memory_space<hbm>>
      tpu.enqueue_indirect_dma source(%dma_start3A_143 : memref<2000000x16xf32, #tpu.memory_space<hbm>>) target(%dma_start3A_140 : memref<16x16xf32, #tpu.memory_space<vmem>>) offsets(%add3A_136 : vector<16xi32>) semaphore(%arg11 : memref<!tpu.dma_semaphore, #tpu.memory_space<semaphore_mem>>)
      %scan3A_144 = arith.constant 4 : i32
      %scan3A_145 = arith.addi %scan3A_67, %scan3A_144 : i32
      %mul3A_146 = arith.constant 8 : i32
      %mul3A_147 = arith.muli %scan3A_145, %mul3A_146 : i32
      %add3A_148 = arith.constant 640 : i32
      %add3A_149 = arith.addi %add3A_148, %mul3A_147 : i32
      %add3A_150 = vector.broadcast %add3A_149 : i32 to vector<16xi32>
      %add3A_151 = arith.addi %add3A_150, %shift_right_logical3A_4 : vector<16xi32>
      %gather3A_152 = tpu.vector_load_idx %arg5[%add3A_151] : memref<25600xi32, #tpu.memory_space<vmem>>[vector<16xi32>], vector<16xi32>,
      %mul3A_153 = arith.constant 2 : i32
      %mul3A_154 = vector.broadcast %mul3A_153 : i32 to vector<16xi32>
      %mul3A_155 = arith.muli %gather3A_152, %mul3A_154 : vector<16xi32>
      %add3A_156 = arith.addi %mul3A_155, %and3A_6 : vector<16xi32>
      %mul3A_157 = arith.constant 16 : i32
      %mul3A_158 = arith.muli %scan3A_145, %mul3A_157 : i32
      %dma_start3A_159 = arith.constant 0 : i32
      %dma_start3A_160 = tpu.memref_slice %arg7[%mul3A_158, %dma_start3A_159] : memref<1280x16xf32, #tpu.memory_space<vmem>> -> memref<16x16xf32, #tpu.memory_space<vmem>>
      %dma_start3A_161 = arith.constant 0 : i32
      %dma_start3A_162 = arith.constant 0 : i32
      %dma_start3A_163 = tpu.memref_slice %arg3[%dma_start3A_161, %dma_start3A_162] : memref<2000000x16xf32, #tpu.memory_space<hbm>> -> memref<2000000x16xf32, #tpu.memory_space<hbm>>
      tpu.enqueue_indirect_dma source(%dma_start3A_163 : memref<2000000x16xf32, #tpu.memory_space<hbm>>) target(%dma_start3A_160 : memref<16x16xf32, #tpu.memory_space<vmem>>) offsets(%add3A_156 : vector<16xi32>) semaphore(%arg11 : memref<!tpu.dma_semaphore, #tpu.memory_space<semaphore_mem>>)
      %scan3A_164 = arith.constant 5 : i32
      %scan3A_165 = arith.addi %scan3A_67, %scan3A_164 : i32
      %mul3A_166 = arith.constant 8 : i32
      %mul3A_167 = arith.muli %scan3A_165, %mul3A_166 : i32
      %add3A_168 = arith.constant 640 : i32
      %add3A_169 = arith.addi %add3A_168, %mul3A_167 : i32
      %add3A_170 = vector.broadcast %add3A_169 : i32 to vector<16xi32>
      %add3A_171 = arith.addi %add3A_170, %shift_right_logical3A_4 : vector<16xi32>
      %gather3A_172 = tpu.vector_load_idx %arg5[%add3A_171] : memref<25600xi32, #tpu.memory_space<vmem>>[vector<16xi32>], vector<16xi32>,
      %mul3A_173 = arith.constant 2 : i32
      %mul3A_174 = vector.broadcast %mul3A_173 : i32 to vector<16xi32>
      %mul3A_175 = arith.muli %gather3A_172, %mul3A_174 : vector<16xi32>
      %add3A_176 = arith.addi %mul3A_175, %and3A_6 : vector<16xi32>
      %mul3A_177 = arith.constant 16 : i32
      %mul3A_178 = arith.muli %scan3A_165, %mul3A_177 : i32
      %dma_start3A_179 = arith.constant 0 : i32
      %dma_start3A_180 = tpu.memref_slice %arg7[%mul3A_178, %dma_start3A_179] : memref<1280x16xf32, #tpu.memory_space<vmem>> -> memref<16x16xf32, #tpu.memory_space<vmem>>
      %dma_start3A_181 = arith.constant 0 : i32
      %dma_start3A_182 = arith.constant 0 : i32
      %dma_start3A_183 = tpu.memref_slice %arg3[%dma_start3A_181, %dma_start3A_182] : memref<2000000x16xf32, #tpu.memory_space<hbm>> -> memref<2000000x16xf32, #tpu.memory_space<hbm>>
      tpu.enqueue_indirect_dma source(%dma_start3A_183 : memref<2000000x16xf32, #tpu.memory_space<hbm>>) target(%dma_start3A_180 : memref<16x16xf32, #tpu.memory_space<vmem>>) offsets(%add3A_176 : vector<16xi32>) semaphore(%arg11 : memref<!tpu.dma_semaphore, #tpu.memory_space<semaphore_mem>>)
      %scan3A_184 = arith.constant 6 : i32
      %scan3A_185 = arith.addi %scan3A_67, %scan3A_184 : i32
      %mul3A_186 = arith.constant 8 : i32
      %mul3A_187 = arith.muli %scan3A_185, %mul3A_186 : i32
      %add3A_188 = arith.constant 640 : i32
      %add3A_189 = arith.addi %add3A_188, %mul3A_187 : i32
      %add3A_190 = vector.broadcast %add3A_189 : i32 to vector<16xi32>
      %add3A_191 = arith.addi %add3A_190, %shift_right_logical3A_4 : vector<16xi32>
      %gather3A_192 = tpu.vector_load_idx %arg5[%add3A_191] : memref<25600xi32, #tpu.memory_space<vmem>>[vector<16xi32>], vector<16xi32>,
      %mul3A_193 = arith.constant 2 : i32
      %mul3A_194 = vector.broadcast %mul3A_193 : i32 to vector<16xi32>
      %mul3A_195 = arith.muli %gather3A_192, %mul3A_194 : vector<16xi32>
      %add3A_196 = arith.addi %mul3A_195, %and3A_6 : vector<16xi32>
      %mul3A_197 = arith.constant 16 : i32
      %mul3A_198 = arith.muli %scan3A_185, %mul3A_197 : i32
      %dma_start3A_199 = arith.constant 0 : i32
      %dma_start3A_200 = tpu.memref_slice %arg7[%mul3A_198, %dma_start3A_199] : memref<1280x16xf32, #tpu.memory_space<vmem>> -> memref<16x16xf32, #tpu.memory_space<vmem>>
      %dma_start3A_201 = arith.constant 0 : i32
      %dma_start3A_202 = arith.constant 0 : i32
      %dma_start3A_203 = tpu.memref_slice %arg3[%dma_start3A_201, %dma_start3A_202] : memref<2000000x16xf32, #tpu.memory_space<hbm>> -> memref<2000000x16xf32, #tpu.memory_space<hbm>>
      tpu.enqueue_indirect_dma source(%dma_start3A_203 : memref<2000000x16xf32, #tpu.memory_space<hbm>>) target(%dma_start3A_200 : memref<16x16xf32, #tpu.memory_space<vmem>>) offsets(%add3A_196 : vector<16xi32>) semaphore(%arg11 : memref<!tpu.dma_semaphore, #tpu.memory_space<semaphore_mem>>)
      %scan3A_204 = arith.constant 7 : i32
      %scan3A_205 = arith.addi %scan3A_67, %scan3A_204 : i32
      %mul3A_206 = arith.constant 8 : i32
      %mul3A_207 = arith.muli %scan3A_205, %mul3A_206 : i32
      %add3A_208 = arith.constant 640 : i32
      %add3A_209 = arith.addi %add3A_208, %mul3A_207 : i32
      %add3A_210 = vector.broadcast %add3A_209 : i32 to vector<16xi32>
      %add3A_211 = arith.addi %add3A_210, %shift_right_logical3A_4 : vector<16xi32>
      %gather3A_212 = tpu.vector_load_idx %arg5[%add3A_211] : memref<25600xi32, #tpu.memory_space<vmem>>[vector<16xi32>], vector<16xi32>,
      %mul3A_213 = arith.constant 2 : i32
      %mul3A_214 = vector.broadcast %mul3A_213 : i32 to vector<16xi32>
      %mul3A_215 = arith.muli %gather3A_212, %mul3A_214 : vector<16xi32>
      %add3A_216 = arith.addi %mul3A_215, %and3A_6 : vector<16xi32>
      %mul3A_217 = arith.constant 16 : i32
      %mul3A_218 = arith.muli %scan3A_205, %mul3A_217 : i32
      %dma_start3A_219 = arith.constant 0 : i32
      %dma_start3A_220 = tpu.memref_slice %arg7[%mul3A_218, %dma_start3A_219] : memref<1280x16xf32, #tpu.memory_space<vmem>> -> memref<16x16xf32, #tpu.memory_space<vmem>>
      %dma_start3A_221 = arith.constant 0 : i32
      %dma_start3A_222 = arith.constant 0 : i32
      %dma_start3A_223 = tpu.memref_slice %arg3[%dma_start3A_221, %dma_start3A_222] : memref<2000000x16xf32, #tpu.memory_space<hbm>> -> memref<2000000x16xf32, #tpu.memory_space<hbm>>
      tpu.enqueue_indirect_dma source(%dma_start3A_223 : memref<2000000x16xf32, #tpu.memory_space<hbm>>) target(%dma_start3A_220 : memref<16x16xf32, #tpu.memory_space<vmem>>) offsets(%add3A_216 : vector<16xi32>) semaphore(%arg11 : memref<!tpu.dma_semaphore, #tpu.memory_space<semaphore_mem>>)
      %scan3A_224 = arith.constant 8 : i32
      %scan3A_225 = arith.addi %scan3A_67, %scan3A_224 : i32
      %mul3A_226 = arith.constant 8 : i32
      %mul3A_227 = arith.muli %scan3A_225, %mul3A_226 : i32
      %add3A_228 = arith.constant 640 : i32
      %add3A_229 = arith.addi %add3A_228, %mul3A_227 : i32
      %add3A_230 = vector.broadcast %add3A_229 : i32 to vector<16xi32>
      %add3A_231 = arith.addi %add3A_230, %shift_right_logical3A_4 : vector<16xi32>
      %gather3A_232 = tpu.vector_load_idx %arg5[%add3A_231] : memref<25600xi32, #tpu.memory_space<vmem>>[vector<16xi32>], vector<16xi32>,
      %mul3A_233 = arith.constant 2 : i32
      %mul3A_234 = vector.broadcast %mul3A_233 : i32 to vector<16xi32>
      %mul3A_235 = arith.muli %gather3A_232, %mul3A_234 : vector<16xi32>
      %add3A_236 = arith.addi %mul3A_235, %and3A_6 : vector<16xi32>
      %mul3A_237 = arith.constant 16 : i32
      %mul3A_238 = arith.muli %scan3A_225, %mul3A_237 : i32
      %dma_start3A_239 = arith.constant 0 : i32
      %dma_start3A_240 = tpu.memref_slice %arg7[%mul3A_238, %dma_start3A_239] : memref<1280x16xf32, #tpu.memory_space<vmem>> -> memref<16x16xf32, #tpu.memory_space<vmem>>
      %dma_start3A_241 = arith.constant 0 : i32
      %dma_start3A_242 = arith.constant 0 : i32
      %dma_start3A_243 = tpu.memref_slice %arg3[%dma_start3A_241, %dma_start3A_242] : memref<2000000x16xf32, #tpu.memory_space<hbm>> -> memref<2000000x16xf32, #tpu.memory_space<hbm>>
      tpu.enqueue_indirect_dma source(%dma_start3A_243 : memref<2000000x16xf32, #tpu.memory_space<hbm>>) target(%dma_start3A_240 : memref<16x16xf32, #tpu.memory_space<vmem>>) offsets(%add3A_236 : vector<16xi32>) semaphore(%arg11 : memref<!tpu.dma_semaphore, #tpu.memory_space<semaphore_mem>>)
      %scan3A_244 = arith.constant 9 : i32
      %scan3A_245 = arith.addi %scan3A_67, %scan3A_244 : i32
      %mul3A_246 = arith.constant 8 : i32
      %mul3A_247 = arith.muli %scan3A_245, %mul3A_246 : i32
      %add3A_248 = arith.constant 640 : i32
      %add3A_249 = arith.addi %add3A_248, %mul3A_247 : i32
      %add3A_250 = vector.broadcast %add3A_249 : i32 to vector<16xi32>
      %add3A_251 = arith.addi %add3A_250, %shift_right_logical3A_4 : vector<16xi32>
      %gather3A_252 = tpu.vector_load_idx %arg5[%add3A_251] : memref<25600xi32, #tpu.memory_space<vmem>>[vector<16xi32>], vector<16xi32>,
      %mul3A_253 = arith.constant 2 : i32
      %mul3A_254 = vector.broadcast %mul3A_253 : i32 to vector<16xi32>
      %mul3A_255 = arith.muli %gather3A_252, %mul3A_254 : vector<16xi32>
      %add3A_256 = arith.addi %mul3A_255, %and3A_6 : vector<16xi32>
      %mul3A_257 = arith.constant 16 : i32
      %mul3A_258 = arith.muli %scan3A_245, %mul3A_257 : i32
      %dma_start3A_259 = arith.constant 0 : i32
      %dma_start3A_260 = tpu.memref_slice %arg7[%mul3A_258, %dma_start3A_259] : memref<1280x16xf32, #tpu.memory_space<vmem>> -> memref<16x16xf32, #tpu.memory_space<vmem>>
      %dma_start3A_261 = arith.constant 0 : i32
      %dma_start3A_262 = arith.constant 0 : i32
      %dma_start3A_263 = tpu.memref_slice %arg3[%dma_start3A_261, %dma_start3A_262] : memref<2000000x16xf32, #tpu.memory_space<hbm>> -> memref<2000000x16xf32, #tpu.memory_space<hbm>>
      tpu.enqueue_indirect_dma source(%dma_start3A_263 : memref<2000000x16xf32, #tpu.memory_space<hbm>>) target(%dma_start3A_260 : memref<16x16xf32, #tpu.memory_space<vmem>>) offsets(%add3A_256 : vector<16xi32>) semaphore(%arg11 : memref<!tpu.dma_semaphore, #tpu.memory_space<semaphore_mem>>)
      %scan3A_264 = arith.constant 10 : i32
      %scan3A_265 = arith.addi %scan3A_67, %scan3A_264 : i32
      %mul3A_266 = arith.constant 8 : i32
      %mul3A_267 = arith.muli %scan3A_265, %mul3A_266 : i32
      %add3A_268 = arith.constant 640 : i32
      %add3A_269 = arith.addi %add3A_268, %mul3A_267 : i32
      %add3A_270 = vector.broadcast %add3A_269 : i32 to vector<16xi32>
      %add3A_271 = arith.addi %add3A_270, %shift_right_logical3A_4 : vector<16xi32>
      %gather3A_272 = tpu.vector_load_idx %arg5[%add3A_271] : memref<25600xi32, #tpu.memory_space<vmem>>[vector<16xi32>], vector<16xi32>,
      %mul3A_273 = arith.constant 2 : i32
      %mul3A_274 = vector.broadcast %mul3A_273 : i32 to vector<16xi32>
      %mul3A_275 = arith.muli %gather3A_272, %mul3A_274 : vector<16xi32>
      %add3A_276 = arith.addi %mul3A_275, %and3A_6 : vector<16xi32>
      %mul3A_277 = arith.constant 16 : i32
      %mul3A_278 = arith.muli %scan3A_265, %mul3A_277 : i32
      %dma_start3A_279 = arith.constant 0 : i32
      %dma_start3A_280 = tpu.memref_slice %arg7[%mul3A_278, %dma_start3A_279] : memref<1280x16xf32, #tpu.memory_space<vmem>> -> memref<16x16xf32, #tpu.memory_space<vmem>>
      %dma_start3A_281 = arith.constant 0 : i32
      %dma_start3A_282 = arith.constant 0 : i32
      %dma_start3A_283 = tpu.memref_slice %arg3[%dma_start3A_281, %dma_start3A_282] : memref<2000000x16xf32, #tpu.memory_space<hbm>> -> memref<2000000x16xf32, #tpu.memory_space<hbm>>
      tpu.enqueue_indirect_dma source(%dma_start3A_283 : memref<2000000x16xf32, #tpu.memory_space<hbm>>) target(%dma_start3A_280 : memref<16x16xf32, #tpu.memory_space<vmem>>) offsets(%add3A_276 : vector<16xi32>) semaphore(%arg11 : memref<!tpu.dma_semaphore, #tpu.memory_space<semaphore_mem>>)
      %scan3A_284 = arith.constant 11 : i32
      %scan3A_285 = arith.addi %scan3A_67, %scan3A_284 : i32
      %mul3A_286 = arith.constant 8 : i32
      %mul3A_287 = arith.muli %scan3A_285, %mul3A_286 : i32
      %add3A_288 = arith.constant 640 : i32
      %add3A_289 = arith.addi %add3A_288, %mul3A_287 : i32
      %add3A_290 = vector.broadcast %add3A_289 : i32 to vector<16xi32>
      %add3A_291 = arith.addi %add3A_290, %shift_right_logical3A_4 : vector<16xi32>
      %gather3A_292 = tpu.vector_load_idx %arg5[%add3A_291] : memref<25600xi32, #tpu.memory_space<vmem>>[vector<16xi32>], vector<16xi32>,
      %mul3A_293 = arith.constant 2 : i32
      %mul3A_294 = vector.broadcast %mul3A_293 : i32 to vector<16xi32>
      %mul3A_295 = arith.muli %gather3A_292, %mul3A_294 : vector<16xi32>
      %add3A_296 = arith.addi %mul3A_295, %and3A_6 : vector<16xi32>
      %mul3A_297 = arith.constant 16 : i32
      %mul3A_298 = arith.muli %scan3A_285, %mul3A_297 : i32
      %dma_start3A_299 = arith.constant 0 : i32
      %dma_start3A_300 = tpu.memref_slice %arg7[%mul3A_298, %dma_start3A_299] : memref<1280x16xf32, #tpu.memory_space<vmem>> -> memref<16x16xf32, #tpu.memory_space<vmem>>
      %dma_start3A_301 = arith.constant 0 : i32
      %dma_start3A_302 = arith.constant 0 : i32
      %dma_start3A_303 = tpu.memref_slice %arg3[%dma_start3A_301, %dma_start3A_302] : memref<2000000x16xf32, #tpu.memory_space<hbm>> -> memref<2000000x16xf32, #tpu.memory_space<hbm>>
      tpu.enqueue_indirect_dma source(%dma_start3A_303 : memref<2000000x16xf32, #tpu.memory_space<hbm>>) target(%dma_start3A_300 : memref<16x16xf32, #tpu.memory_space<vmem>>) offsets(%add3A_296 : vector<16xi32>) semaphore(%arg11 : memref<!tpu.dma_semaphore, #tpu.memory_space<semaphore_mem>>)
      %scan3A_304 = arith.constant 12 : i32
      %scan3A_305 = arith.addi %scan3A_67, %scan3A_304 : i32
      %mul3A_306 = arith.constant 8 : i32
      %mul3A_307 = arith.muli %scan3A_305, %mul3A_306 : i32
      %add3A_308 = arith.constant 640 : i32
      %add3A_309 = arith.addi %add3A_308, %mul3A_307 : i32
      %add3A_310 = vector.broadcast %add3A_309 : i32 to vector<16xi32>
      %add3A_311 = arith.addi %add3A_310, %shift_right_logical3A_4 : vector<16xi32>
      %gather3A_312 = tpu.vector_load_idx %arg5[%add3A_311] : memref<25600xi32, #tpu.memory_space<vmem>>[vector<16xi32>], vector<16xi32>,
      %mul3A_313 = arith.constant 2 : i32
      %mul3A_314 = vector.broadcast %mul3A_313 : i32 to vector<16xi32>
      %mul3A_315 = arith.muli %gather3A_312, %mul3A_314 : vector<16xi32>
      %add3A_316 = arith.addi %mul3A_315, %and3A_6 : vector<16xi32>
      %mul3A_317 = arith.constant 16 : i32
      %mul3A_318 = arith.muli %scan3A_305, %mul3A_317 : i32
      %dma_start3A_319 = arith.constant 0 : i32
      %dma_start3A_320 = tpu.memref_slice %arg7[%mul3A_318, %dma_start3A_319] : memref<1280x16xf32, #tpu.memory_space<vmem>> -> memref<16x16xf32, #tpu.memory_space<vmem>>
      %dma_start3A_321 = arith.constant 0 : i32
      %dma_start3A_322 = arith.constant 0 : i32
      %dma_start3A_323 = tpu.memref_slice %arg3[%dma_start3A_321, %dma_start3A_322] : memref<2000000x16xf32, #tpu.memory_space<hbm>> -> memref<2000000x16xf32, #tpu.memory_space<hbm>>
      tpu.enqueue_indirect_dma source(%dma_start3A_323 : memref<2000000x16xf32, #tpu.memory_space<hbm>>) target(%dma_start3A_320 : memref<16x16xf32, #tpu.memory_space<vmem>>) offsets(%add3A_316 : vector<16xi32>) semaphore(%arg11 : memref<!tpu.dma_semaphore, #tpu.memory_space<semaphore_mem>>)
      %scan3A_324 = arith.constant 13 : i32
      %scan3A_325 = arith.addi %scan3A_67, %scan3A_324 : i32
      %mul3A_326 = arith.constant 8 : i32
      %mul3A_327 = arith.muli %scan3A_325, %mul3A_326 : i32
      %add3A_328 = arith.constant 640 : i32
      %add3A_329 = arith.addi %add3A_328, %mul3A_327 : i32
      %add3A_330 = vector.broadcast %add3A_329 : i32 to vector<16xi32>
      %add3A_331 = arith.addi %add3A_330, %shift_right_logical3A_4 : vector<16xi32>
      %gather3A_332 = tpu.vector_load_idx %arg5[%add3A_331] : memref<25600xi32, #tpu.memory_space<vmem>>[vector<16xi32>], vector<16xi32>,
      %mul3A_333 = arith.constant 2 : i32
      %mul3A_334 = vector.broadcast %mul3A_333 : i32 to vector<16xi32>
      %mul3A_335 = arith.muli %gather3A_332, %mul3A_334 : vector<16xi32>
      %add3A_336 = arith.addi %mul3A_335, %and3A_6 : vector<16xi32>
      %mul3A_337 = arith.constant 16 : i32
      %mul3A_338 = arith.muli %scan3A_325, %mul3A_337 : i32
      %dma_start3A_339 = arith.constant 0 : i32
      %dma_start3A_340 = tpu.memref_slice %arg7[%mul3A_338, %dma_start3A_339] : memref<1280x16xf32, #tpu.memory_space<vmem>> -> memref<16x16xf32, #tpu.memory_space<vmem>>
      %dma_start3A_341 = arith.constant 0 : i32
      %dma_start3A_342 = arith.constant 0 : i32
      %dma_start3A_343 = tpu.memref_slice %arg3[%dma_start3A_341, %dma_start3A_342] : memref<2000000x16xf32, #tpu.memory_space<hbm>> -> memref<2000000x16xf32, #tpu.memory_space<hbm>>
      tpu.enqueue_indirect_dma source(%dma_start3A_343 : memref<2000000x16xf32, #tpu.memory_space<hbm>>) target(%dma_start3A_340 : memref<16x16xf32, #tpu.memory_space<vmem>>) offsets(%add3A_336 : vector<16xi32>) semaphore(%arg11 : memref<!tpu.dma_semaphore, #tpu.memory_space<semaphore_mem>>)
      %scan3A_344 = arith.constant 14 : i32
      %scan3A_345 = arith.addi %scan3A_67, %scan3A_344 : i32
      %mul3A_346 = arith.constant 8 : i32
      %mul3A_347 = arith.muli %scan3A_345, %mul3A_346 : i32
      %add3A_348 = arith.constant 640 : i32
      %add3A_349 = arith.addi %add3A_348, %mul3A_347 : i32
      %add3A_350 = vector.broadcast %add3A_349 : i32 to vector<16xi32>
      %add3A_351 = arith.addi %add3A_350, %shift_right_logical3A_4 : vector<16xi32>
      %gather3A_352 = tpu.vector_load_idx %arg5[%add3A_351] : memref<25600xi32, #tpu.memory_space<vmem>>[vector<16xi32>], vector<16xi32>,
      %mul3A_353 = arith.constant 2 : i32
      %mul3A_354 = vector.broadcast %mul3A_353 : i32 to vector<16xi32>
      %mul3A_355 = arith.muli %gather3A_352, %mul3A_354 : vector<16xi32>
      %add3A_356 = arith.addi %mul3A_355, %and3A_6 : vector<16xi32>
      %mul3A_357 = arith.constant 16 : i32
      %mul3A_358 = arith.muli %scan3A_345, %mul3A_357 : i32
      %dma_start3A_359 = arith.constant 0 : i32
      %dma_start3A_360 = tpu.memref_slice %arg7[%mul3A_358, %dma_start3A_359] : memref<1280x16xf32, #tpu.memory_space<vmem>> -> memref<16x16xf32, #tpu.memory_space<vmem>>
      %dma_start3A_361 = arith.constant 0 : i32
      %dma_start3A_362 = arith.constant 0 : i32
      %dma_start3A_363 = tpu.memref_slice %arg3[%dma_start3A_361, %dma_start3A_362] : memref<2000000x16xf32, #tpu.memory_space<hbm>> -> memref<2000000x16xf32, #tpu.memory_space<hbm>>
      tpu.enqueue_indirect_dma source(%dma_start3A_363 : memref<2000000x16xf32, #tpu.memory_space<hbm>>) target(%dma_start3A_360 : memref<16x16xf32, #tpu.memory_space<vmem>>) offsets(%add3A_356 : vector<16xi32>) semaphore(%arg11 : memref<!tpu.dma_semaphore, #tpu.memory_space<semaphore_mem>>)
      %scan3A_364 = arith.constant 15 : i32
      %scan3A_365 = arith.addi %scan3A_67, %scan3A_364 : i32
      %mul3A_366 = arith.constant 8 : i32
      %mul3A_367 = arith.muli %scan3A_365, %mul3A_366 : i32
      %add3A_368 = arith.constant 640 : i32
      %add3A_369 = arith.addi %add3A_368, %mul3A_367 : i32
      %add3A_370 = vector.broadcast %add3A_369 : i32 to vector<16xi32>
      %add3A_371 = arith.addi %add3A_370, %shift_right_logical3A_4 : vector<16xi32>
      %gather3A_372 = tpu.vector_load_idx %arg5[%add3A_371] : memref<25600xi32, #tpu.memory_space<vmem>>[vector<16xi32>], vector<16xi32>,
      %mul3A_373 = arith.constant 2 : i32
      %mul3A_374 = vector.broadcast %mul3A_373 : i32 to vector<16xi32>
      %mul3A_375 = arith.muli %gather3A_372, %mul3A_374 : vector<16xi32>
      %add3A_376 = arith.addi %mul3A_375, %and3A_6 : vector<16xi32>
      %mul3A_377 = arith.constant 16 : i32
      %mul3A_378 = arith.muli %scan3A_365, %mul3A_377 : i32
      %dma_start3A_379 = arith.constant 0 : i32
      %dma_start3A_380 = tpu.memref_slice %arg7[%mul3A_378, %dma_start3A_379] : memref<1280x16xf32, #tpu.memory_space<vmem>> -> memref<16x16xf32, #tpu.memory_space<vmem>>
      %dma_start3A_381 = arith.constant 0 : i32
      %dma_start3A_382 = arith.constant 0 : i32
      %dma_start3A_383 = tpu.memref_slice %arg3[%dma_start3A_381, %dma_start3A_382] : memref<2000000x16xf32, #tpu.memory_space<hbm>> -> memref<2000000x16xf32, #tpu.memory_space<hbm>>
      tpu.enqueue_indirect_dma source(%dma_start3A_383 : memref<2000000x16xf32, #tpu.memory_space<hbm>>) target(%dma_start3A_380 : memref<16x16xf32, #tpu.memory_space<vmem>>) offsets(%add3A_376 : vector<16xi32>) semaphore(%arg11 : memref<!tpu.dma_semaphore, #tpu.memory_space<semaphore_mem>>)
    }
    %scan3A_17 = arith.constant 80 : i32
    %scan3A_18 = arith.constant 0 : i32
    %scan3A_19 = arith.constant 0 : i32
    %scan3A_20 = arith.constant 80 : i32
    %scan3A_21 = arith.addi %scan3A_19, %scan3A_20 : i32
    %scan3A_22 = arith.constant 16 : i32
    scf.for %scan3A_67 = %scan3A_19 to %scan3A_21 step %scan3A_22  : i32 {
      %mul3A_68 = arith.constant 8 : i32
      %mul3A_69 = arith.muli %scan3A_67, %mul3A_68 : i32
      %add3A_70 = arith.constant 1280 : i32
      %add3A_71 = arith.addi %add3A_70, %mul3A_69 : i32
      %add3A_72 = vector.broadcast %add3A_71 : i32 to vector<16xi32>
      %add3A_73 = arith.addi %add3A_72, %shift_right_logical3A_4 : vector<16xi32>
      %gather3A = tpu.vector_load_idx %arg5[%add3A_73] : memref<25600xi32, #tpu.memory_space<vmem>>[vector<16xi32>], vector<16xi32>,
      %mul3A_74 = arith.constant 2 : i32
      %mul3A_75 = vector.broadcast %mul3A_74 : i32 to vector<16xi32>
      %mul3A_76 = arith.muli %gather3A, %mul3A_75 : vector<16xi32>
      %add3A_77 = arith.addi %mul3A_76, %and3A_6 : vector<16xi32>
      %mul3A_78 = arith.constant 16 : i32
      %mul3A_79 = arith.muli %scan3A_67, %mul3A_78 : i32
      %dma_start3A = arith.constant 0 : i32
      %dma_start3A_80 = tpu.memref_slice %arg8[%mul3A_79, %dma_start3A] : memref<1280x16xf32, #tpu.memory_space<vmem>> -> memref<16x16xf32, #tpu.memory_space<vmem>>
      %dma_start3A_81 = arith.constant 0 : i32
      %dma_start3A_82 = arith.constant 0 : i32
      %dma_start3A_83 = tpu.memref_slice %arg3[%dma_start3A_81, %dma_start3A_82] : memref<2000000x16xf32, #tpu.memory_space<hbm>> -> memref<2000000x16xf32, #tpu.memory_space<hbm>>
      tpu.enqueue_indirect_dma source(%dma_start3A_83 : memref<2000000x16xf32, #tpu.memory_space<hbm>>) target(%dma_start3A_80 : memref<16x16xf32, #tpu.memory_space<vmem>>) offsets(%add3A_77 : vector<16xi32>) semaphore(%arg12 : memref<!tpu.dma_semaphore, #tpu.memory_space<semaphore_mem>>)
      %scan3A_84 = arith.constant 1 : i32
      %scan3A_85 = arith.addi %scan3A_67, %scan3A_84 : i32
      %mul3A_86 = arith.constant 8 : i32
      %mul3A_87 = arith.muli %scan3A_85, %mul3A_86 : i32
      %add3A_88 = arith.constant 1280 : i32
      %add3A_89 = arith.addi %add3A_88, %mul3A_87 : i32
      %add3A_90 = vector.broadcast %add3A_89 : i32 to vector<16xi32>
      %add3A_91 = arith.addi %add3A_90, %shift_right_logical3A_4 : vector<16xi32>
      %gather3A_92 = tpu.vector_load_idx %arg5[%add3A_91] : memref<25600xi32, #tpu.memory_space<vmem>>[vector<16xi32>], vector<16xi32>,
      %mul3A_93 = arith.constant 2 : i32
      %mul3A_94 = vector.broadcast %mul3A_93 : i32 to vector<16xi32>
      %mul3A_95 = arith.muli %gather3A_92, %mul3A_94 : vector<16xi32>
      %add3A_96 = arith.addi %mul3A_95, %and3A_6 : vector<16xi32>
      %mul3A_97 = arith.constant 16 : i32
      %mul3A_98 = arith.muli %scan3A_85, %mul3A_97 : i32
      %dma_start3A_99 = arith.constant 0 : i32
      %dma_start3A_100 = tpu.memref_slice %arg8[%mul3A_98, %dma_start3A_99] : memref<1280x16xf32, #tpu.memory_space<vmem>> -> memref<16x16xf32, #tpu.memory_space<vmem>>
      %dma_start3A_101 = arith.constant 0 : i32
      %dma_start3A_102 = arith.constant 0 : i32
      %dma_start3A_103 = tpu.memref_slice %arg3[%dma_start3A_101, %dma_start3A_102] : memref<2000000x16xf32, #tpu.memory_space<hbm>> -> memref<2000000x16xf32, #tpu.memory_space<hbm>>
      tpu.enqueue_indirect_dma source(%dma_start3A_103 : memref<2000000x16xf32, #tpu.memory_space<hbm>>) target(%dma_start3A_100 : memref<16x16xf32, #tpu.memory_space<vmem>>) offsets(%add3A_96 : vector<16xi32>) semaphore(%arg12 : memref<!tpu.dma_semaphore, #tpu.memory_space<semaphore_mem>>)
      %scan3A_104 = arith.constant 2 : i32
      %scan3A_105 = arith.addi %scan3A_67, %scan3A_104 : i32
      %mul3A_106 = arith.constant 8 : i32
      %mul3A_107 = arith.muli %scan3A_105, %mul3A_106 : i32
      %add3A_108 = arith.constant 1280 : i32
      %add3A_109 = arith.addi %add3A_108, %mul3A_107 : i32
      %add3A_110 = vector.broadcast %add3A_109 : i32 to vector<16xi32>
      %add3A_111 = arith.addi %add3A_110, %shift_right_logical3A_4 : vector<16xi32>
      %gather3A_112 = tpu.vector_load_idx %arg5[%add3A_111] : memref<25600xi32, #tpu.memory_space<vmem>>[vector<16xi32>], vector<16xi32>,
      %mul3A_113 = arith.constant 2 : i32
      %mul3A_114 = vector.broadcast %mul3A_113 : i32 to vector<16xi32>
      %mul3A_115 = arith.muli %gather3A_112, %mul3A_114 : vector<16xi32>
      %add3A_116 = arith.addi %mul3A_115, %and3A_6 : vector<16xi32>
      %mul3A_117 = arith.constant 16 : i32
      %mul3A_118 = arith.muli %scan3A_105, %mul3A_117 : i32
      %dma_start3A_119 = arith.constant 0 : i32
      %dma_start3A_120 = tpu.memref_slice %arg8[%mul3A_118, %dma_start3A_119] : memref<1280x16xf32, #tpu.memory_space<vmem>> -> memref<16x16xf32, #tpu.memory_space<vmem>>
      %dma_start3A_121 = arith.constant 0 : i32
      %dma_start3A_122 = arith.constant 0 : i32
      %dma_start3A_123 = tpu.memref_slice %arg3[%dma_start3A_121, %dma_start3A_122] : memref<2000000x16xf32, #tpu.memory_space<hbm>> -> memref<2000000x16xf32, #tpu.memory_space<hbm>>
      tpu.enqueue_indirect_dma source(%dma_start3A_123 : memref<2000000x16xf32, #tpu.memory_space<hbm>>) target(%dma_start3A_120 : memref<16x16xf32, #tpu.memory_space<vmem>>) offsets(%add3A_116 : vector<16xi32>) semaphore(%arg12 : memref<!tpu.dma_semaphore, #tpu.memory_space<semaphore_mem>>)
      %scan3A_124 = arith.constant 3 : i32
      %scan3A_125 = arith.addi %scan3A_67, %scan3A_124 : i32
      %mul3A_126 = arith.constant 8 : i32
      %mul3A_127 = arith.muli %scan3A_125, %mul3A_126 : i32
      %add3A_128 = arith.constant 1280 : i32
      %add3A_129 = arith.addi %add3A_128, %mul3A_127 : i32
      %add3A_130 = vector.broadcast %add3A_129 : i32 to vector<16xi32>
      %add3A_131 = arith.addi %add3A_130, %shift_right_logical3A_4 : vector<16xi32>
      %gather3A_132 = tpu.vector_load_idx %arg5[%add3A_131] : memref<25600xi32, #tpu.memory_space<vmem>>[vector<16xi32>], vector<16xi32>,
      %mul3A_133 = arith.constant 2 : i32
      %mul3A_134 = vector.broadcast %mul3A_133 : i32 to vector<16xi32>
      %mul3A_135 = arith.muli %gather3A_132, %mul3A_134 : vector<16xi32>
      %add3A_136 = arith.addi %mul3A_135, %and3A_6 : vector<16xi32>
      %mul3A_137 = arith.constant 16 : i32
      %mul3A_138 = arith.muli %scan3A_125, %mul3A_137 : i32
      %dma_start3A_139 = arith.constant 0 : i32
      %dma_start3A_140 = tpu.memref_slice %arg8[%mul3A_138, %dma_start3A_139] : memref<1280x16xf32, #tpu.memory_space<vmem>> -> memref<16x16xf32, #tpu.memory_space<vmem>>
      %dma_start3A_141 = arith.constant 0 : i32
      %dma_start3A_142 = arith.constant 0 : i32
      %dma_start3A_143 = tpu.memref_slice %arg3[%dma_start3A_141, %dma_start3A_142] : memref<2000000x16xf32, #tpu.memory_space<hbm>> -> memref<2000000x16xf32, #tpu.memory_space<hbm>>
      tpu.enqueue_indirect_dma source(%dma_start3A_143 : memref<2000000x16xf32, #tpu.memory_space<hbm>>) target(%dma_start3A_140 : memref<16x16xf32, #tpu.memory_space<vmem>>) offsets(%add3A_136 : vector<16xi32>) semaphore(%arg12 : memref<!tpu.dma_semaphore, #tpu.memory_space<semaphore_mem>>)
      %scan3A_144 = arith.constant 4 : i32
      %scan3A_145 = arith.addi %scan3A_67, %scan3A_144 : i32
      %mul3A_146 = arith.constant 8 : i32
      %mul3A_147 = arith.muli %scan3A_145, %mul3A_146 : i32
      %add3A_148 = arith.constant 1280 : i32
      %add3A_149 = arith.addi %add3A_148, %mul3A_147 : i32
      %add3A_150 = vector.broadcast %add3A_149 : i32 to vector<16xi32>
      %add3A_151 = arith.addi %add3A_150, %shift_right_logical3A_4 : vector<16xi32>
      %gather3A_152 = tpu.vector_load_idx %arg5[%add3A_151] : memref<25600xi32, #tpu.memory_space<vmem>>[vector<16xi32>], vector<16xi32>,
      %mul3A_153 = arith.constant 2 : i32
      %mul3A_154 = vector.broadcast %mul3A_153 : i32 to vector<16xi32>
      %mul3A_155 = arith.muli %gather3A_152, %mul3A_154 : vector<16xi32>
      %add3A_156 = arith.addi %mul3A_155, %and3A_6 : vector<16xi32>
      %mul3A_157 = arith.constant 16 : i32
      %mul3A_158 = arith.muli %scan3A_145, %mul3A_157 : i32
      %dma_start3A_159 = arith.constant 0 : i32
      %dma_start3A_160 = tpu.memref_slice %arg8[%mul3A_158, %dma_start3A_159] : memref<1280x16xf32, #tpu.memory_space<vmem>> -> memref<16x16xf32, #tpu.memory_space<vmem>>
      %dma_start3A_161 = arith.constant 0 : i32
      %dma_start3A_162 = arith.constant 0 : i32
      %dma_start3A_163 = tpu.memref_slice %arg3[%dma_start3A_161, %dma_start3A_162] : memref<2000000x16xf32, #tpu.memory_space<hbm>> -> memref<2000000x16xf32, #tpu.memory_space<hbm>>
      tpu.enqueue_indirect_dma source(%dma_start3A_163 : memref<2000000x16xf32, #tpu.memory_space<hbm>>) target(%dma_start3A_160 : memref<16x16xf32, #tpu.memory_space<vmem>>) offsets(%add3A_156 : vector<16xi32>) semaphore(%arg12 : memref<!tpu.dma_semaphore, #tpu.memory_space<semaphore_mem>>)
      %scan3A_164 = arith.constant 5 : i32
      %scan3A_165 = arith.addi %scan3A_67, %scan3A_164 : i32
      %mul3A_166 = arith.constant 8 : i32
      %mul3A_167 = arith.muli %scan3A_165, %mul3A_166 : i32
      %add3A_168 = arith.constant 1280 : i32
      %add3A_169 = arith.addi %add3A_168, %mul3A_167 : i32
      %add3A_170 = vector.broadcast %add3A_169 : i32 to vector<16xi32>
      %add3A_171 = arith.addi %add3A_170, %shift_right_logical3A_4 : vector<16xi32>
      %gather3A_172 = tpu.vector_load_idx %arg5[%add3A_171] : memref<25600xi32, #tpu.memory_space<vmem>>[vector<16xi32>], vector<16xi32>,
      %mul3A_173 = arith.constant 2 : i32
      %mul3A_174 = vector.broadcast %mul3A_173 : i32 to vector<16xi32>
      %mul3A_175 = arith.muli %gather3A_172, %mul3A_174 : vector<16xi32>
      %add3A_176 = arith.addi %mul3A_175, %and3A_6 : vector<16xi32>
      %mul3A_177 = arith.constant 16 : i32
      %mul3A_178 = arith.muli %scan3A_165, %mul3A_177 : i32
      %dma_start3A_179 = arith.constant 0 : i32
      %dma_start3A_180 = tpu.memref_slice %arg8[%mul3A_178, %dma_start3A_179] : memref<1280x16xf32, #tpu.memory_space<vmem>> -> memref<16x16xf32, #tpu.memory_space<vmem>>
      %dma_start3A_181 = arith.constant 0 : i32
      %dma_start3A_182 = arith.constant 0 : i32
      %dma_start3A_183 = tpu.memref_slice %arg3[%dma_start3A_181, %dma_start3A_182] : memref<2000000x16xf32, #tpu.memory_space<hbm>> -> memref<2000000x16xf32, #tpu.memory_space<hbm>>
      tpu.enqueue_indirect_dma source(%dma_start3A_183 : memref<2000000x16xf32, #tpu.memory_space<hbm>>) target(%dma_start3A_180 : memref<16x16xf32, #tpu.memory_space<vmem>>) offsets(%add3A_176 : vector<16xi32>) semaphore(%arg12 : memref<!tpu.dma_semaphore, #tpu.memory_space<semaphore_mem>>)
      %scan3A_184 = arith.constant 6 : i32
      %scan3A_185 = arith.addi %scan3A_67, %scan3A_184 : i32
      %mul3A_186 = arith.constant 8 : i32
      %mul3A_187 = arith.muli %scan3A_185, %mul3A_186 : i32
      %add3A_188 = arith.constant 1280 : i32
      %add3A_189 = arith.addi %add3A_188, %mul3A_187 : i32
      %add3A_190 = vector.broadcast %add3A_189 : i32 to vector<16xi32>
      %add3A_191 = arith.addi %add3A_190, %shift_right_logical3A_4 : vector<16xi32>
      %gather3A_192 = tpu.vector_load_idx %arg5[%add3A_191] : memref<25600xi32, #tpu.memory_space<vmem>>[vector<16xi32>], vector<16xi32>,
      %mul3A_193 = arith.constant 2 : i32
      %mul3A_194 = vector.broadcast %mul3A_193 : i32 to vector<16xi32>
      %mul3A_195 = arith.muli %gather3A_192, %mul3A_194 : vector<16xi32>
      %add3A_196 = arith.addi %mul3A_195, %and3A_6 : vector<16xi32>
      %mul3A_197 = arith.constant 16 : i32
      %mul3A_198 = arith.muli %scan3A_185, %mul3A_197 : i32
      %dma_start3A_199 = arith.constant 0 : i32
      %dma_start3A_200 = tpu.memref_slice %arg8[%mul3A_198, %dma_start3A_199] : memref<1280x16xf32, #tpu.memory_space<vmem>> -> memref<16x16xf32, #tpu.memory_space<vmem>>
      %dma_start3A_201 = arith.constant 0 : i32
      %dma_start3A_202 = arith.constant 0 : i32
      %dma_start3A_203 = tpu.memref_slice %arg3[%dma_start3A_201, %dma_start3A_202] : memref<2000000x16xf32, #tpu.memory_space<hbm>> -> memref<2000000x16xf32, #tpu.memory_space<hbm>>
      tpu.enqueue_indirect_dma source(%dma_start3A_203 : memref<2000000x16xf32, #tpu.memory_space<hbm>>) target(%dma_start3A_200 : memref<16x16xf32, #tpu.memory_space<vmem>>) offsets(%add3A_196 : vector<16xi32>) semaphore(%arg12 : memref<!tpu.dma_semaphore, #tpu.memory_space<semaphore_mem>>)
      %scan3A_204 = arith.constant 7 : i32
      %scan3A_205 = arith.addi %scan3A_67, %scan3A_204 : i32
      %mul3A_206 = arith.constant 8 : i32
      %mul3A_207 = arith.muli %scan3A_205, %mul3A_206 : i32
      %add3A_208 = arith.constant 1280 : i32
      %add3A_209 = arith.addi %add3A_208, %mul3A_207 : i32
      %add3A_210 = vector.broadcast %add3A_209 : i32 to vector<16xi32>
      %add3A_211 = arith.addi %add3A_210, %shift_right_logical3A_4 : vector<16xi32>
      %gather3A_212 = tpu.vector_load_idx %arg5[%add3A_211] : memref<25600xi32, #tpu.memory_space<vmem>>[vector<16xi32>], vector<16xi32>,
      %mul3A_213 = arith.constant 2 : i32
      %mul3A_214 = vector.broadcast %mul3A_213 : i32 to vector<16xi32>
      %mul3A_215 = arith.muli %gather3A_212, %mul3A_214 : vector<16xi32>
      %add3A_216 = arith.addi %mul3A_215, %and3A_6 : vector<16xi32>
      %mul3A_217 = arith.constant 16 : i32
      %mul3A_218 = arith.muli %scan3A_205, %mul3A_217 : i32
      %dma_start3A_219 = arith.constant 0 : i32
      %dma_start3A_220 = tpu.memref_slice %arg8[%mul3A_218, %dma_start3A_219] : memref<1280x16xf32, #tpu.memory_space<vmem>> -> memref<16x16xf32, #tpu.memory_space<vmem>>
      %dma_start3A_221 = arith.constant 0 : i32
      %dma_start3A_222 = arith.constant 0 : i32
      %dma_start3A_223 = tpu.memref_slice %arg3[%dma_start3A_221, %dma_start3A_222] : memref<2000000x16xf32, #tpu.memory_space<hbm>> -> memref<2000000x16xf32, #tpu.memory_space<hbm>>
      tpu.enqueue_indirect_dma source(%dma_start3A_223 : memref<2000000x16xf32, #tpu.memory_space<hbm>>) target(%dma_start3A_220 : memref<16x16xf32, #tpu.memory_space<vmem>>) offsets(%add3A_216 : vector<16xi32>) semaphore(%arg12 : memref<!tpu.dma_semaphore, #tpu.memory_space<semaphore_mem>>)
      %scan3A_224 = arith.constant 8 : i32
      %scan3A_225 = arith.addi %scan3A_67, %scan3A_224 : i32
      %mul3A_226 = arith.constant 8 : i32
      %mul3A_227 = arith.muli %scan3A_225, %mul3A_226 : i32
      %add3A_228 = arith.constant 1280 : i32
      %add3A_229 = arith.addi %add3A_228, %mul3A_227 : i32
      %add3A_230 = vector.broadcast %add3A_229 : i32 to vector<16xi32>
      %add3A_231 = arith.addi %add3A_230, %shift_right_logical3A_4 : vector<16xi32>
      %gather3A_232 = tpu.vector_load_idx %arg5[%add3A_231] : memref<25600xi32, #tpu.memory_space<vmem>>[vector<16xi32>], vector<16xi32>,
      %mul3A_233 = arith.constant 2 : i32
      %mul3A_234 = vector.broadcast %mul3A_233 : i32 to vector<16xi32>
      %mul3A_235 = arith.muli %gather3A_232, %mul3A_234 : vector<16xi32>
      %add3A_236 = arith.addi %mul3A_235, %and3A_6 : vector<16xi32>
      %mul3A_237 = arith.constant 16 : i32
      %mul3A_238 = arith.muli %scan3A_225, %mul3A_237 : i32
      %dma_start3A_239 = arith.constant 0 : i32
      %dma_start3A_240 = tpu.memref_slice %arg8[%mul3A_238, %dma_start3A_239] : memref<1280x16xf32, #tpu.memory_space<vmem>> -> memref<16x16xf32, #tpu.memory_space<vmem>>
      %dma_start3A_241 = arith.constant 0 : i32
      %dma_start3A_242 = arith.constant 0 : i32
      %dma_start3A_243 = tpu.memref_slice %arg3[%dma_start3A_241, %dma_start3A_242] : memref<2000000x16xf32, #tpu.memory_space<hbm>> -> memref<2000000x16xf32, #tpu.memory_space<hbm>>
      tpu.enqueue_indirect_dma source(%dma_start3A_243 : memref<2000000x16xf32, #tpu.memory_space<hbm>>) target(%dma_start3A_240 : memref<16x16xf32, #tpu.memory_space<vmem>>) offsets(%add3A_236 : vector<16xi32>) semaphore(%arg12 : memref<!tpu.dma_semaphore, #tpu.memory_space<semaphore_mem>>)
      %scan3A_244 = arith.constant 9 : i32
      %scan3A_245 = arith.addi %scan3A_67, %scan3A_244 : i32
      %mul3A_246 = arith.constant 8 : i32
      %mul3A_247 = arith.muli %scan3A_245, %mul3A_246 : i32
      %add3A_248 = arith.constant 1280 : i32
      %add3A_249 = arith.addi %add3A_248, %mul3A_247 : i32
      %add3A_250 = vector.broadcast %add3A_249 : i32 to vector<16xi32>
      %add3A_251 = arith.addi %add3A_250, %shift_right_logical3A_4 : vector<16xi32>
      %gather3A_252 = tpu.vector_load_idx %arg5[%add3A_251] : memref<25600xi32, #tpu.memory_space<vmem>>[vector<16xi32>], vector<16xi32>,
      %mul3A_253 = arith.constant 2 : i32
      %mul3A_254 = vector.broadcast %mul3A_253 : i32 to vector<16xi32>
      %mul3A_255 = arith.muli %gather3A_252, %mul3A_254 : vector<16xi32>
      %add3A_256 = arith.addi %mul3A_255, %and3A_6 : vector<16xi32>
      %mul3A_257 = arith.constant 16 : i32
      %mul3A_258 = arith.muli %scan3A_245, %mul3A_257 : i32
      %dma_start3A_259 = arith.constant 0 : i32
      %dma_start3A_260 = tpu.memref_slice %arg8[%mul3A_258, %dma_start3A_259] : memref<1280x16xf32, #tpu.memory_space<vmem>> -> memref<16x16xf32, #tpu.memory_space<vmem>>
      %dma_start3A_261 = arith.constant 0 : i32
      %dma_start3A_262 = arith.constant 0 : i32
      %dma_start3A_263 = tpu.memref_slice %arg3[%dma_start3A_261, %dma_start3A_262] : memref<2000000x16xf32, #tpu.memory_space<hbm>> -> memref<2000000x16xf32, #tpu.memory_space<hbm>>
      tpu.enqueue_indirect_dma source(%dma_start3A_263 : memref<2000000x16xf32, #tpu.memory_space<hbm>>) target(%dma_start3A_260 : memref<16x16xf32, #tpu.memory_space<vmem>>) offsets(%add3A_256 : vector<16xi32>) semaphore(%arg12 : memref<!tpu.dma_semaphore, #tpu.memory_space<semaphore_mem>>)
      %scan3A_264 = arith.constant 10 : i32
      %scan3A_265 = arith.addi %scan3A_67, %scan3A_264 : i32
      %mul3A_266 = arith.constant 8 : i32
      %mul3A_267 = arith.muli %scan3A_265, %mul3A_266 : i32
      %add3A_268 = arith.constant 1280 : i32
      %add3A_269 = arith.addi %add3A_268, %mul3A_267 : i32
      %add3A_270 = vector.broadcast %add3A_269 : i32 to vector<16xi32>
      %add3A_271 = arith.addi %add3A_270, %shift_right_logical3A_4 : vector<16xi32>
      %gather3A_272 = tpu.vector_load_idx %arg5[%add3A_271] : memref<25600xi32, #tpu.memory_space<vmem>>[vector<16xi32>], vector<16xi32>,
      %mul3A_273 = arith.constant 2 : i32
      %mul3A_274 = vector.broadcast %mul3A_273 : i32 to vector<16xi32>
      %mul3A_275 = arith.muli %gather3A_272, %mul3A_274 : vector<16xi32>
      %add3A_276 = arith.addi %mul3A_275, %and3A_6 : vector<16xi32>
      %mul3A_277 = arith.constant 16 : i32
      %mul3A_278 = arith.muli %scan3A_265, %mul3A_277 : i32
      %dma_start3A_279 = arith.constant 0 : i32
      %dma_start3A_280 = tpu.memref_slice %arg8[%mul3A_278, %dma_start3A_279] : memref<1280x16xf32, #tpu.memory_space<vmem>> -> memref<16x16xf32, #tpu.memory_space<vmem>>
      %dma_start3A_281 = arith.constant 0 : i32
      %dma_start3A_282 = arith.constant 0 : i32
      %dma_start3A_283 = tpu.memref_slice %arg3[%dma_start3A_281, %dma_start3A_282] : memref<2000000x16xf32, #tpu.memory_space<hbm>> -> memref<2000000x16xf32, #tpu.memory_space<hbm>>
      tpu.enqueue_indirect_dma source(%dma_start3A_283 : memref<2000000x16xf32, #tpu.memory_space<hbm>>) target(%dma_start3A_280 : memref<16x16xf32, #tpu.memory_space<vmem>>) offsets(%add3A_276 : vector<16xi32>) semaphore(%arg12 : memref<!tpu.dma_semaphore, #tpu.memory_space<semaphore_mem>>)
      %scan3A_284 = arith.constant 11 : i32
      %scan3A_285 = arith.addi %scan3A_67, %scan3A_284 : i32
      %mul3A_286 = arith.constant 8 : i32
      %mul3A_287 = arith.muli %scan3A_285, %mul3A_286 : i32
      %add3A_288 = arith.constant 1280 : i32
      %add3A_289 = arith.addi %add3A_288, %mul3A_287 : i32
      %add3A_290 = vector.broadcast %add3A_289 : i32 to vector<16xi32>
      %add3A_291 = arith.addi %add3A_290, %shift_right_logical3A_4 : vector<16xi32>
      %gather3A_292 = tpu.vector_load_idx %arg5[%add3A_291] : memref<25600xi32, #tpu.memory_space<vmem>>[vector<16xi32>], vector<16xi32>,
      %mul3A_293 = arith.constant 2 : i32
      %mul3A_294 = vector.broadcast %mul3A_293 : i32 to vector<16xi32>
      %mul3A_295 = arith.muli %gather3A_292, %mul3A_294 : vector<16xi32>
      %add3A_296 = arith.addi %mul3A_295, %and3A_6 : vector<16xi32>
      %mul3A_297 = arith.constant 16 : i32
      %mul3A_298 = arith.muli %scan3A_285, %mul3A_297 : i32
      %dma_start3A_299 = arith.constant 0 : i32
      %dma_start3A_300 = tpu.memref_slice %arg8[%mul3A_298, %dma_start3A_299] : memref<1280x16xf32, #tpu.memory_space<vmem>> -> memref<16x16xf32, #tpu.memory_space<vmem>>
      %dma_start3A_301 = arith.constant 0 : i32
      %dma_start3A_302 = arith.constant 0 : i32
      %dma_start3A_303 = tpu.memref_slice %arg3[%dma_start3A_301, %dma_start3A_302] : memref<2000000x16xf32, #tpu.memory_space<hbm>> -> memref<2000000x16xf32, #tpu.memory_space<hbm>>
      tpu.enqueue_indirect_dma source(%dma_start3A_303 : memref<2000000x16xf32, #tpu.memory_space<hbm>>) target(%dma_start3A_300 : memref<16x16xf32, #tpu.memory_space<vmem>>) offsets(%add3A_296 : vector<16xi32>) semaphore(%arg12 : memref<!tpu.dma_semaphore, #tpu.memory_space<semaphore_mem>>)
      %scan3A_304 = arith.constant 12 : i32
      %scan3A_305 = arith.addi %scan3A_67, %scan3A_304 : i32
      %mul3A_306 = arith.constant 8 : i32
      %mul3A_307 = arith.muli %scan3A_305, %mul3A_306 : i32
      %add3A_308 = arith.constant 1280 : i32
      %add3A_309 = arith.addi %add3A_308, %mul3A_307 : i32
      %add3A_310 = vector.broadcast %add3A_309 : i32 to vector<16xi32>
      %add3A_311 = arith.addi %add3A_310, %shift_right_logical3A_4 : vector<16xi32>
      %gather3A_312 = tpu.vector_load_idx %arg5[%add3A_311] : memref<25600xi32, #tpu.memory_space<vmem>>[vector<16xi32>], vector<16xi32>,
      %mul3A_313 = arith.constant 2 : i32
      %mul3A_314 = vector.broadcast %mul3A_313 : i32 to vector<16xi32>
      %mul3A_315 = arith.muli %gather3A_312, %mul3A_314 : vector<16xi32>
      %add3A_316 = arith.addi %mul3A_315, %and3A_6 : vector<16xi32>
      %mul3A_317 = arith.constant 16 : i32
      %mul3A_318 = arith.muli %scan3A_305, %mul3A_317 : i32
      %dma_start3A_319 = arith.constant 0 : i32
      %dma_start3A_320 = tpu.memref_slice %arg8[%mul3A_318, %dma_start3A_319] : memref<1280x16xf32, #tpu.memory_space<vmem>> -> memref<16x16xf32, #tpu.memory_space<vmem>>
      %dma_start3A_321 = arith.constant 0 : i32
      %dma_start3A_322 = arith.constant 0 : i32
      %dma_start3A_323 = tpu.memref_slice %arg3[%dma_start3A_321, %dma_start3A_322] : memref<2000000x16xf32, #tpu.memory_space<hbm>> -> memref<2000000x16xf32, #tpu.memory_space<hbm>>
      tpu.enqueue_indirect_dma source(%dma_start3A_323 : memref<2000000x16xf32, #tpu.memory_space<hbm>>) target(%dma_start3A_320 : memref<16x16xf32, #tpu.memory_space<vmem>>) offsets(%add3A_316 : vector<16xi32>) semaphore(%arg12 : memref<!tpu.dma_semaphore, #tpu.memory_space<semaphore_mem>>)
      %scan3A_324 = arith.constant 13 : i32
      %scan3A_325 = arith.addi %scan3A_67, %scan3A_324 : i32
      %mul3A_326 = arith.constant 8 : i32
      %mul3A_327 = arith.muli %scan3A_325, %mul3A_326 : i32
      %add3A_328 = arith.constant 1280 : i32
      %add3A_329 = arith.addi %add3A_328, %mul3A_327 : i32
      %add3A_330 = vector.broadcast %add3A_329 : i32 to vector<16xi32>
      %add3A_331 = arith.addi %add3A_330, %shift_right_logical3A_4 : vector<16xi32>
      %gather3A_332 = tpu.vector_load_idx %arg5[%add3A_331] : memref<25600xi32, #tpu.memory_space<vmem>>[vector<16xi32>], vector<16xi32>,
      %mul3A_333 = arith.constant 2 : i32
      %mul3A_334 = vector.broadcast %mul3A_333 : i32 to vector<16xi32>
      %mul3A_335 = arith.muli %gather3A_332, %mul3A_334 : vector<16xi32>
      %add3A_336 = arith.addi %mul3A_335, %and3A_6 : vector<16xi32>
      %mul3A_337 = arith.constant 16 : i32
      %mul3A_338 = arith.muli %scan3A_325, %mul3A_337 : i32
      %dma_start3A_339 = arith.constant 0 : i32
      %dma_start3A_340 = tpu.memref_slice %arg8[%mul3A_338, %dma_start3A_339] : memref<1280x16xf32, #tpu.memory_space<vmem>> -> memref<16x16xf32, #tpu.memory_space<vmem>>
      %dma_start3A_341 = arith.constant 0 : i32
      %dma_start3A_342 = arith.constant 0 : i32
      %dma_start3A_343 = tpu.memref_slice %arg3[%dma_start3A_341, %dma_start3A_342] : memref<2000000x16xf32, #tpu.memory_space<hbm>> -> memref<2000000x16xf32, #tpu.memory_space<hbm>>
      tpu.enqueue_indirect_dma source(%dma_start3A_343 : memref<2000000x16xf32, #tpu.memory_space<hbm>>) target(%dma_start3A_340 : memref<16x16xf32, #tpu.memory_space<vmem>>) offsets(%add3A_336 : vector<16xi32>) semaphore(%arg12 : memref<!tpu.dma_semaphore, #tpu.memory_space<semaphore_mem>>)
      %scan3A_344 = arith.constant 14 : i32
      %scan3A_345 = arith.addi %scan3A_67, %scan3A_344 : i32
      %mul3A_346 = arith.constant 8 : i32
      %mul3A_347 = arith.muli %scan3A_345, %mul3A_346 : i32
      %add3A_348 = arith.constant 1280 : i32
      %add3A_349 = arith.addi %add3A_348, %mul3A_347 : i32
      %add3A_350 = vector.broadcast %add3A_349 : i32 to vector<16xi32>
      %add3A_351 = arith.addi %add3A_350, %shift_right_logical3A_4 : vector<16xi32>
      %gather3A_352 = tpu.vector_load_idx %arg5[%add3A_351] : memref<25600xi32, #tpu.memory_space<vmem>>[vector<16xi32>], vector<16xi32>,
      %mul3A_353 = arith.constant 2 : i32
      %mul3A_354 = vector.broadcast %mul3A_353 : i32 to vector<16xi32>
      %mul3A_355 = arith.muli %gather3A_352, %mul3A_354 : vector<16xi32>
      %add3A_356 = arith.addi %mul3A_355, %and3A_6 : vector<16xi32>
      %mul3A_357 = arith.constant 16 : i32
      %mul3A_358 = arith.muli %scan3A_345, %mul3A_357 : i32
      %dma_start3A_359 = arith.constant 0 : i32
      %dma_start3A_360 = tpu.memref_slice %arg8[%mul3A_358, %dma_start3A_359] : memref<1280x16xf32, #tpu.memory_space<vmem>> -> memref<16x16xf32, #tpu.memory_space<vmem>>
      %dma_start3A_361 = arith.constant 0 : i32
      %dma_start3A_362 = arith.constant 0 : i32
      %dma_start3A_363 = tpu.memref_slice %arg3[%dma_start3A_361, %dma_start3A_362] : memref<2000000x16xf32, #tpu.memory_space<hbm>> -> memref<2000000x16xf32, #tpu.memory_space<hbm>>
      tpu.enqueue_indirect_dma source(%dma_start3A_363 : memref<2000000x16xf32, #tpu.memory_space<hbm>>) target(%dma_start3A_360 : memref<16x16xf32, #tpu.memory_space<vmem>>) offsets(%add3A_356 : vector<16xi32>) semaphore(%arg12 : memref<!tpu.dma_semaphore, #tpu.memory_space<semaphore_mem>>)
      %scan3A_364 = arith.constant 15 : i32
      %scan3A_365 = arith.addi %scan3A_67, %scan3A_364 : i32
      %mul3A_366 = arith.constant 8 : i32
      %mul3A_367 = arith.muli %scan3A_365, %mul3A_366 : i32
      %add3A_368 = arith.constant 1280 : i32
      %add3A_369 = arith.addi %add3A_368, %mul3A_367 : i32
      %add3A_370 = vector.broadcast %add3A_369 : i32 to vector<16xi32>
      %add3A_371 = arith.addi %add3A_370, %shift_right_logical3A_4 : vector<16xi32>
      %gather3A_372 = tpu.vector_load_idx %arg5[%add3A_371] : memref<25600xi32, #tpu.memory_space<vmem>>[vector<16xi32>], vector<16xi32>,
      %mul3A_373 = arith.constant 2 : i32
      %mul3A_374 = vector.broadcast %mul3A_373 : i32 to vector<16xi32>
      %mul3A_375 = arith.muli %gather3A_372, %mul3A_374 : vector<16xi32>
      %add3A_376 = arith.addi %mul3A_375, %and3A_6 : vector<16xi32>
      %mul3A_377 = arith.constant 16 : i32
      %mul3A_378 = arith.muli %scan3A_365, %mul3A_377 : i32
      %dma_start3A_379 = arith.constant 0 : i32
      %dma_start3A_380 = tpu.memref_slice %arg8[%mul3A_378, %dma_start3A_379] : memref<1280x16xf32, #tpu.memory_space<vmem>> -> memref<16x16xf32, #tpu.memory_space<vmem>>
      %dma_start3A_381 = arith.constant 0 : i32
      %dma_start3A_382 = arith.constant 0 : i32
      %dma_start3A_383 = tpu.memref_slice %arg3[%dma_start3A_381, %dma_start3A_382] : memref<2000000x16xf32, #tpu.memory_space<hbm>> -> memref<2000000x16xf32, #tpu.memory_space<hbm>>
      tpu.enqueue_indirect_dma source(%dma_start3A_383 : memref<2000000x16xf32, #tpu.memory_space<hbm>>) target(%dma_start3A_380 : memref<16x16xf32, #tpu.memory_space<vmem>>) offsets(%add3A_376 : vector<16xi32>) semaphore(%arg12 : memref<!tpu.dma_semaphore, #tpu.memory_space<semaphore_mem>>)
    }
    %scan3A_23 = arith.constant 80 : i32
    %scan3A_24 = arith.constant 0 : i32
    %scan3A_25 = arith.constant 0 : i32
    %scan3A_26 = arith.constant 80 : i32
    %scan3A_27 = arith.addi %scan3A_25, %scan3A_26 : i32
    %scan3A_28 = arith.constant 16 : i32
    scf.for %scan3A_67 = %scan3A_25 to %scan3A_27 step %scan3A_28  : i32 {
      %mul3A_68 = arith.constant 8 : i32
      %mul3A_69 = arith.muli %scan3A_67, %mul3A_68 : i32
      %add3A_70 = arith.constant 1920 : i32
      %add3A_71 = arith.addi %add3A_70, %mul3A_69 : i32
      %add3A_72 = vector.broadcast %add3A_71 : i32 to vector<16xi32>
      %add3A_73 = arith.addi %add3A_72, %shift_right_logical3A_4 : vector<16xi32>
      %gather3A = tpu.vector_load_idx %arg5[%add3A_73] : memref<25600xi32, #tpu.memory_space<vmem>>[vector<16xi32>], vector<16xi32>,
      %mul3A_74 = arith.constant 2 : i32
      %mul3A_75 = vector.broadcast %mul3A_74 : i32 to vector<16xi32>
      %mul3A_76 = arith.muli %gather3A, %mul3A_75 : vector<16xi32>
      %add3A_77 = arith.addi %mul3A_76, %and3A_6 : vector<16xi32>
      %mul3A_78 = arith.constant 16 : i32
      %mul3A_79 = arith.muli %scan3A_67, %mul3A_78 : i32
      %dma_start3A = arith.constant 0 : i32
      %dma_start3A_80 = tpu.memref_slice %arg9[%mul3A_79, %dma_start3A] : memref<1280x16xf32, #tpu.memory_space<vmem>> -> memref<16x16xf32, #tpu.memory_space<vmem>>
      %dma_start3A_81 = arith.constant 0 : i32
      %dma_start3A_82 = arith.constant 0 : i32
      %dma_start3A_83 = tpu.memref_slice %arg3[%dma_start3A_81, %dma_start3A_82] : memref<2000000x16xf32, #tpu.memory_space<hbm>> -> memref<2000000x16xf32, #tpu.memory_space<hbm>>
      tpu.enqueue_indirect_dma source(%dma_start3A_83 : memref<2000000x16xf32, #tpu.memory_space<hbm>>) target(%dma_start3A_80 : memref<16x16xf32, #tpu.memory_space<vmem>>) offsets(%add3A_77 : vector<16xi32>) semaphore(%arg13 : memref<!tpu.dma_semaphore, #tpu.memory_space<semaphore_mem>>)
      %scan3A_84 = arith.constant 1 : i32
      %scan3A_85 = arith.addi %scan3A_67, %scan3A_84 : i32
      %mul3A_86 = arith.constant 8 : i32
      %mul3A_87 = arith.muli %scan3A_85, %mul3A_86 : i32
      %add3A_88 = arith.constant 1920 : i32
      %add3A_89 = arith.addi %add3A_88, %mul3A_87 : i32
      %add3A_90 = vector.broadcast %add3A_89 : i32 to vector<16xi32>
      %add3A_91 = arith.addi %add3A_90, %shift_right_logical3A_4 : vector<16xi32>
      %gather3A_92 = tpu.vector_load_idx %arg5[%add3A_91] : memref<25600xi32, #tpu.memory_space<vmem>>[vector<16xi32>], vector<16xi32>,
      %mul3A_93 = arith.constant 2 : i32
      %mul3A_94 = vector.broadcast %mul3A_93 : i32 to vector<16xi32>
      %mul3A_95 = arith.muli %gather3A_92, %mul3A_94 : vector<16xi32>
      %add3A_96 = arith.addi %mul3A_95, %and3A_6 : vector<16xi32>
      %mul3A_97 = arith.constant 16 : i32
      %mul3A_98 = arith.muli %scan3A_85, %mul3A_97 : i32
      %dma_start3A_99 = arith.constant 0 : i32
      %dma_start3A_100 = tpu.memref_slice %arg9[%mul3A_98, %dma_start3A_99] : memref<1280x16xf32, #tpu.memory_space<vmem>> -> memref<16x16xf32, #tpu.memory_space<vmem>>
      %dma_start3A_101 = arith.constant 0 : i32
      %dma_start3A_102 = arith.constant 0 : i32
      %dma_start3A_103 = tpu.memref_slice %arg3[%dma_start3A_101, %dma_start3A_102] : memref<2000000x16xf32, #tpu.memory_space<hbm>> -> memref<2000000x16xf32, #tpu.memory_space<hbm>>
      tpu.enqueue_indirect_dma source(%dma_start3A_103 : memref<2000000x16xf32, #tpu.memory_space<hbm>>) target(%dma_start3A_100 : memref<16x16xf32, #tpu.memory_space<vmem>>) offsets(%add3A_96 : vector<16xi32>) semaphore(%arg13 : memref<!tpu.dma_semaphore, #tpu.memory_space<semaphore_mem>>)
      %scan3A_104 = arith.constant 2 : i32
      %scan3A_105 = arith.addi %scan3A_67, %scan3A_104 : i32
      %mul3A_106 = arith.constant 8 : i32
      %mul3A_107 = arith.muli %scan3A_105, %mul3A_106 : i32
      %add3A_108 = arith.constant 1920 : i32
      %add3A_109 = arith.addi %add3A_108, %mul3A_107 : i32
      %add3A_110 = vector.broadcast %add3A_109 : i32 to vector<16xi32>
      %add3A_111 = arith.addi %add3A_110, %shift_right_logical3A_4 : vector<16xi32>
      %gather3A_112 = tpu.vector_load_idx %arg5[%add3A_111] : memref<25600xi32, #tpu.memory_space<vmem>>[vector<16xi32>], vector<16xi32>,
      %mul3A_113 = arith.constant 2 : i32
      %mul3A_114 = vector.broadcast %mul3A_113 : i32 to vector<16xi32>
      %mul3A_115 = arith.muli %gather3A_112, %mul3A_114 : vector<16xi32>
      %add3A_116 = arith.addi %mul3A_115, %and3A_6 : vector<16xi32>
      %mul3A_117 = arith.constant 16 : i32
      %mul3A_118 = arith.muli %scan3A_105, %mul3A_117 : i32
      %dma_start3A_119 = arith.constant 0 : i32
      %dma_start3A_120 = tpu.memref_slice %arg9[%mul3A_118, %dma_start3A_119] : memref<1280x16xf32, #tpu.memory_space<vmem>> -> memref<16x16xf32, #tpu.memory_space<vmem>>
      %dma_start3A_121 = arith.constant 0 : i32
      %dma_start3A_122 = arith.constant 0 : i32
      %dma_start3A_123 = tpu.memref_slice %arg3[%dma_start3A_121, %dma_start3A_122] : memref<2000000x16xf32, #tpu.memory_space<hbm>> -> memref<2000000x16xf32, #tpu.memory_space<hbm>>
      tpu.enqueue_indirect_dma source(%dma_start3A_123 : memref<2000000x16xf32, #tpu.memory_space<hbm>>) target(%dma_start3A_120 : memref<16x16xf32, #tpu.memory_space<vmem>>) offsets(%add3A_116 : vector<16xi32>) semaphore(%arg13 : memref<!tpu.dma_semaphore, #tpu.memory_space<semaphore_mem>>)
      %scan3A_124 = arith.constant 3 : i32
      %scan3A_125 = arith.addi %scan3A_67, %scan3A_124 : i32
      %mul3A_126 = arith.constant 8 : i32
      %mul3A_127 = arith.muli %scan3A_125, %mul3A_126 : i32
      %add3A_128 = arith.constant 1920 : i32
      %add3A_129 = arith.addi %add3A_128, %mul3A_127 : i32
      %add3A_130 = vector.broadcast %add3A_129 : i32 to vector<16xi32>
      %add3A_131 = arith.addi %add3A_130, %shift_right_logical3A_4 : vector<16xi32>
      %gather3A_132 = tpu.vector_load_idx %arg5[%add3A_131] : memref<25600xi32, #tpu.memory_space<vmem>>[vector<16xi32>], vector<16xi32>,
      %mul3A_133 = arith.constant 2 : i32
      %mul3A_134 = vector.broadcast %mul3A_133 : i32 to vector<16xi32>
      %mul3A_135 = arith.muli %gather3A_132, %mul3A_134 : vector<16xi32>
      %add3A_136 = arith.addi %mul3A_135, %and3A_6 : vector<16xi32>
      %mul3A_137 = arith.constant 16 : i32
      %mul3A_138 = arith.muli %scan3A_125, %mul3A_137 : i32
      %dma_start3A_139 = arith.constant 0 : i32
      %dma_start3A_140 = tpu.memref_slice %arg9[%mul3A_138, %dma_start3A_139] : memref<1280x16xf32, #tpu.memory_space<vmem>> -> memref<16x16xf32, #tpu.memory_space<vmem>>
      %dma_start3A_141 = arith.constant 0 : i32
      %dma_start3A_142 = arith.constant 0 : i32
      %dma_start3A_143 = tpu.memref_slice %arg3[%dma_start3A_141, %dma_start3A_142] : memref<2000000x16xf32, #tpu.memory_space<hbm>> -> memref<2000000x16xf32, #tpu.memory_space<hbm>>
      tpu.enqueue_indirect_dma source(%dma_start3A_143 : memref<2000000x16xf32, #tpu.memory_space<hbm>>) target(%dma_start3A_140 : memref<16x16xf32, #tpu.memory_space<vmem>>) offsets(%add3A_136 : vector<16xi32>) semaphore(%arg13 : memref<!tpu.dma_semaphore, #tpu.memory_space<semaphore_mem>>)
      %scan3A_144 = arith.constant 4 : i32
      %scan3A_145 = arith.addi %scan3A_67, %scan3A_144 : i32
      %mul3A_146 = arith.constant 8 : i32
      %mul3A_147 = arith.muli %scan3A_145, %mul3A_146 : i32
      %add3A_148 = arith.constant 1920 : i32
      %add3A_149 = arith.addi %add3A_148, %mul3A_147 : i32
      %add3A_150 = vector.broadcast %add3A_149 : i32 to vector<16xi32>
      %add3A_151 = arith.addi %add3A_150, %shift_right_logical3A_4 : vector<16xi32>
      %gather3A_152 = tpu.vector_load_idx %arg5[%add3A_151] : memref<25600xi32, #tpu.memory_space<vmem>>[vector<16xi32>], vector<16xi32>,
      %mul3A_153 = arith.constant 2 : i32
      %mul3A_154 = vector.broadcast %mul3A_153 : i32 to vector<16xi32>
      %mul3A_155 = arith.muli %gather3A_152, %mul3A_154 : vector<16xi32>
      %add3A_156 = arith.addi %mul3A_155, %and3A_6 : vector<16xi32>
      %mul3A_157 = arith.constant 16 : i32
      %mul3A_158 = arith.muli %scan3A_145, %mul3A_157 : i32
      %dma_start3A_159 = arith.constant 0 : i32
      %dma_start3A_160 = tpu.memref_slice %arg9[%mul3A_158, %dma_start3A_159] : memref<1280x16xf32, #tpu.memory_space<vmem>> -> memref<16x16xf32, #tpu.memory_space<vmem>>
      %dma_start3A_161 = arith.constant 0 : i32
      %dma_start3A_162 = arith.constant 0 : i32
      %dma_start3A_163 = tpu.memref_slice %arg3[%dma_start3A_161, %dma_start3A_162] : memref<2000000x16xf32, #tpu.memory_space<hbm>> -> memref<2000000x16xf32, #tpu.memory_space<hbm>>
      tpu.enqueue_indirect_dma source(%dma_start3A_163 : memref<2000000x16xf32, #tpu.memory_space<hbm>>) target(%dma_start3A_160 : memref<16x16xf32, #tpu.memory_space<vmem>>) offsets(%add3A_156 : vector<16xi32>) semaphore(%arg13 : memref<!tpu.dma_semaphore, #tpu.memory_space<semaphore_mem>>)
      %scan3A_164 = arith.constant 5 : i32
      %scan3A_165 = arith.addi %scan3A_67, %scan3A_164 : i32
      %mul3A_166 = arith.constant 8 : i32
      %mul3A_167 = arith.muli %scan3A_165, %mul3A_166 : i32
      %add3A_168 = arith.constant 1920 : i32
      %add3A_169 = arith.addi %add3A_168, %mul3A_167 : i32
      %add3A_170 = vector.broadcast %add3A_169 : i32 to vector<16xi32>
      %add3A_171 = arith.addi %add3A_170, %shift_right_logical3A_4 : vector<16xi32>
      %gather3A_172 = tpu.vector_load_idx %arg5[%add3A_171] : memref<25600xi32, #tpu.memory_space<vmem>>[vector<16xi32>], vector<16xi32>,
      %mul3A_173 = arith.constant 2 : i32
      %mul3A_174 = vector.broadcast %mul3A_173 : i32 to vector<16xi32>
      %mul3A_175 = arith.muli %gather3A_172, %mul3A_174 : vector<16xi32>
      %add3A_176 = arith.addi %mul3A_175, %and3A_6 : vector<16xi32>
      %mul3A_177 = arith.constant 16 : i32
      %mul3A_178 = arith.muli %scan3A_165, %mul3A_177 : i32
      %dma_start3A_179 = arith.constant 0 : i32
      %dma_start3A_180 = tpu.memref_slice %arg9[%mul3A_178, %dma_start3A_179] : memref<1280x16xf32, #tpu.memory_space<vmem>> -> memref<16x16xf32, #tpu.memory_space<vmem>>
      %dma_start3A_181 = arith.constant 0 : i32
      %dma_start3A_182 = arith.constant 0 : i32
      %dma_start3A_183 = tpu.memref_slice %arg3[%dma_start3A_181, %dma_start3A_182] : memref<2000000x16xf32, #tpu.memory_space<hbm>> -> memref<2000000x16xf32, #tpu.memory_space<hbm>>
      tpu.enqueue_indirect_dma source(%dma_start3A_183 : memref<2000000x16xf32, #tpu.memory_space<hbm>>) target(%dma_start3A_180 : memref<16x16xf32, #tpu.memory_space<vmem>>) offsets(%add3A_176 : vector<16xi32>) semaphore(%arg13 : memref<!tpu.dma_semaphore, #tpu.memory_space<semaphore_mem>>)
      %scan3A_184 = arith.constant 6 : i32
      %scan3A_185 = arith.addi %scan3A_67, %scan3A_184 : i32
      %mul3A_186 = arith.constant 8 : i32
      %mul3A_187 = arith.muli %scan3A_185, %mul3A_186 : i32
      %add3A_188 = arith.constant 1920 : i32
      %add3A_189 = arith.addi %add3A_188, %mul3A_187 : i32
      %add3A_190 = vector.broadcast %add3A_189 : i32 to vector<16xi32>
      %add3A_191 = arith.addi %add3A_190, %shift_right_logical3A_4 : vector<16xi32>
      %gather3A_192 = tpu.vector_load_idx %arg5[%add3A_191] : memref<25600xi32, #tpu.memory_space<vmem>>[vector<16xi32>], vector<16xi32>,
      %mul3A_193 = arith.constant 2 : i32
      %mul3A_194 = vector.broadcast %mul3A_193 : i32 to vector<16xi32>
      %mul3A_195 = arith.muli %gather3A_192, %mul3A_194 : vector<16xi32>
      %add3A_196 = arith.addi %mul3A_195, %and3A_6 : vector<16xi32>
      %mul3A_197 = arith.constant 16 : i32
      %mul3A_198 = arith.muli %scan3A_185, %mul3A_197 : i32
      %dma_start3A_199 = arith.constant 0 : i32
      %dma_start3A_200 = tpu.memref_slice %arg9[%mul3A_198, %dma_start3A_199] : memref<1280x16xf32, #tpu.memory_space<vmem>> -> memref<16x16xf32, #tpu.memory_space<vmem>>
      %dma_start3A_201 = arith.constant 0 : i32
      %dma_start3A_202 = arith.constant 0 : i32
      %dma_start3A_203 = tpu.memref_slice %arg3[%dma_start3A_201, %dma_start3A_202] : memref<2000000x16xf32, #tpu.memory_space<hbm>> -> memref<2000000x16xf32, #tpu.memory_space<hbm>>
      tpu.enqueue_indirect_dma source(%dma_start3A_203 : memref<2000000x16xf32, #tpu.memory_space<hbm>>) target(%dma_start3A_200 : memref<16x16xf32, #tpu.memory_space<vmem>>) offsets(%add3A_196 : vector<16xi32>) semaphore(%arg13 : memref<!tpu.dma_semaphore, #tpu.memory_space<semaphore_mem>>)
      %scan3A_204 = arith.constant 7 : i32
      %scan3A_205 = arith.addi %scan3A_67, %scan3A_204 : i32
      %mul3A_206 = arith.constant 8 : i32
      %mul3A_207 = arith.muli %scan3A_205, %mul3A_206 : i32
      %add3A_208 = arith.constant 1920 : i32
      %add3A_209 = arith.addi %add3A_208, %mul3A_207 : i32
      %add3A_210 = vector.broadcast %add3A_209 : i32 to vector<16xi32>
      %add3A_211 = arith.addi %add3A_210, %shift_right_logical3A_4 : vector<16xi32>
      %gather3A_212 = tpu.vector_load_idx %arg5[%add3A_211] : memref<25600xi32, #tpu.memory_space<vmem>>[vector<16xi32>], vector<16xi32>,
      %mul3A_213 = arith.constant 2 : i32
      %mul3A_214 = vector.broadcast %mul3A_213 : i32 to vector<16xi32>
      %mul3A_215 = arith.muli %gather3A_212, %mul3A_214 : vector<16xi32>
      %add3A_216 = arith.addi %mul3A_215, %and3A_6 : vector<16xi32>
      %mul3A_217 = arith.constant 16 : i32
      %mul3A_218 = arith.muli %scan3A_205, %mul3A_217 : i32
      %dma_start3A_219 = arith.constant 0 : i32
      %dma_start3A_220 = tpu.memref_slice %arg9[%mul3A_218, %dma_start3A_219] : memref<1280x16xf32, #tpu.memory_space<vmem>> -> memref<16x16xf32, #tpu.memory_space<vmem>>
      %dma_start3A_221 = arith.constant 0 : i32
      %dma_start3A_222 = arith.constant 0 : i32
      %dma_start3A_223 = tpu.memref_slice %arg3[%dma_start3A_221, %dma_start3A_222] : memref<2000000x16xf32, #tpu.memory_space<hbm>> -> memref<2000000x16xf32, #tpu.memory_space<hbm>>
      tpu.enqueue_indirect_dma source(%dma_start3A_223 : memref<2000000x16xf32, #tpu.memory_space<hbm>>) target(%dma_start3A_220 : memref<16x16xf32, #tpu.memory_space<vmem>>) offsets(%add3A_216 : vector<16xi32>) semaphore(%arg13 : memref<!tpu.dma_semaphore, #tpu.memory_space<semaphore_mem>>)
      %scan3A_224 = arith.constant 8 : i32
      %scan3A_225 = arith.addi %scan3A_67, %scan3A_224 : i32
      %mul3A_226 = arith.constant 8 : i32
      %mul3A_227 = arith.muli %scan3A_225, %mul3A_226 : i32
      %add3A_228 = arith.constant 1920 : i32
      %add3A_229 = arith.addi %add3A_228, %mul3A_227 : i32
      %add3A_230 = vector.broadcast %add3A_229 : i32 to vector<16xi32>
      %add3A_231 = arith.addi %add3A_230, %shift_right_logical3A_4 : vector<16xi32>
      %gather3A_232 = tpu.vector_load_idx %arg5[%add3A_231] : memref<25600xi32, #tpu.memory_space<vmem>>[vector<16xi32>], vector<16xi32>,
      %mul3A_233 = arith.constant 2 : i32
      %mul3A_234 = vector.broadcast %mul3A_233 : i32 to vector<16xi32>
      %mul3A_235 = arith.muli %gather3A_232, %mul3A_234 : vector<16xi32>
      %add3A_236 = arith.addi %mul3A_235, %and3A_6 : vector<16xi32>
      %mul3A_237 = arith.constant 16 : i32
      %mul3A_238 = arith.muli %scan3A_225, %mul3A_237 : i32
      %dma_start3A_239 = arith.constant 0 : i32
      %dma_start3A_240 = tpu.memref_slice %arg9[%mul3A_238, %dma_start3A_239] : memref<1280x16xf32, #tpu.memory_space<vmem>> -> memref<16x16xf32, #tpu.memory_space<vmem>>
      %dma_start3A_241 = arith.constant 0 : i32
      %dma_start3A_242 = arith.constant 0 : i32
      %dma_start3A_243 = tpu.memref_slice %arg3[%dma_start3A_241, %dma_start3A_242] : memref<2000000x16xf32, #tpu.memory_space<hbm>> -> memref<2000000x16xf32, #tpu.memory_space<hbm>>
      tpu.enqueue_indirect_dma source(%dma_start3A_243 : memref<2000000x16xf32, #tpu.memory_space<hbm>>) target(%dma_start3A_240 : memref<16x16xf32, #tpu.memory_space<vmem>>) offsets(%add3A_236 : vector<16xi32>) semaphore(%arg13 : memref<!tpu.dma_semaphore, #tpu.memory_space<semaphore_mem>>)
      %scan3A_244 = arith.constant 9 : i32
      %scan3A_245 = arith.addi %scan3A_67, %scan3A_244 : i32
      %mul3A_246 = arith.constant 8 : i32
      %mul3A_247 = arith.muli %scan3A_245, %mul3A_246 : i32
      %add3A_248 = arith.constant 1920 : i32
      %add3A_249 = arith.addi %add3A_248, %mul3A_247 : i32
      %add3A_250 = vector.broadcast %add3A_249 : i32 to vector<16xi32>
      %add3A_251 = arith.addi %add3A_250, %shift_right_logical3A_4 : vector<16xi32>
      %gather3A_252 = tpu.vector_load_idx %arg5[%add3A_251] : memref<25600xi32, #tpu.memory_space<vmem>>[vector<16xi32>], vector<16xi32>,
      %mul3A_253 = arith.constant 2 : i32
      %mul3A_254 = vector.broadcast %mul3A_253 : i32 to vector<16xi32>
      %mul3A_255 = arith.muli %gather3A_252, %mul3A_254 : vector<16xi32>
      %add3A_256 = arith.addi %mul3A_255, %and3A_6 : vector<16xi32>
      %mul3A_257 = arith.constant 16 : i32
      %mul3A_258 = arith.muli %scan3A_245, %mul3A_257 : i32
      %dma_start3A_259 = arith.constant 0 : i32
      %dma_start3A_260 = tpu.memref_slice %arg9[%mul3A_258, %dma_start3A_259] : memref<1280x16xf32, #tpu.memory_space<vmem>> -> memref<16x16xf32, #tpu.memory_space<vmem>>
      %dma_start3A_261 = arith.constant 0 : i32
      %dma_start3A_262 = arith.constant 0 : i32
      %dma_start3A_263 = tpu.memref_slice %arg3[%dma_start3A_261, %dma_start3A_262] : memref<2000000x16xf32, #tpu.memory_space<hbm>> -> memref<2000000x16xf32, #tpu.memory_space<hbm>>
      tpu.enqueue_indirect_dma source(%dma_start3A_263 : memref<2000000x16xf32, #tpu.memory_space<hbm>>) target(%dma_start3A_260 : memref<16x16xf32, #tpu.memory_space<vmem>>) offsets(%add3A_256 : vector<16xi32>) semaphore(%arg13 : memref<!tpu.dma_semaphore, #tpu.memory_space<semaphore_mem>>)
      %scan3A_264 = arith.constant 10 : i32
      %scan3A_265 = arith.addi %scan3A_67, %scan3A_264 : i32
      %mul3A_266 = arith.constant 8 : i32
      %mul3A_267 = arith.muli %scan3A_265, %mul3A_266 : i32
      %add3A_268 = arith.constant 1920 : i32
      %add3A_269 = arith.addi %add3A_268, %mul3A_267 : i32
      %add3A_270 = vector.broadcast %add3A_269 : i32 to vector<16xi32>
      %add3A_271 = arith.addi %add3A_270, %shift_right_logical3A_4 : vector<16xi32>
      %gather3A_272 = tpu.vector_load_idx %arg5[%add3A_271] : memref<25600xi32, #tpu.memory_space<vmem>>[vector<16xi32>], vector<16xi32>,
      %mul3A_273 = arith.constant 2 : i32
      %mul3A_274 = vector.broadcast %mul3A_273 : i32 to vector<16xi32>
      %mul3A_275 = arith.muli %gather3A_272, %mul3A_274 : vector<16xi32>
      %add3A_276 = arith.addi %mul3A_275, %and3A_6 : vector<16xi32>
      %mul3A_277 = arith.constant 16 : i32
      %mul3A_278 = arith.muli %scan3A_265, %mul3A_277 : i32
      %dma_start3A_279 = arith.constant 0 : i32
      %dma_start3A_280 = tpu.memref_slice %arg9[%mul3A_278, %dma_start3A_279] : memref<1280x16xf32, #tpu.memory_space<vmem>> -> memref<16x16xf32, #tpu.memory_space<vmem>>
      %dma_start3A_281 = arith.constant 0 : i32
      %dma_start3A_282 = arith.constant 0 : i32
      %dma_start3A_283 = tpu.memref_slice %arg3[%dma_start3A_281, %dma_start3A_282] : memref<2000000x16xf32, #tpu.memory_space<hbm>> -> memref<2000000x16xf32, #tpu.memory_space<hbm>>
      tpu.enqueue_indirect_dma source(%dma_start3A_283 : memref<2000000x16xf32, #tpu.memory_space<hbm>>) target(%dma_start3A_280 : memref<16x16xf32, #tpu.memory_space<vmem>>) offsets(%add3A_276 : vector<16xi32>) semaphore(%arg13 : memref<!tpu.dma_semaphore, #tpu.memory_space<semaphore_mem>>)
      %scan3A_284 = arith.constant 11 : i32
      %scan3A_285 = arith.addi %scan3A_67, %scan3A_284 : i32
      %mul3A_286 = arith.constant 8 : i32
      %mul3A_287 = arith.muli %scan3A_285, %mul3A_286 : i32
      %add3A_288 = arith.constant 1920 : i32
      %add3A_289 = arith.addi %add3A_288, %mul3A_287 : i32
      %add3A_290 = vector.broadcast %add3A_289 : i32 to vector<16xi32>
      %add3A_291 = arith.addi %add3A_290, %shift_right_logical3A_4 : vector<16xi32>
      %gather3A_292 = tpu.vector_load_idx %arg5[%add3A_291] : memref<25600xi32, #tpu.memory_space<vmem>>[vector<16xi32>], vector<16xi32>,
      %mul3A_293 = arith.constant 2 : i32
      %mul3A_294 = vector.broadcast %mul3A_293 : i32 to vector<16xi32>
      %mul3A_295 = arith.muli %gather3A_292, %mul3A_294 : vector<16xi32>
      %add3A_296 = arith.addi %mul3A_295, %and3A_6 : vector<16xi32>
      %mul3A_297 = arith.constant 16 : i32
      %mul3A_298 = arith.muli %scan3A_285, %mul3A_297 : i32
      %dma_start3A_299 = arith.constant 0 : i32
      %dma_start3A_300 = tpu.memref_slice %arg9[%mul3A_298, %dma_start3A_299] : memref<1280x16xf32, #tpu.memory_space<vmem>> -> memref<16x16xf32, #tpu.memory_space<vmem>>
      %dma_start3A_301 = arith.constant 0 : i32
      %dma_start3A_302 = arith.constant 0 : i32
      %dma_start3A_303 = tpu.memref_slice %arg3[%dma_start3A_301, %dma_start3A_302] : memref<2000000x16xf32, #tpu.memory_space<hbm>> -> memref<2000000x16xf32, #tpu.memory_space<hbm>>
      tpu.enqueue_indirect_dma source(%dma_start3A_303 : memref<2000000x16xf32, #tpu.memory_space<hbm>>) target(%dma_start3A_300 : memref<16x16xf32, #tpu.memory_space<vmem>>) offsets(%add3A_296 : vector<16xi32>) semaphore(%arg13 : memref<!tpu.dma_semaphore, #tpu.memory_space<semaphore_mem>>)
      %scan3A_304 = arith.constant 12 : i32
      %scan3A_305 = arith.addi %scan3A_67, %scan3A_304 : i32
      %mul3A_306 = arith.constant 8 : i32
      %mul3A_307 = arith.muli %scan3A_305, %mul3A_306 : i32
      %add3A_308 = arith.constant 1920 : i32
      %add3A_309 = arith.addi %add3A_308, %mul3A_307 : i32
      %add3A_310 = vector.broadcast %add3A_309 : i32 to vector<16xi32>
      %add3A_311 = arith.addi %add3A_310, %shift_right_logical3A_4 : vector<16xi32>
      %gather3A_312 = tpu.vector_load_idx %arg5[%add3A_311] : memref<25600xi32, #tpu.memory_space<vmem>>[vector<16xi32>], vector<16xi32>,
      %mul3A_313 = arith.constant 2 : i32
      %mul3A_314 = vector.broadcast %mul3A_313 : i32 to vector<16xi32>
      %mul3A_315 = arith.muli %gather3A_312, %mul3A_314 : vector<16xi32>
      %add3A_316 = arith.addi %mul3A_315, %and3A_6 : vector<16xi32>
      %mul3A_317 = arith.constant 16 : i32
      %mul3A_318 = arith.muli %scan3A_305, %mul3A_317 : i32
      %dma_start3A_319 = arith.constant 0 : i32
      %dma_start3A_320 = tpu.memref_slice %arg9[%mul3A_318, %dma_start3A_319] : memref<1280x16xf32, #tpu.memory_space<vmem>> -> memref<16x16xf32, #tpu.memory_space<vmem>>
      %dma_start3A_321 = arith.constant 0 : i32
      %dma_start3A_322 = arith.constant 0 : i32
      %dma_start3A_323 = tpu.memref_slice %arg3[%dma_start3A_321, %dma_start3A_322] : memref<2000000x16xf32, #tpu.memory_space<hbm>> -> memref<2000000x16xf32, #tpu.memory_space<hbm>>
      tpu.enqueue_indirect_dma source(%dma_start3A_323 : memref<2000000x16xf32, #tpu.memory_space<hbm>>) target(%dma_start3A_320 : memref<16x16xf32, #tpu.memory_space<vmem>>) offsets(%add3A_316 : vector<16xi32>) semaphore(%arg13 : memref<!tpu.dma_semaphore, #tpu.memory_space<semaphore_mem>>)
      %scan3A_324 = arith.constant 13 : i32
      %scan3A_325 = arith.addi %scan3A_67, %scan3A_324 : i32
      %mul3A_326 = arith.constant 8 : i32
      %mul3A_327 = arith.muli %scan3A_325, %mul3A_326 : i32
      %add3A_328 = arith.constant 1920 : i32
      %add3A_329 = arith.addi %add3A_328, %mul3A_327 : i32
      %add3A_330 = vector.broadcast %add3A_329 : i32 to vector<16xi32>
      %add3A_331 = arith.addi %add3A_330, %shift_right_logical3A_4 : vector<16xi32>
      %gather3A_332 = tpu.vector_load_idx %arg5[%add3A_331] : memref<25600xi32, #tpu.memory_space<vmem>>[vector<16xi32>], vector<16xi32>,
      %mul3A_333 = arith.constant 2 : i32
      %mul3A_334 = vector.broadcast %mul3A_333 : i32 to vector<16xi32>
      %mul3A_335 = arith.muli %gather3A_332, %mul3A_334 : vector<16xi32>
      %add3A_336 = arith.addi %mul3A_335, %and3A_6 : vector<16xi32>
      %mul3A_337 = arith.constant 16 : i32
      %mul3A_338 = arith.muli %scan3A_325, %mul3A_337 : i32
      %dma_start3A_339 = arith.constant 0 : i32
      %dma_start3A_340 = tpu.memref_slice %arg9[%mul3A_338, %dma_start3A_339] : memref<1280x16xf32, #tpu.memory_space<vmem>> -> memref<16x16xf32, #tpu.memory_space<vmem>>
      %dma_start3A_341 = arith.constant 0 : i32
      %dma_start3A_342 = arith.constant 0 : i32
      %dma_start3A_343 = tpu.memref_slice %arg3[%dma_start3A_341, %dma_start3A_342] : memref<2000000x16xf32, #tpu.memory_space<hbm>> -> memref<2000000x16xf32, #tpu.memory_space<hbm>>
      tpu.enqueue_indirect_dma source(%dma_start3A_343 : memref<2000000x16xf32, #tpu.memory_space<hbm>>) target(%dma_start3A_340 : memref<16x16xf32, #tpu.memory_space<vmem>>) offsets(%add3A_336 : vector<16xi32>) semaphore(%arg13 : memref<!tpu.dma_semaphore, #tpu.memory_space<semaphore_mem>>)
      %scan3A_344 = arith.constant 14 : i32
      %scan3A_345 = arith.addi %scan3A_67, %scan3A_344 : i32
      %mul3A_346 = arith.constant 8 : i32
      %mul3A_347 = arith.muli %scan3A_345, %mul3A_346 : i32
      %add3A_348 = arith.constant 1920 : i32
      %add3A_349 = arith.addi %add3A_348, %mul3A_347 : i32
      %add3A_350 = vector.broadcast %add3A_349 : i32 to vector<16xi32>
      %add3A_351 = arith.addi %add3A_350, %shift_right_logical3A_4 : vector<16xi32>
      %gather3A_352 = tpu.vector_load_idx %arg5[%add3A_351] : memref<25600xi32, #tpu.memory_space<vmem>>[vector<16xi32>], vector<16xi32>,
      %mul3A_353 = arith.constant 2 : i32
      %mul3A_354 = vector.broadcast %mul3A_353 : i32 to vector<16xi32>
      %mul3A_355 = arith.muli %gather3A_352, %mul3A_354 : vector<16xi32>
      %add3A_356 = arith.addi %mul3A_355, %and3A_6 : vector<16xi32>
      %mul3A_357 = arith.constant 16 : i32
      %mul3A_358 = arith.muli %scan3A_345, %mul3A_357 : i32
      %dma_start3A_359 = arith.constant 0 : i32
      %dma_start3A_360 = tpu.memref_slice %arg9[%mul3A_358, %dma_start3A_359] : memref<1280x16xf32, #tpu.memory_space<vmem>> -> memref<16x16xf32, #tpu.memory_space<vmem>>
      %dma_start3A_361 = arith.constant 0 : i32
      %dma_start3A_362 = arith.constant 0 : i32
      %dma_start3A_363 = tpu.memref_slice %arg3[%dma_start3A_361, %dma_start3A_362] : memref<2000000x16xf32, #tpu.memory_space<hbm>> -> memref<2000000x16xf32, #tpu.memory_space<hbm>>
      tpu.enqueue_indirect_dma source(%dma_start3A_363 : memref<2000000x16xf32, #tpu.memory_space<hbm>>) target(%dma_start3A_360 : memref<16x16xf32, #tpu.memory_space<vmem>>) offsets(%add3A_356 : vector<16xi32>) semaphore(%arg13 : memref<!tpu.dma_semaphore, #tpu.memory_space<semaphore_mem>>)
      %scan3A_364 = arith.constant 15 : i32
      %scan3A_365 = arith.addi %scan3A_67, %scan3A_364 : i32
      %mul3A_366 = arith.constant 8 : i32
      %mul3A_367 = arith.muli %scan3A_365, %mul3A_366 : i32
      %add3A_368 = arith.constant 1920 : i32
      %add3A_369 = arith.addi %add3A_368, %mul3A_367 : i32
      %add3A_370 = vector.broadcast %add3A_369 : i32 to vector<16xi32>
      %add3A_371 = arith.addi %add3A_370, %shift_right_logical3A_4 : vector<16xi32>
      %gather3A_372 = tpu.vector_load_idx %arg5[%add3A_371] : memref<25600xi32, #tpu.memory_space<vmem>>[vector<16xi32>], vector<16xi32>,
      %mul3A_373 = arith.constant 2 : i32
      %mul3A_374 = vector.broadcast %mul3A_373 : i32 to vector<16xi32>
      %mul3A_375 = arith.muli %gather3A_372, %mul3A_374 : vector<16xi32>
      %add3A_376 = arith.addi %mul3A_375, %and3A_6 : vector<16xi32>
      %mul3A_377 = arith.constant 16 : i32
      %mul3A_378 = arith.muli %scan3A_365, %mul3A_377 : i32
      %dma_start3A_379 = arith.constant 0 : i32
      %dma_start3A_380 = tpu.memref_slice %arg9[%mul3A_378, %dma_start3A_379] : memref<1280x16xf32, #tpu.memory_space<vmem>> -> memref<16x16xf32, #tpu.memory_space<vmem>>
      %dma_start3A_381 = arith.constant 0 : i32
      %dma_start3A_382 = arith.constant 0 : i32
      %dma_start3A_383 = tpu.memref_slice %arg3[%dma_start3A_381, %dma_start3A_382] : memref<2000000x16xf32, #tpu.memory_space<hbm>> -> memref<2000000x16xf32, #tpu.memory_space<hbm>>
      tpu.enqueue_indirect_dma source(%dma_start3A_383 : memref<2000000x16xf32, #tpu.memory_space<hbm>>) target(%dma_start3A_380 : memref<16x16xf32, #tpu.memory_space<vmem>>) offsets(%add3A_376 : vector<16xi32>) semaphore(%arg13 : memref<!tpu.dma_semaphore, #tpu.memory_space<semaphore_mem>>)
    }
    %scan3A_29 = arith.constant 80 : i32
    %scan3A_30 = arith.constant 0 : i32
    %scan3A_31 = arith.constant 0 : i32
    %scan3A_32 = arith.constant 10 : i32
    %scan3A_33 = arith.addi %scan3A_31, %scan3A_32 : i32
    %scan3A_34 = arith.constant 1 : i32
    scf.for %scan3A_67 = %scan3A_31 to %scan3A_33 step %scan3A_34  : i32 {
      %mul3A_68 = arith.constant 4 : i32
      %mul3A_69 = arith.muli %mul3A_68, %scan3A_67 : i32
      %add3A_70 = arith.constant 0 : i32
      %add3A_71 = arith.addi %mul3A_69, %add3A_70 : i32
      %dma_wait3A_72 = arith.constant 0 : i32
      %dma_wait3A_73 = arith.constant 0 : i32
      %dma_wait3A_74 = tpu.memref_slice %arg4[%dma_wait3A_72, %dma_wait3A_73] : memref<1638400x16xf32, #tpu.memory_space<hbm>> -> memref<1280x16xf32, #tpu.memory_space<hbm>>
      %dma_wait3A_75 = arith.constant 0 : i32
      %dma_wait3A_76 = arith.constant 0 : i32
      %dma_wait3A_77 = tpu.memref_slice %arg4[%dma_wait3A_75, %dma_wait3A_76] : memref<1638400x16xf32, #tpu.memory_space<hbm>> -> memref<1280x16xf32, #tpu.memory_space<hbm>>
      tpu.wait_dma2 semaphore(%arg10 : memref<!tpu.dma_semaphore, #tpu.memory_space<semaphore_mem>>) src(%dma_wait3A_77 : memref<1280x16xf32, #tpu.memory_space<hbm>>) dst(%arg6 : memref<1280x16xf32, #tpu.memory_space<vmem>>)
      %mul3A_78 = arith.constant 640 : i32
      %mul3A_79 = arith.muli %add3A_71, %mul3A_78 : i32
      %add3A_80 = arith.addi %mul3A_2, %mul3A_79 : i32
      %mul3A_81 = arith.constant 2 : i32
      %mul3A_82 = arith.muli %add3A_80, %mul3A_81 : i32
      %dma_start3A = arith.constant 0 : i32
      %dma_start3A_83 = tpu.memref_slice %arg4[%mul3A_82, %dma_start3A] : memref<1638400x16xf32, #tpu.memory_space<hbm>> -> memref<1280x16xf32, #tpu.memory_space<hbm>>
      %dma_start3A_84 = arith.constant 0 : i32
      %dma_start3A_85 = tpu.memref_slice %arg4[%mul3A_82, %dma_start3A_84] : memref<1638400x16xf32, #tpu.memory_space<hbm>> -> memref<1280x16xf32, #tpu.memory_space<hbm>>
      tpu.enqueue_dma source(%arg6 : memref<1280x16xf32, #tpu.memory_space<vmem>>) target(%dma_start3A_85 : memref<1280x16xf32, #tpu.memory_space<hbm>>) target_semaphore(%arg14 : memref<!tpu.dma_semaphore, #tpu.memory_space<semaphore_mem>>)
      %lt3A = arith.constant 9 : i32
      %lt3A_86 = arith.cmpi slt, %scan3A_67, %lt3A : i32
      %convert_element_type3A = arith.extui %lt3A_86 : i1 to i32
      %cond3A = arith.constant 0 : i32
      %cond3A_87 = arith.cmpi ne, %convert_element_type3A, %cond3A : i32
      scf.if %cond3A_87 {
        %mul3A_160 = arith.constant 640 : i32
        %mul3A_161 = arith.muli %add3A_71, %mul3A_160 : i32
        %add3A_162 = arith.addi %mul3A_2, %mul3A_161 : i32
        %mul3A_163 = arith.constant 2 : i32
        %mul3A_164 = arith.muli %add3A_162, %mul3A_163 : i32
        %dma_wait3A_165 = arith.constant 0 : i32
        %dma_wait3A_166 = tpu.memref_slice %arg4[%mul3A_164, %dma_wait3A_165] : memref<1638400x16xf32, #tpu.memory_space<hbm>> -> memref<1280x16xf32, #tpu.memory_space<hbm>>
        %dma_wait3A_167 = arith.constant 0 : i32
        %dma_wait3A_168 = tpu.memref_slice %arg4[%mul3A_164, %dma_wait3A_167] : memref<1638400x16xf32, #tpu.memory_space<hbm>> -> memref<1280x16xf32, #tpu.memory_space<hbm>>
        tpu.wait_dma2 semaphore(%arg14 : memref<!tpu.dma_semaphore, #tpu.memory_space<semaphore_mem>>) src(%arg6 : memref<1280x16xf32, #tpu.memory_space<vmem>>) dst(%dma_wait3A_168 : memref<1280x16xf32, #tpu.memory_space<hbm>>)
        %add3A_169 = arith.constant 4 : i32
        %add3A_170 = arith.addi %add3A_71, %add3A_169 : i32
        %scan3A_171 = arith.constant 0 : i32
        %scan3A_172 = arith.constant 0 : i32
        %scan3A_173 = arith.constant 80 : i32
        %scan3A_174 = arith.addi %scan3A_172, %scan3A_173 : i32
        %scan3A_175 = arith.constant 16 : i32
        scf.for %scan3A_177 = %scan3A_172 to %scan3A_174 step %scan3A_175  : i32 {
          %mul3A_178 = arith.constant 640 : i32
          %mul3A_179 = arith.muli %add3A_170, %mul3A_178 : i32
          %mul3A_180 = arith.constant 8 : i32
          %mul3A_181 = arith.muli %scan3A_177, %mul3A_180 : i32
          %add3A_182 = arith.addi %mul3A_179, %mul3A_181 : i32
          %add3A_183 = vector.broadcast %add3A_182 : i32 to vector<16xi32>
          %add3A_184 = arith.addi %add3A_183, %shift_right_logical3A_4 : vector<16xi32>
          %gather3A = tpu.vector_load_idx %arg5[%add3A_184] : memref<25600xi32, #tpu.memory_space<vmem>>[vector<16xi32>], vector<16xi32>,
          %mul3A_185 = arith.constant 2 : i32
          %mul3A_186 = vector.broadcast %mul3A_185 : i32 to vector<16xi32>
          %mul3A_187 = arith.muli %gather3A, %mul3A_186 : vector<16xi32>
          %add3A_188 = arith.addi %mul3A_187, %and3A_6 : vector<16xi32>
          %mul3A_189 = arith.constant 16 : i32
          %mul3A_190 = arith.muli %scan3A_177, %mul3A_189 : i32
          %dma_start3A_191 = arith.constant 0 : i32
          %dma_start3A_192 = tpu.memref_slice %arg6[%mul3A_190, %dma_start3A_191] : memref<1280x16xf32, #tpu.memory_space<vmem>> -> memref<16x16xf32, #tpu.memory_space<vmem>>
          %dma_start3A_193 = arith.constant 0 : i32
          %dma_start3A_194 = arith.constant 0 : i32
          %dma_start3A_195 = tpu.memref_slice %arg3[%dma_start3A_193, %dma_start3A_194] : memref<2000000x16xf32, #tpu.memory_space<hbm>> -> memref<2000000x16xf32, #tpu.memory_space<hbm>>
          tpu.enqueue_indirect_dma source(%dma_start3A_195 : memref<2000000x16xf32, #tpu.memory_space<hbm>>) target(%dma_start3A_192 : memref<16x16xf32, #tpu.memory_space<vmem>>) offsets(%add3A_188 : vector<16xi32>) semaphore(%arg10 : memref<!tpu.dma_semaphore, #tpu.memory_space<semaphore_mem>>)
          %scan3A_196 = arith.constant 1 : i32
          %scan3A_197 = arith.addi %scan3A_177, %scan3A_196 : i32
          %mul3A_198 = arith.constant 640 : i32
          %mul3A_199 = arith.muli %add3A_170, %mul3A_198 : i32
          %mul3A_200 = arith.constant 8 : i32
          %mul3A_201 = arith.muli %scan3A_197, %mul3A_200 : i32
          %add3A_202 = arith.addi %mul3A_199, %mul3A_201 : i32
          %add3A_203 = vector.broadcast %add3A_202 : i32 to vector<16xi32>
          %add3A_204 = arith.addi %add3A_203, %shift_right_logical3A_4 : vector<16xi32>
          %gather3A_205 = tpu.vector_load_idx %arg5[%add3A_204] : memref<25600xi32, #tpu.memory_space<vmem>>[vector<16xi32>], vector<16xi32>,
          %mul3A_206 = arith.constant 2 : i32
          %mul3A_207 = vector.broadcast %mul3A_206 : i32 to vector<16xi32>
          %mul3A_208 = arith.muli %gather3A_205, %mul3A_207 : vector<16xi32>
          %add3A_209 = arith.addi %mul3A_208, %and3A_6 : vector<16xi32>
          %mul3A_210 = arith.constant 16 : i32
          %mul3A_211 = arith.muli %scan3A_197, %mul3A_210 : i32
          %dma_start3A_212 = arith.constant 0 : i32
          %dma_start3A_213 = tpu.memref_slice %arg6[%mul3A_211, %dma_start3A_212] : memref<1280x16xf32, #tpu.memory_space<vmem>> -> memref<16x16xf32, #tpu.memory_space<vmem>>
          %dma_start3A_214 = arith.constant 0 : i32
          %dma_start3A_215 = arith.constant 0 : i32
          %dma_start3A_216 = tpu.memref_slice %arg3[%dma_start3A_214, %dma_start3A_215] : memref<2000000x16xf32, #tpu.memory_space<hbm>> -> memref<2000000x16xf32, #tpu.memory_space<hbm>>
          tpu.enqueue_indirect_dma source(%dma_start3A_216 : memref<2000000x16xf32, #tpu.memory_space<hbm>>) target(%dma_start3A_213 : memref<16x16xf32, #tpu.memory_space<vmem>>) offsets(%add3A_209 : vector<16xi32>) semaphore(%arg10 : memref<!tpu.dma_semaphore, #tpu.memory_space<semaphore_mem>>)
          %scan3A_217 = arith.constant 2 : i32
          %scan3A_218 = arith.addi %scan3A_177, %scan3A_217 : i32
          %mul3A_219 = arith.constant 640 : i32
          %mul3A_220 = arith.muli %add3A_170, %mul3A_219 : i32
          %mul3A_221 = arith.constant 8 : i32
          %mul3A_222 = arith.muli %scan3A_218, %mul3A_221 : i32
          %add3A_223 = arith.addi %mul3A_220, %mul3A_222 : i32
          %add3A_224 = vector.broadcast %add3A_223 : i32 to vector<16xi32>
          %add3A_225 = arith.addi %add3A_224, %shift_right_logical3A_4 : vector<16xi32>
          %gather3A_226 = tpu.vector_load_idx %arg5[%add3A_225] : memref<25600xi32, #tpu.memory_space<vmem>>[vector<16xi32>], vector<16xi32>,
          %mul3A_227 = arith.constant 2 : i32
          %mul3A_228 = vector.broadcast %mul3A_227 : i32 to vector<16xi32>
          %mul3A_229 = arith.muli %gather3A_226, %mul3A_228 : vector<16xi32>
          %add3A_230 = arith.addi %mul3A_229, %and3A_6 : vector<16xi32>
          %mul3A_231 = arith.constant 16 : i32
          %mul3A_232 = arith.muli %scan3A_218, %mul3A_231 : i32
          %dma_start3A_233 = arith.constant 0 : i32
          %dma_start3A_234 = tpu.memref_slice %arg6[%mul3A_232, %dma_start3A_233] : memref<1280x16xf32, #tpu.memory_space<vmem>> -> memref<16x16xf32, #tpu.memory_space<vmem>>
          %dma_start3A_235 = arith.constant 0 : i32
          %dma_start3A_236 = arith.constant 0 : i32
          %dma_start3A_237 = tpu.memref_slice %arg3[%dma_start3A_235, %dma_start3A_236] : memref<2000000x16xf32, #tpu.memory_space<hbm>> -> memref<2000000x16xf32, #tpu.memory_space<hbm>>
          tpu.enqueue_indirect_dma source(%dma_start3A_237 : memref<2000000x16xf32, #tpu.memory_space<hbm>>) target(%dma_start3A_234 : memref<16x16xf32, #tpu.memory_space<vmem>>) offsets(%add3A_230 : vector<16xi32>) semaphore(%arg10 : memref<!tpu.dma_semaphore, #tpu.memory_space<semaphore_mem>>)
          %scan3A_238 = arith.constant 3 : i32
          %scan3A_239 = arith.addi %scan3A_177, %scan3A_238 : i32
          %mul3A_240 = arith.constant 640 : i32
          %mul3A_241 = arith.muli %add3A_170, %mul3A_240 : i32
          %mul3A_242 = arith.constant 8 : i32
          %mul3A_243 = arith.muli %scan3A_239, %mul3A_242 : i32
          %add3A_244 = arith.addi %mul3A_241, %mul3A_243 : i32
          %add3A_245 = vector.broadcast %add3A_244 : i32 to vector<16xi32>
          %add3A_246 = arith.addi %add3A_245, %shift_right_logical3A_4 : vector<16xi32>
          %gather3A_247 = tpu.vector_load_idx %arg5[%add3A_246] : memref<25600xi32, #tpu.memory_space<vmem>>[vector<16xi32>], vector<16xi32>,
          %mul3A_248 = arith.constant 2 : i32
          %mul3A_249 = vector.broadcast %mul3A_248 : i32 to vector<16xi32>
          %mul3A_250 = arith.muli %gather3A_247, %mul3A_249 : vector<16xi32>
          %add3A_251 = arith.addi %mul3A_250, %and3A_6 : vector<16xi32>
          %mul3A_252 = arith.constant 16 : i32
          %mul3A_253 = arith.muli %scan3A_239, %mul3A_252 : i32
          %dma_start3A_254 = arith.constant 0 : i32
          %dma_start3A_255 = tpu.memref_slice %arg6[%mul3A_253, %dma_start3A_254] : memref<1280x16xf32, #tpu.memory_space<vmem>> -> memref<16x16xf32, #tpu.memory_space<vmem>>
          %dma_start3A_256 = arith.constant 0 : i32
          %dma_start3A_257 = arith.constant 0 : i32
          %dma_start3A_258 = tpu.memref_slice %arg3[%dma_start3A_256, %dma_start3A_257] : memref<2000000x16xf32, #tpu.memory_space<hbm>> -> memref<2000000x16xf32, #tpu.memory_space<hbm>>
          tpu.enqueue_indirect_dma source(%dma_start3A_258 : memref<2000000x16xf32, #tpu.memory_space<hbm>>) target(%dma_start3A_255 : memref<16x16xf32, #tpu.memory_space<vmem>>) offsets(%add3A_251 : vector<16xi32>) semaphore(%arg10 : memref<!tpu.dma_semaphore, #tpu.memory_space<semaphore_mem>>)
          %scan3A_259 = arith.constant 4 : i32
          %scan3A_260 = arith.addi %scan3A_177, %scan3A_259 : i32
          %mul3A_261 = arith.constant 640 : i32
          %mul3A_262 = arith.muli %add3A_170, %mul3A_261 : i32
          %mul3A_263 = arith.constant 8 : i32
          %mul3A_264 = arith.muli %scan3A_260, %mul3A_263 : i32
          %add3A_265 = arith.addi %mul3A_262, %mul3A_264 : i32
          %add3A_266 = vector.broadcast %add3A_265 : i32 to vector<16xi32>
          %add3A_267 = arith.addi %add3A_266, %shift_right_logical3A_4 : vector<16xi32>
          %gather3A_268 = tpu.vector_load_idx %arg5[%add3A_267] : memref<25600xi32, #tpu.memory_space<vmem>>[vector<16xi32>], vector<16xi32>,
          %mul3A_269 = arith.constant 2 : i32
          %mul3A_270 = vector.broadcast %mul3A_269 : i32 to vector<16xi32>
          %mul3A_271 = arith.muli %gather3A_268, %mul3A_270 : vector<16xi32>
          %add3A_272 = arith.addi %mul3A_271, %and3A_6 : vector<16xi32>
          %mul3A_273 = arith.constant 16 : i32
          %mul3A_274 = arith.muli %scan3A_260, %mul3A_273 : i32
          %dma_start3A_275 = arith.constant 0 : i32
          %dma_start3A_276 = tpu.memref_slice %arg6[%mul3A_274, %dma_start3A_275] : memref<1280x16xf32, #tpu.memory_space<vmem>> -> memref<16x16xf32, #tpu.memory_space<vmem>>
          %dma_start3A_277 = arith.constant 0 : i32
          %dma_start3A_278 = arith.constant 0 : i32
          %dma_start3A_279 = tpu.memref_slice %arg3[%dma_start3A_277, %dma_start3A_278] : memref<2000000x16xf32, #tpu.memory_space<hbm>> -> memref<2000000x16xf32, #tpu.memory_space<hbm>>
          tpu.enqueue_indirect_dma source(%dma_start3A_279 : memref<2000000x16xf32, #tpu.memory_space<hbm>>) target(%dma_start3A_276 : memref<16x16xf32, #tpu.memory_space<vmem>>) offsets(%add3A_272 : vector<16xi32>) semaphore(%arg10 : memref<!tpu.dma_semaphore, #tpu.memory_space<semaphore_mem>>)
          %scan3A_280 = arith.constant 5 : i32
          %scan3A_281 = arith.addi %scan3A_177, %scan3A_280 : i32
          %mul3A_282 = arith.constant 640 : i32
          %mul3A_283 = arith.muli %add3A_170, %mul3A_282 : i32
          %mul3A_284 = arith.constant 8 : i32
          %mul3A_285 = arith.muli %scan3A_281, %mul3A_284 : i32
          %add3A_286 = arith.addi %mul3A_283, %mul3A_285 : i32
          %add3A_287 = vector.broadcast %add3A_286 : i32 to vector<16xi32>
          %add3A_288 = arith.addi %add3A_287, %shift_right_logical3A_4 : vector<16xi32>
          %gather3A_289 = tpu.vector_load_idx %arg5[%add3A_288] : memref<25600xi32, #tpu.memory_space<vmem>>[vector<16xi32>], vector<16xi32>,
          %mul3A_290 = arith.constant 2 : i32
          %mul3A_291 = vector.broadcast %mul3A_290 : i32 to vector<16xi32>
          %mul3A_292 = arith.muli %gather3A_289, %mul3A_291 : vector<16xi32>
          %add3A_293 = arith.addi %mul3A_292, %and3A_6 : vector<16xi32>
          %mul3A_294 = arith.constant 16 : i32
          %mul3A_295 = arith.muli %scan3A_281, %mul3A_294 : i32
          %dma_start3A_296 = arith.constant 0 : i32
          %dma_start3A_297 = tpu.memref_slice %arg6[%mul3A_295, %dma_start3A_296] : memref<1280x16xf32, #tpu.memory_space<vmem>> -> memref<16x16xf32, #tpu.memory_space<vmem>>
          %dma_start3A_298 = arith.constant 0 : i32
          %dma_start3A_299 = arith.constant 0 : i32
          %dma_start3A_300 = tpu.memref_slice %arg3[%dma_start3A_298, %dma_start3A_299] : memref<2000000x16xf32, #tpu.memory_space<hbm>> -> memref<2000000x16xf32, #tpu.memory_space<hbm>>
          tpu.enqueue_indirect_dma source(%dma_start3A_300 : memref<2000000x16xf32, #tpu.memory_space<hbm>>) target(%dma_start3A_297 : memref<16x16xf32, #tpu.memory_space<vmem>>) offsets(%add3A_293 : vector<16xi32>) semaphore(%arg10 : memref<!tpu.dma_semaphore, #tpu.memory_space<semaphore_mem>>)
          %scan3A_301 = arith.constant 6 : i32
          %scan3A_302 = arith.addi %scan3A_177, %scan3A_301 : i32
          %mul3A_303 = arith.constant 640 : i32
          %mul3A_304 = arith.muli %add3A_170, %mul3A_303 : i32
          %mul3A_305 = arith.constant 8 : i32
          %mul3A_306 = arith.muli %scan3A_302, %mul3A_305 : i32
          %add3A_307 = arith.addi %mul3A_304, %mul3A_306 : i32
          %add3A_308 = vector.broadcast %add3A_307 : i32 to vector<16xi32>
          %add3A_309 = arith.addi %add3A_308, %shift_right_logical3A_4 : vector<16xi32>
          %gather3A_310 = tpu.vector_load_idx %arg5[%add3A_309] : memref<25600xi32, #tpu.memory_space<vmem>>[vector<16xi32>], vector<16xi32>,
          %mul3A_311 = arith.constant 2 : i32
          %mul3A_312 = vector.broadcast %mul3A_311 : i32 to vector<16xi32>
          %mul3A_313 = arith.muli %gather3A_310, %mul3A_312 : vector<16xi32>
          %add3A_314 = arith.addi %mul3A_313, %and3A_6 : vector<16xi32>
          %mul3A_315 = arith.constant 16 : i32
          %mul3A_316 = arith.muli %scan3A_302, %mul3A_315 : i32
          %dma_start3A_317 = arith.constant 0 : i32
          %dma_start3A_318 = tpu.memref_slice %arg6[%mul3A_316, %dma_start3A_317] : memref<1280x16xf32, #tpu.memory_space<vmem>> -> memref<16x16xf32, #tpu.memory_space<vmem>>
          %dma_start3A_319 = arith.constant 0 : i32
          %dma_start3A_320 = arith.constant 0 : i32
          %dma_start3A_321 = tpu.memref_slice %arg3[%dma_start3A_319, %dma_start3A_320] : memref<2000000x16xf32, #tpu.memory_space<hbm>> -> memref<2000000x16xf32, #tpu.memory_space<hbm>>
          tpu.enqueue_indirect_dma source(%dma_start3A_321 : memref<2000000x16xf32, #tpu.memory_space<hbm>>) target(%dma_start3A_318 : memref<16x16xf32, #tpu.memory_space<vmem>>) offsets(%add3A_314 : vector<16xi32>) semaphore(%arg10 : memref<!tpu.dma_semaphore, #tpu.memory_space<semaphore_mem>>)
          %scan3A_322 = arith.constant 7 : i32
          %scan3A_323 = arith.addi %scan3A_177, %scan3A_322 : i32
          %mul3A_324 = arith.constant 640 : i32
          %mul3A_325 = arith.muli %add3A_170, %mul3A_324 : i32
          %mul3A_326 = arith.constant 8 : i32
          %mul3A_327 = arith.muli %scan3A_323, %mul3A_326 : i32
          %add3A_328 = arith.addi %mul3A_325, %mul3A_327 : i32
          %add3A_329 = vector.broadcast %add3A_328 : i32 to vector<16xi32>
          %add3A_330 = arith.addi %add3A_329, %shift_right_logical3A_4 : vector<16xi32>
          %gather3A_331 = tpu.vector_load_idx %arg5[%add3A_330] : memref<25600xi32, #tpu.memory_space<vmem>>[vector<16xi32>], vector<16xi32>,
          %mul3A_332 = arith.constant 2 : i32
          %mul3A_333 = vector.broadcast %mul3A_332 : i32 to vector<16xi32>
          %mul3A_334 = arith.muli %gather3A_331, %mul3A_333 : vector<16xi32>
          %add3A_335 = arith.addi %mul3A_334, %and3A_6 : vector<16xi32>
          %mul3A_336 = arith.constant 16 : i32
          %mul3A_337 = arith.muli %scan3A_323, %mul3A_336 : i32
          %dma_start3A_338 = arith.constant 0 : i32
          %dma_start3A_339 = tpu.memref_slice %arg6[%mul3A_337, %dma_start3A_338] : memref<1280x16xf32, #tpu.memory_space<vmem>> -> memref<16x16xf32, #tpu.memory_space<vmem>>
          %dma_start3A_340 = arith.constant 0 : i32
          %dma_start3A_341 = arith.constant 0 : i32
          %dma_start3A_342 = tpu.memref_slice %arg3[%dma_start3A_340, %dma_start3A_341] : memref<2000000x16xf32, #tpu.memory_space<hbm>> -> memref<2000000x16xf32, #tpu.memory_space<hbm>>
          tpu.enqueue_indirect_dma source(%dma_start3A_342 : memref<2000000x16xf32, #tpu.memory_space<hbm>>) target(%dma_start3A_339 : memref<16x16xf32, #tpu.memory_space<vmem>>) offsets(%add3A_335 : vector<16xi32>) semaphore(%arg10 : memref<!tpu.dma_semaphore, #tpu.memory_space<semaphore_mem>>)
          %scan3A_343 = arith.constant 8 : i32
          %scan3A_344 = arith.addi %scan3A_177, %scan3A_343 : i32
          %mul3A_345 = arith.constant 640 : i32
          %mul3A_346 = arith.muli %add3A_170, %mul3A_345 : i32
          %mul3A_347 = arith.constant 8 : i32
          %mul3A_348 = arith.muli %scan3A_344, %mul3A_347 : i32
          %add3A_349 = arith.addi %mul3A_346, %mul3A_348 : i32
          %add3A_350 = vector.broadcast %add3A_349 : i32 to vector<16xi32>
          %add3A_351 = arith.addi %add3A_350, %shift_right_logical3A_4 : vector<16xi32>
          %gather3A_352 = tpu.vector_load_idx %arg5[%add3A_351] : memref<25600xi32, #tpu.memory_space<vmem>>[vector<16xi32>], vector<16xi32>,
          %mul3A_353 = arith.constant 2 : i32
          %mul3A_354 = vector.broadcast %mul3A_353 : i32 to vector<16xi32>
          %mul3A_355 = arith.muli %gather3A_352, %mul3A_354 : vector<16xi32>
          %add3A_356 = arith.addi %mul3A_355, %and3A_6 : vector<16xi32>
          %mul3A_357 = arith.constant 16 : i32
          %mul3A_358 = arith.muli %scan3A_344, %mul3A_357 : i32
          %dma_start3A_359 = arith.constant 0 : i32
          %dma_start3A_360 = tpu.memref_slice %arg6[%mul3A_358, %dma_start3A_359] : memref<1280x16xf32, #tpu.memory_space<vmem>> -> memref<16x16xf32, #tpu.memory_space<vmem>>
          %dma_start3A_361 = arith.constant 0 : i32
          %dma_start3A_362 = arith.constant 0 : i32
          %dma_start3A_363 = tpu.memref_slice %arg3[%dma_start3A_361, %dma_start3A_362] : memref<2000000x16xf32, #tpu.memory_space<hbm>> -> memref<2000000x16xf32, #tpu.memory_space<hbm>>
          tpu.enqueue_indirect_dma source(%dma_start3A_363 : memref<2000000x16xf32, #tpu.memory_space<hbm>>) target(%dma_start3A_360 : memref<16x16xf32, #tpu.memory_space<vmem>>) offsets(%add3A_356 : vector<16xi32>) semaphore(%arg10 : memref<!tpu.dma_semaphore, #tpu.memory_space<semaphore_mem>>)
          %scan3A_364 = arith.constant 9 : i32
          %scan3A_365 = arith.addi %scan3A_177, %scan3A_364 : i32
          %mul3A_366 = arith.constant 640 : i32
          %mul3A_367 = arith.muli %add3A_170, %mul3A_366 : i32
          %mul3A_368 = arith.constant 8 : i32
          %mul3A_369 = arith.muli %scan3A_365, %mul3A_368 : i32
          %add3A_370 = arith.addi %mul3A_367, %mul3A_369 : i32
          %add3A_371 = vector.broadcast %add3A_370 : i32 to vector<16xi32>
          %add3A_372 = arith.addi %add3A_371, %shift_right_logical3A_4 : vector<16xi32>
          %gather3A_373 = tpu.vector_load_idx %arg5[%add3A_372] : memref<25600xi32, #tpu.memory_space<vmem>>[vector<16xi32>], vector<16xi32>,
          %mul3A_374 = arith.constant 2 : i32
          %mul3A_375 = vector.broadcast %mul3A_374 : i32 to vector<16xi32>
          %mul3A_376 = arith.muli %gather3A_373, %mul3A_375 : vector<16xi32>
          %add3A_377 = arith.addi %mul3A_376, %and3A_6 : vector<16xi32>
          %mul3A_378 = arith.constant 16 : i32
          %mul3A_379 = arith.muli %scan3A_365, %mul3A_378 : i32
          %dma_start3A_380 = arith.constant 0 : i32
          %dma_start3A_381 = tpu.memref_slice %arg6[%mul3A_379, %dma_start3A_380] : memref<1280x16xf32, #tpu.memory_space<vmem>> -> memref<16x16xf32, #tpu.memory_space<vmem>>
          %dma_start3A_382 = arith.constant 0 : i32
          %dma_start3A_383 = arith.constant 0 : i32
          %dma_start3A_384 = tpu.memref_slice %arg3[%dma_start3A_382, %dma_start3A_383] : memref<2000000x16xf32, #tpu.memory_space<hbm>> -> memref<2000000x16xf32, #tpu.memory_space<hbm>>
          tpu.enqueue_indirect_dma source(%dma_start3A_384 : memref<2000000x16xf32, #tpu.memory_space<hbm>>) target(%dma_start3A_381 : memref<16x16xf32, #tpu.memory_space<vmem>>) offsets(%add3A_377 : vector<16xi32>) semaphore(%arg10 : memref<!tpu.dma_semaphore, #tpu.memory_space<semaphore_mem>>)
          %scan3A_385 = arith.constant 10 : i32
          %scan3A_386 = arith.addi %scan3A_177, %scan3A_385 : i32
          %mul3A_387 = arith.constant 640 : i32
          %mul3A_388 = arith.muli %add3A_170, %mul3A_387 : i32
          %mul3A_389 = arith.constant 8 : i32
          %mul3A_390 = arith.muli %scan3A_386, %mul3A_389 : i32
          %add3A_391 = arith.addi %mul3A_388, %mul3A_390 : i32
          %add3A_392 = vector.broadcast %add3A_391 : i32 to vector<16xi32>
          %add3A_393 = arith.addi %add3A_392, %shift_right_logical3A_4 : vector<16xi32>
          %gather3A_394 = tpu.vector_load_idx %arg5[%add3A_393] : memref<25600xi32, #tpu.memory_space<vmem>>[vector<16xi32>], vector<16xi32>,
          %mul3A_395 = arith.constant 2 : i32
          %mul3A_396 = vector.broadcast %mul3A_395 : i32 to vector<16xi32>
          %mul3A_397 = arith.muli %gather3A_394, %mul3A_396 : vector<16xi32>
          %add3A_398 = arith.addi %mul3A_397, %and3A_6 : vector<16xi32>
          %mul3A_399 = arith.constant 16 : i32
          %mul3A_400 = arith.muli %scan3A_386, %mul3A_399 : i32
          %dma_start3A_401 = arith.constant 0 : i32
          %dma_start3A_402 = tpu.memref_slice %arg6[%mul3A_400, %dma_start3A_401] : memref<1280x16xf32, #tpu.memory_space<vmem>> -> memref<16x16xf32, #tpu.memory_space<vmem>>
          %dma_start3A_403 = arith.constant 0 : i32
          %dma_start3A_404 = arith.constant 0 : i32
          %dma_start3A_405 = tpu.memref_slice %arg3[%dma_start3A_403, %dma_start3A_404] : memref<2000000x16xf32, #tpu.memory_space<hbm>> -> memref<2000000x16xf32, #tpu.memory_space<hbm>>
          tpu.enqueue_indirect_dma source(%dma_start3A_405 : memref<2000000x16xf32, #tpu.memory_space<hbm>>) target(%dma_start3A_402 : memref<16x16xf32, #tpu.memory_space<vmem>>) offsets(%add3A_398 : vector<16xi32>) semaphore(%arg10 : memref<!tpu.dma_semaphore, #tpu.memory_space<semaphore_mem>>)
          %scan3A_406 = arith.constant 11 : i32
          %scan3A_407 = arith.addi %scan3A_177, %scan3A_406 : i32
          %mul3A_408 = arith.constant 640 : i32
          %mul3A_409 = arith.muli %add3A_170, %mul3A_408 : i32
          %mul3A_410 = arith.constant 8 : i32
          %mul3A_411 = arith.muli %scan3A_407, %mul3A_410 : i32
          %add3A_412 = arith.addi %mul3A_409, %mul3A_411 : i32
          %add3A_413 = vector.broadcast %add3A_412 : i32 to vector<16xi32>
          %add3A_414 = arith.addi %add3A_413, %shift_right_logical3A_4 : vector<16xi32>
          %gather3A_415 = tpu.vector_load_idx %arg5[%add3A_414] : memref<25600xi32, #tpu.memory_space<vmem>>[vector<16xi32>], vector<16xi32>,
          %mul3A_416 = arith.constant 2 : i32
          %mul3A_417 = vector.broadcast %mul3A_416 : i32 to vector<16xi32>
          %mul3A_418 = arith.muli %gather3A_415, %mul3A_417 : vector<16xi32>
          %add3A_419 = arith.addi %mul3A_418, %and3A_6 : vector<16xi32>
          %mul3A_420 = arith.constant 16 : i32
          %mul3A_421 = arith.muli %scan3A_407, %mul3A_420 : i32
          %dma_start3A_422 = arith.constant 0 : i32
          %dma_start3A_423 = tpu.memref_slice %arg6[%mul3A_421, %dma_start3A_422] : memref<1280x16xf32, #tpu.memory_space<vmem>> -> memref<16x16xf32, #tpu.memory_space<vmem>>
          %dma_start3A_424 = arith.constant 0 : i32
          %dma_start3A_425 = arith.constant 0 : i32
          %dma_start3A_426 = tpu.memref_slice %arg3[%dma_start3A_424, %dma_start3A_425] : memref<2000000x16xf32, #tpu.memory_space<hbm>> -> memref<2000000x16xf32, #tpu.memory_space<hbm>>
          tpu.enqueue_indirect_dma source(%dma_start3A_426 : memref<2000000x16xf32, #tpu.memory_space<hbm>>) target(%dma_start3A_423 : memref<16x16xf32, #tpu.memory_space<vmem>>) offsets(%add3A_419 : vector<16xi32>) semaphore(%arg10 : memref<!tpu.dma_semaphore, #tpu.memory_space<semaphore_mem>>)
          %scan3A_427 = arith.constant 12 : i32
          %scan3A_428 = arith.addi %scan3A_177, %scan3A_427 : i32
          %mul3A_429 = arith.constant 640 : i32
          %mul3A_430 = arith.muli %add3A_170, %mul3A_429 : i32
          %mul3A_431 = arith.constant 8 : i32
          %mul3A_432 = arith.muli %scan3A_428, %mul3A_431 : i32
          %add3A_433 = arith.addi %mul3A_430, %mul3A_432 : i32
          %add3A_434 = vector.broadcast %add3A_433 : i32 to vector<16xi32>
          %add3A_435 = arith.addi %add3A_434, %shift_right_logical3A_4 : vector<16xi32>
          %gather3A_436 = tpu.vector_load_idx %arg5[%add3A_435] : memref<25600xi32, #tpu.memory_space<vmem>>[vector<16xi32>], vector<16xi32>,
          %mul3A_437 = arith.constant 2 : i32
          %mul3A_438 = vector.broadcast %mul3A_437 : i32 to vector<16xi32>
          %mul3A_439 = arith.muli %gather3A_436, %mul3A_438 : vector<16xi32>
          %add3A_440 = arith.addi %mul3A_439, %and3A_6 : vector<16xi32>
          %mul3A_441 = arith.constant 16 : i32
          %mul3A_442 = arith.muli %scan3A_428, %mul3A_441 : i32
          %dma_start3A_443 = arith.constant 0 : i32
          %dma_start3A_444 = tpu.memref_slice %arg6[%mul3A_442, %dma_start3A_443] : memref<1280x16xf32, #tpu.memory_space<vmem>> -> memref<16x16xf32, #tpu.memory_space<vmem>>
          %dma_start3A_445 = arith.constant 0 : i32
          %dma_start3A_446 = arith.constant 0 : i32
          %dma_start3A_447 = tpu.memref_slice %arg3[%dma_start3A_445, %dma_start3A_446] : memref<2000000x16xf32, #tpu.memory_space<hbm>> -> memref<2000000x16xf32, #tpu.memory_space<hbm>>
          tpu.enqueue_indirect_dma source(%dma_start3A_447 : memref<2000000x16xf32, #tpu.memory_space<hbm>>) target(%dma_start3A_444 : memref<16x16xf32, #tpu.memory_space<vmem>>) offsets(%add3A_440 : vector<16xi32>) semaphore(%arg10 : memref<!tpu.dma_semaphore, #tpu.memory_space<semaphore_mem>>)
          %scan3A_448 = arith.constant 13 : i32
          %scan3A_449 = arith.addi %scan3A_177, %scan3A_448 : i32
          %mul3A_450 = arith.constant 640 : i32
          %mul3A_451 = arith.muli %add3A_170, %mul3A_450 : i32
          %mul3A_452 = arith.constant 8 : i32
          %mul3A_453 = arith.muli %scan3A_449, %mul3A_452 : i32
          %add3A_454 = arith.addi %mul3A_451, %mul3A_453 : i32
          %add3A_455 = vector.broadcast %add3A_454 : i32 to vector<16xi32>
          %add3A_456 = arith.addi %add3A_455, %shift_right_logical3A_4 : vector<16xi32>
          %gather3A_457 = tpu.vector_load_idx %arg5[%add3A_456] : memref<25600xi32, #tpu.memory_space<vmem>>[vector<16xi32>], vector<16xi32>,
          %mul3A_458 = arith.constant 2 : i32
          %mul3A_459 = vector.broadcast %mul3A_458 : i32 to vector<16xi32>
          %mul3A_460 = arith.muli %gather3A_457, %mul3A_459 : vector<16xi32>
          %add3A_461 = arith.addi %mul3A_460, %and3A_6 : vector<16xi32>
          %mul3A_462 = arith.constant 16 : i32
          %mul3A_463 = arith.muli %scan3A_449, %mul3A_462 : i32
          %dma_start3A_464 = arith.constant 0 : i32
          %dma_start3A_465 = tpu.memref_slice %arg6[%mul3A_463, %dma_start3A_464] : memref<1280x16xf32, #tpu.memory_space<vmem>> -> memref<16x16xf32, #tpu.memory_space<vmem>>
          %dma_start3A_466 = arith.constant 0 : i32
          %dma_start3A_467 = arith.constant 0 : i32
          %dma_start3A_468 = tpu.memref_slice %arg3[%dma_start3A_466, %dma_start3A_467] : memref<2000000x16xf32, #tpu.memory_space<hbm>> -> memref<2000000x16xf32, #tpu.memory_space<hbm>>
          tpu.enqueue_indirect_dma source(%dma_start3A_468 : memref<2000000x16xf32, #tpu.memory_space<hbm>>) target(%dma_start3A_465 : memref<16x16xf32, #tpu.memory_space<vmem>>) offsets(%add3A_461 : vector<16xi32>) semaphore(%arg10 : memref<!tpu.dma_semaphore, #tpu.memory_space<semaphore_mem>>)
          %scan3A_469 = arith.constant 14 : i32
          %scan3A_470 = arith.addi %scan3A_177, %scan3A_469 : i32
          %mul3A_471 = arith.constant 640 : i32
          %mul3A_472 = arith.muli %add3A_170, %mul3A_471 : i32
          %mul3A_473 = arith.constant 8 : i32
          %mul3A_474 = arith.muli %scan3A_470, %mul3A_473 : i32
          %add3A_475 = arith.addi %mul3A_472, %mul3A_474 : i32
          %add3A_476 = vector.broadcast %add3A_475 : i32 to vector<16xi32>
          %add3A_477 = arith.addi %add3A_476, %shift_right_logical3A_4 : vector<16xi32>
          %gather3A_478 = tpu.vector_load_idx %arg5[%add3A_477] : memref<25600xi32, #tpu.memory_space<vmem>>[vector<16xi32>], vector<16xi32>,
          %mul3A_479 = arith.constant 2 : i32
          %mul3A_480 = vector.broadcast %mul3A_479 : i32 to vector<16xi32>
          %mul3A_481 = arith.muli %gather3A_478, %mul3A_480 : vector<16xi32>
          %add3A_482 = arith.addi %mul3A_481, %and3A_6 : vector<16xi32>
          %mul3A_483 = arith.constant 16 : i32
          %mul3A_484 = arith.muli %scan3A_470, %mul3A_483 : i32
          %dma_start3A_485 = arith.constant 0 : i32
          %dma_start3A_486 = tpu.memref_slice %arg6[%mul3A_484, %dma_start3A_485] : memref<1280x16xf32, #tpu.memory_space<vmem>> -> memref<16x16xf32, #tpu.memory_space<vmem>>
          %dma_start3A_487 = arith.constant 0 : i32
          %dma_start3A_488 = arith.constant 0 : i32
          %dma_start3A_489 = tpu.memref_slice %arg3[%dma_start3A_487, %dma_start3A_488] : memref<2000000x16xf32, #tpu.memory_space<hbm>> -> memref<2000000x16xf32, #tpu.memory_space<hbm>>
          tpu.enqueue_indirect_dma source(%dma_start3A_489 : memref<2000000x16xf32, #tpu.memory_space<hbm>>) target(%dma_start3A_486 : memref<16x16xf32, #tpu.memory_space<vmem>>) offsets(%add3A_482 : vector<16xi32>) semaphore(%arg10 : memref<!tpu.dma_semaphore, #tpu.memory_space<semaphore_mem>>)
          %scan3A_490 = arith.constant 15 : i32
          %scan3A_491 = arith.addi %scan3A_177, %scan3A_490 : i32
          %mul3A_492 = arith.constant 640 : i32
          %mul3A_493 = arith.muli %add3A_170, %mul3A_492 : i32
          %mul3A_494 = arith.constant 8 : i32
          %mul3A_495 = arith.muli %scan3A_491, %mul3A_494 : i32
          %add3A_496 = arith.addi %mul3A_493, %mul3A_495 : i32
          %add3A_497 = vector.broadcast %add3A_496 : i32 to vector<16xi32>
          %add3A_498 = arith.addi %add3A_497, %shift_right_logical3A_4 : vector<16xi32>
          %gather3A_499 = tpu.vector_load_idx %arg5[%add3A_498] : memref<25600xi32, #tpu.memory_space<vmem>>[vector<16xi32>], vector<16xi32>,
          %mul3A_500 = arith.constant 2 : i32
          %mul3A_501 = vector.broadcast %mul3A_500 : i32 to vector<16xi32>
          %mul3A_502 = arith.muli %gather3A_499, %mul3A_501 : vector<16xi32>
          %add3A_503 = arith.addi %mul3A_502, %and3A_6 : vector<16xi32>
          %mul3A_504 = arith.constant 16 : i32
          %mul3A_505 = arith.muli %scan3A_491, %mul3A_504 : i32
          %dma_start3A_506 = arith.constant 0 : i32
          %dma_start3A_507 = tpu.memref_slice %arg6[%mul3A_505, %dma_start3A_506] : memref<1280x16xf32, #tpu.memory_space<vmem>> -> memref<16x16xf32, #tpu.memory_space<vmem>>
          %dma_start3A_508 = arith.constant 0 : i32
          %dma_start3A_509 = arith.constant 0 : i32
          %dma_start3A_510 = tpu.memref_slice %arg3[%dma_start3A_508, %dma_start3A_509] : memref<2000000x16xf32, #tpu.memory_space<hbm>> -> memref<2000000x16xf32, #tpu.memory_space<hbm>>
          tpu.enqueue_indirect_dma source(%dma_start3A_510 : memref<2000000x16xf32, #tpu.memory_space<hbm>>) target(%dma_start3A_507 : memref<16x16xf32, #tpu.memory_space<vmem>>) offsets(%add3A_503 : vector<16xi32>) semaphore(%arg10 : memref<!tpu.dma_semaphore, #tpu.memory_space<semaphore_mem>>)
        }
        %scan3A_176 = arith.constant 80 : i32
      } else {
      }
      %mul3A_88 = arith.constant 4 : i32
      %mul3A_89 = arith.muli %mul3A_88, %scan3A_67 : i32
      %add3A_90 = arith.constant 1 : i32
      %add3A_91 = arith.addi %mul3A_89, %add3A_90 : i32
      %dma_wait3A_92 = arith.constant 0 : i32
      %dma_wait3A_93 = arith.constant 0 : i32
      %dma_wait3A_94 = tpu.memref_slice %arg4[%dma_wait3A_92, %dma_wait3A_93] : memref<1638400x16xf32, #tpu.memory_space<hbm>> -> memref<1280x16xf32, #tpu.memory_space<hbm>>
      %dma_wait3A_95 = arith.constant 0 : i32
      %dma_wait3A_96 = arith.constant 0 : i32
      %dma_wait3A_97 = tpu.memref_slice %arg4[%dma_wait3A_95, %dma_wait3A_96] : memref<1638400x16xf32, #tpu.memory_space<hbm>> -> memref<1280x16xf32, #tpu.memory_space<hbm>>
      tpu.wait_dma2 semaphore(%arg11 : memref<!tpu.dma_semaphore, #tpu.memory_space<semaphore_mem>>) src(%dma_wait3A_97 : memref<1280x16xf32, #tpu.memory_space<hbm>>) dst(%arg7 : memref<1280x16xf32, #tpu.memory_space<vmem>>)
      %mul3A_98 = arith.constant 640 : i32
      %mul3A_99 = arith.muli %add3A_91, %mul3A_98 : i32
      %add3A_100 = arith.addi %mul3A_2, %mul3A_99 : i32
      %mul3A_101 = arith.constant 2 : i32
      %mul3A_102 = arith.muli %add3A_100, %mul3A_101 : i32
      %dma_start3A_103 = arith.constant 0 : i32
      %dma_start3A_104 = tpu.memref_slice %arg4[%mul3A_102, %dma_start3A_103] : memref<1638400x16xf32, #tpu.memory_space<hbm>> -> memref<1280x16xf32, #tpu.memory_space<hbm>>
      %dma_start3A_105 = arith.constant 0 : i32
      %dma_start3A_106 = tpu.memref_slice %arg4[%mul3A_102, %dma_start3A_105] : memref<1638400x16xf32, #tpu.memory_space<hbm>> -> memref<1280x16xf32, #tpu.memory_space<hbm>>
      tpu.enqueue_dma source(%arg7 : memref<1280x16xf32, #tpu.memory_space<vmem>>) target(%dma_start3A_106 : memref<1280x16xf32, #tpu.memory_space<hbm>>) target_semaphore(%arg15 : memref<!tpu.dma_semaphore, #tpu.memory_space<semaphore_mem>>)
      %lt3A_107 = arith.constant 9 : i32
      %lt3A_108 = arith.cmpi slt, %scan3A_67, %lt3A_107 : i32
      %convert_element_type3A_109 = arith.extui %lt3A_108 : i1 to i32
      %cond3A_110 = arith.constant 0 : i32
      %cond3A_111 = arith.cmpi ne, %convert_element_type3A_109, %cond3A_110 : i32
      scf.if %cond3A_111 {
        %mul3A_160 = arith.constant 640 : i32
        %mul3A_161 = arith.muli %add3A_91, %mul3A_160 : i32
        %add3A_162 = arith.addi %mul3A_2, %mul3A_161 : i32
        %mul3A_163 = arith.constant 2 : i32
        %mul3A_164 = arith.muli %add3A_162, %mul3A_163 : i32
        %dma_wait3A_165 = arith.constant 0 : i32
        %dma_wait3A_166 = tpu.memref_slice %arg4[%mul3A_164, %dma_wait3A_165] : memref<1638400x16xf32, #tpu.memory_space<hbm>> -> memref<1280x16xf32, #tpu.memory_space<hbm>>
        %dma_wait3A_167 = arith.constant 0 : i32
        %dma_wait3A_168 = tpu.memref_slice %arg4[%mul3A_164, %dma_wait3A_167] : memref<1638400x16xf32, #tpu.memory_space<hbm>> -> memref<1280x16xf32, #tpu.memory_space<hbm>>
        tpu.wait_dma2 semaphore(%arg15 : memref<!tpu.dma_semaphore, #tpu.memory_space<semaphore_mem>>) src(%arg7 : memref<1280x16xf32, #tpu.memory_space<vmem>>) dst(%dma_wait3A_168 : memref<1280x16xf32, #tpu.memory_space<hbm>>)
        %add3A_169 = arith.constant 4 : i32
        %add3A_170 = arith.addi %add3A_91, %add3A_169 : i32
        %scan3A_171 = arith.constant 0 : i32
        %scan3A_172 = arith.constant 0 : i32
        %scan3A_173 = arith.constant 80 : i32
        %scan3A_174 = arith.addi %scan3A_172, %scan3A_173 : i32
        %scan3A_175 = arith.constant 16 : i32
        scf.for %scan3A_177 = %scan3A_172 to %scan3A_174 step %scan3A_175  : i32 {
          %mul3A_178 = arith.constant 640 : i32
          %mul3A_179 = arith.muli %add3A_170, %mul3A_178 : i32
          %mul3A_180 = arith.constant 8 : i32
          %mul3A_181 = arith.muli %scan3A_177, %mul3A_180 : i32
          %add3A_182 = arith.addi %mul3A_179, %mul3A_181 : i32
          %add3A_183 = vector.broadcast %add3A_182 : i32 to vector<16xi32>
          %add3A_184 = arith.addi %add3A_183, %shift_right_logical3A_4 : vector<16xi32>
          %gather3A = tpu.vector_load_idx %arg5[%add3A_184] : memref<25600xi32, #tpu.memory_space<vmem>>[vector<16xi32>], vector<16xi32>,
          %mul3A_185 = arith.constant 2 : i32
          %mul3A_186 = vector.broadcast %mul3A_185 : i32 to vector<16xi32>
          %mul3A_187 = arith.muli %gather3A, %mul3A_186 : vector<16xi32>
          %add3A_188 = arith.addi %mul3A_187, %and3A_6 : vector<16xi32>
          %mul3A_189 = arith.constant 16 : i32
          %mul3A_190 = arith.muli %scan3A_177, %mul3A_189 : i32
          %dma_start3A_191 = arith.constant 0 : i32
          %dma_start3A_192 = tpu.memref_slice %arg7[%mul3A_190, %dma_start3A_191] : memref<1280x16xf32, #tpu.memory_space<vmem>> -> memref<16x16xf32, #tpu.memory_space<vmem>>
          %dma_start3A_193 = arith.constant 0 : i32
          %dma_start3A_194 = arith.constant 0 : i32
          %dma_start3A_195 = tpu.memref_slice %arg3[%dma_start3A_193, %dma_start3A_194] : memref<2000000x16xf32, #tpu.memory_space<hbm>> -> memref<2000000x16xf32, #tpu.memory_space<hbm>>
          tpu.enqueue_indirect_dma source(%dma_start3A_195 : memref<2000000x16xf32, #tpu.memory_space<hbm>>) target(%dma_start3A_192 : memref<16x16xf32, #tpu.memory_space<vmem>>) offsets(%add3A_188 : vector<16xi32>) semaphore(%arg11 : memref<!tpu.dma_semaphore, #tpu.memory_space<semaphore_mem>>)
          %scan3A_196 = arith.constant 1 : i32
          %scan3A_197 = arith.addi %scan3A_177, %scan3A_196 : i32
          %mul3A_198 = arith.constant 640 : i32
          %mul3A_199 = arith.muli %add3A_170, %mul3A_198 : i32
          %mul3A_200 = arith.constant 8 : i32
          %mul3A_201 = arith.muli %scan3A_197, %mul3A_200 : i32
          %add3A_202 = arith.addi %mul3A_199, %mul3A_201 : i32
          %add3A_203 = vector.broadcast %add3A_202 : i32 to vector<16xi32>
          %add3A_204 = arith.addi %add3A_203, %shift_right_logical3A_4 : vector<16xi32>
          %gather3A_205 = tpu.vector_load_idx %arg5[%add3A_204] : memref<25600xi32, #tpu.memory_space<vmem>>[vector<16xi32>], vector<16xi32>,
          %mul3A_206 = arith.constant 2 : i32
          %mul3A_207 = vector.broadcast %mul3A_206 : i32 to vector<16xi32>
          %mul3A_208 = arith.muli %gather3A_205, %mul3A_207 : vector<16xi32>
          %add3A_209 = arith.addi %mul3A_208, %and3A_6 : vector<16xi32>
          %mul3A_210 = arith.constant 16 : i32
          %mul3A_211 = arith.muli %scan3A_197, %mul3A_210 : i32
          %dma_start3A_212 = arith.constant 0 : i32
          %dma_start3A_213 = tpu.memref_slice %arg7[%mul3A_211, %dma_start3A_212] : memref<1280x16xf32, #tpu.memory_space<vmem>> -> memref<16x16xf32, #tpu.memory_space<vmem>>
          %dma_start3A_214 = arith.constant 0 : i32
          %dma_start3A_215 = arith.constant 0 : i32
          %dma_start3A_216 = tpu.memref_slice %arg3[%dma_start3A_214, %dma_start3A_215] : memref<2000000x16xf32, #tpu.memory_space<hbm>> -> memref<2000000x16xf32, #tpu.memory_space<hbm>>
          tpu.enqueue_indirect_dma source(%dma_start3A_216 : memref<2000000x16xf32, #tpu.memory_space<hbm>>) target(%dma_start3A_213 : memref<16x16xf32, #tpu.memory_space<vmem>>) offsets(%add3A_209 : vector<16xi32>) semaphore(%arg11 : memref<!tpu.dma_semaphore, #tpu.memory_space<semaphore_mem>>)
          %scan3A_217 = arith.constant 2 : i32
          %scan3A_218 = arith.addi %scan3A_177, %scan3A_217 : i32
          %mul3A_219 = arith.constant 640 : i32
          %mul3A_220 = arith.muli %add3A_170, %mul3A_219 : i32
          %mul3A_221 = arith.constant 8 : i32
          %mul3A_222 = arith.muli %scan3A_218, %mul3A_221 : i32
          %add3A_223 = arith.addi %mul3A_220, %mul3A_222 : i32
          %add3A_224 = vector.broadcast %add3A_223 : i32 to vector<16xi32>
          %add3A_225 = arith.addi %add3A_224, %shift_right_logical3A_4 : vector<16xi32>
          %gather3A_226 = tpu.vector_load_idx %arg5[%add3A_225] : memref<25600xi32, #tpu.memory_space<vmem>>[vector<16xi32>], vector<16xi32>,
          %mul3A_227 = arith.constant 2 : i32
          %mul3A_228 = vector.broadcast %mul3A_227 : i32 to vector<16xi32>
          %mul3A_229 = arith.muli %gather3A_226, %mul3A_228 : vector<16xi32>
          %add3A_230 = arith.addi %mul3A_229, %and3A_6 : vector<16xi32>
          %mul3A_231 = arith.constant 16 : i32
          %mul3A_232 = arith.muli %scan3A_218, %mul3A_231 : i32
          %dma_start3A_233 = arith.constant 0 : i32
          %dma_start3A_234 = tpu.memref_slice %arg7[%mul3A_232, %dma_start3A_233] : memref<1280x16xf32, #tpu.memory_space<vmem>> -> memref<16x16xf32, #tpu.memory_space<vmem>>
          %dma_start3A_235 = arith.constant 0 : i32
          %dma_start3A_236 = arith.constant 0 : i32
          %dma_start3A_237 = tpu.memref_slice %arg3[%dma_start3A_235, %dma_start3A_236] : memref<2000000x16xf32, #tpu.memory_space<hbm>> -> memref<2000000x16xf32, #tpu.memory_space<hbm>>
          tpu.enqueue_indirect_dma source(%dma_start3A_237 : memref<2000000x16xf32, #tpu.memory_space<hbm>>) target(%dma_start3A_234 : memref<16x16xf32, #tpu.memory_space<vmem>>) offsets(%add3A_230 : vector<16xi32>) semaphore(%arg11 : memref<!tpu.dma_semaphore, #tpu.memory_space<semaphore_mem>>)
          %scan3A_238 = arith.constant 3 : i32
          %scan3A_239 = arith.addi %scan3A_177, %scan3A_238 : i32
          %mul3A_240 = arith.constant 640 : i32
          %mul3A_241 = arith.muli %add3A_170, %mul3A_240 : i32
          %mul3A_242 = arith.constant 8 : i32
          %mul3A_243 = arith.muli %scan3A_239, %mul3A_242 : i32
          %add3A_244 = arith.addi %mul3A_241, %mul3A_243 : i32
          %add3A_245 = vector.broadcast %add3A_244 : i32 to vector<16xi32>
          %add3A_246 = arith.addi %add3A_245, %shift_right_logical3A_4 : vector<16xi32>
          %gather3A_247 = tpu.vector_load_idx %arg5[%add3A_246] : memref<25600xi32, #tpu.memory_space<vmem>>[vector<16xi32>], vector<16xi32>,
          %mul3A_248 = arith.constant 2 : i32
          %mul3A_249 = vector.broadcast %mul3A_248 : i32 to vector<16xi32>
          %mul3A_250 = arith.muli %gather3A_247, %mul3A_249 : vector<16xi32>
          %add3A_251 = arith.addi %mul3A_250, %and3A_6 : vector<16xi32>
          %mul3A_252 = arith.constant 16 : i32
          %mul3A_253 = arith.muli %scan3A_239, %mul3A_252 : i32
          %dma_start3A_254 = arith.constant 0 : i32
          %dma_start3A_255 = tpu.memref_slice %arg7[%mul3A_253, %dma_start3A_254] : memref<1280x16xf32, #tpu.memory_space<vmem>> -> memref<16x16xf32, #tpu.memory_space<vmem>>
          %dma_start3A_256 = arith.constant 0 : i32
          %dma_start3A_257 = arith.constant 0 : i32
          %dma_start3A_258 = tpu.memref_slice %arg3[%dma_start3A_256, %dma_start3A_257] : memref<2000000x16xf32, #tpu.memory_space<hbm>> -> memref<2000000x16xf32, #tpu.memory_space<hbm>>
          tpu.enqueue_indirect_dma source(%dma_start3A_258 : memref<2000000x16xf32, #tpu.memory_space<hbm>>) target(%dma_start3A_255 : memref<16x16xf32, #tpu.memory_space<vmem>>) offsets(%add3A_251 : vector<16xi32>) semaphore(%arg11 : memref<!tpu.dma_semaphore, #tpu.memory_space<semaphore_mem>>)
          %scan3A_259 = arith.constant 4 : i32
          %scan3A_260 = arith.addi %scan3A_177, %scan3A_259 : i32
          %mul3A_261 = arith.constant 640 : i32
          %mul3A_262 = arith.muli %add3A_170, %mul3A_261 : i32
          %mul3A_263 = arith.constant 8 : i32
          %mul3A_264 = arith.muli %scan3A_260, %mul3A_263 : i32
          %add3A_265 = arith.addi %mul3A_262, %mul3A_264 : i32
          %add3A_266 = vector.broadcast %add3A_265 : i32 to vector<16xi32>
          %add3A_267 = arith.addi %add3A_266, %shift_right_logical3A_4 : vector<16xi32>
          %gather3A_268 = tpu.vector_load_idx %arg5[%add3A_267] : memref<25600xi32, #tpu.memory_space<vmem>>[vector<16xi32>], vector<16xi32>,
          %mul3A_269 = arith.constant 2 : i32
          %mul3A_270 = vector.broadcast %mul3A_269 : i32 to vector<16xi32>
          %mul3A_271 = arith.muli %gather3A_268, %mul3A_270 : vector<16xi32>
          %add3A_272 = arith.addi %mul3A_271, %and3A_6 : vector<16xi32>
          %mul3A_273 = arith.constant 16 : i32
          %mul3A_274 = arith.muli %scan3A_260, %mul3A_273 : i32
          %dma_start3A_275 = arith.constant 0 : i32
          %dma_start3A_276 = tpu.memref_slice %arg7[%mul3A_274, %dma_start3A_275] : memref<1280x16xf32, #tpu.memory_space<vmem>> -> memref<16x16xf32, #tpu.memory_space<vmem>>
          %dma_start3A_277 = arith.constant 0 : i32
          %dma_start3A_278 = arith.constant 0 : i32
          %dma_start3A_279 = tpu.memref_slice %arg3[%dma_start3A_277, %dma_start3A_278] : memref<2000000x16xf32, #tpu.memory_space<hbm>> -> memref<2000000x16xf32, #tpu.memory_space<hbm>>
          tpu.enqueue_indirect_dma source(%dma_start3A_279 : memref<2000000x16xf32, #tpu.memory_space<hbm>>) target(%dma_start3A_276 : memref<16x16xf32, #tpu.memory_space<vmem>>) offsets(%add3A_272 : vector<16xi32>) semaphore(%arg11 : memref<!tpu.dma_semaphore, #tpu.memory_space<semaphore_mem>>)
          %scan3A_280 = arith.constant 5 : i32
          %scan3A_281 = arith.addi %scan3A_177, %scan3A_280 : i32
          %mul3A_282 = arith.constant 640 : i32
          %mul3A_283 = arith.muli %add3A_170, %mul3A_282 : i32
          %mul3A_284 = arith.constant 8 : i32
          %mul3A_285 = arith.muli %scan3A_281, %mul3A_284 : i32
          %add3A_286 = arith.addi %mul3A_283, %mul3A_285 : i32
          %add3A_287 = vector.broadcast %add3A_286 : i32 to vector<16xi32>
          %add3A_288 = arith.addi %add3A_287, %shift_right_logical3A_4 : vector<16xi32>
          %gather3A_289 = tpu.vector_load_idx %arg5[%add3A_288] : memref<25600xi32, #tpu.memory_space<vmem>>[vector<16xi32>], vector<16xi32>,
          %mul3A_290 = arith.constant 2 : i32
          %mul3A_291 = vector.broadcast %mul3A_290 : i32 to vector<16xi32>
          %mul3A_292 = arith.muli %gather3A_289, %mul3A_291 : vector<16xi32>
          %add3A_293 = arith.addi %mul3A_292, %and3A_6 : vector<16xi32>
          %mul3A_294 = arith.constant 16 : i32
          %mul3A_295 = arith.muli %scan3A_281, %mul3A_294 : i32
          %dma_start3A_296 = arith.constant 0 : i32
          %dma_start3A_297 = tpu.memref_slice %arg7[%mul3A_295, %dma_start3A_296] : memref<1280x16xf32, #tpu.memory_space<vmem>> -> memref<16x16xf32, #tpu.memory_space<vmem>>
          %dma_start3A_298 = arith.constant 0 : i32
          %dma_start3A_299 = arith.constant 0 : i32
          %dma_start3A_300 = tpu.memref_slice %arg3[%dma_start3A_298, %dma_start3A_299] : memref<2000000x16xf32, #tpu.memory_space<hbm>> -> memref<2000000x16xf32, #tpu.memory_space<hbm>>
          tpu.enqueue_indirect_dma source(%dma_start3A_300 : memref<2000000x16xf32, #tpu.memory_space<hbm>>) target(%dma_start3A_297 : memref<16x16xf32, #tpu.memory_space<vmem>>) offsets(%add3A_293 : vector<16xi32>) semaphore(%arg11 : memref<!tpu.dma_semaphore, #tpu.memory_space<semaphore_mem>>)
          %scan3A_301 = arith.constant 6 : i32
          %scan3A_302 = arith.addi %scan3A_177, %scan3A_301 : i32
          %mul3A_303 = arith.constant 640 : i32
          %mul3A_304 = arith.muli %add3A_170, %mul3A_303 : i32
          %mul3A_305 = arith.constant 8 : i32
          %mul3A_306 = arith.muli %scan3A_302, %mul3A_305 : i32
          %add3A_307 = arith.addi %mul3A_304, %mul3A_306 : i32
          %add3A_308 = vector.broadcast %add3A_307 : i32 to vector<16xi32>
          %add3A_309 = arith.addi %add3A_308, %shift_right_logical3A_4 : vector<16xi32>
          %gather3A_310 = tpu.vector_load_idx %arg5[%add3A_309] : memref<25600xi32, #tpu.memory_space<vmem>>[vector<16xi32>], vector<16xi32>,
          %mul3A_311 = arith.constant 2 : i32
          %mul3A_312 = vector.broadcast %mul3A_311 : i32 to vector<16xi32>
          %mul3A_313 = arith.muli %gather3A_310, %mul3A_312 : vector<16xi32>
          %add3A_314 = arith.addi %mul3A_313, %and3A_6 : vector<16xi32>
          %mul3A_315 = arith.constant 16 : i32
          %mul3A_316 = arith.muli %scan3A_302, %mul3A_315 : i32
          %dma_start3A_317 = arith.constant 0 : i32
          %dma_start3A_318 = tpu.memref_slice %arg7[%mul3A_316, %dma_start3A_317] : memref<1280x16xf32, #tpu.memory_space<vmem>> -> memref<16x16xf32, #tpu.memory_space<vmem>>
          %dma_start3A_319 = arith.constant 0 : i32
          %dma_start3A_320 = arith.constant 0 : i32
          %dma_start3A_321 = tpu.memref_slice %arg3[%dma_start3A_319, %dma_start3A_320] : memref<2000000x16xf32, #tpu.memory_space<hbm>> -> memref<2000000x16xf32, #tpu.memory_space<hbm>>
          tpu.enqueue_indirect_dma source(%dma_start3A_321 : memref<2000000x16xf32, #tpu.memory_space<hbm>>) target(%dma_start3A_318 : memref<16x16xf32, #tpu.memory_space<vmem>>) offsets(%add3A_314 : vector<16xi32>) semaphore(%arg11 : memref<!tpu.dma_semaphore, #tpu.memory_space<semaphore_mem>>)
          %scan3A_322 = arith.constant 7 : i32
          %scan3A_323 = arith.addi %scan3A_177, %scan3A_322 : i32
          %mul3A_324 = arith.constant 640 : i32
          %mul3A_325 = arith.muli %add3A_170, %mul3A_324 : i32
          %mul3A_326 = arith.constant 8 : i32
          %mul3A_327 = arith.muli %scan3A_323, %mul3A_326 : i32
          %add3A_328 = arith.addi %mul3A_325, %mul3A_327 : i32
          %add3A_329 = vector.broadcast %add3A_328 : i32 to vector<16xi32>
          %add3A_330 = arith.addi %add3A_329, %shift_right_logical3A_4 : vector<16xi32>
          %gather3A_331 = tpu.vector_load_idx %arg5[%add3A_330] : memref<25600xi32, #tpu.memory_space<vmem>>[vector<16xi32>], vector<16xi32>,
          %mul3A_332 = arith.constant 2 : i32
          %mul3A_333 = vector.broadcast %mul3A_332 : i32 to vector<16xi32>
          %mul3A_334 = arith.muli %gather3A_331, %mul3A_333 : vector<16xi32>
          %add3A_335 = arith.addi %mul3A_334, %and3A_6 : vector<16xi32>
          %mul3A_336 = arith.constant 16 : i32
          %mul3A_337 = arith.muli %scan3A_323, %mul3A_336 : i32
          %dma_start3A_338 = arith.constant 0 : i32
          %dma_start3A_339 = tpu.memref_slice %arg7[%mul3A_337, %dma_start3A_338] : memref<1280x16xf32, #tpu.memory_space<vmem>> -> memref<16x16xf32, #tpu.memory_space<vmem>>
          %dma_start3A_340 = arith.constant 0 : i32
          %dma_start3A_341 = arith.constant 0 : i32
          %dma_start3A_342 = tpu.memref_slice %arg3[%dma_start3A_340, %dma_start3A_341] : memref<2000000x16xf32, #tpu.memory_space<hbm>> -> memref<2000000x16xf32, #tpu.memory_space<hbm>>
          tpu.enqueue_indirect_dma source(%dma_start3A_342 : memref<2000000x16xf32, #tpu.memory_space<hbm>>) target(%dma_start3A_339 : memref<16x16xf32, #tpu.memory_space<vmem>>) offsets(%add3A_335 : vector<16xi32>) semaphore(%arg11 : memref<!tpu.dma_semaphore, #tpu.memory_space<semaphore_mem>>)
          %scan3A_343 = arith.constant 8 : i32
          %scan3A_344 = arith.addi %scan3A_177, %scan3A_343 : i32
          %mul3A_345 = arith.constant 640 : i32
          %mul3A_346 = arith.muli %add3A_170, %mul3A_345 : i32
          %mul3A_347 = arith.constant 8 : i32
          %mul3A_348 = arith.muli %scan3A_344, %mul3A_347 : i32
          %add3A_349 = arith.addi %mul3A_346, %mul3A_348 : i32
          %add3A_350 = vector.broadcast %add3A_349 : i32 to vector<16xi32>
          %add3A_351 = arith.addi %add3A_350, %shift_right_logical3A_4 : vector<16xi32>
          %gather3A_352 = tpu.vector_load_idx %arg5[%add3A_351] : memref<25600xi32, #tpu.memory_space<vmem>>[vector<16xi32>], vector<16xi32>,
          %mul3A_353 = arith.constant 2 : i32
          %mul3A_354 = vector.broadcast %mul3A_353 : i32 to vector<16xi32>
          %mul3A_355 = arith.muli %gather3A_352, %mul3A_354 : vector<16xi32>
          %add3A_356 = arith.addi %mul3A_355, %and3A_6 : vector<16xi32>
          %mul3A_357 = arith.constant 16 : i32
          %mul3A_358 = arith.muli %scan3A_344, %mul3A_357 : i32
          %dma_start3A_359 = arith.constant 0 : i32
          %dma_start3A_360 = tpu.memref_slice %arg7[%mul3A_358, %dma_start3A_359] : memref<1280x16xf32, #tpu.memory_space<vmem>> -> memref<16x16xf32, #tpu.memory_space<vmem>>
          %dma_start3A_361 = arith.constant 0 : i32
          %dma_start3A_362 = arith.constant 0 : i32
          %dma_start3A_363 = tpu.memref_slice %arg3[%dma_start3A_361, %dma_start3A_362] : memref<2000000x16xf32, #tpu.memory_space<hbm>> -> memref<2000000x16xf32, #tpu.memory_space<hbm>>
          tpu.enqueue_indirect_dma source(%dma_start3A_363 : memref<2000000x16xf32, #tpu.memory_space<hbm>>) target(%dma_start3A_360 : memref<16x16xf32, #tpu.memory_space<vmem>>) offsets(%add3A_356 : vector<16xi32>) semaphore(%arg11 : memref<!tpu.dma_semaphore, #tpu.memory_space<semaphore_mem>>)
          %scan3A_364 = arith.constant 9 : i32
          %scan3A_365 = arith.addi %scan3A_177, %scan3A_364 : i32
          %mul3A_366 = arith.constant 640 : i32
          %mul3A_367 = arith.muli %add3A_170, %mul3A_366 : i32
          %mul3A_368 = arith.constant 8 : i32
          %mul3A_369 = arith.muli %scan3A_365, %mul3A_368 : i32
          %add3A_370 = arith.addi %mul3A_367, %mul3A_369 : i32
          %add3A_371 = vector.broadcast %add3A_370 : i32 to vector<16xi32>
          %add3A_372 = arith.addi %add3A_371, %shift_right_logical3A_4 : vector<16xi32>
          %gather3A_373 = tpu.vector_load_idx %arg5[%add3A_372] : memref<25600xi32, #tpu.memory_space<vmem>>[vector<16xi32>], vector<16xi32>,
          %mul3A_374 = arith.constant 2 : i32
          %mul3A_375 = vector.broadcast %mul3A_374 : i32 to vector<16xi32>
          %mul3A_376 = arith.muli %gather3A_373, %mul3A_375 : vector<16xi32>
          %add3A_377 = arith.addi %mul3A_376, %and3A_6 : vector<16xi32>
          %mul3A_378 = arith.constant 16 : i32
          %mul3A_379 = arith.muli %scan3A_365, %mul3A_378 : i32
          %dma_start3A_380 = arith.constant 0 : i32
          %dma_start3A_381 = tpu.memref_slice %arg7[%mul3A_379, %dma_start3A_380] : memref<1280x16xf32, #tpu.memory_space<vmem>> -> memref<16x16xf32, #tpu.memory_space<vmem>>
          %dma_start3A_382 = arith.constant 0 : i32
          %dma_start3A_383 = arith.constant 0 : i32
          %dma_start3A_384 = tpu.memref_slice %arg3[%dma_start3A_382, %dma_start3A_383] : memref<2000000x16xf32, #tpu.memory_space<hbm>> -> memref<2000000x16xf32, #tpu.memory_space<hbm>>
          tpu.enqueue_indirect_dma source(%dma_start3A_384 : memref<2000000x16xf32, #tpu.memory_space<hbm>>) target(%dma_start3A_381 : memref<16x16xf32, #tpu.memory_space<vmem>>) offsets(%add3A_377 : vector<16xi32>) semaphore(%arg11 : memref<!tpu.dma_semaphore, #tpu.memory_space<semaphore_mem>>)
          %scan3A_385 = arith.constant 10 : i32
          %scan3A_386 = arith.addi %scan3A_177, %scan3A_385 : i32
          %mul3A_387 = arith.constant 640 : i32
          %mul3A_388 = arith.muli %add3A_170, %mul3A_387 : i32
          %mul3A_389 = arith.constant 8 : i32
          %mul3A_390 = arith.muli %scan3A_386, %mul3A_389 : i32
          %add3A_391 = arith.addi %mul3A_388, %mul3A_390 : i32
          %add3A_392 = vector.broadcast %add3A_391 : i32 to vector<16xi32>
          %add3A_393 = arith.addi %add3A_392, %shift_right_logical3A_4 : vector<16xi32>
          %gather3A_394 = tpu.vector_load_idx %arg5[%add3A_393] : memref<25600xi32, #tpu.memory_space<vmem>>[vector<16xi32>], vector<16xi32>,
          %mul3A_395 = arith.constant 2 : i32
          %mul3A_396 = vector.broadcast %mul3A_395 : i32 to vector<16xi32>
          %mul3A_397 = arith.muli %gather3A_394, %mul3A_396 : vector<16xi32>
          %add3A_398 = arith.addi %mul3A_397, %and3A_6 : vector<16xi32>
          %mul3A_399 = arith.constant 16 : i32
          %mul3A_400 = arith.muli %scan3A_386, %mul3A_399 : i32
          %dma_start3A_401 = arith.constant 0 : i32
          %dma_start3A_402 = tpu.memref_slice %arg7[%mul3A_400, %dma_start3A_401] : memref<1280x16xf32, #tpu.memory_space<vmem>> -> memref<16x16xf32, #tpu.memory_space<vmem>>
          %dma_start3A_403 = arith.constant 0 : i32
          %dma_start3A_404 = arith.constant 0 : i32
          %dma_start3A_405 = tpu.memref_slice %arg3[%dma_start3A_403, %dma_start3A_404] : memref<2000000x16xf32, #tpu.memory_space<hbm>> -> memref<2000000x16xf32, #tpu.memory_space<hbm>>
          tpu.enqueue_indirect_dma source(%dma_start3A_405 : memref<2000000x16xf32, #tpu.memory_space<hbm>>) target(%dma_start3A_402 : memref<16x16xf32, #tpu.memory_space<vmem>>) offsets(%add3A_398 : vector<16xi32>) semaphore(%arg11 : memref<!tpu.dma_semaphore, #tpu.memory_space<semaphore_mem>>)
          %scan3A_406 = arith.constant 11 : i32
          %scan3A_407 = arith.addi %scan3A_177, %scan3A_406 : i32
          %mul3A_408 = arith.constant 640 : i32
          %mul3A_409 = arith.muli %add3A_170, %mul3A_408 : i32
          %mul3A_410 = arith.constant 8 : i32
          %mul3A_411 = arith.muli %scan3A_407, %mul3A_410 : i32
          %add3A_412 = arith.addi %mul3A_409, %mul3A_411 : i32
          %add3A_413 = vector.broadcast %add3A_412 : i32 to vector<16xi32>
          %add3A_414 = arith.addi %add3A_413, %shift_right_logical3A_4 : vector<16xi32>
          %gather3A_415 = tpu.vector_load_idx %arg5[%add3A_414] : memref<25600xi32, #tpu.memory_space<vmem>>[vector<16xi32>], vector<16xi32>,
          %mul3A_416 = arith.constant 2 : i32
          %mul3A_417 = vector.broadcast %mul3A_416 : i32 to vector<16xi32>
          %mul3A_418 = arith.muli %gather3A_415, %mul3A_417 : vector<16xi32>
          %add3A_419 = arith.addi %mul3A_418, %and3A_6 : vector<16xi32>
          %mul3A_420 = arith.constant 16 : i32
          %mul3A_421 = arith.muli %scan3A_407, %mul3A_420 : i32
          %dma_start3A_422 = arith.constant 0 : i32
          %dma_start3A_423 = tpu.memref_slice %arg7[%mul3A_421, %dma_start3A_422] : memref<1280x16xf32, #tpu.memory_space<vmem>> -> memref<16x16xf32, #tpu.memory_space<vmem>>
          %dma_start3A_424 = arith.constant 0 : i32
          %dma_start3A_425 = arith.constant 0 : i32
          %dma_start3A_426 = tpu.memref_slice %arg3[%dma_start3A_424, %dma_start3A_425] : memref<2000000x16xf32, #tpu.memory_space<hbm>> -> memref<2000000x16xf32, #tpu.memory_space<hbm>>
          tpu.enqueue_indirect_dma source(%dma_start3A_426 : memref<2000000x16xf32, #tpu.memory_space<hbm>>) target(%dma_start3A_423 : memref<16x16xf32, #tpu.memory_space<vmem>>) offsets(%add3A_419 : vector<16xi32>) semaphore(%arg11 : memref<!tpu.dma_semaphore, #tpu.memory_space<semaphore_mem>>)
          %scan3A_427 = arith.constant 12 : i32
          %scan3A_428 = arith.addi %scan3A_177, %scan3A_427 : i32
          %mul3A_429 = arith.constant 640 : i32
          %mul3A_430 = arith.muli %add3A_170, %mul3A_429 : i32
          %mul3A_431 = arith.constant 8 : i32
          %mul3A_432 = arith.muli %scan3A_428, %mul3A_431 : i32
          %add3A_433 = arith.addi %mul3A_430, %mul3A_432 : i32
          %add3A_434 = vector.broadcast %add3A_433 : i32 to vector<16xi32>
          %add3A_435 = arith.addi %add3A_434, %shift_right_logical3A_4 : vector<16xi32>
          %gather3A_436 = tpu.vector_load_idx %arg5[%add3A_435] : memref<25600xi32, #tpu.memory_space<vmem>>[vector<16xi32>], vector<16xi32>,
          %mul3A_437 = arith.constant 2 : i32
          %mul3A_438 = vector.broadcast %mul3A_437 : i32 to vector<16xi32>
          %mul3A_439 = arith.muli %gather3A_436, %mul3A_438 : vector<16xi32>
          %add3A_440 = arith.addi %mul3A_439, %and3A_6 : vector<16xi32>
          %mul3A_441 = arith.constant 16 : i32
          %mul3A_442 = arith.muli %scan3A_428, %mul3A_441 : i32
          %dma_start3A_443 = arith.constant 0 : i32
          %dma_start3A_444 = tpu.memref_slice %arg7[%mul3A_442, %dma_start3A_443] : memref<1280x16xf32, #tpu.memory_space<vmem>> -> memref<16x16xf32, #tpu.memory_space<vmem>>
          %dma_start3A_445 = arith.constant 0 : i32
          %dma_start3A_446 = arith.constant 0 : i32
          %dma_start3A_447 = tpu.memref_slice %arg3[%dma_start3A_445, %dma_start3A_446] : memref<2000000x16xf32, #tpu.memory_space<hbm>> -> memref<2000000x16xf32, #tpu.memory_space<hbm>>
          tpu.enqueue_indirect_dma source(%dma_start3A_447 : memref<2000000x16xf32, #tpu.memory_space<hbm>>) target(%dma_start3A_444 : memref<16x16xf32, #tpu.memory_space<vmem>>) offsets(%add3A_440 : vector<16xi32>) semaphore(%arg11 : memref<!tpu.dma_semaphore, #tpu.memory_space<semaphore_mem>>)
          %scan3A_448 = arith.constant 13 : i32
          %scan3A_449 = arith.addi %scan3A_177, %scan3A_448 : i32
          %mul3A_450 = arith.constant 640 : i32
          %mul3A_451 = arith.muli %add3A_170, %mul3A_450 : i32
          %mul3A_452 = arith.constant 8 : i32
          %mul3A_453 = arith.muli %scan3A_449, %mul3A_452 : i32
          %add3A_454 = arith.addi %mul3A_451, %mul3A_453 : i32
          %add3A_455 = vector.broadcast %add3A_454 : i32 to vector<16xi32>
          %add3A_456 = arith.addi %add3A_455, %shift_right_logical3A_4 : vector<16xi32>
          %gather3A_457 = tpu.vector_load_idx %arg5[%add3A_456] : memref<25600xi32, #tpu.memory_space<vmem>>[vector<16xi32>], vector<16xi32>,
          %mul3A_458 = arith.constant 2 : i32
          %mul3A_459 = vector.broadcast %mul3A_458 : i32 to vector<16xi32>
          %mul3A_460 = arith.muli %gather3A_457, %mul3A_459 : vector<16xi32>
          %add3A_461 = arith.addi %mul3A_460, %and3A_6 : vector<16xi32>
          %mul3A_462 = arith.constant 16 : i32
          %mul3A_463 = arith.muli %scan3A_449, %mul3A_462 : i32
          %dma_start3A_464 = arith.constant 0 : i32
          %dma_start3A_465 = tpu.memref_slice %arg7[%mul3A_463, %dma_start3A_464] : memref<1280x16xf32, #tpu.memory_space<vmem>> -> memref<16x16xf32, #tpu.memory_space<vmem>>
          %dma_start3A_466 = arith.constant 0 : i32
          %dma_start3A_467 = arith.constant 0 : i32
          %dma_start3A_468 = tpu.memref_slice %arg3[%dma_start3A_466, %dma_start3A_467] : memref<2000000x16xf32, #tpu.memory_space<hbm>> -> memref<2000000x16xf32, #tpu.memory_space<hbm>>
          tpu.enqueue_indirect_dma source(%dma_start3A_468 : memref<2000000x16xf32, #tpu.memory_space<hbm>>) target(%dma_start3A_465 : memref<16x16xf32, #tpu.memory_space<vmem>>) offsets(%add3A_461 : vector<16xi32>) semaphore(%arg11 : memref<!tpu.dma_semaphore, #tpu.memory_space<semaphore_mem>>)
          %scan3A_469 = arith.constant 14 : i32
          %scan3A_470 = arith.addi %scan3A_177, %scan3A_469 : i32
          %mul3A_471 = arith.constant 640 : i32
          %mul3A_472 = arith.muli %add3A_170, %mul3A_471 : i32
          %mul3A_473 = arith.constant 8 : i32
          %mul3A_474 = arith.muli %scan3A_470, %mul3A_473 : i32
          %add3A_475 = arith.addi %mul3A_472, %mul3A_474 : i32
          %add3A_476 = vector.broadcast %add3A_475 : i32 to vector<16xi32>
          %add3A_477 = arith.addi %add3A_476, %shift_right_logical3A_4 : vector<16xi32>
          %gather3A_478 = tpu.vector_load_idx %arg5[%add3A_477] : memref<25600xi32, #tpu.memory_space<vmem>>[vector<16xi32>], vector<16xi32>,
          %mul3A_479 = arith.constant 2 : i32
          %mul3A_480 = vector.broadcast %mul3A_479 : i32 to vector<16xi32>
          %mul3A_481 = arith.muli %gather3A_478, %mul3A_480 : vector<16xi32>
          %add3A_482 = arith.addi %mul3A_481, %and3A_6 : vector<16xi32>
          %mul3A_483 = arith.constant 16 : i32
          %mul3A_484 = arith.muli %scan3A_470, %mul3A_483 : i32
          %dma_start3A_485 = arith.constant 0 : i32
          %dma_start3A_486 = tpu.memref_slice %arg7[%mul3A_484, %dma_start3A_485] : memref<1280x16xf32, #tpu.memory_space<vmem>> -> memref<16x16xf32, #tpu.memory_space<vmem>>
          %dma_start3A_487 = arith.constant 0 : i32
          %dma_start3A_488 = arith.constant 0 : i32
          %dma_start3A_489 = tpu.memref_slice %arg3[%dma_start3A_487, %dma_start3A_488] : memref<2000000x16xf32, #tpu.memory_space<hbm>> -> memref<2000000x16xf32, #tpu.memory_space<hbm>>
          tpu.enqueue_indirect_dma source(%dma_start3A_489 : memref<2000000x16xf32, #tpu.memory_space<hbm>>) target(%dma_start3A_486 : memref<16x16xf32, #tpu.memory_space<vmem>>) offsets(%add3A_482 : vector<16xi32>) semaphore(%arg11 : memref<!tpu.dma_semaphore, #tpu.memory_space<semaphore_mem>>)
          %scan3A_490 = arith.constant 15 : i32
          %scan3A_491 = arith.addi %scan3A_177, %scan3A_490 : i32
          %mul3A_492 = arith.constant 640 : i32
          %mul3A_493 = arith.muli %add3A_170, %mul3A_492 : i32
          %mul3A_494 = arith.constant 8 : i32
          %mul3A_495 = arith.muli %scan3A_491, %mul3A_494 : i32
          %add3A_496 = arith.addi %mul3A_493, %mul3A_495 : i32
          %add3A_497 = vector.broadcast %add3A_496 : i32 to vector<16xi32>
          %add3A_498 = arith.addi %add3A_497, %shift_right_logical3A_4 : vector<16xi32>
          %gather3A_499 = tpu.vector_load_idx %arg5[%add3A_498] : memref<25600xi32, #tpu.memory_space<vmem>>[vector<16xi32>], vector<16xi32>,
          %mul3A_500 = arith.constant 2 : i32
          %mul3A_501 = vector.broadcast %mul3A_500 : i32 to vector<16xi32>
          %mul3A_502 = arith.muli %gather3A_499, %mul3A_501 : vector<16xi32>
          %add3A_503 = arith.addi %mul3A_502, %and3A_6 : vector<16xi32>
          %mul3A_504 = arith.constant 16 : i32
          %mul3A_505 = arith.muli %scan3A_491, %mul3A_504 : i32
          %dma_start3A_506 = arith.constant 0 : i32
          %dma_start3A_507 = tpu.memref_slice %arg7[%mul3A_505, %dma_start3A_506] : memref<1280x16xf32, #tpu.memory_space<vmem>> -> memref<16x16xf32, #tpu.memory_space<vmem>>
          %dma_start3A_508 = arith.constant 0 : i32
          %dma_start3A_509 = arith.constant 0 : i32
          %dma_start3A_510 = tpu.memref_slice %arg3[%dma_start3A_508, %dma_start3A_509] : memref<2000000x16xf32, #tpu.memory_space<hbm>> -> memref<2000000x16xf32, #tpu.memory_space<hbm>>
          tpu.enqueue_indirect_dma source(%dma_start3A_510 : memref<2000000x16xf32, #tpu.memory_space<hbm>>) target(%dma_start3A_507 : memref<16x16xf32, #tpu.memory_space<vmem>>) offsets(%add3A_503 : vector<16xi32>) semaphore(%arg11 : memref<!tpu.dma_semaphore, #tpu.memory_space<semaphore_mem>>)
        }
        %scan3A_176 = arith.constant 80 : i32
      } else {
      }
      %mul3A_112 = arith.constant 4 : i32
      %mul3A_113 = arith.muli %mul3A_112, %scan3A_67 : i32
      %add3A_114 = arith.constant 2 : i32
      %add3A_115 = arith.addi %mul3A_113, %add3A_114 : i32
      %dma_wait3A_116 = arith.constant 0 : i32
      %dma_wait3A_117 = arith.constant 0 : i32
      %dma_wait3A_118 = tpu.memref_slice %arg4[%dma_wait3A_116, %dma_wait3A_117] : memref<1638400x16xf32, #tpu.memory_space<hbm>> -> memref<1280x16xf32, #tpu.memory_space<hbm>>
      %dma_wait3A_119 = arith.constant 0 : i32
      %dma_wait3A_120 = arith.constant 0 : i32
      %dma_wait3A_121 = tpu.memref_slice %arg4[%dma_wait3A_119, %dma_wait3A_120] : memref<1638400x16xf32, #tpu.memory_space<hbm>> -> memref<1280x16xf32, #tpu.memory_space<hbm>>
      tpu.wait_dma2 semaphore(%arg12 : memref<!tpu.dma_semaphore, #tpu.memory_space<semaphore_mem>>) src(%dma_wait3A_121 : memref<1280x16xf32, #tpu.memory_space<hbm>>) dst(%arg8 : memref<1280x16xf32, #tpu.memory_space<vmem>>)
      %mul3A_122 = arith.constant 640 : i32
      %mul3A_123 = arith.muli %add3A_115, %mul3A_122 : i32
      %add3A_124 = arith.addi %mul3A_2, %mul3A_123 : i32
      %mul3A_125 = arith.constant 2 : i32
      %mul3A_126 = arith.muli %add3A_124, %mul3A_125 : i32
      %dma_start3A_127 = arith.constant 0 : i32
      %dma_start3A_128 = tpu.memref_slice %arg4[%mul3A_126, %dma_start3A_127] : memref<1638400x16xf32, #tpu.memory_space<hbm>> -> memref<1280x16xf32, #tpu.memory_space<hbm>>
      %dma_start3A_129 = arith.constant 0 : i32
      %dma_start3A_130 = tpu.memref_slice %arg4[%mul3A_126, %dma_start3A_129] : memref<1638400x16xf32, #tpu.memory_space<hbm>> -> memref<1280x16xf32, #tpu.memory_space<hbm>>
      tpu.enqueue_dma source(%arg8 : memref<1280x16xf32, #tpu.memory_space<vmem>>) target(%dma_start3A_130 : memref<1280x16xf32, #tpu.memory_space<hbm>>) target_semaphore(%arg16 : memref<!tpu.dma_semaphore, #tpu.memory_space<semaphore_mem>>)
      %lt3A_131 = arith.constant 9 : i32
      %lt3A_132 = arith.cmpi slt, %scan3A_67, %lt3A_131 : i32
      %convert_element_type3A_133 = arith.extui %lt3A_132 : i1 to i32
      %cond3A_134 = arith.constant 0 : i32
      %cond3A_135 = arith.cmpi ne, %convert_element_type3A_133, %cond3A_134 : i32
      scf.if %cond3A_135 {
        %mul3A_160 = arith.constant 640 : i32
        %mul3A_161 = arith.muli %add3A_115, %mul3A_160 : i32
        %add3A_162 = arith.addi %mul3A_2, %mul3A_161 : i32
        %mul3A_163 = arith.constant 2 : i32
        %mul3A_164 = arith.muli %add3A_162, %mul3A_163 : i32
        %dma_wait3A_165 = arith.constant 0 : i32
        %dma_wait3A_166 = tpu.memref_slice %arg4[%mul3A_164, %dma_wait3A_165] : memref<1638400x16xf32, #tpu.memory_space<hbm>> -> memref<1280x16xf32, #tpu.memory_space<hbm>>
        %dma_wait3A_167 = arith.constant 0 : i32
        %dma_wait3A_168 = tpu.memref_slice %arg4[%mul3A_164, %dma_wait3A_167] : memref<1638400x16xf32, #tpu.memory_space<hbm>> -> memref<1280x16xf32, #tpu.memory_space<hbm>>
        tpu.wait_dma2 semaphore(%arg16 : memref<!tpu.dma_semaphore, #tpu.memory_space<semaphore_mem>>) src(%arg8 : memref<1280x16xf32, #tpu.memory_space<vmem>>) dst(%dma_wait3A_168 : memref<1280x16xf32, #tpu.memory_space<hbm>>)
        %add3A_169 = arith.constant 4 : i32
        %add3A_170 = arith.addi %add3A_115, %add3A_169 : i32
        %scan3A_171 = arith.constant 0 : i32
        %scan3A_172 = arith.constant 0 : i32
        %scan3A_173 = arith.constant 80 : i32
        %scan3A_174 = arith.addi %scan3A_172, %scan3A_173 : i32
        %scan3A_175 = arith.constant 16 : i32
        scf.for %scan3A_177 = %scan3A_172 to %scan3A_174 step %scan3A_175  : i32 {
          %mul3A_178 = arith.constant 640 : i32
          %mul3A_179 = arith.muli %add3A_170, %mul3A_178 : i32
          %mul3A_180 = arith.constant 8 : i32
          %mul3A_181 = arith.muli %scan3A_177, %mul3A_180 : i32
          %add3A_182 = arith.addi %mul3A_179, %mul3A_181 : i32
          %add3A_183 = vector.broadcast %add3A_182 : i32 to vector<16xi32>
          %add3A_184 = arith.addi %add3A_183, %shift_right_logical3A_4 : vector<16xi32>
          %gather3A = tpu.vector_load_idx %arg5[%add3A_184] : memref<25600xi32, #tpu.memory_space<vmem>>[vector<16xi32>], vector<16xi32>,
          %mul3A_185 = arith.constant 2 : i32
          %mul3A_186 = vector.broadcast %mul3A_185 : i32 to vector<16xi32>
          %mul3A_187 = arith.muli %gather3A, %mul3A_186 : vector<16xi32>
          %add3A_188 = arith.addi %mul3A_187, %and3A_6 : vector<16xi32>
          %mul3A_189 = arith.constant 16 : i32
          %mul3A_190 = arith.muli %scan3A_177, %mul3A_189 : i32
          %dma_start3A_191 = arith.constant 0 : i32
          %dma_start3A_192 = tpu.memref_slice %arg8[%mul3A_190, %dma_start3A_191] : memref<1280x16xf32, #tpu.memory_space<vmem>> -> memref<16x16xf32, #tpu.memory_space<vmem>>
          %dma_start3A_193 = arith.constant 0 : i32
          %dma_start3A_194 = arith.constant 0 : i32
          %dma_start3A_195 = tpu.memref_slice %arg3[%dma_start3A_193, %dma_start3A_194] : memref<2000000x16xf32, #tpu.memory_space<hbm>> -> memref<2000000x16xf32, #tpu.memory_space<hbm>>
          tpu.enqueue_indirect_dma source(%dma_start3A_195 : memref<2000000x16xf32, #tpu.memory_space<hbm>>) target(%dma_start3A_192 : memref<16x16xf32, #tpu.memory_space<vmem>>) offsets(%add3A_188 : vector<16xi32>) semaphore(%arg12 : memref<!tpu.dma_semaphore, #tpu.memory_space<semaphore_mem>>)
          %scan3A_196 = arith.constant 1 : i32
          %scan3A_197 = arith.addi %scan3A_177, %scan3A_196 : i32
          %mul3A_198 = arith.constant 640 : i32
          %mul3A_199 = arith.muli %add3A_170, %mul3A_198 : i32
          %mul3A_200 = arith.constant 8 : i32
          %mul3A_201 = arith.muli %scan3A_197, %mul3A_200 : i32
          %add3A_202 = arith.addi %mul3A_199, %mul3A_201 : i32
          %add3A_203 = vector.broadcast %add3A_202 : i32 to vector<16xi32>
          %add3A_204 = arith.addi %add3A_203, %shift_right_logical3A_4 : vector<16xi32>
          %gather3A_205 = tpu.vector_load_idx %arg5[%add3A_204] : memref<25600xi32, #tpu.memory_space<vmem>>[vector<16xi32>], vector<16xi32>,
          %mul3A_206 = arith.constant 2 : i32
          %mul3A_207 = vector.broadcast %mul3A_206 : i32 to vector<16xi32>
          %mul3A_208 = arith.muli %gather3A_205, %mul3A_207 : vector<16xi32>
          %add3A_209 = arith.addi %mul3A_208, %and3A_6 : vector<16xi32>
          %mul3A_210 = arith.constant 16 : i32
          %mul3A_211 = arith.muli %scan3A_197, %mul3A_210 : i32
          %dma_start3A_212 = arith.constant 0 : i32
          %dma_start3A_213 = tpu.memref_slice %arg8[%mul3A_211, %dma_start3A_212] : memref<1280x16xf32, #tpu.memory_space<vmem>> -> memref<16x16xf32, #tpu.memory_space<vmem>>
          %dma_start3A_214 = arith.constant 0 : i32
          %dma_start3A_215 = arith.constant 0 : i32
          %dma_start3A_216 = tpu.memref_slice %arg3[%dma_start3A_214, %dma_start3A_215] : memref<2000000x16xf32, #tpu.memory_space<hbm>> -> memref<2000000x16xf32, #tpu.memory_space<hbm>>
          tpu.enqueue_indirect_dma source(%dma_start3A_216 : memref<2000000x16xf32, #tpu.memory_space<hbm>>) target(%dma_start3A_213 : memref<16x16xf32, #tpu.memory_space<vmem>>) offsets(%add3A_209 : vector<16xi32>) semaphore(%arg12 : memref<!tpu.dma_semaphore, #tpu.memory_space<semaphore_mem>>)
          %scan3A_217 = arith.constant 2 : i32
          %scan3A_218 = arith.addi %scan3A_177, %scan3A_217 : i32
          %mul3A_219 = arith.constant 640 : i32
          %mul3A_220 = arith.muli %add3A_170, %mul3A_219 : i32
          %mul3A_221 = arith.constant 8 : i32
          %mul3A_222 = arith.muli %scan3A_218, %mul3A_221 : i32
          %add3A_223 = arith.addi %mul3A_220, %mul3A_222 : i32
          %add3A_224 = vector.broadcast %add3A_223 : i32 to vector<16xi32>
          %add3A_225 = arith.addi %add3A_224, %shift_right_logical3A_4 : vector<16xi32>
          %gather3A_226 = tpu.vector_load_idx %arg5[%add3A_225] : memref<25600xi32, #tpu.memory_space<vmem>>[vector<16xi32>], vector<16xi32>,
          %mul3A_227 = arith.constant 2 : i32
          %mul3A_228 = vector.broadcast %mul3A_227 : i32 to vector<16xi32>
          %mul3A_229 = arith.muli %gather3A_226, %mul3A_228 : vector<16xi32>
          %add3A_230 = arith.addi %mul3A_229, %and3A_6 : vector<16xi32>
          %mul3A_231 = arith.constant 16 : i32
          %mul3A_232 = arith.muli %scan3A_218, %mul3A_231 : i32
          %dma_start3A_233 = arith.constant 0 : i32
          %dma_start3A_234 = tpu.memref_slice %arg8[%mul3A_232, %dma_start3A_233] : memref<1280x16xf32, #tpu.memory_space<vmem>> -> memref<16x16xf32, #tpu.memory_space<vmem>>
          %dma_start3A_235 = arith.constant 0 : i32
          %dma_start3A_236 = arith.constant 0 : i32
          %dma_start3A_237 = tpu.memref_slice %arg3[%dma_start3A_235, %dma_start3A_236] : memref<2000000x16xf32, #tpu.memory_space<hbm>> -> memref<2000000x16xf32, #tpu.memory_space<hbm>>
          tpu.enqueue_indirect_dma source(%dma_start3A_237 : memref<2000000x16xf32, #tpu.memory_space<hbm>>) target(%dma_start3A_234 : memref<16x16xf32, #tpu.memory_space<vmem>>) offsets(%add3A_230 : vector<16xi32>) semaphore(%arg12 : memref<!tpu.dma_semaphore, #tpu.memory_space<semaphore_mem>>)
          %scan3A_238 = arith.constant 3 : i32
          %scan3A_239 = arith.addi %scan3A_177, %scan3A_238 : i32
          %mul3A_240 = arith.constant 640 : i32
          %mul3A_241 = arith.muli %add3A_170, %mul3A_240 : i32
          %mul3A_242 = arith.constant 8 : i32
          %mul3A_243 = arith.muli %scan3A_239, %mul3A_242 : i32
          %add3A_244 = arith.addi %mul3A_241, %mul3A_243 : i32
          %add3A_245 = vector.broadcast %add3A_244 : i32 to vector<16xi32>
          %add3A_246 = arith.addi %add3A_245, %shift_right_logical3A_4 : vector<16xi32>
          %gather3A_247 = tpu.vector_load_idx %arg5[%add3A_246] : memref<25600xi32, #tpu.memory_space<vmem>>[vector<16xi32>], vector<16xi32>,
          %mul3A_248 = arith.constant 2 : i32
          %mul3A_249 = vector.broadcast %mul3A_248 : i32 to vector<16xi32>
          %mul3A_250 = arith.muli %gather3A_247, %mul3A_249 : vector<16xi32>
          %add3A_251 = arith.addi %mul3A_250, %and3A_6 : vector<16xi32>
          %mul3A_252 = arith.constant 16 : i32
          %mul3A_253 = arith.muli %scan3A_239, %mul3A_252 : i32
          %dma_start3A_254 = arith.constant 0 : i32
          %dma_start3A_255 = tpu.memref_slice %arg8[%mul3A_253, %dma_start3A_254] : memref<1280x16xf32, #tpu.memory_space<vmem>> -> memref<16x16xf32, #tpu.memory_space<vmem>>
          %dma_start3A_256 = arith.constant 0 : i32
          %dma_start3A_257 = arith.constant 0 : i32
          %dma_start3A_258 = tpu.memref_slice %arg3[%dma_start3A_256, %dma_start3A_257] : memref<2000000x16xf32, #tpu.memory_space<hbm>> -> memref<2000000x16xf32, #tpu.memory_space<hbm>>
          tpu.enqueue_indirect_dma source(%dma_start3A_258 : memref<2000000x16xf32, #tpu.memory_space<hbm>>) target(%dma_start3A_255 : memref<16x16xf32, #tpu.memory_space<vmem>>) offsets(%add3A_251 : vector<16xi32>) semaphore(%arg12 : memref<!tpu.dma_semaphore, #tpu.memory_space<semaphore_mem>>)
          %scan3A_259 = arith.constant 4 : i32
          %scan3A_260 = arith.addi %scan3A_177, %scan3A_259 : i32
          %mul3A_261 = arith.constant 640 : i32
          %mul3A_262 = arith.muli %add3A_170, %mul3A_261 : i32
          %mul3A_263 = arith.constant 8 : i32
          %mul3A_264 = arith.muli %scan3A_260, %mul3A_263 : i32
          %add3A_265 = arith.addi %mul3A_262, %mul3A_264 : i32
          %add3A_266 = vector.broadcast %add3A_265 : i32 to vector<16xi32>
          %add3A_267 = arith.addi %add3A_266, %shift_right_logical3A_4 : vector<16xi32>
          %gather3A_268 = tpu.vector_load_idx %arg5[%add3A_267] : memref<25600xi32, #tpu.memory_space<vmem>>[vector<16xi32>], vector<16xi32>,
          %mul3A_269 = arith.constant 2 : i32
          %mul3A_270 = vector.broadcast %mul3A_269 : i32 to vector<16xi32>
          %mul3A_271 = arith.muli %gather3A_268, %mul3A_270 : vector<16xi32>
          %add3A_272 = arith.addi %mul3A_271, %and3A_6 : vector<16xi32>
          %mul3A_273 = arith.constant 16 : i32
          %mul3A_274 = arith.muli %scan3A_260, %mul3A_273 : i32
          %dma_start3A_275 = arith.constant 0 : i32
          %dma_start3A_276 = tpu.memref_slice %arg8[%mul3A_274, %dma_start3A_275] : memref<1280x16xf32, #tpu.memory_space<vmem>> -> memref<16x16xf32, #tpu.memory_space<vmem>>
          %dma_start3A_277 = arith.constant 0 : i32
          %dma_start3A_278 = arith.constant 0 : i32
          %dma_start3A_279 = tpu.memref_slice %arg3[%dma_start3A_277, %dma_start3A_278] : memref<2000000x16xf32, #tpu.memory_space<hbm>> -> memref<2000000x16xf32, #tpu.memory_space<hbm>>
          tpu.enqueue_indirect_dma source(%dma_start3A_279 : memref<2000000x16xf32, #tpu.memory_space<hbm>>) target(%dma_start3A_276 : memref<16x16xf32, #tpu.memory_space<vmem>>) offsets(%add3A_272 : vector<16xi32>) semaphore(%arg12 : memref<!tpu.dma_semaphore, #tpu.memory_space<semaphore_mem>>)
          %scan3A_280 = arith.constant 5 : i32
          %scan3A_281 = arith.addi %scan3A_177, %scan3A_280 : i32
          %mul3A_282 = arith.constant 640 : i32
          %mul3A_283 = arith.muli %add3A_170, %mul3A_282 : i32
          %mul3A_284 = arith.constant 8 : i32
          %mul3A_285 = arith.muli %scan3A_281, %mul3A_284 : i32
          %add3A_286 = arith.addi %mul3A_283, %mul3A_285 : i32
          %add3A_287 = vector.broadcast %add3A_286 : i32 to vector<16xi32>
          %add3A_288 = arith.addi %add3A_287, %shift_right_logical3A_4 : vector<16xi32>
          %gather3A_289 = tpu.vector_load_idx %arg5[%add3A_288] : memref<25600xi32, #tpu.memory_space<vmem>>[vector<16xi32>], vector<16xi32>,
          %mul3A_290 = arith.constant 2 : i32
          %mul3A_291 = vector.broadcast %mul3A_290 : i32 to vector<16xi32>
          %mul3A_292 = arith.muli %gather3A_289, %mul3A_291 : vector<16xi32>
          %add3A_293 = arith.addi %mul3A_292, %and3A_6 : vector<16xi32>
          %mul3A_294 = arith.constant 16 : i32
          %mul3A_295 = arith.muli %scan3A_281, %mul3A_294 : i32
          %dma_start3A_296 = arith.constant 0 : i32
          %dma_start3A_297 = tpu.memref_slice %arg8[%mul3A_295, %dma_start3A_296] : memref<1280x16xf32, #tpu.memory_space<vmem>> -> memref<16x16xf32, #tpu.memory_space<vmem>>
          %dma_start3A_298 = arith.constant 0 : i32
          %dma_start3A_299 = arith.constant 0 : i32
          %dma_start3A_300 = tpu.memref_slice %arg3[%dma_start3A_298, %dma_start3A_299] : memref<2000000x16xf32, #tpu.memory_space<hbm>> -> memref<2000000x16xf32, #tpu.memory_space<hbm>>
          tpu.enqueue_indirect_dma source(%dma_start3A_300 : memref<2000000x16xf32, #tpu.memory_space<hbm>>) target(%dma_start3A_297 : memref<16x16xf32, #tpu.memory_space<vmem>>) offsets(%add3A_293 : vector<16xi32>) semaphore(%arg12 : memref<!tpu.dma_semaphore, #tpu.memory_space<semaphore_mem>>)
          %scan3A_301 = arith.constant 6 : i32
          %scan3A_302 = arith.addi %scan3A_177, %scan3A_301 : i32
          %mul3A_303 = arith.constant 640 : i32
          %mul3A_304 = arith.muli %add3A_170, %mul3A_303 : i32
          %mul3A_305 = arith.constant 8 : i32
          %mul3A_306 = arith.muli %scan3A_302, %mul3A_305 : i32
          %add3A_307 = arith.addi %mul3A_304, %mul3A_306 : i32
          %add3A_308 = vector.broadcast %add3A_307 : i32 to vector<16xi32>
          %add3A_309 = arith.addi %add3A_308, %shift_right_logical3A_4 : vector<16xi32>
          %gather3A_310 = tpu.vector_load_idx %arg5[%add3A_309] : memref<25600xi32, #tpu.memory_space<vmem>>[vector<16xi32>], vector<16xi32>,
          %mul3A_311 = arith.constant 2 : i32
          %mul3A_312 = vector.broadcast %mul3A_311 : i32 to vector<16xi32>
          %mul3A_313 = arith.muli %gather3A_310, %mul3A_312 : vector<16xi32>
          %add3A_314 = arith.addi %mul3A_313, %and3A_6 : vector<16xi32>
          %mul3A_315 = arith.constant 16 : i32
          %mul3A_316 = arith.muli %scan3A_302, %mul3A_315 : i32
          %dma_start3A_317 = arith.constant 0 : i32
          %dma_start3A_318 = tpu.memref_slice %arg8[%mul3A_316, %dma_start3A_317] : memref<1280x16xf32, #tpu.memory_space<vmem>> -> memref<16x16xf32, #tpu.memory_space<vmem>>
          %dma_start3A_319 = arith.constant 0 : i32
          %dma_start3A_320 = arith.constant 0 : i32
          %dma_start3A_321 = tpu.memref_slice %arg3[%dma_start3A_319, %dma_start3A_320] : memref<2000000x16xf32, #tpu.memory_space<hbm>> -> memref<2000000x16xf32, #tpu.memory_space<hbm>>
          tpu.enqueue_indirect_dma source(%dma_start3A_321 : memref<2000000x16xf32, #tpu.memory_space<hbm>>) target(%dma_start3A_318 : memref<16x16xf32, #tpu.memory_space<vmem>>) offsets(%add3A_314 : vector<16xi32>) semaphore(%arg12 : memref<!tpu.dma_semaphore, #tpu.memory_space<semaphore_mem>>)
          %scan3A_322 = arith.constant 7 : i32
          %scan3A_323 = arith.addi %scan3A_177, %scan3A_322 : i32
          %mul3A_324 = arith.constant 640 : i32
          %mul3A_325 = arith.muli %add3A_170, %mul3A_324 : i32
          %mul3A_326 = arith.constant 8 : i32
          %mul3A_327 = arith.muli %scan3A_323, %mul3A_326 : i32
          %add3A_328 = arith.addi %mul3A_325, %mul3A_327 : i32
          %add3A_329 = vector.broadcast %add3A_328 : i32 to vector<16xi32>
          %add3A_330 = arith.addi %add3A_329, %shift_right_logical3A_4 : vector<16xi32>
          %gather3A_331 = tpu.vector_load_idx %arg5[%add3A_330] : memref<25600xi32, #tpu.memory_space<vmem>>[vector<16xi32>], vector<16xi32>,
          %mul3A_332 = arith.constant 2 : i32
          %mul3A_333 = vector.broadcast %mul3A_332 : i32 to vector<16xi32>
          %mul3A_334 = arith.muli %gather3A_331, %mul3A_333 : vector<16xi32>
          %add3A_335 = arith.addi %mul3A_334, %and3A_6 : vector<16xi32>
          %mul3A_336 = arith.constant 16 : i32
          %mul3A_337 = arith.muli %scan3A_323, %mul3A_336 : i32
          %dma_start3A_338 = arith.constant 0 : i32
          %dma_start3A_339 = tpu.memref_slice %arg8[%mul3A_337, %dma_start3A_338] : memref<1280x16xf32, #tpu.memory_space<vmem>> -> memref<16x16xf32, #tpu.memory_space<vmem>>
          %dma_start3A_340 = arith.constant 0 : i32
          %dma_start3A_341 = arith.constant 0 : i32
          %dma_start3A_342 = tpu.memref_slice %arg3[%dma_start3A_340, %dma_start3A_341] : memref<2000000x16xf32, #tpu.memory_space<hbm>> -> memref<2000000x16xf32, #tpu.memory_space<hbm>>
          tpu.enqueue_indirect_dma source(%dma_start3A_342 : memref<2000000x16xf32, #tpu.memory_space<hbm>>) target(%dma_start3A_339 : memref<16x16xf32, #tpu.memory_space<vmem>>) offsets(%add3A_335 : vector<16xi32>) semaphore(%arg12 : memref<!tpu.dma_semaphore, #tpu.memory_space<semaphore_mem>>)
          %scan3A_343 = arith.constant 8 : i32
          %scan3A_344 = arith.addi %scan3A_177, %scan3A_343 : i32
          %mul3A_345 = arith.constant 640 : i32
          %mul3A_346 = arith.muli %add3A_170, %mul3A_345 : i32
          %mul3A_347 = arith.constant 8 : i32
          %mul3A_348 = arith.muli %scan3A_344, %mul3A_347 : i32
          %add3A_349 = arith.addi %mul3A_346, %mul3A_348 : i32
          %add3A_350 = vector.broadcast %add3A_349 : i32 to vector<16xi32>
          %add3A_351 = arith.addi %add3A_350, %shift_right_logical3A_4 : vector<16xi32>
          %gather3A_352 = tpu.vector_load_idx %arg5[%add3A_351] : memref<25600xi32, #tpu.memory_space<vmem>>[vector<16xi32>], vector<16xi32>,
          %mul3A_353 = arith.constant 2 : i32
          %mul3A_354 = vector.broadcast %mul3A_353 : i32 to vector<16xi32>
          %mul3A_355 = arith.muli %gather3A_352, %mul3A_354 : vector<16xi32>
          %add3A_356 = arith.addi %mul3A_355, %and3A_6 : vector<16xi32>
          %mul3A_357 = arith.constant 16 : i32
          %mul3A_358 = arith.muli %scan3A_344, %mul3A_357 : i32
          %dma_start3A_359 = arith.constant 0 : i32
          %dma_start3A_360 = tpu.memref_slice %arg8[%mul3A_358, %dma_start3A_359] : memref<1280x16xf32, #tpu.memory_space<vmem>> -> memref<16x16xf32, #tpu.memory_space<vmem>>
          %dma_start3A_361 = arith.constant 0 : i32
          %dma_start3A_362 = arith.constant 0 : i32
          %dma_start3A_363 = tpu.memref_slice %arg3[%dma_start3A_361, %dma_start3A_362] : memref<2000000x16xf32, #tpu.memory_space<hbm>> -> memref<2000000x16xf32, #tpu.memory_space<hbm>>
          tpu.enqueue_indirect_dma source(%dma_start3A_363 : memref<2000000x16xf32, #tpu.memory_space<hbm>>) target(%dma_start3A_360 : memref<16x16xf32, #tpu.memory_space<vmem>>) offsets(%add3A_356 : vector<16xi32>) semaphore(%arg12 : memref<!tpu.dma_semaphore, #tpu.memory_space<semaphore_mem>>)
          %scan3A_364 = arith.constant 9 : i32
          %scan3A_365 = arith.addi %scan3A_177, %scan3A_364 : i32
          %mul3A_366 = arith.constant 640 : i32
          %mul3A_367 = arith.muli %add3A_170, %mul3A_366 : i32
          %mul3A_368 = arith.constant 8 : i32
          %mul3A_369 = arith.muli %scan3A_365, %mul3A_368 : i32
          %add3A_370 = arith.addi %mul3A_367, %mul3A_369 : i32
          %add3A_371 = vector.broadcast %add3A_370 : i32 to vector<16xi32>
          %add3A_372 = arith.addi %add3A_371, %shift_right_logical3A_4 : vector<16xi32>
          %gather3A_373 = tpu.vector_load_idx %arg5[%add3A_372] : memref<25600xi32, #tpu.memory_space<vmem>>[vector<16xi32>], vector<16xi32>,
          %mul3A_374 = arith.constant 2 : i32
          %mul3A_375 = vector.broadcast %mul3A_374 : i32 to vector<16xi32>
          %mul3A_376 = arith.muli %gather3A_373, %mul3A_375 : vector<16xi32>
          %add3A_377 = arith.addi %mul3A_376, %and3A_6 : vector<16xi32>
          %mul3A_378 = arith.constant 16 : i32
          %mul3A_379 = arith.muli %scan3A_365, %mul3A_378 : i32
          %dma_start3A_380 = arith.constant 0 : i32
          %dma_start3A_381 = tpu.memref_slice %arg8[%mul3A_379, %dma_start3A_380] : memref<1280x16xf32, #tpu.memory_space<vmem>> -> memref<16x16xf32, #tpu.memory_space<vmem>>
          %dma_start3A_382 = arith.constant 0 : i32
          %dma_start3A_383 = arith.constant 0 : i32
          %dma_start3A_384 = tpu.memref_slice %arg3[%dma_start3A_382, %dma_start3A_383] : memref<2000000x16xf32, #tpu.memory_space<hbm>> -> memref<2000000x16xf32, #tpu.memory_space<hbm>>
          tpu.enqueue_indirect_dma source(%dma_start3A_384 : memref<2000000x16xf32, #tpu.memory_space<hbm>>) target(%dma_start3A_381 : memref<16x16xf32, #tpu.memory_space<vmem>>) offsets(%add3A_377 : vector<16xi32>) semaphore(%arg12 : memref<!tpu.dma_semaphore, #tpu.memory_space<semaphore_mem>>)
          %scan3A_385 = arith.constant 10 : i32
          %scan3A_386 = arith.addi %scan3A_177, %scan3A_385 : i32
          %mul3A_387 = arith.constant 640 : i32
          %mul3A_388 = arith.muli %add3A_170, %mul3A_387 : i32
          %mul3A_389 = arith.constant 8 : i32
          %mul3A_390 = arith.muli %scan3A_386, %mul3A_389 : i32
          %add3A_391 = arith.addi %mul3A_388, %mul3A_390 : i32
          %add3A_392 = vector.broadcast %add3A_391 : i32 to vector<16xi32>
          %add3A_393 = arith.addi %add3A_392, %shift_right_logical3A_4 : vector<16xi32>
          %gather3A_394 = tpu.vector_load_idx %arg5[%add3A_393] : memref<25600xi32, #tpu.memory_space<vmem>>[vector<16xi32>], vector<16xi32>,
          %mul3A_395 = arith.constant 2 : i32
          %mul3A_396 = vector.broadcast %mul3A_395 : i32 to vector<16xi32>
          %mul3A_397 = arith.muli %gather3A_394, %mul3A_396 : vector<16xi32>
          %add3A_398 = arith.addi %mul3A_397, %and3A_6 : vector<16xi32>
          %mul3A_399 = arith.constant 16 : i32
          %mul3A_400 = arith.muli %scan3A_386, %mul3A_399 : i32
          %dma_start3A_401 = arith.constant 0 : i32
          %dma_start3A_402 = tpu.memref_slice %arg8[%mul3A_400, %dma_start3A_401] : memref<1280x16xf32, #tpu.memory_space<vmem>> -> memref<16x16xf32, #tpu.memory_space<vmem>>
          %dma_start3A_403 = arith.constant 0 : i32
          %dma_start3A_404 = arith.constant 0 : i32
          %dma_start3A_405 = tpu.memref_slice %arg3[%dma_start3A_403, %dma_start3A_404] : memref<2000000x16xf32, #tpu.memory_space<hbm>> -> memref<2000000x16xf32, #tpu.memory_space<hbm>>
          tpu.enqueue_indirect_dma source(%dma_start3A_405 : memref<2000000x16xf32, #tpu.memory_space<hbm>>) target(%dma_start3A_402 : memref<16x16xf32, #tpu.memory_space<vmem>>) offsets(%add3A_398 : vector<16xi32>) semaphore(%arg12 : memref<!tpu.dma_semaphore, #tpu.memory_space<semaphore_mem>>)
          %scan3A_406 = arith.constant 11 : i32
          %scan3A_407 = arith.addi %scan3A_177, %scan3A_406 : i32
          %mul3A_408 = arith.constant 640 : i32
          %mul3A_409 = arith.muli %add3A_170, %mul3A_408 : i32
          %mul3A_410 = arith.constant 8 : i32
          %mul3A_411 = arith.muli %scan3A_407, %mul3A_410 : i32
          %add3A_412 = arith.addi %mul3A_409, %mul3A_411 : i32
          %add3A_413 = vector.broadcast %add3A_412 : i32 to vector<16xi32>
          %add3A_414 = arith.addi %add3A_413, %shift_right_logical3A_4 : vector<16xi32>
          %gather3A_415 = tpu.vector_load_idx %arg5[%add3A_414] : memref<25600xi32, #tpu.memory_space<vmem>>[vector<16xi32>], vector<16xi32>,
          %mul3A_416 = arith.constant 2 : i32
          %mul3A_417 = vector.broadcast %mul3A_416 : i32 to vector<16xi32>
          %mul3A_418 = arith.muli %gather3A_415, %mul3A_417 : vector<16xi32>
          %add3A_419 = arith.addi %mul3A_418, %and3A_6 : vector<16xi32>
          %mul3A_420 = arith.constant 16 : i32
          %mul3A_421 = arith.muli %scan3A_407, %mul3A_420 : i32
          %dma_start3A_422 = arith.constant 0 : i32
          %dma_start3A_423 = tpu.memref_slice %arg8[%mul3A_421, %dma_start3A_422] : memref<1280x16xf32, #tpu.memory_space<vmem>> -> memref<16x16xf32, #tpu.memory_space<vmem>>
          %dma_start3A_424 = arith.constant 0 : i32
          %dma_start3A_425 = arith.constant 0 : i32
          %dma_start3A_426 = tpu.memref_slice %arg3[%dma_start3A_424, %dma_start3A_425] : memref<2000000x16xf32, #tpu.memory_space<hbm>> -> memref<2000000x16xf32, #tpu.memory_space<hbm>>
          tpu.enqueue_indirect_dma source(%dma_start3A_426 : memref<2000000x16xf32, #tpu.memory_space<hbm>>) target(%dma_start3A_423 : memref<16x16xf32, #tpu.memory_space<vmem>>) offsets(%add3A_419 : vector<16xi32>) semaphore(%arg12 : memref<!tpu.dma_semaphore, #tpu.memory_space<semaphore_mem>>)
          %scan3A_427 = arith.constant 12 : i32
          %scan3A_428 = arith.addi %scan3A_177, %scan3A_427 : i32
          %mul3A_429 = arith.constant 640 : i32
          %mul3A_430 = arith.muli %add3A_170, %mul3A_429 : i32
          %mul3A_431 = arith.constant 8 : i32
          %mul3A_432 = arith.muli %scan3A_428, %mul3A_431 : i32
          %add3A_433 = arith.addi %mul3A_430, %mul3A_432 : i32
          %add3A_434 = vector.broadcast %add3A_433 : i32 to vector<16xi32>
          %add3A_435 = arith.addi %add3A_434, %shift_right_logical3A_4 : vector<16xi32>
          %gather3A_436 = tpu.vector_load_idx %arg5[%add3A_435] : memref<25600xi32, #tpu.memory_space<vmem>>[vector<16xi32>], vector<16xi32>,
          %mul3A_437 = arith.constant 2 : i32
          %mul3A_438 = vector.broadcast %mul3A_437 : i32 to vector<16xi32>
          %mul3A_439 = arith.muli %gather3A_436, %mul3A_438 : vector<16xi32>
          %add3A_440 = arith.addi %mul3A_439, %and3A_6 : vector<16xi32>
          %mul3A_441 = arith.constant 16 : i32
          %mul3A_442 = arith.muli %scan3A_428, %mul3A_441 : i32
          %dma_start3A_443 = arith.constant 0 : i32
          %dma_start3A_444 = tpu.memref_slice %arg8[%mul3A_442, %dma_start3A_443] : memref<1280x16xf32, #tpu.memory_space<vmem>> -> memref<16x16xf32, #tpu.memory_space<vmem>>
          %dma_start3A_445 = arith.constant 0 : i32
          %dma_start3A_446 = arith.constant 0 : i32
          %dma_start3A_447 = tpu.memref_slice %arg3[%dma_start3A_445, %dma_start3A_446] : memref<2000000x16xf32, #tpu.memory_space<hbm>> -> memref<2000000x16xf32, #tpu.memory_space<hbm>>
          tpu.enqueue_indirect_dma source(%dma_start3A_447 : memref<2000000x16xf32, #tpu.memory_space<hbm>>) target(%dma_start3A_444 : memref<16x16xf32, #tpu.memory_space<vmem>>) offsets(%add3A_440 : vector<16xi32>) semaphore(%arg12 : memref<!tpu.dma_semaphore, #tpu.memory_space<semaphore_mem>>)
          %scan3A_448 = arith.constant 13 : i32
          %scan3A_449 = arith.addi %scan3A_177, %scan3A_448 : i32
          %mul3A_450 = arith.constant 640 : i32
          %mul3A_451 = arith.muli %add3A_170, %mul3A_450 : i32
          %mul3A_452 = arith.constant 8 : i32
          %mul3A_453 = arith.muli %scan3A_449, %mul3A_452 : i32
          %add3A_454 = arith.addi %mul3A_451, %mul3A_453 : i32
          %add3A_455 = vector.broadcast %add3A_454 : i32 to vector<16xi32>
          %add3A_456 = arith.addi %add3A_455, %shift_right_logical3A_4 : vector<16xi32>
          %gather3A_457 = tpu.vector_load_idx %arg5[%add3A_456] : memref<25600xi32, #tpu.memory_space<vmem>>[vector<16xi32>], vector<16xi32>,
          %mul3A_458 = arith.constant 2 : i32
          %mul3A_459 = vector.broadcast %mul3A_458 : i32 to vector<16xi32>
          %mul3A_460 = arith.muli %gather3A_457, %mul3A_459 : vector<16xi32>
          %add3A_461 = arith.addi %mul3A_460, %and3A_6 : vector<16xi32>
          %mul3A_462 = arith.constant 16 : i32
          %mul3A_463 = arith.muli %scan3A_449, %mul3A_462 : i32
          %dma_start3A_464 = arith.constant 0 : i32
          %dma_start3A_465 = tpu.memref_slice %arg8[%mul3A_463, %dma_start3A_464] : memref<1280x16xf32, #tpu.memory_space<vmem>> -> memref<16x16xf32, #tpu.memory_space<vmem>>
          %dma_start3A_466 = arith.constant 0 : i32
          %dma_start3A_467 = arith.constant 0 : i32
          %dma_start3A_468 = tpu.memref_slice %arg3[%dma_start3A_466, %dma_start3A_467] : memref<2000000x16xf32, #tpu.memory_space<hbm>> -> memref<2000000x16xf32, #tpu.memory_space<hbm>>
          tpu.enqueue_indirect_dma source(%dma_start3A_468 : memref<2000000x16xf32, #tpu.memory_space<hbm>>) target(%dma_start3A_465 : memref<16x16xf32, #tpu.memory_space<vmem>>) offsets(%add3A_461 : vector<16xi32>) semaphore(%arg12 : memref<!tpu.dma_semaphore, #tpu.memory_space<semaphore_mem>>)
          %scan3A_469 = arith.constant 14 : i32
          %scan3A_470 = arith.addi %scan3A_177, %scan3A_469 : i32
          %mul3A_471 = arith.constant 640 : i32
          %mul3A_472 = arith.muli %add3A_170, %mul3A_471 : i32
          %mul3A_473 = arith.constant 8 : i32
          %mul3A_474 = arith.muli %scan3A_470, %mul3A_473 : i32
          %add3A_475 = arith.addi %mul3A_472, %mul3A_474 : i32
          %add3A_476 = vector.broadcast %add3A_475 : i32 to vector<16xi32>
          %add3A_477 = arith.addi %add3A_476, %shift_right_logical3A_4 : vector<16xi32>
          %gather3A_478 = tpu.vector_load_idx %arg5[%add3A_477] : memref<25600xi32, #tpu.memory_space<vmem>>[vector<16xi32>], vector<16xi32>,
          %mul3A_479 = arith.constant 2 : i32
          %mul3A_480 = vector.broadcast %mul3A_479 : i32 to vector<16xi32>
          %mul3A_481 = arith.muli %gather3A_478, %mul3A_480 : vector<16xi32>
          %add3A_482 = arith.addi %mul3A_481, %and3A_6 : vector<16xi32>
          %mul3A_483 = arith.constant 16 : i32
          %mul3A_484 = arith.muli %scan3A_470, %mul3A_483 : i32
          %dma_start3A_485 = arith.constant 0 : i32
          %dma_start3A_486 = tpu.memref_slice %arg8[%mul3A_484, %dma_start3A_485] : memref<1280x16xf32, #tpu.memory_space<vmem>> -> memref<16x16xf32, #tpu.memory_space<vmem>>
          %dma_start3A_487 = arith.constant 0 : i32
          %dma_start3A_488 = arith.constant 0 : i32
          %dma_start3A_489 = tpu.memref_slice %arg3[%dma_start3A_487, %dma_start3A_488] : memref<2000000x16xf32, #tpu.memory_space<hbm>> -> memref<2000000x16xf32, #tpu.memory_space<hbm>>
          tpu.enqueue_indirect_dma source(%dma_start3A_489 : memref<2000000x16xf32, #tpu.memory_space<hbm>>) target(%dma_start3A_486 : memref<16x16xf32, #tpu.memory_space<vmem>>) offsets(%add3A_482 : vector<16xi32>) semaphore(%arg12 : memref<!tpu.dma_semaphore, #tpu.memory_space<semaphore_mem>>)
          %scan3A_490 = arith.constant 15 : i32
          %scan3A_491 = arith.addi %scan3A_177, %scan3A_490 : i32
          %mul3A_492 = arith.constant 640 : i32
          %mul3A_493 = arith.muli %add3A_170, %mul3A_492 : i32
          %mul3A_494 = arith.constant 8 : i32
          %mul3A_495 = arith.muli %scan3A_491, %mul3A_494 : i32
          %add3A_496 = arith.addi %mul3A_493, %mul3A_495 : i32
          %add3A_497 = vector.broadcast %add3A_496 : i32 to vector<16xi32>
          %add3A_498 = arith.addi %add3A_497, %shift_right_logical3A_4 : vector<16xi32>
          %gather3A_499 = tpu.vector_load_idx %arg5[%add3A_498] : memref<25600xi32, #tpu.memory_space<vmem>>[vector<16xi32>], vector<16xi32>,
          %mul3A_500 = arith.constant 2 : i32
          %mul3A_501 = vector.broadcast %mul3A_500 : i32 to vector<16xi32>
          %mul3A_502 = arith.muli %gather3A_499, %mul3A_501 : vector<16xi32>
          %add3A_503 = arith.addi %mul3A_502, %and3A_6 : vector<16xi32>
          %mul3A_504 = arith.constant 16 : i32
          %mul3A_505 = arith.muli %scan3A_491, %mul3A_504 : i32
          %dma_start3A_506 = arith.constant 0 : i32
          %dma_start3A_507 = tpu.memref_slice %arg8[%mul3A_505, %dma_start3A_506] : memref<1280x16xf32, #tpu.memory_space<vmem>> -> memref<16x16xf32, #tpu.memory_space<vmem>>
          %dma_start3A_508 = arith.constant 0 : i32
          %dma_start3A_509 = arith.constant 0 : i32
          %dma_start3A_510 = tpu.memref_slice %arg3[%dma_start3A_508, %dma_start3A_509] : memref<2000000x16xf32, #tpu.memory_space<hbm>> -> memref<2000000x16xf32, #tpu.memory_space<hbm>>
          tpu.enqueue_indirect_dma source(%dma_start3A_510 : memref<2000000x16xf32, #tpu.memory_space<hbm>>) target(%dma_start3A_507 : memref<16x16xf32, #tpu.memory_space<vmem>>) offsets(%add3A_503 : vector<16xi32>) semaphore(%arg12 : memref<!tpu.dma_semaphore, #tpu.memory_space<semaphore_mem>>)
        }
        %scan3A_176 = arith.constant 80 : i32
      } else {
      }
      %mul3A_136 = arith.constant 4 : i32
      %mul3A_137 = arith.muli %mul3A_136, %scan3A_67 : i32
      %add3A_138 = arith.constant 3 : i32
      %add3A_139 = arith.addi %mul3A_137, %add3A_138 : i32
      %dma_wait3A_140 = arith.constant 0 : i32
      %dma_wait3A_141 = arith.constant 0 : i32
      %dma_wait3A_142 = tpu.memref_slice %arg4[%dma_wait3A_140, %dma_wait3A_141] : memref<1638400x16xf32, #tpu.memory_space<hbm>> -> memref<1280x16xf32, #tpu.memory_space<hbm>>
      %dma_wait3A_143 = arith.constant 0 : i32
      %dma_wait3A_144 = arith.constant 0 : i32
      %dma_wait3A_145 = tpu.memref_slice %arg4[%dma_wait3A_143, %dma_wait3A_144] : memref<1638400x16xf32, #tpu.memory_space<hbm>> -> memref<1280x16xf32, #tpu.memory_space<hbm>>
      tpu.wait_dma2 semaphore(%arg13 : memref<!tpu.dma_semaphore, #tpu.memory_space<semaphore_mem>>) src(%dma_wait3A_145 : memref<1280x16xf32, #tpu.memory_space<hbm>>) dst(%arg9 : memref<1280x16xf32, #tpu.memory_space<vmem>>)
      %mul3A_146 = arith.constant 640 : i32
      %mul3A_147 = arith.muli %add3A_139, %mul3A_146 : i32
      %add3A_148 = arith.addi %mul3A_2, %mul3A_147 : i32
      %mul3A_149 = arith.constant 2 : i32
      %mul3A_150 = arith.muli %add3A_148, %mul3A_149 : i32
      %dma_start3A_151 = arith.constant 0 : i32
      %dma_start3A_152 = tpu.memref_slice %arg4[%mul3A_150, %dma_start3A_151] : memref<1638400x16xf32, #tpu.memory_space<hbm>> -> memref<1280x16xf32, #tpu.memory_space<hbm>>
      %dma_start3A_153 = arith.constant 0 : i32
      %dma_start3A_154 = tpu.memref_slice %arg4[%mul3A_150, %dma_start3A_153] : memref<1638400x16xf32, #tpu.memory_space<hbm>> -> memref<1280x16xf32, #tpu.memory_space<hbm>>
      tpu.enqueue_dma source(%arg9 : memref<1280x16xf32, #tpu.memory_space<vmem>>) target(%dma_start3A_154 : memref<1280x16xf32, #tpu.memory_space<hbm>>) target_semaphore(%arg17 : memref<!tpu.dma_semaphore, #tpu.memory_space<semaphore_mem>>)
      %lt3A_155 = arith.constant 9 : i32
      %lt3A_156 = arith.cmpi slt, %scan3A_67, %lt3A_155 : i32
      %convert_element_type3A_157 = arith.extui %lt3A_156 : i1 to i32
      %cond3A_158 = arith.constant 0 : i32
      %cond3A_159 = arith.cmpi ne, %convert_element_type3A_157, %cond3A_158 : i32
      scf.if %cond3A_159 {
        %mul3A_160 = arith.constant 640 : i32
        %mul3A_161 = arith.muli %add3A_139, %mul3A_160 : i32
        %add3A_162 = arith.addi %mul3A_2, %mul3A_161 : i32
        %mul3A_163 = arith.constant 2 : i32
        %mul3A_164 = arith.muli %add3A_162, %mul3A_163 : i32
        %dma_wait3A_165 = arith.constant 0 : i32
        %dma_wait3A_166 = tpu.memref_slice %arg4[%mul3A_164, %dma_wait3A_165] : memref<1638400x16xf32, #tpu.memory_space<hbm>> -> memref<1280x16xf32, #tpu.memory_space<hbm>>
        %dma_wait3A_167 = arith.constant 0 : i32
        %dma_wait3A_168 = tpu.memref_slice %arg4[%mul3A_164, %dma_wait3A_167] : memref<1638400x16xf32, #tpu.memory_space<hbm>> -> memref<1280x16xf32, #tpu.memory_space<hbm>>
        tpu.wait_dma2 semaphore(%arg17 : memref<!tpu.dma_semaphore, #tpu.memory_space<semaphore_mem>>) src(%arg9 : memref<1280x16xf32, #tpu.memory_space<vmem>>) dst(%dma_wait3A_168 : memref<1280x16xf32, #tpu.memory_space<hbm>>)
        %add3A_169 = arith.constant 4 : i32
        %add3A_170 = arith.addi %add3A_139, %add3A_169 : i32
        %scan3A_171 = arith.constant 0 : i32
        %scan3A_172 = arith.constant 0 : i32
        %scan3A_173 = arith.constant 80 : i32
        %scan3A_174 = arith.addi %scan3A_172, %scan3A_173 : i32
        %scan3A_175 = arith.constant 16 : i32
        scf.for %scan3A_177 = %scan3A_172 to %scan3A_174 step %scan3A_175  : i32 {
          %mul3A_178 = arith.constant 640 : i32
          %mul3A_179 = arith.muli %add3A_170, %mul3A_178 : i32
          %mul3A_180 = arith.constant 8 : i32
          %mul3A_181 = arith.muli %scan3A_177, %mul3A_180 : i32
          %add3A_182 = arith.addi %mul3A_179, %mul3A_181 : i32
          %add3A_183 = vector.broadcast %add3A_182 : i32 to vector<16xi32>
          %add3A_184 = arith.addi %add3A_183, %shift_right_logical3A_4 : vector<16xi32>
          %gather3A = tpu.vector_load_idx %arg5[%add3A_184] : memref<25600xi32, #tpu.memory_space<vmem>>[vector<16xi32>], vector<16xi32>,
          %mul3A_185 = arith.constant 2 : i32
          %mul3A_186 = vector.broadcast %mul3A_185 : i32 to vector<16xi32>
          %mul3A_187 = arith.muli %gather3A, %mul3A_186 : vector<16xi32>
          %add3A_188 = arith.addi %mul3A_187, %and3A_6 : vector<16xi32>
          %mul3A_189 = arith.constant 16 : i32
          %mul3A_190 = arith.muli %scan3A_177, %mul3A_189 : i32
          %dma_start3A_191 = arith.constant 0 : i32
          %dma_start3A_192 = tpu.memref_slice %arg9[%mul3A_190, %dma_start3A_191] : memref<1280x16xf32, #tpu.memory_space<vmem>> -> memref<16x16xf32, #tpu.memory_space<vmem>>
          %dma_start3A_193 = arith.constant 0 : i32
          %dma_start3A_194 = arith.constant 0 : i32
          %dma_start3A_195 = tpu.memref_slice %arg3[%dma_start3A_193, %dma_start3A_194] : memref<2000000x16xf32, #tpu.memory_space<hbm>> -> memref<2000000x16xf32, #tpu.memory_space<hbm>>
          tpu.enqueue_indirect_dma source(%dma_start3A_195 : memref<2000000x16xf32, #tpu.memory_space<hbm>>) target(%dma_start3A_192 : memref<16x16xf32, #tpu.memory_space<vmem>>) offsets(%add3A_188 : vector<16xi32>) semaphore(%arg13 : memref<!tpu.dma_semaphore, #tpu.memory_space<semaphore_mem>>)
          %scan3A_196 = arith.constant 1 : i32
          %scan3A_197 = arith.addi %scan3A_177, %scan3A_196 : i32
          %mul3A_198 = arith.constant 640 : i32
          %mul3A_199 = arith.muli %add3A_170, %mul3A_198 : i32
          %mul3A_200 = arith.constant 8 : i32
          %mul3A_201 = arith.muli %scan3A_197, %mul3A_200 : i32
          %add3A_202 = arith.addi %mul3A_199, %mul3A_201 : i32
          %add3A_203 = vector.broadcast %add3A_202 : i32 to vector<16xi32>
          %add3A_204 = arith.addi %add3A_203, %shift_right_logical3A_4 : vector<16xi32>
          %gather3A_205 = tpu.vector_load_idx %arg5[%add3A_204] : memref<25600xi32, #tpu.memory_space<vmem>>[vector<16xi32>], vector<16xi32>,
          %mul3A_206 = arith.constant 2 : i32
          %mul3A_207 = vector.broadcast %mul3A_206 : i32 to vector<16xi32>
          %mul3A_208 = arith.muli %gather3A_205, %mul3A_207 : vector<16xi32>
          %add3A_209 = arith.addi %mul3A_208, %and3A_6 : vector<16xi32>
          %mul3A_210 = arith.constant 16 : i32
          %mul3A_211 = arith.muli %scan3A_197, %mul3A_210 : i32
          %dma_start3A_212 = arith.constant 0 : i32
          %dma_start3A_213 = tpu.memref_slice %arg9[%mul3A_211, %dma_start3A_212] : memref<1280x16xf32, #tpu.memory_space<vmem>> -> memref<16x16xf32, #tpu.memory_space<vmem>>
          %dma_start3A_214 = arith.constant 0 : i32
          %dma_start3A_215 = arith.constant 0 : i32
          %dma_start3A_216 = tpu.memref_slice %arg3[%dma_start3A_214, %dma_start3A_215] : memref<2000000x16xf32, #tpu.memory_space<hbm>> -> memref<2000000x16xf32, #tpu.memory_space<hbm>>
          tpu.enqueue_indirect_dma source(%dma_start3A_216 : memref<2000000x16xf32, #tpu.memory_space<hbm>>) target(%dma_start3A_213 : memref<16x16xf32, #tpu.memory_space<vmem>>) offsets(%add3A_209 : vector<16xi32>) semaphore(%arg13 : memref<!tpu.dma_semaphore, #tpu.memory_space<semaphore_mem>>)
          %scan3A_217 = arith.constant 2 : i32
          %scan3A_218 = arith.addi %scan3A_177, %scan3A_217 : i32
          %mul3A_219 = arith.constant 640 : i32
          %mul3A_220 = arith.muli %add3A_170, %mul3A_219 : i32
          %mul3A_221 = arith.constant 8 : i32
          %mul3A_222 = arith.muli %scan3A_218, %mul3A_221 : i32
          %add3A_223 = arith.addi %mul3A_220, %mul3A_222 : i32
          %add3A_224 = vector.broadcast %add3A_223 : i32 to vector<16xi32>
          %add3A_225 = arith.addi %add3A_224, %shift_right_logical3A_4 : vector<16xi32>
          %gather3A_226 = tpu.vector_load_idx %arg5[%add3A_225] : memref<25600xi32, #tpu.memory_space<vmem>>[vector<16xi32>], vector<16xi32>,
          %mul3A_227 = arith.constant 2 : i32
          %mul3A_228 = vector.broadcast %mul3A_227 : i32 to vector<16xi32>
          %mul3A_229 = arith.muli %gather3A_226, %mul3A_228 : vector<16xi32>
          %add3A_230 = arith.addi %mul3A_229, %and3A_6 : vector<16xi32>
          %mul3A_231 = arith.constant 16 : i32
          %mul3A_232 = arith.muli %scan3A_218, %mul3A_231 : i32
          %dma_start3A_233 = arith.constant 0 : i32
          %dma_start3A_234 = tpu.memref_slice %arg9[%mul3A_232, %dma_start3A_233] : memref<1280x16xf32, #tpu.memory_space<vmem>> -> memref<16x16xf32, #tpu.memory_space<vmem>>
          %dma_start3A_235 = arith.constant 0 : i32
          %dma_start3A_236 = arith.constant 0 : i32
          %dma_start3A_237 = tpu.memref_slice %arg3[%dma_start3A_235, %dma_start3A_236] : memref<2000000x16xf32, #tpu.memory_space<hbm>> -> memref<2000000x16xf32, #tpu.memory_space<hbm>>
          tpu.enqueue_indirect_dma source(%dma_start3A_237 : memref<2000000x16xf32, #tpu.memory_space<hbm>>) target(%dma_start3A_234 : memref<16x16xf32, #tpu.memory_space<vmem>>) offsets(%add3A_230 : vector<16xi32>) semaphore(%arg13 : memref<!tpu.dma_semaphore, #tpu.memory_space<semaphore_mem>>)
          %scan3A_238 = arith.constant 3 : i32
          %scan3A_239 = arith.addi %scan3A_177, %scan3A_238 : i32
          %mul3A_240 = arith.constant 640 : i32
          %mul3A_241 = arith.muli %add3A_170, %mul3A_240 : i32
          %mul3A_242 = arith.constant 8 : i32
          %mul3A_243 = arith.muli %scan3A_239, %mul3A_242 : i32
          %add3A_244 = arith.addi %mul3A_241, %mul3A_243 : i32
          %add3A_245 = vector.broadcast %add3A_244 : i32 to vector<16xi32>
          %add3A_246 = arith.addi %add3A_245, %shift_right_logical3A_4 : vector<16xi32>
          %gather3A_247 = tpu.vector_load_idx %arg5[%add3A_246] : memref<25600xi32, #tpu.memory_space<vmem>>[vector<16xi32>], vector<16xi32>,
          %mul3A_248 = arith.constant 2 : i32
          %mul3A_249 = vector.broadcast %mul3A_248 : i32 to vector<16xi32>
          %mul3A_250 = arith.muli %gather3A_247, %mul3A_249 : vector<16xi32>
          %add3A_251 = arith.addi %mul3A_250, %and3A_6 : vector<16xi32>
          %mul3A_252 = arith.constant 16 : i32
          %mul3A_253 = arith.muli %scan3A_239, %mul3A_252 : i32
          %dma_start3A_254 = arith.constant 0 : i32
          %dma_start3A_255 = tpu.memref_slice %arg9[%mul3A_253, %dma_start3A_254] : memref<1280x16xf32, #tpu.memory_space<vmem>> -> memref<16x16xf32, #tpu.memory_space<vmem>>
          %dma_start3A_256 = arith.constant 0 : i32
          %dma_start3A_257 = arith.constant 0 : i32
          %dma_start3A_258 = tpu.memref_slice %arg3[%dma_start3A_256, %dma_start3A_257] : memref<2000000x16xf32, #tpu.memory_space<hbm>> -> memref<2000000x16xf32, #tpu.memory_space<hbm>>
          tpu.enqueue_indirect_dma source(%dma_start3A_258 : memref<2000000x16xf32, #tpu.memory_space<hbm>>) target(%dma_start3A_255 : memref<16x16xf32, #tpu.memory_space<vmem>>) offsets(%add3A_251 : vector<16xi32>) semaphore(%arg13 : memref<!tpu.dma_semaphore, #tpu.memory_space<semaphore_mem>>)
          %scan3A_259 = arith.constant 4 : i32
          %scan3A_260 = arith.addi %scan3A_177, %scan3A_259 : i32
          %mul3A_261 = arith.constant 640 : i32
          %mul3A_262 = arith.muli %add3A_170, %mul3A_261 : i32
          %mul3A_263 = arith.constant 8 : i32
          %mul3A_264 = arith.muli %scan3A_260, %mul3A_263 : i32
          %add3A_265 = arith.addi %mul3A_262, %mul3A_264 : i32
          %add3A_266 = vector.broadcast %add3A_265 : i32 to vector<16xi32>
          %add3A_267 = arith.addi %add3A_266, %shift_right_logical3A_4 : vector<16xi32>
          %gather3A_268 = tpu.vector_load_idx %arg5[%add3A_267] : memref<25600xi32, #tpu.memory_space<vmem>>[vector<16xi32>], vector<16xi32>,
          %mul3A_269 = arith.constant 2 : i32
          %mul3A_270 = vector.broadcast %mul3A_269 : i32 to vector<16xi32>
          %mul3A_271 = arith.muli %gather3A_268, %mul3A_270 : vector<16xi32>
          %add3A_272 = arith.addi %mul3A_271, %and3A_6 : vector<16xi32>
          %mul3A_273 = arith.constant 16 : i32
          %mul3A_274 = arith.muli %scan3A_260, %mul3A_273 : i32
          %dma_start3A_275 = arith.constant 0 : i32
          %dma_start3A_276 = tpu.memref_slice %arg9[%mul3A_274, %dma_start3A_275] : memref<1280x16xf32, #tpu.memory_space<vmem>> -> memref<16x16xf32, #tpu.memory_space<vmem>>
          %dma_start3A_277 = arith.constant 0 : i32
          %dma_start3A_278 = arith.constant 0 : i32
          %dma_start3A_279 = tpu.memref_slice %arg3[%dma_start3A_277, %dma_start3A_278] : memref<2000000x16xf32, #tpu.memory_space<hbm>> -> memref<2000000x16xf32, #tpu.memory_space<hbm>>
          tpu.enqueue_indirect_dma source(%dma_start3A_279 : memref<2000000x16xf32, #tpu.memory_space<hbm>>) target(%dma_start3A_276 : memref<16x16xf32, #tpu.memory_space<vmem>>) offsets(%add3A_272 : vector<16xi32>) semaphore(%arg13 : memref<!tpu.dma_semaphore, #tpu.memory_space<semaphore_mem>>)
          %scan3A_280 = arith.constant 5 : i32
          %scan3A_281 = arith.addi %scan3A_177, %scan3A_280 : i32
          %mul3A_282 = arith.constant 640 : i32
          %mul3A_283 = arith.muli %add3A_170, %mul3A_282 : i32
          %mul3A_284 = arith.constant 8 : i32
          %mul3A_285 = arith.muli %scan3A_281, %mul3A_284 : i32
          %add3A_286 = arith.addi %mul3A_283, %mul3A_285 : i32
          %add3A_287 = vector.broadcast %add3A_286 : i32 to vector<16xi32>
          %add3A_288 = arith.addi %add3A_287, %shift_right_logical3A_4 : vector<16xi32>
          %gather3A_289 = tpu.vector_load_idx %arg5[%add3A_288] : memref<25600xi32, #tpu.memory_space<vmem>>[vector<16xi32>], vector<16xi32>,
          %mul3A_290 = arith.constant 2 : i32
          %mul3A_291 = vector.broadcast %mul3A_290 : i32 to vector<16xi32>
          %mul3A_292 = arith.muli %gather3A_289, %mul3A_291 : vector<16xi32>
          %add3A_293 = arith.addi %mul3A_292, %and3A_6 : vector<16xi32>
          %mul3A_294 = arith.constant 16 : i32
          %mul3A_295 = arith.muli %scan3A_281, %mul3A_294 : i32
          %dma_start3A_296 = arith.constant 0 : i32
          %dma_start3A_297 = tpu.memref_slice %arg9[%mul3A_295, %dma_start3A_296] : memref<1280x16xf32, #tpu.memory_space<vmem>> -> memref<16x16xf32, #tpu.memory_space<vmem>>
          %dma_start3A_298 = arith.constant 0 : i32
          %dma_start3A_299 = arith.constant 0 : i32
          %dma_start3A_300 = tpu.memref_slice %arg3[%dma_start3A_298, %dma_start3A_299] : memref<2000000x16xf32, #tpu.memory_space<hbm>> -> memref<2000000x16xf32, #tpu.memory_space<hbm>>
          tpu.enqueue_indirect_dma source(%dma_start3A_300 : memref<2000000x16xf32, #tpu.memory_space<hbm>>) target(%dma_start3A_297 : memref<16x16xf32, #tpu.memory_space<vmem>>) offsets(%add3A_293 : vector<16xi32>) semaphore(%arg13 : memref<!tpu.dma_semaphore, #tpu.memory_space<semaphore_mem>>)
          %scan3A_301 = arith.constant 6 : i32
          %scan3A_302 = arith.addi %scan3A_177, %scan3A_301 : i32
          %mul3A_303 = arith.constant 640 : i32
          %mul3A_304 = arith.muli %add3A_170, %mul3A_303 : i32
          %mul3A_305 = arith.constant 8 : i32
          %mul3A_306 = arith.muli %scan3A_302, %mul3A_305 : i32
          %add3A_307 = arith.addi %mul3A_304, %mul3A_306 : i32
          %add3A_308 = vector.broadcast %add3A_307 : i32 to vector<16xi32>
          %add3A_309 = arith.addi %add3A_308, %shift_right_logical3A_4 : vector<16xi32>
          %gather3A_310 = tpu.vector_load_idx %arg5[%add3A_309] : memref<25600xi32, #tpu.memory_space<vmem>>[vector<16xi32>], vector<16xi32>,
          %mul3A_311 = arith.constant 2 : i32
          %mul3A_312 = vector.broadcast %mul3A_311 : i32 to vector<16xi32>
          %mul3A_313 = arith.muli %gather3A_310, %mul3A_312 : vector<16xi32>
          %add3A_314 = arith.addi %mul3A_313, %and3A_6 : vector<16xi32>
          %mul3A_315 = arith.constant 16 : i32
          %mul3A_316 = arith.muli %scan3A_302, %mul3A_315 : i32
          %dma_start3A_317 = arith.constant 0 : i32
          %dma_start3A_318 = tpu.memref_slice %arg9[%mul3A_316, %dma_start3A_317] : memref<1280x16xf32, #tpu.memory_space<vmem>> -> memref<16x16xf32, #tpu.memory_space<vmem>>
          %dma_start3A_319 = arith.constant 0 : i32
          %dma_start3A_320 = arith.constant 0 : i32
          %dma_start3A_321 = tpu.memref_slice %arg3[%dma_start3A_319, %dma_start3A_320] : memref<2000000x16xf32, #tpu.memory_space<hbm>> -> memref<2000000x16xf32, #tpu.memory_space<hbm>>
          tpu.enqueue_indirect_dma source(%dma_start3A_321 : memref<2000000x16xf32, #tpu.memory_space<hbm>>) target(%dma_start3A_318 : memref<16x16xf32, #tpu.memory_space<vmem>>) offsets(%add3A_314 : vector<16xi32>) semaphore(%arg13 : memref<!tpu.dma_semaphore, #tpu.memory_space<semaphore_mem>>)
          %scan3A_322 = arith.constant 7 : i32
          %scan3A_323 = arith.addi %scan3A_177, %scan3A_322 : i32
          %mul3A_324 = arith.constant 640 : i32
          %mul3A_325 = arith.muli %add3A_170, %mul3A_324 : i32
          %mul3A_326 = arith.constant 8 : i32
          %mul3A_327 = arith.muli %scan3A_323, %mul3A_326 : i32
          %add3A_328 = arith.addi %mul3A_325, %mul3A_327 : i32
          %add3A_329 = vector.broadcast %add3A_328 : i32 to vector<16xi32>
          %add3A_330 = arith.addi %add3A_329, %shift_right_logical3A_4 : vector<16xi32>
          %gather3A_331 = tpu.vector_load_idx %arg5[%add3A_330] : memref<25600xi32, #tpu.memory_space<vmem>>[vector<16xi32>], vector<16xi32>,
          %mul3A_332 = arith.constant 2 : i32
          %mul3A_333 = vector.broadcast %mul3A_332 : i32 to vector<16xi32>
          %mul3A_334 = arith.muli %gather3A_331, %mul3A_333 : vector<16xi32>
          %add3A_335 = arith.addi %mul3A_334, %and3A_6 : vector<16xi32>
          %mul3A_336 = arith.constant 16 : i32
          %mul3A_337 = arith.muli %scan3A_323, %mul3A_336 : i32
          %dma_start3A_338 = arith.constant 0 : i32
          %dma_start3A_339 = tpu.memref_slice %arg9[%mul3A_337, %dma_start3A_338] : memref<1280x16xf32, #tpu.memory_space<vmem>> -> memref<16x16xf32, #tpu.memory_space<vmem>>
          %dma_start3A_340 = arith.constant 0 : i32
          %dma_start3A_341 = arith.constant 0 : i32
          %dma_start3A_342 = tpu.memref_slice %arg3[%dma_start3A_340, %dma_start3A_341] : memref<2000000x16xf32, #tpu.memory_space<hbm>> -> memref<2000000x16xf32, #tpu.memory_space<hbm>>
          tpu.enqueue_indirect_dma source(%dma_start3A_342 : memref<2000000x16xf32, #tpu.memory_space<hbm>>) target(%dma_start3A_339 : memref<16x16xf32, #tpu.memory_space<vmem>>) offsets(%add3A_335 : vector<16xi32>) semaphore(%arg13 : memref<!tpu.dma_semaphore, #tpu.memory_space<semaphore_mem>>)
          %scan3A_343 = arith.constant 8 : i32
          %scan3A_344 = arith.addi %scan3A_177, %scan3A_343 : i32
          %mul3A_345 = arith.constant 640 : i32
          %mul3A_346 = arith.muli %add3A_170, %mul3A_345 : i32
          %mul3A_347 = arith.constant 8 : i32
          %mul3A_348 = arith.muli %scan3A_344, %mul3A_347 : i32
          %add3A_349 = arith.addi %mul3A_346, %mul3A_348 : i32
          %add3A_350 = vector.broadcast %add3A_349 : i32 to vector<16xi32>
          %add3A_351 = arith.addi %add3A_350, %shift_right_logical3A_4 : vector<16xi32>
          %gather3A_352 = tpu.vector_load_idx %arg5[%add3A_351] : memref<25600xi32, #tpu.memory_space<vmem>>[vector<16xi32>], vector<16xi32>,
          %mul3A_353 = arith.constant 2 : i32
          %mul3A_354 = vector.broadcast %mul3A_353 : i32 to vector<16xi32>
          %mul3A_355 = arith.muli %gather3A_352, %mul3A_354 : vector<16xi32>
          %add3A_356 = arith.addi %mul3A_355, %and3A_6 : vector<16xi32>
          %mul3A_357 = arith.constant 16 : i32
          %mul3A_358 = arith.muli %scan3A_344, %mul3A_357 : i32
          %dma_start3A_359 = arith.constant 0 : i32
          %dma_start3A_360 = tpu.memref_slice %arg9[%mul3A_358, %dma_start3A_359] : memref<1280x16xf32, #tpu.memory_space<vmem>> -> memref<16x16xf32, #tpu.memory_space<vmem>>
          %dma_start3A_361 = arith.constant 0 : i32
          %dma_start3A_362 = arith.constant 0 : i32
          %dma_start3A_363 = tpu.memref_slice %arg3[%dma_start3A_361, %dma_start3A_362] : memref<2000000x16xf32, #tpu.memory_space<hbm>> -> memref<2000000x16xf32, #tpu.memory_space<hbm>>
          tpu.enqueue_indirect_dma source(%dma_start3A_363 : memref<2000000x16xf32, #tpu.memory_space<hbm>>) target(%dma_start3A_360 : memref<16x16xf32, #tpu.memory_space<vmem>>) offsets(%add3A_356 : vector<16xi32>) semaphore(%arg13 : memref<!tpu.dma_semaphore, #tpu.memory_space<semaphore_mem>>)
          %scan3A_364 = arith.constant 9 : i32
          %scan3A_365 = arith.addi %scan3A_177, %scan3A_364 : i32
          %mul3A_366 = arith.constant 640 : i32
          %mul3A_367 = arith.muli %add3A_170, %mul3A_366 : i32
          %mul3A_368 = arith.constant 8 : i32
          %mul3A_369 = arith.muli %scan3A_365, %mul3A_368 : i32
          %add3A_370 = arith.addi %mul3A_367, %mul3A_369 : i32
          %add3A_371 = vector.broadcast %add3A_370 : i32 to vector<16xi32>
          %add3A_372 = arith.addi %add3A_371, %shift_right_logical3A_4 : vector<16xi32>
          %gather3A_373 = tpu.vector_load_idx %arg5[%add3A_372] : memref<25600xi32, #tpu.memory_space<vmem>>[vector<16xi32>], vector<16xi32>,
          %mul3A_374 = arith.constant 2 : i32
          %mul3A_375 = vector.broadcast %mul3A_374 : i32 to vector<16xi32>
          %mul3A_376 = arith.muli %gather3A_373, %mul3A_375 : vector<16xi32>
          %add3A_377 = arith.addi %mul3A_376, %and3A_6 : vector<16xi32>
          %mul3A_378 = arith.constant 16 : i32
          %mul3A_379 = arith.muli %scan3A_365, %mul3A_378 : i32
          %dma_start3A_380 = arith.constant 0 : i32
          %dma_start3A_381 = tpu.memref_slice %arg9[%mul3A_379, %dma_start3A_380] : memref<1280x16xf32, #tpu.memory_space<vmem>> -> memref<16x16xf32, #tpu.memory_space<vmem>>
          %dma_start3A_382 = arith.constant 0 : i32
          %dma_start3A_383 = arith.constant 0 : i32
          %dma_start3A_384 = tpu.memref_slice %arg3[%dma_start3A_382, %dma_start3A_383] : memref<2000000x16xf32, #tpu.memory_space<hbm>> -> memref<2000000x16xf32, #tpu.memory_space<hbm>>
          tpu.enqueue_indirect_dma source(%dma_start3A_384 : memref<2000000x16xf32, #tpu.memory_space<hbm>>) target(%dma_start3A_381 : memref<16x16xf32, #tpu.memory_space<vmem>>) offsets(%add3A_377 : vector<16xi32>) semaphore(%arg13 : memref<!tpu.dma_semaphore, #tpu.memory_space<semaphore_mem>>)
          %scan3A_385 = arith.constant 10 : i32
          %scan3A_386 = arith.addi %scan3A_177, %scan3A_385 : i32
          %mul3A_387 = arith.constant 640 : i32
          %mul3A_388 = arith.muli %add3A_170, %mul3A_387 : i32
          %mul3A_389 = arith.constant 8 : i32
          %mul3A_390 = arith.muli %scan3A_386, %mul3A_389 : i32
          %add3A_391 = arith.addi %mul3A_388, %mul3A_390 : i32
          %add3A_392 = vector.broadcast %add3A_391 : i32 to vector<16xi32>
          %add3A_393 = arith.addi %add3A_392, %shift_right_logical3A_4 : vector<16xi32>
          %gather3A_394 = tpu.vector_load_idx %arg5[%add3A_393] : memref<25600xi32, #tpu.memory_space<vmem>>[vector<16xi32>], vector<16xi32>,
          %mul3A_395 = arith.constant 2 : i32
          %mul3A_396 = vector.broadcast %mul3A_395 : i32 to vector<16xi32>
          %mul3A_397 = arith.muli %gather3A_394, %mul3A_396 : vector<16xi32>
          %add3A_398 = arith.addi %mul3A_397, %and3A_6 : vector<16xi32>
          %mul3A_399 = arith.constant 16 : i32
          %mul3A_400 = arith.muli %scan3A_386, %mul3A_399 : i32
          %dma_start3A_401 = arith.constant 0 : i32
          %dma_start3A_402 = tpu.memref_slice %arg9[%mul3A_400, %dma_start3A_401] : memref<1280x16xf32, #tpu.memory_space<vmem>> -> memref<16x16xf32, #tpu.memory_space<vmem>>
          %dma_start3A_403 = arith.constant 0 : i32
          %dma_start3A_404 = arith.constant 0 : i32
          %dma_start3A_405 = tpu.memref_slice %arg3[%dma_start3A_403, %dma_start3A_404] : memref<2000000x16xf32, #tpu.memory_space<hbm>> -> memref<2000000x16xf32, #tpu.memory_space<hbm>>
          tpu.enqueue_indirect_dma source(%dma_start3A_405 : memref<2000000x16xf32, #tpu.memory_space<hbm>>) target(%dma_start3A_402 : memref<16x16xf32, #tpu.memory_space<vmem>>) offsets(%add3A_398 : vector<16xi32>) semaphore(%arg13 : memref<!tpu.dma_semaphore, #tpu.memory_space<semaphore_mem>>)
          %scan3A_406 = arith.constant 11 : i32
          %scan3A_407 = arith.addi %scan3A_177, %scan3A_406 : i32
          %mul3A_408 = arith.constant 640 : i32
          %mul3A_409 = arith.muli %add3A_170, %mul3A_408 : i32
          %mul3A_410 = arith.constant 8 : i32
          %mul3A_411 = arith.muli %scan3A_407, %mul3A_410 : i32
          %add3A_412 = arith.addi %mul3A_409, %mul3A_411 : i32
          %add3A_413 = vector.broadcast %add3A_412 : i32 to vector<16xi32>
          %add3A_414 = arith.addi %add3A_413, %shift_right_logical3A_4 : vector<16xi32>
          %gather3A_415 = tpu.vector_load_idx %arg5[%add3A_414] : memref<25600xi32, #tpu.memory_space<vmem>>[vector<16xi32>], vector<16xi32>,
          %mul3A_416 = arith.constant 2 : i32
          %mul3A_417 = vector.broadcast %mul3A_416 : i32 to vector<16xi32>
          %mul3A_418 = arith.muli %gather3A_415, %mul3A_417 : vector<16xi32>
          %add3A_419 = arith.addi %mul3A_418, %and3A_6 : vector<16xi32>
          %mul3A_420 = arith.constant 16 : i32
          %mul3A_421 = arith.muli %scan3A_407, %mul3A_420 : i32
          %dma_start3A_422 = arith.constant 0 : i32
          %dma_start3A_423 = tpu.memref_slice %arg9[%mul3A_421, %dma_start3A_422] : memref<1280x16xf32, #tpu.memory_space<vmem>> -> memref<16x16xf32, #tpu.memory_space<vmem>>
          %dma_start3A_424 = arith.constant 0 : i32
          %dma_start3A_425 = arith.constant 0 : i32
          %dma_start3A_426 = tpu.memref_slice %arg3[%dma_start3A_424, %dma_start3A_425] : memref<2000000x16xf32, #tpu.memory_space<hbm>> -> memref<2000000x16xf32, #tpu.memory_space<hbm>>
          tpu.enqueue_indirect_dma source(%dma_start3A_426 : memref<2000000x16xf32, #tpu.memory_space<hbm>>) target(%dma_start3A_423 : memref<16x16xf32, #tpu.memory_space<vmem>>) offsets(%add3A_419 : vector<16xi32>) semaphore(%arg13 : memref<!tpu.dma_semaphore, #tpu.memory_space<semaphore_mem>>)
          %scan3A_427 = arith.constant 12 : i32
          %scan3A_428 = arith.addi %scan3A_177, %scan3A_427 : i32
          %mul3A_429 = arith.constant 640 : i32
          %mul3A_430 = arith.muli %add3A_170, %mul3A_429 : i32
          %mul3A_431 = arith.constant 8 : i32
          %mul3A_432 = arith.muli %scan3A_428, %mul3A_431 : i32
          %add3A_433 = arith.addi %mul3A_430, %mul3A_432 : i32
          %add3A_434 = vector.broadcast %add3A_433 : i32 to vector<16xi32>
          %add3A_435 = arith.addi %add3A_434, %shift_right_logical3A_4 : vector<16xi32>
          %gather3A_436 = tpu.vector_load_idx %arg5[%add3A_435] : memref<25600xi32, #tpu.memory_space<vmem>>[vector<16xi32>], vector<16xi32>,
          %mul3A_437 = arith.constant 2 : i32
          %mul3A_438 = vector.broadcast %mul3A_437 : i32 to vector<16xi32>
          %mul3A_439 = arith.muli %gather3A_436, %mul3A_438 : vector<16xi32>
          %add3A_440 = arith.addi %mul3A_439, %and3A_6 : vector<16xi32>
          %mul3A_441 = arith.constant 16 : i32
          %mul3A_442 = arith.muli %scan3A_428, %mul3A_441 : i32
          %dma_start3A_443 = arith.constant 0 : i32
          %dma_start3A_444 = tpu.memref_slice %arg9[%mul3A_442, %dma_start3A_443] : memref<1280x16xf32, #tpu.memory_space<vmem>> -> memref<16x16xf32, #tpu.memory_space<vmem>>
          %dma_start3A_445 = arith.constant 0 : i32
          %dma_start3A_446 = arith.constant 0 : i32
          %dma_start3A_447 = tpu.memref_slice %arg3[%dma_start3A_445, %dma_start3A_446] : memref<2000000x16xf32, #tpu.memory_space<hbm>> -> memref<2000000x16xf32, #tpu.memory_space<hbm>>
          tpu.enqueue_indirect_dma source(%dma_start3A_447 : memref<2000000x16xf32, #tpu.memory_space<hbm>>) target(%dma_start3A_444 : memref<16x16xf32, #tpu.memory_space<vmem>>) offsets(%add3A_440 : vector<16xi32>) semaphore(%arg13 : memref<!tpu.dma_semaphore, #tpu.memory_space<semaphore_mem>>)
          %scan3A_448 = arith.constant 13 : i32
          %scan3A_449 = arith.addi %scan3A_177, %scan3A_448 : i32
          %mul3A_450 = arith.constant 640 : i32
          %mul3A_451 = arith.muli %add3A_170, %mul3A_450 : i32
          %mul3A_452 = arith.constant 8 : i32
          %mul3A_453 = arith.muli %scan3A_449, %mul3A_452 : i32
          %add3A_454 = arith.addi %mul3A_451, %mul3A_453 : i32
          %add3A_455 = vector.broadcast %add3A_454 : i32 to vector<16xi32>
          %add3A_456 = arith.addi %add3A_455, %shift_right_logical3A_4 : vector<16xi32>
          %gather3A_457 = tpu.vector_load_idx %arg5[%add3A_456] : memref<25600xi32, #tpu.memory_space<vmem>>[vector<16xi32>], vector<16xi32>,
          %mul3A_458 = arith.constant 2 : i32
          %mul3A_459 = vector.broadcast %mul3A_458 : i32 to vector<16xi32>
          %mul3A_460 = arith.muli %gather3A_457, %mul3A_459 : vector<16xi32>
          %add3A_461 = arith.addi %mul3A_460, %and3A_6 : vector<16xi32>
          %mul3A_462 = arith.constant 16 : i32
          %mul3A_463 = arith.muli %scan3A_449, %mul3A_462 : i32
          %dma_start3A_464 = arith.constant 0 : i32
          %dma_start3A_465 = tpu.memref_slice %arg9[%mul3A_463, %dma_start3A_464] : memref<1280x16xf32, #tpu.memory_space<vmem>> -> memref<16x16xf32, #tpu.memory_space<vmem>>
          %dma_start3A_466 = arith.constant 0 : i32
          %dma_start3A_467 = arith.constant 0 : i32
          %dma_start3A_468 = tpu.memref_slice %arg3[%dma_start3A_466, %dma_start3A_467] : memref<2000000x16xf32, #tpu.memory_space<hbm>> -> memref<2000000x16xf32, #tpu.memory_space<hbm>>
          tpu.enqueue_indirect_dma source(%dma_start3A_468 : memref<2000000x16xf32, #tpu.memory_space<hbm>>) target(%dma_start3A_465 : memref<16x16xf32, #tpu.memory_space<vmem>>) offsets(%add3A_461 : vector<16xi32>) semaphore(%arg13 : memref<!tpu.dma_semaphore, #tpu.memory_space<semaphore_mem>>)
          %scan3A_469 = arith.constant 14 : i32
          %scan3A_470 = arith.addi %scan3A_177, %scan3A_469 : i32
          %mul3A_471 = arith.constant 640 : i32
          %mul3A_472 = arith.muli %add3A_170, %mul3A_471 : i32
          %mul3A_473 = arith.constant 8 : i32
          %mul3A_474 = arith.muli %scan3A_470, %mul3A_473 : i32
          %add3A_475 = arith.addi %mul3A_472, %mul3A_474 : i32
          %add3A_476 = vector.broadcast %add3A_475 : i32 to vector<16xi32>
          %add3A_477 = arith.addi %add3A_476, %shift_right_logical3A_4 : vector<16xi32>
          %gather3A_478 = tpu.vector_load_idx %arg5[%add3A_477] : memref<25600xi32, #tpu.memory_space<vmem>>[vector<16xi32>], vector<16xi32>,
          %mul3A_479 = arith.constant 2 : i32
          %mul3A_480 = vector.broadcast %mul3A_479 : i32 to vector<16xi32>
          %mul3A_481 = arith.muli %gather3A_478, %mul3A_480 : vector<16xi32>
          %add3A_482 = arith.addi %mul3A_481, %and3A_6 : vector<16xi32>
          %mul3A_483 = arith.constant 16 : i32
          %mul3A_484 = arith.muli %scan3A_470, %mul3A_483 : i32
          %dma_start3A_485 = arith.constant 0 : i32
          %dma_start3A_486 = tpu.memref_slice %arg9[%mul3A_484, %dma_start3A_485] : memref<1280x16xf32, #tpu.memory_space<vmem>> -> memref<16x16xf32, #tpu.memory_space<vmem>>
          %dma_start3A_487 = arith.constant 0 : i32
          %dma_start3A_488 = arith.constant 0 : i32
          %dma_start3A_489 = tpu.memref_slice %arg3[%dma_start3A_487, %dma_start3A_488] : memref<2000000x16xf32, #tpu.memory_space<hbm>> -> memref<2000000x16xf32, #tpu.memory_space<hbm>>
          tpu.enqueue_indirect_dma source(%dma_start3A_489 : memref<2000000x16xf32, #tpu.memory_space<hbm>>) target(%dma_start3A_486 : memref<16x16xf32, #tpu.memory_space<vmem>>) offsets(%add3A_482 : vector<16xi32>) semaphore(%arg13 : memref<!tpu.dma_semaphore, #tpu.memory_space<semaphore_mem>>)
          %scan3A_490 = arith.constant 15 : i32
          %scan3A_491 = arith.addi %scan3A_177, %scan3A_490 : i32
          %mul3A_492 = arith.constant 640 : i32
          %mul3A_493 = arith.muli %add3A_170, %mul3A_492 : i32
          %mul3A_494 = arith.constant 8 : i32
          %mul3A_495 = arith.muli %scan3A_491, %mul3A_494 : i32
          %add3A_496 = arith.addi %mul3A_493, %mul3A_495 : i32
          %add3A_497 = vector.broadcast %add3A_496 : i32 to vector<16xi32>
          %add3A_498 = arith.addi %add3A_497, %shift_right_logical3A_4 : vector<16xi32>
          %gather3A_499 = tpu.vector_load_idx %arg5[%add3A_498] : memref<25600xi32, #tpu.memory_space<vmem>>[vector<16xi32>], vector<16xi32>,
          %mul3A_500 = arith.constant 2 : i32
          %mul3A_501 = vector.broadcast %mul3A_500 : i32 to vector<16xi32>
          %mul3A_502 = arith.muli %gather3A_499, %mul3A_501 : vector<16xi32>
          %add3A_503 = arith.addi %mul3A_502, %and3A_6 : vector<16xi32>
          %mul3A_504 = arith.constant 16 : i32
          %mul3A_505 = arith.muli %scan3A_491, %mul3A_504 : i32
          %dma_start3A_506 = arith.constant 0 : i32
          %dma_start3A_507 = tpu.memref_slice %arg9[%mul3A_505, %dma_start3A_506] : memref<1280x16xf32, #tpu.memory_space<vmem>> -> memref<16x16xf32, #tpu.memory_space<vmem>>
          %dma_start3A_508 = arith.constant 0 : i32
          %dma_start3A_509 = arith.constant 0 : i32
          %dma_start3A_510 = tpu.memref_slice %arg3[%dma_start3A_508, %dma_start3A_509] : memref<2000000x16xf32, #tpu.memory_space<hbm>> -> memref<2000000x16xf32, #tpu.memory_space<hbm>>
          tpu.enqueue_indirect_dma source(%dma_start3A_510 : memref<2000000x16xf32, #tpu.memory_space<hbm>>) target(%dma_start3A_507 : memref<16x16xf32, #tpu.memory_space<vmem>>) offsets(%add3A_503 : vector<16xi32>) semaphore(%arg13 : memref<!tpu.dma_semaphore, #tpu.memory_space<semaphore_mem>>)
        }
        %scan3A_176 = arith.constant 80 : i32
      } else {
      }
    }
    %scan3A_35 = arith.constant 10 : i32
    %add3A_36 = arith.constant 23040 : i32
    %add3A_37 = arith.addi %mul3A_2, %add3A_36 : i32
    %mul3A_38 = arith.constant 2 : i32
    %mul3A_39 = arith.muli %add3A_37, %mul3A_38 : i32
    %dma_wait3A = arith.constant 0 : i32
    %dma_wait3A_40 = tpu.memref_slice %arg4[%mul3A_39, %dma_wait3A] : memref<1638400x16xf32, #tpu.memory_space<hbm>> -> memref<1280x16xf32, #tpu.memory_space<hbm>>
    %dma_wait3A_41 = arith.constant 0 : i32
    %dma_wait3A_42 = tpu.memref_slice %arg4[%mul3A_39, %dma_wait3A_41] : memref<1638400x16xf32, #tpu.memory_space<hbm>> -> memref<1280x16xf32, #tpu.memory_space<hbm>>
    tpu.wait_dma2 semaphore(%arg14 : memref<!tpu.dma_semaphore, #tpu.memory_space<semaphore_mem>>) src(%arg6 : memref<1280x16xf32, #tpu.memory_space<vmem>>) dst(%dma_wait3A_42 : memref<1280x16xf32, #tpu.memory_space<hbm>>)
    %add3A_43 = arith.constant 23680 : i32
    %add3A_44 = arith.addi %mul3A_2, %add3A_43 : i32
    %mul3A_45 = arith.constant 2 : i32
    %mul3A_46 = arith.muli %add3A_44, %mul3A_45 : i32
    %dma_wait3A_47 = arith.constant 0 : i32
    %dma_wait3A_48 = tpu.memref_slice %arg4[%mul3A_46, %dma_wait3A_47] : memref<1638400x16xf32, #tpu.memory_space<hbm>> -> memref<1280x16xf32, #tpu.memory_space<hbm>>
    %dma_wait3A_49 = arith.constant 0 : i32
    %dma_wait3A_50 = tpu.memref_slice %arg4[%mul3A_46, %dma_wait3A_49] : memref<1638400x16xf32, #tpu.memory_space<hbm>> -> memref<1280x16xf32, #tpu.memory_space<hbm>>
    tpu.wait_dma2 semaphore(%arg15 : memref<!tpu.dma_semaphore, #tpu.memory_space<semaphore_mem>>) src(%arg7 : memref<1280x16xf32, #tpu.memory_space<vmem>>) dst(%dma_wait3A_50 : memref<1280x16xf32, #tpu.memory_space<hbm>>)
    %add3A_51 = arith.constant 24320 : i32
    %add3A_52 = arith.addi %mul3A_2, %add3A_51 : i32
    %mul3A_53 = arith.constant 2 : i32
    %mul3A_54 = arith.muli %add3A_52, %mul3A_53 : i32
    %dma_wait3A_55 = arith.constant 0 : i32
    %dma_wait3A_56 = tpu.memref_slice %arg4[%mul3A_54, %dma_wait3A_55] : memref<1638400x16xf32, #tpu.memory_space<hbm>> -> memref<1280x16xf32, #tpu.memory_space<hbm>>
    %dma_wait3A_57 = arith.constant 0 : i32
    %dma_wait3A_58 = tpu.memref_slice %arg4[%mul3A_54, %dma_wait3A_57] : memref<1638400x16xf32, #tpu.memory_space<hbm>> -> memref<1280x16xf32, #tpu.memory_space<hbm>>
    tpu.wait_dma2 semaphore(%arg16 : memref<!tpu.dma_semaphore, #tpu.memory_space<semaphore_mem>>) src(%arg8 : memref<1280x16xf32, #tpu.memory_space<vmem>>) dst(%dma_wait3A_58 : memref<1280x16xf32, #tpu.memory_space<hbm>>)
    %add3A_59 = arith.constant 24960 : i32
    %add3A_60 = arith.addi %mul3A_2, %add3A_59 : i32
    %mul3A_61 = arith.constant 2 : i32
    %mul3A_62 = arith.muli %add3A_60, %mul3A_61 : i32
    %dma_wait3A_63 = arith.constant 0 : i32
    %dma_wait3A_64 = tpu.memref_slice %arg4[%mul3A_62, %dma_wait3A_63] : memref<1638400x16xf32, #tpu.memory_space<hbm>> -> memref<1280x16xf32, #tpu.memory_space<hbm>>
    %dma_wait3A_65 = arith.constant 0 : i32
    %dma_wait3A_66 = tpu.memref_slice %arg4[%mul3A_62, %dma_wait3A_65] : memref<1638400x16xf32, #tpu.memory_space<hbm>> -> memref<1280x16xf32, #tpu.memory_space<hbm>>
    tpu.wait_dma2 semaphore(%arg17 : memref<!tpu.dma_semaphore, #tpu.memory_space<semaphore_mem>>) src(%arg9 : memref<1280x16xf32, #tpu.memory_space<vmem>>) dst(%dma_wait3A_66 : memref<1280x16xf32, #tpu.memory_space<hbm>>)
    return
  }
}

</mosaic_0001>

<sc_bundles>
// kernel: _sc_gather.3.cloned.1.call-start
scs
__scs_entry_jumppad:
0x0: {  	(pc) =	sbr.rel $0x88, $3  }
0x1: {  	(tag) =	ssettag $0x0;
	lr =	simm.s32 $0x1  }
0x2: {  	[smem:$0x3F9F] =	sst lr;
	_ =	strace $0xD0000000  }
0x3: {  	_ = 	snop  }
0x4: {  	_ = 	snop  }
0x5: {  	_ = 	snop  }
0x6: {  	_ = 	snop  }
0x7: {  	_ = 	snop  }
__scs_overlays_trampoline_lowered:
0x8: {  	[smem:$0x3FAE] =	sst s0  }
0x9: {  	[smem:$0x3FAF] =	sst s1  }
0xa: {  	[smem:$0x3FB0] =	sst s2  }
0xb: {  	[smem:$0x3FB1] =	sst s3  }
0xc: {  	[smem:$0x3FB2] =	sst s4  }
0xd: {  	[smem:$0x3FB3] =	sst s5  }
0xe: {  	[smem:$0x3FB4] =	sst s6  }
0xf: {  	[smem:$0x3FB5] =	sst s7  }
0x10: {  	[smem:$0x3FB6] =	sst s8  }
0x11: {  	[smem:$0x3FB7] =	sst s9;
	s0 =	simm.s32 @!p0 $0x0  }
0x12: {  	s1 =	sld [smem:$0x3F9D];
	s0 =	simm.s32 @p0 $0x1  }
0x13: {  	[smem:$0x3FB8] =	sst s0;
	s0 =	simm.s32 @!p1 $0x0  }
0x14: {  	s2 =	sld [smem:$0x3F9C];
	s0 =	simm.s32 @p1 $0x1  }
0x15: {  	[smem:$0x3FB9] =	sst s0;
	s0 =	simm.s32 @!p2 $0x0  }
0x16: {  	s3 =	sld [smem:$0x3FDB];
	s0 =	simm.s32 @p2 $0x1  }
0x17: {  	s4 =	simm.s32 $0x1BF5;
	[smem:$0x3FBB] =	sst s0  }
0x18: {  	s0 =	sld [smem:$0x3F9E];
	_ =	swait.ge [sflag:s4], $0x0  }
0x19: {  	s7 =	sld [smem:$0x3F9F]  }
0x1a: {  	s8 =	sadd.s32 $0xFFFFE003, lr  }
0x1b: {  	s9 =	sadd.s32 $0xFFFFFEF7, lr;
	s5 =	simm.s32 $0xFFFFFFFF;
	p2 =	slt.u32 s8, $0xFFFFF086  }
0x1c: {  	p1 =	slt.u32 s9, $0xF7A;
	s5 =	simm.s32 @!p2 $0x0  }
0x1d: {  	s5 =	simm.s32 @p1 $0x1;
	p0 =	seq.s32 s7, s2  }
0x1e: {  	s7 =	smul.u32 @!p0 $0xF7A, s2;
	p2 =	seq.s32 @!p0 s5, $0x0  }
0x1f: {  	s9 =	smul.u32 $0xF7A, s1;
	s8 =	simm.s32 @!p0 $0x1BF5;
	p2 =	por !p2, p0  }
0x20: {  	[sflag:s8] =	ssyncset.s32 @!p0 $0xFFFFF086;
	s6 =	sadd.s32 @!p0 s3, s7;
	s7 =	simm.s32 @!p0 $0x108  }
0x21: {  	s3 =	sadd.s32 s3, s9;
	s6 =	sadd.s32 @!p0 $0x88, s6;
	s7 =	simm.s32 @p2 $0x1082  }
0x22: {  	[simem:s7], [sflag:s8] =	dma.local @!p0 [hbm:s6], $0xF7A  }
0x23: {  	s9 =	sor.u32 $0xD0000000, s2;
	s6 =	simm.s32 $0x108;
	_ =	swait.ge @!p0 [sflag:s8], $0x0  }
0x24: {  	s3 =	sadd.s32 $0x88, s3;
	s6 =	simm.s32 @!p1 $0x1082;
	[sflag:s4] =	ssyncset.s32 $0xFFFFF086  }
0x25: {  	[simem:s6], [sflag:s4] =	dma.local [hbm:s3], $0xF7A  }
0x26: {  	[smem:$0x3F9F] =	sst s1;
	(tag) =	ssettag s2;
	_ =	strace s9  }
0x27: {  	s1 =	sld [smem:$0x3FAF]  }
0x28: {  	s2 =	sld [smem:$0x3FB0]  }
0x29: {  	s4 =	sld [smem:$0x3FB2]  }
0x2a: {  	p0 =	seq.s32 s5, $0x0;
	s5 =	sld [smem:$0x3FB3]  }
0x2b: {  	s6 =	sld [smem:$0x3FB4]  }
0x2c: {  	s7 =	sld [smem:$0x3FB5]  }
0x2d: {  	s3 =	simm.s32 $0x108;
	s8 =	sld [smem:$0x3FB6]  }
0x2e: {  	s3 =	simm.s32 @!p0 $0x1082;
	s9 =	sld [smem:$0x3FB7]  }
0x2f: {  	lr =	sadd.s32 s0, s3;
	s0 =	sld [smem:$0x3FAE]  }
0x30: {  	s3 =	sld [smem:$0x3FB1]  }
0x31: {  	[smem:$0x3FBA] =	sst s10  }
0x32: {  	s10 =	sld [smem:$0x3FB8];
	_ =	sdelay $0x3  }
0x33: {  	p0 =	seq.s32 s10, $0x1;
	s10 =	sld [smem:$0x3FBA];
	_ =	sdelay $0x3  }
0x34: {  	[smem:$0x3FBA] =	sst s10  }
0x35: {  	s10 =	sld [smem:$0x3FB9];
	_ =	sdelay $0x3  }
0x36: {  	p1 =	seq.s32 s10, $0x1;
	s10 =	sld [smem:$0x3FBA];
	_ =	sdelay $0x3  }
0x37: {  	[smem:$0x3FBA] =	sst s10  }
0x38: {  	s10 =	sld [smem:$0x3FBB]  }
0x39: {  	_ = 	snop;
	(pc) =	sbr.ind lr, $3  }
0x3a: {  	_ = 	snop  }
0x3b: {  	_ = 	snop  }
0x3c: {  	p2 =	seq.s32 s10, $0x1;
	s10 =	sld [smem:$0x3FBA]  }
0x3d: {  	_ =	shalt  }
0x3e: {  	_ =	shalt  }
0x3f: {  	_ =	shalt  }
0x40: {  	_ =	shalt  }
0x41: {  	_ =	shalt  }
0x42: {  	_ =	shalt  }
0x43: {  	_ =	shalt  }
0x44: {  	_ =	shalt  }
0x45: {  	_ =	shalt  }
0x46: {  	_ =	shalt  }
0x47: {  	_ =	shalt  }
0x48: {  	_ =	shalt  }
0x49: {  	_ =	shalt  }
0x4a: {  	_ =	shalt  }
0x4b: {  	_ =	shalt  }
0x4c: {  	_ =	shalt  }
0x4d: {  	_ =	shalt  }
0x4e: {  	_ =	shalt  }
0x4f: {  	_ =	shalt  }
0x50: {  	_ =	shalt  }
0x51: {  	_ =	shalt  }
0x52: {  	_ =	shalt  }
0x53: {  	_ =	shalt  }
0x54: {  	_ =	shalt  }
0x55: {  	_ =	shalt  }
0x56: {  	_ =	shalt  }
0x57: {  	_ =	shalt  }
0x58: {  	_ =	shalt  }
0x59: {  	_ =	shalt  }
0x5a: {  	_ =	shalt  }
0x5b: {  	_ =	shalt  }
0x5c: {  	_ =	shalt  }
0x5d: {  	_ =	shalt  }
0x5e: {  	_ =	shalt  }
0x5f: {  	_ =	shalt  }
0x60: {  	_ =	shalt  }
0x61: {  	_ =	shalt  }
0x62: {  	_ =	shalt  }
0x63: {  	_ =	shalt  }
0x64: {  	_ =	shalt  }
0x65: {  	_ =	shalt  }
0x66: {  	_ =	shalt  }
0x67: {  	_ =	shalt  }
0x68: {  	_ =	shalt  }
0x69: {  	_ =	shalt  }
0x6a: {  	_ =	shalt  }
0x6b: {  	_ =	shalt  }
0x6c: {  	_ =	shalt  }
0x6d: {  	_ =	shalt  }
0x6e: {  	_ =	shalt  }
0x6f: {  	_ =	shalt  }
0x70: {  	_ =	shalt  }
0x71: {  	_ =	shalt  }
0x72: {  	_ =	shalt  }
0x73: {  	_ =	shalt  }
0x74: {  	_ =	shalt  }
0x75: {  	_ =	shalt  }
0x76: {  	_ =	shalt  }
0x77: {  	_ =	shalt  }
0x78: {  	_ =	shalt  }
0x79: {  	_ =	shalt  }
0x7a: {  	_ =	shalt  }
0x7b: {  	_ =	shalt  }
0x7c: {  	_ =	shalt  }
0x7d: {  	_ =	shalt  }
0x7e: {  	_ =	shalt  }
0x7f: {  	_ =	shalt  }
0x80: {  	_ =	shalt  }
0x81: {  	_ =	shalt  }
0x82: {  	_ =	shalt  }
0x83: {  	_ =	shalt  }
0x84: {  	_ =	shalt  }
0x85: {  	_ =	shalt  }
0x86: {  	_ =	shalt  }
0x87: {  	_ =	shalt  }
.Lfunc_end0:
.L_simem_size_0:
called_computation.1_lowered:
.L_overlay_start_0:
0x88: {  	s2 =	sld [smem:$0x3FD9]  }
0x89: {  	s3 =	sld [smem:$0x3FFE];
	_ =	sdelay $0x1  }
0x8a: {  	s1 =	srdreg.scid  }
0x8b: {  	s0 =	sand.u32 $0x1, s1  }
0x8c: {  	s17 =	sshll.u32 s0, $0xA;
	s2 =	sadd.s32 s3, s2  }
0x8d: {  	s2 =	sadd.s32 s2, s17  }
0x8e: {  	[smem:$0x3FC6] =	sst s2  }
0x8f: {  	_ = 	snop  }
0x90: {  	s2 =	sld [smem:$0x3FC9]  }
0x91: {  	s18 =	sld [smem:$0x3FD0];
	(tm) =	ssettm $0x1  }
0x92: {  	s4 =	sld [smem:$0x3FFB];
	_ =	sdelay $0x3  }
0x93: {  	_ =	strace s4  }
0x94: {  	s4 =	sld [smem:$0x3FFC];
	_ =	sdelay $0x3  }
0x95: {  	_ =	strace s4  }
0x96: {  	s4 =	sld [smem:$0x3FFD];
	_ =	sdelay $0x3  }
0x97: {  	_ =	strace s4  }
0x98: {  	_ =	strace $0x8FFFFFFF  }
0x99: {  	s19 =	sld [smem:$0x3FDB];
	_ =	sdelay $0x1  }
0x9a: {  	s5 =	simm.s32 $_scs_section_size  }
0x9b: {  	s6 =	simm.s32 $_size__tile_overlayer_lowered;
	s7 =	simm.s32 $_tile_overlayer_lowered  }
0x9c: {  	s22 =	simm.s32 $0x1BFF;
	s21 =	sshll.u32 s7, $0x1;
	s4 =	sadd.s32 s5, s19  }
0x9d: {  	s8 =	simm.s32 $0x0;
	s20 =	sshll.u32 s6, $0x1;
	s6 =	sadd.s32 s21, s4  }
0x9e: {  	[timem:s8], [sflag:s22] =	dma.local [hbm:s6], s20  }
0x9f: {  	_ =	swait.ge [sflag:s22], s20  }
0xa0: {  	s5 =	ssub.s32 $0x0, s20;
	[sflag:s22] =	ssyncset.done $0x0  }
0xa1: {  	[sflag:s22] =	ssyncadd.s32 s5;
	_ =	sdelay $0x1  }
0xa2: {  	s23 =	simm.s32 $0x1B8B  }
0xa3: {  	_ =	swait.ge [sflag:s23], $0x1  }
0xa4: {  	[sflag:s23] =	ssyncset.done $0x0  }
0xa5: {  	s25 =	simm.s32 $0x1B8E;
	s24 =	sld [smem:$0x3FFE];
	[sflag:s23] =	ssyncadd.s32 $0xFFFFFFFF  }
0xa6: {  	s26 =	simm.s32 $execute0_lowered;
	[smem:$0x3FD2] =	sst s25  }
0xa7: {  	s6 =	sshll.u32 s26, $0x1;
	_ =	strace $0x80000046;
	[dreg:$0x1] =	wrdreg $0xFFFFFFFF  }
0xa8: {  	s28 =	simm.s32 $_size_execute0_lowered;
	s4 =	sadd.s32 s4, s6;
	[dreg:$0x0] =	wrdreg $0x0  }
0xa9: {  	s6 =	sshll.u32 s28, $0x1;
	[dreg:$0x2] =	wrdreg s4  }
0xaa: {  	[dreg:$0x3] =	wrdreg s6  }
0xab: {  	[dreg:$0x4] =	wrdreg $0xC0  }
0xac: {  	_ =	task [dreg:s8], $0x5FFFF  }
0xad: {  	[dreg:$0x1] =	wrdreg $0xFFFFFFFF  }
0xae: {  	[dreg:$0x0] =	wrdreg $0x60  }
0xaf: {  	[dreg:$0x2] =	wrdreg s2  }
0xb0: {  	[dreg:$0x3] =	wrdreg s24  }
0xb1: {  	[dreg:$0x4] =	wrdreg s18  }
0xb2: {  	[dreg:$0x5] =	wrdreg $0x9  }
0xb3: {  	_ =	task.clear_ibuf [dreg:s8], $0x6FFFF;
	_ =	strace $0x90000046  }
0xb4: {  	s29 =	simm.s32 $0x9;
	_ =	strace $0x80000048  }
0xb5: {  	_ =	swait.ge [sflag:s29], $0x1  }
0xb6: {  	[sflag:s29] =	ssyncadd.s32 $0xFFFFFFFF  }
0xb7: {  	_ =	strace $0x90000048  }
0xb8: {  	_ =	sfence  }
0xb9: {  	s30 =	sld [smem:$0x0];
	_ =	sdelay $0x2  }
0xba: {  	s31 =	sshll.u32 s1, $0xD;
	s1 =	sshrl.u32 s1, $0x2  }
0xbb: {  	s3 =	sand.u32 $0x4000, s31;
	s1 =	sadd.s32 s1, s30  }
0xbc: {  	s0 =	sor.u32 s3, s0;
	s1 =	sshll.u32 s1, $0x11  }
0xbd: {  	s0 =	sor.u32 s1, s0  }
0xbe: {  	s0 =	sadd.s32 $0x8F2B, s0  }
0xbf: {  	[sflag:s0] =	ssyncadd.remote.s32 $0x1  }
0xc0: {  	_ =	sfence.sel $0xFFFF  }
0xc1: {  	[dreg:$0x0] =	wrdreg $0xFFFFFFFF;
	(pc) =	sbr.abs _section_cstart, $3  }
0xc2: {  	[dreg:$0x1] =	wrdreg $0xFFFFFFFF  }
0xc3: {  	_ =	task.clear_ibuf [dreg:s8], $0x2FFFF;
	_ =	strace $0x9FFFFFFF  }
0xc4: {  	(tm) =	ssettm $0x7FFFFFFF  }
0xc5: {  	_ =	shalt  }
tec
execute0_lowered:
.L_overlay_start_1:
0x0: {  	(tag) =	ssettag $0x1  }
0x1: {  	s0 =	rddreg [dreg:$0x0];
	s1 =	srdreg.scid  }
0x2: {  	s2 =	stileid.u32;
	s5 =	rddreg [dreg:$0x1];
	s11 =	simm.s32 $0x9  }
0x3: {  	s12 =	simm.s32 $0x1;
	s13 =	simm.s32 $0x6400;
	s14 =	simm.s32 $0x2  }
0x4: {  	s15 =	simm.s32 $0xB400;
	s16 =	simm.s32 $0x3;
	s17 =	simm.s32 $0x10400  }
0x5: {  	s18 =	simm.s32 $0x4;
	s19 =	simm.s32 $0x15400;
	s20 =	simm.s32 $0x5  }
0x6: {  	s21 =	simm.s32 $0x6;
	s22 =	simm.s32 $0x7;
	s23 =	simm.s32 $0x8  }
0x7: {  	s24 =	simm.s32 $0x0;
	s1 =	sand.u32 $0x1, s1;
	s3 =	sshll.u32 s2, $0x1  }
0x8: {  	s2 =	rddreg [dreg:$0x2];
	s4 =	sor.u32 s1, s3;
	s1 =	ssub.s32 $0x2, s1  }
0x9: {  	s3 =	simm.s32 $0x0;
	s4 =	smul.u32 $0x6400, s4;
	s6 =	sshrl.u32 s1, $0x1  }
0xa: {  	s5 =	sadd.s32 $0x1E85000, s5;
	[smem:$0x7FF] =	sst s3;
	s1 =	ssub.s32 s1, s6  }
0xb: {  	v0 =	vimm.s32 $0x0;
	vm0 =	vcmask $0x300;
	_ =	strace $0x80000047;
	s7 =	sshrl.u32 s4, $0x3;
	s31 =	smax.u32 s1, $0x1  }
0xc: {  	v2 =	vlaneseq.u32;
	v0 =	vsel vm0, $0x3, v0;
	s8 =	sadd.s32 $0x500, s4;
	s0 =	sadd.s32 s0, s7;
	[dreg:$0x5] =	wrdreg s31  }
0xd: {  	v1 =	vshrl.u32 v2, $0x1;
	vm0 =	vmmov $0xffff;
	v2 =	vand.u32 $0x1, v2;
	s9 =	sadd.s32 $0x780, s4;
	s7 =	sor.u32 $0x280, s4;
	[dreg:$0x4] =	wrdreg s0  }
.LBB2_1:
0xe: {  	s0 =	rddreg [dreg:$0x4]  }
0xf: {  	[tilespmem:s3], [sflag:$0x9] =	stream.linear.gather [hbm4b:s0+s3], $0x6400, $0x38;
	[tilespmem:$0x1A400] =	vst v63  }
0x10: {  	_ =	swait.ge [sflag:s11], $0x6400  }
0x11: {  	s25 =	simm.s32 $0xFFFFFFF0;
	s26 =	simm.s32 $0x7300;
	[sflag:s11] =	ssyncset.done $0x0  }
0x12: {  	s28 =	simm.s32 $0x78;
	s29 =	simm.s32 $0xFFFFFFF0;
	[sflag:s11] =	ssyncadd.s32 $0xFFFF9C00  }
.LBB2_2:
0x13: {  	s0 =	sadd.s32 $0xFFFFFF88, s28  }
0x14: {  	v3 =	vmov s0  }
0x15: {  	v3 =	vshrl.u32 v3, $0x3  }
0x16: {  	v3 =	vshll.u32 v3, v0  }
0x17: {  	v3 =	vbroadcast v3, $0x0;
	_ =	sdelay $0x1  }
0x18: {  	v3 =	vor.u32 v1, v3;
	_ =	sdelay $0x4  }
0x19: {  	v3 =	vld.idx.msk [tilespmem:v3+s3+$0x0], $0xffff  }
0x1a: {  	s6 =	sadd.s32 $0xFFFFFF90, s28  }
0x1b: {  	v4 =	vmov s6  }
0x1c: {  	v4 =	vshrl.u32 v4, $0x3  }
0x1d: {  	v4 =	vshll.u32 v4, v0  }
0x1e: {  	v4 =	vbroadcast v4, $0x0;
	v3 =	vshll.u32 v3, $0x1  }
0x1f: {  	v3 =	vor.u32 v2, v3  }
0x20: {  	v4 =	vor.u32 v1, v4;
	_ =	sdelay $0x2  }
0x21: {  	s10 =	sadd.s32 $0xFFFFF100, s26  }
0x22: {  	[tilespmem:s10], [sflag:$0x1] =	stream.indirect_vreg.gather [hbm4b:s5+s3], $0x10, v3, vm0, $0xb8;
	[tilespmem:$0x1A400] =	vst v63  }
0x23: {  	v3 =	vld.idx.msk [tilespmem:v4+s3+$0x0], $0xffff  }
0x24: {  	s30 =	sadd.s32 $0xFFFFFF98, s28  }
0x25: {  	v50 =	vmov s30  }
0x26: {  	v4 =	vshrl.u32 v50, $0x3  }
0x27: {  	v4 =	vshll.u32 v4, v0  }
0x28: {  	v4 =	vbroadcast v4, $0x0;
	v3 =	vshll.u32 v3, $0x1  }
0x29: {  	v3 =	vor.u32 v2, v3  }
0x2a: {  	v4 =	vor.u32 v1, v4;
	_ =	sdelay $0x2  }
0x2b: {  	s31 =	sadd.s32 $0xFFFFF200, s26  }
0x2c: {  	[tilespmem:s31], [sflag:$0x1] =	stream.indirect_vreg.gather [hbm4b:s5+s3], $0x10, v3, vm0, $0xb8;
	[tilespmem:$0x1A400] =	vst v63  }
0x2d: {  	v3 =	vld.idx.msk [tilespmem:v4+s3+$0x0], $0xffff  }
0x2e: {  	s1 =	sadd.s32 $0xFFFFFFA0, s28  }
0x2f: {  	v51 =	vmov s1  }
0x30: {  	v4 =	vshrl.u32 v51, $0x3  }
0x31: {  	v4 =	vshll.u32 v4, v0  }
0x32: {  	v4 =	vbroadcast v4, $0x0;
	v3 =	vshll.u32 v3, $0x1  }
0x33: {  	v3 =	vor.u32 v2, v3  }
0x34: {  	v4 =	vor.u32 v1, v4;
	_ =	sdelay $0x2  }
0x35: {  	s6 =	sadd.s32 $0xFFFFF300, s26  }
0x36: {  	[tilespmem:s6], [sflag:$0x1] =	stream.indirect_vreg.gather [hbm4b:s5+s3], $0x10, v3, vm0, $0xb8;
	[tilespmem:$0x1A400] =	vst v63  }
0x37: {  	v3 =	vld.idx.msk [tilespmem:v4+s3+$0x0], $0xffff  }
0x38: {  	s10 =	sadd.s32 $0xFFFFFFA8, s28  }
0x39: {  	v52 =	vmov s10  }
0x3a: {  	v4 =	vshrl.u32 v52, $0x3  }
0x3b: {  	v4 =	vshll.u32 v4, v0  }
0x3c: {  	v4 =	vbroadcast v4, $0x0;
	v3 =	vshll.u32 v3, $0x1  }
0x3d: {  	v3 =	vor.u32 v2, v3  }
0x3e: {  	v4 =	vor.u32 v1, v4;
	_ =	sdelay $0x2  }
0x3f: {  	s30 =	sadd.s32 $0xFFFFF400, s26  }
0x40: {  	[tilespmem:s30], [sflag:$0x1] =	stream.indirect_vreg.gather [hbm4b:s5+s3], $0x10, v3, vm0, $0xb8;
	[tilespmem:$0x1A400] =	vst v63  }
0x41: {  	v3 =	vld.idx.msk [tilespmem:v4+s3+$0x0], $0xffff  }
0x42: {  	s31 =	sadd.s32 $0xFFFFFFB0, s28  }
0x43: {  	v53 =	vmov s31  }
0x44: {  	v4 =	vshrl.u32 v53, $0x3  }
0x45: {  	v4 =	vshll.u32 v4, v0  }
0x46: {  	v4 =	vbroadcast v4, $0x0;
	v3 =	vshll.u32 v3, $0x1  }
0x47: {  	v3 =	vor.u32 v2, v3  }
0x48: {  	v4 =	vor.u32 v1, v4;
	_ =	sdelay $0x2  }
0x49: {  	s1 =	sadd.s32 $0xFFFFF500, s26  }
0x4a: {  	[tilespmem:s1], [sflag:$0x1] =	stream.indirect_vreg.gather [hbm4b:s5+s3], $0x10, v3, vm0, $0xb8;
	[tilespmem:$0x1A400] =	vst v63  }
0x4b: {  	v3 =	vld.idx.msk [tilespmem:v4+s3+$0x0], $0xffff  }
0x4c: {  	s6 =	sadd.s32 $0xFFFFFFB8, s28  }
0x4d: {  	v54 =	vmov s6  }
0x4e: {  	v4 =	vshrl.u32 v54, $0x3  }
0x4f: {  	v4 =	vshll.u32 v4, v0  }
0x50: {  	v4 =	vbroadcast v4, $0x0;
	v3 =	vshll.u32 v3, $0x1  }
0x51: {  	v3 =	vor.u32 v2, v3  }
0x52: {  	v4 =	vor.u32 v1, v4;
	_ =	sdelay $0x2  }
0x53: {  	s10 =	sadd.s32 $0xFFFFF600, s26  }
0x54: {  	[tilespmem:s10], [sflag:$0x1] =	stream.indirect_vreg.gather [hbm4b:s5+s3], $0x10, v3, vm0, $0xb8;
	[tilespmem:$0x1A400] =	vst v63  }
0x55: {  	v3 =	vld.idx.msk [tilespmem:v4+s3+$0x0], $0xffff  }
0x56: {  	s30 =	sadd.s32 $0xFFFFFFC0, s28  }
0x57: {  	v55 =	vmov s30  }
0x58: {  	v4 =	vshrl.u32 v55, $0x3  }
0x59: {  	v4 =	vshll.u32 v4, v0  }
0x5a: {  	v4 =	vbroadcast v4, $0x0;
	v3 =	vshll.u32 v3, $0x1  }
0x5b: {  	v3 =	vor.u32 v2, v3  }
0x5c: {  	v4 =	vor.u32 v1, v4;
	_ =	sdelay $0x2  }
0x5d: {  	s31 =	sadd.s32 $0xFFFFF700, s26  }
0x5e: {  	[tilespmem:s31], [sflag:$0x1] =	stream.indirect_vreg.gather [hbm4b:s5+s3], $0x10, v3, vm0, $0xb8;
	[tilespmem:$0x1A400] =	vst v63  }
0x5f: {  	v3 =	vld.idx.msk [tilespmem:v4+s3+$0x0], $0xffff  }
0x60: {  	s1 =	sadd.s32 $0xFFFFFFC8, s28  }
0x61: {  	v56 =	vmov s1  }
0x62: {  	v4 =	vshrl.u32 v56, $0x3  }
0x63: {  	v4 =	vshll.u32 v4, v0  }
0x64: {  	v4 =	vbroadcast v4, $0x0;
	v3 =	vshll.u32 v3, $0x1  }
0x65: {  	v3 =	vor.u32 v2, v3  }
0x66: {  	v4 =	vor.u32 v1, v4;
	_ =	sdelay $0x2  }
0x67: {  	s6 =	sadd.s32 $0xFFFFF800, s26  }
0x68: {  	[tilespmem:s6], [sflag:$0x1] =	stream.indirect_vreg.gather [hbm4b:s5+s3], $0x10, v3, vm0, $0xb8;
	[tilespmem:$0x1A400] =	vst v63  }
0x69: {  	v3 =	vld.idx.msk [tilespmem:v4+s3+$0x0], $0xffff  }
0x6a: {  	s10 =	sadd.s32 $0xFFFFFFD0, s28  }
0x6b: {  	v57 =	vmov s10  }
0x6c: {  	v4 =	vshrl.u32 v57, $0x3  }
0x6d: {  	v4 =	vshll.u32 v4, v0  }
0x6e: {  	v4 =	vbroadcast v4, $0x0;
	v3 =	vshll.u32 v3, $0x1  }
0x6f: {  	v3 =	vor.u32 v2, v3  }
0x70: {  	v4 =	vor.u32 v1, v4;
	_ =	sdelay $0x2  }
0x71: {  	s30 =	sadd.s32 $0xFFFFF900, s26  }
0x72: {  	[tilespmem:s30], [sflag:$0x1] =	stream.indirect_vreg.gather [hbm4b:s5+s3], $0x10, v3, vm0, $0xb8;
	[tilespmem:$0x1A400] =	vst v63  }
0x73: {  	v3 =	vld.idx.msk [tilespmem:v4+s3+$0x0], $0xffff  }
0x74: {  	s31 =	sadd.s32 $0xFFFFFFD8, s28  }
0x75: {  	v58 =	vmov s31  }
0x76: {  	v4 =	vshrl.u32 v58, $0x3  }
0x77: {  	v4 =	vshll.u32 v4, v0  }
0x78: {  	v4 =	vbroadcast v4, $0x0;
	v3 =	vshll.u32 v3, $0x1  }
0x79: {  	v3 =	vor.u32 v2, v3  }
0x7a: {  	v4 =	vor.u32 v1, v4;
	_ =	sdelay $0x2  }
0x7b: {  	s1 =	sadd.s32 $0xFFFFFA00, s26  }
0x7c: {  	[tilespmem:s1], [sflag:$0x1] =	stream.indirect_vreg.gather [hbm4b:s5+s3], $0x10, v3, vm0, $0xb8;
	[tilespmem:$0x1A400] =	vst v63  }
0x7d: {  	v3 =	vld.idx.msk [tilespmem:v4+s3+$0x0], $0xffff  }
0x7e: {  	s6 =	sadd.s32 $0xFFFFFFE0, s28  }
0x7f: {  	v59 =	vmov s6  }
0x80: {  	v4 =	vshrl.u32 v59, $0x3  }
0x81: {  	v4 =	vshll.u32 v4, v0  }
0x82: {  	v4 =	vbroadcast v4, $0x0;
	v3 =	vshll.u32 v3, $0x1  }
0x83: {  	v3 =	vor.u32 v2, v3  }
0x84: {  	v4 =	vor.u32 v1, v4;
	_ =	sdelay $0x2  }
0x85: {  	s10 =	sadd.s32 $0xFFFFFB00, s26  }
0x86: {  	[tilespmem:s10], [sflag:$0x1] =	stream.indirect_vreg.gather [hbm4b:s5+s3], $0x10, v3, vm0, $0xb8;
	[tilespmem:$0x1A400] =	vst v63  }
0x87: {  	v3 =	vld.idx.msk [tilespmem:v4+s3+$0x0], $0xffff  }
0x88: {  	s30 =	sadd.s32 $0xFFFFFFE8, s28  }
0x89: {  	v60 =	vmov s30  }
0x8a: {  	v4 =	vshrl.u32 v60, $0x3  }
0x8b: {  	v4 =	vshll.u32 v4, v0  }
0x8c: {  	v4 =	vbroadcast v4, $0x0;
	v3 =	vshll.u32 v3, $0x1  }
0x8d: {  	v3 =	vor.u32 v2, v3  }
0x8e: {  	v4 =	vor.u32 v1, v4;
	_ =	sdelay $0x2  }
0x8f: {  	s31 =	sadd.s32 $0xFFFFFC00, s26  }
0x90: {  	[tilespmem:s31], [sflag:$0x1] =	stream.indirect_vreg.gather [hbm4b:s5+s3], $0x10, v3, vm0, $0xb8;
	[tilespmem:$0x1A400] =	vst v63  }
0x91: {  	v3 =	vld.idx.msk [tilespmem:v4+s3+$0x0], $0xffff  }
0x92: {  	s1 =	sadd.s32 $0xFFFFFFF0, s28  }
0x93: {  	v61 =	vmov s1  }
0x94: {  	v4 =	vshrl.u32 v61, $0x3  }
0x95: {  	v4 =	vshll.u32 v4, v0  }
0x96: {  	v4 =	vbroadcast v4, $0x0;
	v3 =	vshll.u32 v3, $0x1  }
0x97: {  	v3 =	vor.u32 v2, v3  }
0x98: {  	v4 =	vor.u32 v1, v4;
	_ =	sdelay $0x2  }
0x99: {  	s6 =	sadd.s32 $0xFFFFFD00, s26  }
0x9a: {  	[tilespmem:s6], [sflag:$0x1] =	stream.indirect_vreg.gather [hbm4b:s5+s3], $0x10, v3, vm0, $0xb8;
	[tilespmem:$0x1A400] =	vst v63  }
0x9b: {  	v3 =	vld.idx.msk [tilespmem:v4+s3+$0x0], $0xffff  }
0x9c: {  	s10 =	sadd.s32 $0xFFFFFFF8, s28  }
0x9d: {  	v62 =	vmov s10  }
0x9e: {  	v4 =	vshrl.u32 v62, $0x3  }
0x9f: {  	v4 =	vshll.u32 v4, v0  }
0xa0: {  	v4 =	vbroadcast v4, $0x0;
	v3 =	vshll.u32 v3, $0x1  }
0xa1: {  	v3 =	vor.u32 v2, v3  }
0xa2: {  	v4 =	vor.u32 v1, v4;
	_ =	sdelay $0x2  }
0xa3: {  	s30 =	sadd.s32 $0xFFFFFE00, s26  }
0xa4: {  	[tilespmem:s30], [sflag:$0x1] =	stream.indirect_vreg.gather [hbm4b:s5+s3], $0x10, v3, vm0, $0xb8;
	[tilespmem:$0x1A400] =	vst v63  }
0xa5: {  	v3 =	vld.idx.msk [tilespmem:v4+s3+$0x0], $0xffff;
	_ =	sdelay $0x1  }
0xa6: {  	v63 =	vmov s28  }
0xa7: {  	v4 =	vshrl.u32 v63, $0x3  }
0xa8: {  	v4 =	vshll.u32 v4, v0  }
0xa9: {  	v4 =	vbroadcast v4, $0x0;
	v3 =	vshll.u32 v3, $0x1  }
0xaa: {  	v3 =	vor.u32 v2, v3  }
0xab: {  	v4 =	vor.u32 v1, v4;
	_ =	sdelay $0x2  }
0xac: {  	s31 =	sadd.s32 $0xFFFFFF00, s26  }
0xad: {  	[tilespmem:s31], [sflag:$0x1] =	stream.indirect_vreg.gather [hbm4b:s5+s3], $0x10, v3, vm0, $0xb8;
	[tilespmem:$0x1A400] =	vst v63  }
0xae: {  	v3 =	vld.idx.msk [tilespmem:v4+s3+$0x0], $0xffff;
	_ =	sdelay $0x4  }
0xaf: {  	v3 =	vshll.u32 v3, $0x1  }
0xb0: {  	s29 =	sadd.s32 $0x10, s29;
	v3 =	vor.u32 v2, v3  }
0xb1: {  	p0 =	slt.u32 s29, $0x40  }
.Ltmp0:
0xb2: {  	_ = 	snop;
	(pc) =	sbr.rel @p0 .LBB2_2-.Ltmp0, $4  }
0xb3: {  	_ = 	snop  }
0xb4: {  	s0 =	simm.s32 $0x280  }
0xb5: {  	[tilespmem:s26], [sflag:$0x1] =	stream.indirect_vreg.gather [hbm4b:s5+s3], $0x10, v3, vm0, $0xb8;
	[tilespmem:$0x1A400] =	vst v63  }
0xb6: {  	s1 =	simm.s32 $0xC300;
	s28 =	sadd.s32 $0x80, s28;
	s26 =	sadd.s32 $0x1000, s26  }
.LBB2_3:
0xb7: {  	v3 =	vmov s0  }
0xb8: {  	v3 =	vshrl.u32 v3, $0x3  }
0xb9: {  	v3 =	vshll.u32 v3, v0  }
0xba: {  	v3 =	vbroadcast v3, $0x0;
	_ =	sdelay $0x1  }
0xbb: {  	v3 =	vor.u32 v1, v3;
	_ =	sdelay $0x4  }
0xbc: {  	v3 =	vld.idx.msk [tilespmem:v3+s3+$0x0], $0xffff  }
0xbd: {  	s6 =	sadd.s32 $0x8, s0  }
0xbe: {  	v4 =	vmov s6  }
0xbf: {  	v4 =	vshrl.u32 v4, $0x3  }
0xc0: {  	v4 =	vshll.u32 v4, v0  }
0xc1: {  	v4 =	vbroadcast v4, $0x0;
	v3 =	vshll.u32 v3, $0x1  }
0xc2: {  	v3 =	vor.u32 v2, v3  }
0xc3: {  	v4 =	vor.u32 v1, v4;
	_ =	sdelay $0x2  }
0xc4: {  	s30 =	sadd.s32 $0xFFFFF100, s1  }
0xc5: {  	[tilespmem:s30], [sflag:$0x2] =	stream.indirect_vreg.gather [hbm4b:s5+s3], $0x10, v3, vm0, $0xb8;
	[tilespmem:$0x1A400] =	vst v63  }
0xc6: {  	v3 =	vld.idx.msk [tilespmem:v4+s3+$0x0], $0xffff  }
0xc7: {  	s10 =	sadd.s32 $0x10, s0  }
0xc8: {  	v50 =	vmov s10  }
0xc9: {  	v4 =	vshrl.u32 v50, $0x3  }
0xca: {  	v4 =	vshll.u32 v4, v0  }
0xcb: {  	v4 =	vbroadcast v4, $0x0;
	v3 =	vshll.u32 v3, $0x1  }
0xcc: {  	v3 =	vor.u32 v2, v3  }
0xcd: {  	v4 =	vor.u32 v1, v4;
	_ =	sdelay $0x2  }
0xce: {  	s26 =	sadd.s32 $0xFFFFF200, s1  }
0xcf: {  	[tilespmem:s26], [sflag:$0x2] =	stream.indirect_vreg.gather [hbm4b:s5+s3], $0x10, v3, vm0, $0xb8;
	[tilespmem:$0x1A400] =	vst v63  }
0xd0: {  	v3 =	vld.idx.msk [tilespmem:v4+s3+$0x0], $0xffff  }
0xd1: {  	s29 =	sadd.s32 $0x18, s0  }
0xd2: {  	v51 =	vmov s29  }
0xd3: {  	v4 =	vshrl.u32 v51, $0x3  }
0xd4: {  	v4 =	vshll.u32 v4, v0  }
0xd5: {  	v4 =	vbroadcast v4, $0x0;
	v3 =	vshll.u32 v3, $0x1  }
0xd6: {  	v3 =	vor.u32 v2, v3  }
0xd7: {  	v4 =	vor.u32 v1, v4;
	_ =	sdelay $0x2  }
0xd8: {  	s30 =	sadd.s32 $0xFFFFF300, s1  }
0xd9: {  	[tilespmem:s30], [sflag:$0x2] =	stream.indirect_vreg.gather [hbm4b:s5+s3], $0x10, v3, vm0, $0xb8;
	[tilespmem:$0x1A400] =	vst v63  }
0xda: {  	v3 =	vld.idx.msk [tilespmem:v4+s3+$0x0], $0xffff  }
0xdb: {  	s10 =	sadd.s32 $0x20, s0  }
0xdc: {  	v52 =	vmov s10  }
0xdd: {  	v4 =	vshrl.u32 v52, $0x3  }
0xde: {  	v4 =	vshll.u32 v4, v0  }
0xdf: {  	v4 =	vbroadcast v4, $0x0;
	v3 =	vshll.u32 v3, $0x1  }
0xe0: {  	v3 =	vor.u32 v2, v3  }
0xe1: {  	v4 =	vor.u32 v1, v4;
	_ =	sdelay $0x2  }
0xe2: {  	s26 =	sadd.s32 $0xFFFFF400, s1  }
0xe3: {  	[tilespmem:s26], [sflag:$0x2] =	stream.indirect_vreg.gather [hbm4b:s5+s3], $0x10, v3, vm0, $0xb8;
	[tilespmem:$0x1A400] =	vst v63  }
0xe4: {  	v3 =	vld.idx.msk [tilespmem:v4+s3+$0x0], $0xffff  }
0xe5: {  	s29 =	sadd.s32 $0x28, s0  }
0xe6: {  	v53 =	vmov s29  }
0xe7: {  	v4 =	vshrl.u32 v53, $0x3  }
0xe8: {  	v4 =	vshll.u32 v4, v0  }
0xe9: {  	v4 =	vbroadcast v4, $0x0;
	v3 =	vshll.u32 v3, $0x1  }
0xea: {  	v3 =	vor.u32 v2, v3  }
0xeb: {  	v4 =	vor.u32 v1, v4;
	_ =	sdelay $0x2  }
0xec: {  	s30 =	sadd.s32 $0xFFFFF500, s1  }
0xed: {  	[tilespmem:s30], [sflag:$0x2] =	stream.indirect_vreg.gather [hbm4b:s5+s3], $0x10, v3, vm0, $0xb8;
	[tilespmem:$0x1A400] =	vst v63  }
0xee: {  	v3 =	vld.idx.msk [tilespmem:v4+s3+$0x0], $0xffff  }
0xef: {  	s10 =	sadd.s32 $0x30, s0  }
0xf0: {  	v54 =	vmov s10  }
0xf1: {  	v4 =	vshrl.u32 v54, $0x3  }
0xf2: {  	v4 =	vshll.u32 v4, v0  }
0xf3: {  	v4 =	vbroadcast v4, $0x0;
	v3 =	vshll.u32 v3, $0x1  }
0xf4: {  	v3 =	vor.u32 v2, v3  }
0xf5: {  	v4 =	vor.u32 v1, v4;
	_ =	sdelay $0x2  }
0xf6: {  	s26 =	sadd.s32 $0xFFFFF600, s1  }
0xf7: {  	[tilespmem:s26], [sflag:$0x2] =	stream.indirect_vreg.gather [hbm4b:s5+s3], $0x10, v3, vm0, $0xb8;
	[tilespmem:$0x1A400] =	vst v63  }
0xf8: {  	v3 =	vld.idx.msk [tilespmem:v4+s3+$0x0], $0xffff  }
0xf9: {  	s29 =	sadd.s32 $0x38, s0  }
0xfa: {  	v55 =	vmov s29  }
0xfb: {  	v4 =	vshrl.u32 v55, $0x3  }
0xfc: {  	v4 =	vshll.u32 v4, v0  }
0xfd: {  	v4 =	vbroadcast v4, $0x0;
	v3 =	vshll.u32 v3, $0x1  }
0xfe: {  	v3 =	vor.u32 v2, v3  }
0xff: {  	v4 =	vor.u32 v1, v4;
	_ =	sdelay $0x2  }
0x100: {  	s30 =	sadd.s32 $0xFFFFF700, s1  }
0x101: {  	[tilespmem:s30], [sflag:$0x2] =	stream.indirect_vreg.gather [hbm4b:s5+s3], $0x10, v3, vm0, $0xb8;
	[tilespmem:$0x1A400] =	vst v63  }
0x102: {  	v3 =	vld.idx.msk [tilespmem:v4+s3+$0x0], $0xffff  }
0x103: {  	s10 =	sadd.s32 $0x40, s0  }
0x104: {  	v56 =	vmov s10  }
0x105: {  	v4 =	vshrl.u32 v56, $0x3  }
0x106: {  	v4 =	vshll.u32 v4, v0  }
0x107: {  	v4 =	vbroadcast v4, $0x0;
	v3 =	vshll.u32 v3, $0x1  }
0x108: {  	v3 =	vor.u32 v2, v3  }
0x109: {  	v4 =	vor.u32 v1, v4;
	_ =	sdelay $0x2  }
0x10a: {  	s26 =	sadd.s32 $0xFFFFF800, s1  }
0x10b: {  	[tilespmem:s26], [sflag:$0x2] =	stream.indirect_vreg.gather [hbm4b:s5+s3], $0x10, v3, vm0, $0xb8;
	[tilespmem:$0x1A400] =	vst v63  }
0x10c: {  	v3 =	vld.idx.msk [tilespmem:v4+s3+$0x0], $0xffff  }
0x10d: {  	s29 =	sadd.s32 $0x48, s0  }
0x10e: {  	v57 =	vmov s29  }
0x10f: {  	v4 =	vshrl.u32 v57, $0x3  }
0x110: {  	v4 =	vshll.u32 v4, v0  }
0x111: {  	v4 =	vbroadcast v4, $0x0;
	v3 =	vshll.u32 v3, $0x1  }
0x112: {  	v3 =	vor.u32 v2, v3  }
0x113: {  	v4 =	vor.u32 v1, v4;
	_ =	sdelay $0x2  }
0x114: {  	s30 =	sadd.s32 $0xFFFFF900, s1  }
0x115: {  	[tilespmem:s30], [sflag:$0x2] =	stream.indirect_vreg.gather [hbm4b:s5+s3], $0x10, v3, vm0, $0xb8;
	[tilespmem:$0x1A400] =	vst v63  }
0x116: {  	v3 =	vld.idx.msk [tilespmem:v4+s3+$0x0], $0xffff  }
0x117: {  	s10 =	sadd.s32 $0x50, s0  }
0x118: {  	v58 =	vmov s10  }
0x119: {  	v4 =	vshrl.u32 v58, $0x3  }
0x11a: {  	v4 =	vshll.u32 v4, v0  }
0x11b: {  	v4 =	vbroadcast v4, $0x0;
	v3 =	vshll.u32 v3, $0x1  }
0x11c: {  	v3 =	vor.u32 v2, v3  }
0x11d: {  	v4 =	vor.u32 v1, v4;
	_ =	sdelay $0x2  }
0x11e: {  	s26 =	sadd.s32 $0xFFFFFA00, s1  }
0x11f: {  	[tilespmem:s26], [sflag:$0x2] =	stream.indirect_vreg.gather [hbm4b:s5+s3], $0x10, v3, vm0, $0xb8;
	[tilespmem:$0x1A400] =	vst v63  }
0x120: {  	v3 =	vld.idx.msk [tilespmem:v4+s3+$0x0], $0xffff  }
0x121: {  	s29 =	sadd.s32 $0x58, s0  }
0x122: {  	v59 =	vmov s29  }
0x123: {  	v4 =	vshrl.u32 v59, $0x3  }
0x124: {  	v4 =	vshll.u32 v4, v0  }
0x125: {  	v4 =	vbroadcast v4, $0x0;
	v3 =	vshll.u32 v3, $0x1  }
0x126: {  	v3 =	vor.u32 v2, v3  }
0x127: {  	v4 =	vor.u32 v1, v4;
	_ =	sdelay $0x2  }
0x128: {  	s30 =	sadd.s32 $0xFFFFFB00, s1  }
0x129: {  	[tilespmem:s30], [sflag:$0x2] =	stream.indirect_vreg.gather [hbm4b:s5+s3], $0x10, v3, vm0, $0xb8;
	[tilespmem:$0x1A400] =	vst v63  }
0x12a: {  	v3 =	vld.idx.msk [tilespmem:v4+s3+$0x0], $0xffff  }
0x12b: {  	s10 =	sadd.s32 $0x60, s0  }
0x12c: {  	v60 =	vmov s10  }
0x12d: {  	v4 =	vshrl.u32 v60, $0x3  }
0x12e: {  	v4 =	vshll.u32 v4, v0  }
0x12f: {  	v4 =	vbroadcast v4, $0x0;
	v3 =	vshll.u32 v3, $0x1  }
0x130: {  	v3 =	vor.u32 v2, v3  }
0x131: {  	v4 =	vor.u32 v1, v4;
	_ =	sdelay $0x2  }
0x132: {  	s26 =	sadd.s32 $0xFFFFFC00, s1  }
0x133: {  	[tilespmem:s26], [sflag:$0x2] =	stream.indirect_vreg.gather [hbm4b:s5+s3], $0x10, v3, vm0, $0xb8;
	[tilespmem:$0x1A400] =	vst v63  }
0x134: {  	v3 =	vld.idx.msk [tilespmem:v4+s3+$0x0], $0xffff  }
0x135: {  	s29 =	sadd.s32 $0x68, s0  }
0x136: {  	v61 =	vmov s29  }
0x137: {  	v4 =	vshrl.u32 v61, $0x3  }
0x138: {  	v4 =	vshll.u32 v4, v0  }
0x139: {  	v4 =	vbroadcast v4, $0x0;
	v3 =	vshll.u32 v3, $0x1  }
0x13a: {  	v3 =	vor.u32 v2, v3  }
0x13b: {  	v4 =	vor.u32 v1, v4;
	_ =	sdelay $0x2  }
0x13c: {  	s30 =	sadd.s32 $0xFFFFFD00, s1  }
0x13d: {  	[tilespmem:s30], [sflag:$0x2] =	stream.indirect_vreg.gather [hbm4b:s5+s3], $0x10, v3, vm0, $0xb8;
	[tilespmem:$0x1A400] =	vst v63  }
0x13e: {  	v3 =	vld.idx.msk [tilespmem:v4+s3+$0x0], $0xffff  }
0x13f: {  	s10 =	sadd.s32 $0x70, s0  }
0x140: {  	v62 =	vmov s10  }
0x141: {  	v4 =	vshrl.u32 v62, $0x3  }
0x142: {  	v4 =	vshll.u32 v4, v0  }
0x143: {  	v4 =	vbroadcast v4, $0x0;
	v3 =	vshll.u32 v3, $0x1  }
0x144: {  	v3 =	vor.u32 v2, v3  }
0x145: {  	v4 =	vor.u32 v1, v4;
	_ =	sdelay $0x2  }
0x146: {  	s26 =	sadd.s32 $0xFFFFFE00, s1  }
0x147: {  	[tilespmem:s26], [sflag:$0x2] =	stream.indirect_vreg.gather [hbm4b:s5+s3], $0x10, v3, vm0, $0xb8;
	[tilespmem:$0x1A400] =	vst v63  }
0x148: {  	v3 =	vld.idx.msk [tilespmem:v4+s3+$0x0], $0xffff  }
0x149: {  	s29 =	sadd.s32 $0x78, s0  }
0x14a: {  	v63 =	vmov s29  }
0x14b: {  	v4 =	vshrl.u32 v63, $0x3  }
0x14c: {  	v4 =	vshll.u32 v4, v0  }
0x14d: {  	v4 =	vbroadcast v4, $0x0;
	v3 =	vshll.u32 v3, $0x1  }
0x14e: {  	v3 =	vor.u32 v2, v3  }
0x14f: {  	v4 =	vor.u32 v1, v4;
	_ =	sdelay $0x2  }
0x150: {  	s30 =	sadd.s32 $0xFFFFFF00, s1  }
0x151: {  	[tilespmem:s30], [sflag:$0x2] =	stream.indirect_vreg.gather [hbm4b:s5+s3], $0x10, v3, vm0, $0xb8;
	[tilespmem:$0x1A400] =	vst v63  }
0x152: {  	v3 =	vld.idx.msk [tilespmem:v4+s3+$0x0], $0xffff;
	_ =	sdelay $0x4  }
0x153: {  	v3 =	vshll.u32 v3, $0x1  }
0x154: {  	s25 =	sadd.s32 $0x10, s25;
	v3 =	vor.u32 v2, v3  }
0x155: {  	p0 =	slt.u32 s25, $0x40  }
.Ltmp1:
0x156: {  	_ = 	snop;
	(pc) =	sbr.rel @p0 .LBB2_3-.Ltmp1, $4  }
0x157: {  	_ = 	snop  }
0x158: {  	s31 =	simm.s32 $0xFFFFFFF0;
	s28 =	simm.s32 $0x11300  }
0x159: {  	[tilespmem:s1], [sflag:$0x2] =	stream.indirect_vreg.gather [hbm4b:s5+s3], $0x10, v3, vm0, $0xb8;
	[tilespmem:$0x1A400] =	vst v63  }
0x15a: {  	s0 =	sadd.s32 $0x80, s0;
	s26 =	simm.s32 $0x500;
	s1 =	sadd.s32 $0x1000, s1  }
0x15b: {  	s25 =	simm.s32 $0xFFFFFFF0  }
.LBB2_5:
0x15c: {  	v3 =	vmov s26  }
0x15d: {  	v3 =	vshrl.u32 v3, $0x3  }
0x15e: {  	v3 =	vshll.u32 v3, v0  }
0x15f: {  	v3 =	vbroadcast v3, $0x0;
	_ =	sdelay $0x1  }
0x160: {  	v3 =	vor.u32 v1, v3;
	_ =	sdelay $0x4  }
0x161: {  	v3 =	vld.idx.msk [tilespmem:v3+s3+$0x0], $0xffff  }
0x162: {  	s0 =	sadd.s32 $0x8, s26  }
0x163: {  	v4 =	vmov s0  }
0x164: {  	v4 =	vshrl.u32 v4, $0x3  }
0x165: {  	v4 =	vshll.u32 v4, v0  }
0x166: {  	v4 =	vbroadcast v4, $0x0;
	v3 =	vshll.u32 v3, $0x1  }
0x167: {  	v3 =	vor.u32 v2, v3  }
0x168: {  	v4 =	vor.u32 v1, v4;
	_ =	sdelay $0x2  }
0x169: {  	s6 =	sadd.s32 $0xFFFFF100, s28  }
0x16a: {  	[tilespmem:s6], [sflag:$0x3] =	stream.indirect_vreg.gather [hbm4b:s5+s3], $0x10, v3, vm0, $0xb8;
	[tilespmem:$0x1A400] =	vst v63  }
0x16b: {  	v3 =	vld.idx.msk [tilespmem:v4+s3+$0x0], $0xffff  }
0x16c: {  	s10 =	sadd.s32 $0x10, s26  }
0x16d: {  	v50 =	vmov s10  }
0x16e: {  	v4 =	vshrl.u32 v50, $0x3  }
0x16f: {  	v4 =	vshll.u32 v4, v0  }
0x170: {  	v4 =	vbroadcast v4, $0x0;
	v3 =	vshll.u32 v3, $0x1  }
0x171: {  	v3 =	vor.u32 v2, v3  }
0x172: {  	v4 =	vor.u32 v1, v4;
	_ =	sdelay $0x2  }
0x173: {  	s29 =	sadd.s32 $0xFFFFF200, s28  }
0x174: {  	[tilespmem:s29], [sflag:$0x3] =	stream.indirect_vreg.gather [hbm4b:s5+s3], $0x10, v3, vm0, $0xb8;
	[tilespmem:$0x1A400] =	vst v63  }
0x175: {  	v3 =	vld.idx.msk [tilespmem:v4+s3+$0x0], $0xffff  }
0x176: {  	s30 =	sadd.s32 $0x18, s26  }
0x177: {  	v51 =	vmov s30  }
0x178: {  	v4 =	vshrl.u32 v51, $0x3  }
0x179: {  	v4 =	vshll.u32 v4, v0  }
0x17a: {  	v4 =	vbroadcast v4, $0x0;
	v3 =	vshll.u32 v3, $0x1  }
0x17b: {  	v3 =	vor.u32 v2, v3  }
0x17c: {  	v4 =	vor.u32 v1, v4;
	_ =	sdelay $0x2  }
0x17d: {  	s1 =	sadd.s32 $0xFFFFF300, s28  }
0x17e: {  	[tilespmem:s1], [sflag:$0x3] =	stream.indirect_vreg.gather [hbm4b:s5+s3], $0x10, v3, vm0, $0xb8;
	[tilespmem:$0x1A400] =	vst v63  }
0x17f: {  	v3 =	vld.idx.msk [tilespmem:v4+s3+$0x0], $0xffff  }
0x180: {  	s6 =	sadd.s32 $0x20, s26  }
0x181: {  	v52 =	vmov s6  }
0x182: {  	v4 =	vshrl.u32 v52, $0x3  }
0x183: {  	v4 =	vshll.u32 v4, v0  }
0x184: {  	v4 =	vbroadcast v4, $0x0;
	v3 =	vshll.u32 v3, $0x1  }
0x185: {  	v3 =	vor.u32 v2, v3  }
0x186: {  	v4 =	vor.u32 v1, v4;
	_ =	sdelay $0x2  }
0x187: {  	s10 =	sadd.s32 $0xFFFFF400, s28  }
0x188: {  	[tilespmem:s10], [sflag:$0x3] =	stream.indirect_vreg.gather [hbm4b:s5+s3], $0x10, v3, vm0, $0xb8;
	[tilespmem:$0x1A400] =	vst v63  }
0x189: {  	v3 =	vld.idx.msk [tilespmem:v4+s3+$0x0], $0xffff  }
0x18a: {  	s29 =	sadd.s32 $0x28, s26  }
0x18b: {  	v53 =	vmov s29  }
0x18c: {  	v4 =	vshrl.u32 v53, $0x3  }
0x18d: {  	v4 =	vshll.u32 v4, v0  }
0x18e: {  	v4 =	vbroadcast v4, $0x0;
	v3 =	vshll.u32 v3, $0x1  }
0x18f: {  	v3 =	vor.u32 v2, v3  }
0x190: {  	v4 =	vor.u32 v1, v4;
	_ =	sdelay $0x2  }
0x191: {  	s30 =	sadd.s32 $0xFFFFF500, s28  }
0x192: {  	[tilespmem:s30], [sflag:$0x3] =	stream.indirect_vreg.gather [hbm4b:s5+s3], $0x10, v3, vm0, $0xb8;
	[tilespmem:$0x1A400] =	vst v63  }
0x193: {  	v3 =	vld.idx.msk [tilespmem:v4+s3+$0x0], $0xffff  }
0x194: {  	s1 =	sadd.s32 $0x30, s26  }
0x195: {  	v54 =	vmov s1  }
0x196: {  	v4 =	vshrl.u32 v54, $0x3  }
0x197: {  	v4 =	vshll.u32 v4, v0  }
0x198: {  	v4 =	vbroadcast v4, $0x0;
	v3 =	vshll.u32 v3, $0x1  }
0x199: {  	v3 =	vor.u32 v2, v3  }
0x19a: {  	v4 =	vor.u32 v1, v4;
	_ =	sdelay $0x2  }
0x19b: {  	s6 =	sadd.s32 $0xFFFFF600, s28  }
0x19c: {  	[tilespmem:s6], [sflag:$0x3] =	stream.indirect_vreg.gather [hbm4b:s5+s3], $0x10, v3, vm0, $0xb8;
	[tilespmem:$0x1A400] =	vst v63  }
0x19d: {  	v3 =	vld.idx.msk [tilespmem:v4+s3+$0x0], $0xffff  }
0x19e: {  	s10 =	sadd.s32 $0x38, s26  }
0x19f: {  	v55 =	vmov s10  }
0x1a0: {  	v4 =	vshrl.u32 v55, $0x3  }
0x1a1: {  	v4 =	vshll.u32 v4, v0  }
0x1a2: {  	v4 =	vbroadcast v4, $0x0;
	v3 =	vshll.u32 v3, $0x1  }
0x1a3: {  	v3 =	vor.u32 v2, v3  }
0x1a4: {  	v4 =	vor.u32 v1, v4;
	_ =	sdelay $0x2  }
0x1a5: {  	s29 =	sadd.s32 $0xFFFFF700, s28  }
0x1a6: {  	[tilespmem:s29], [sflag:$0x3] =	stream.indirect_vreg.gather [hbm4b:s5+s3], $0x10, v3, vm0, $0xb8;
	[tilespmem:$0x1A400] =	vst v63  }
0x1a7: {  	v3 =	vld.idx.msk [tilespmem:v4+s3+$0x0], $0xffff  }
0x1a8: {  	s30 =	sadd.s32 $0x40, s26  }
0x1a9: {  	v56 =	vmov s30  }
0x1aa: {  	v4 =	vshrl.u32 v56, $0x3  }
0x1ab: {  	v4 =	vshll.u32 v4, v0  }
0x1ac: {  	v4 =	vbroadcast v4, $0x0;
	v3 =	vshll.u32 v3, $0x1  }
0x1ad: {  	v3 =	vor.u32 v2, v3  }
0x1ae: {  	v4 =	vor.u32 v1, v4;
	_ =	sdelay $0x2  }
0x1af: {  	s1 =	sadd.s32 $0xFFFFF800, s28  }
0x1b0: {  	[tilespmem:s1], [sflag:$0x3] =	stream.indirect_vreg.gather [hbm4b:s5+s3], $0x10, v3, vm0, $0xb8;
	[tilespmem:$0x1A400] =	vst v63  }
0x1b1: {  	v3 =	vld.idx.msk [tilespmem:v4+s3+$0x0], $0xffff  }
0x1b2: {  	s6 =	sadd.s32 $0x48, s26  }
0x1b3: {  	v57 =	vmov s6  }
0x1b4: {  	v4 =	vshrl.u32 v57, $0x3  }
0x1b5: {  	v4 =	vshll.u32 v4, v0  }
0x1b6: {  	v4 =	vbroadcast v4, $0x0;
	v3 =	vshll.u32 v3, $0x1  }
0x1b7: {  	v3 =	vor.u32 v2, v3  }
0x1b8: {  	v4 =	vor.u32 v1, v4;
	_ =	sdelay $0x2  }
0x1b9: {  	s10 =	sadd.s32 $0xFFFFF900, s28  }
0x1ba: {  	[tilespmem:s10], [sflag:$0x3] =	stream.indirect_vreg.gather [hbm4b:s5+s3], $0x10, v3, vm0, $0xb8;
	[tilespmem:$0x1A400] =	vst v63  }
0x1bb: {  	v3 =	vld.idx.msk [tilespmem:v4+s3+$0x0], $0xffff  }
0x1bc: {  	s29 =	sadd.s32 $0x50, s26  }
0x1bd: {  	v58 =	vmov s29  }
0x1be: {  	v4 =	vshrl.u32 v58, $0x3  }
0x1bf: {  	v4 =	vshll.u32 v4, v0  }
0x1c0: {  	v4 =	vbroadcast v4, $0x0;
	v3 =	vshll.u32 v3, $0x1  }
0x1c1: {  	v3 =	vor.u32 v2, v3  }
0x1c2: {  	v4 =	vor.u32 v1, v4;
	_ =	sdelay $0x2  }
0x1c3: {  	s30 =	sadd.s32 $0xFFFFFA00, s28  }
0x1c4: {  	[tilespmem:s30], [sflag:$0x3] =	stream.indirect_vreg.gather [hbm4b:s5+s3], $0x10, v3, vm0, $0xb8;
	[tilespmem:$0x1A400] =	vst v63  }
0x1c5: {  	v3 =	vld.idx.msk [tilespmem:v4+s3+$0x0], $0xffff  }
0x1c6: {  	s1 =	sadd.s32 $0x58, s26  }
0x1c7: {  	v59 =	vmov s1  }
0x1c8: {  	v4 =	vshrl.u32 v59, $0x3  }
0x1c9: {  	v4 =	vshll.u32 v4, v0  }
0x1ca: {  	v4 =	vbroadcast v4, $0x0;
	v3 =	vshll.u32 v3, $0x1  }
0x1cb: {  	v3 =	vor.u32 v2, v3  }
0x1cc: {  	v4 =	vor.u32 v1, v4;
	_ =	sdelay $0x2  }
0x1cd: {  	s6 =	sadd.s32 $0xFFFFFB00, s28  }
0x1ce: {  	[tilespmem:s6], [sflag:$0x3] =	stream.indirect_vreg.gather [hbm4b:s5+s3], $0x10, v3, vm0, $0xb8;
	[tilespmem:$0x1A400] =	vst v63  }
0x1cf: {  	v3 =	vld.idx.msk [tilespmem:v4+s3+$0x0], $0xffff  }
0x1d0: {  	s10 =	sadd.s32 $0x60, s26  }
0x1d1: {  	v60 =	vmov s10  }
0x1d2: {  	v4 =	vshrl.u32 v60, $0x3  }
0x1d3: {  	v4 =	vshll.u32 v4, v0  }
0x1d4: {  	v4 =	vbroadcast v4, $0x0;
	v3 =	vshll.u32 v3, $0x1  }
0x1d5: {  	v3 =	vor.u32 v2, v3  }
0x1d6: {  	v4 =	vor.u32 v1, v4;
	_ =	sdelay $0x2  }
0x1d7: {  	s29 =	sadd.s32 $0xFFFFFC00, s28  }
0x1d8: {  	[tilespmem:s29], [sflag:$0x3] =	stream.indirect_vreg.gather [hbm4b:s5+s3], $0x10, v3, vm0, $0xb8;
	[tilespmem:$0x1A400] =	vst v63  }
0x1d9: {  	v3 =	vld.idx.msk [tilespmem:v4+s3+$0x0], $0xffff  }
0x1da: {  	s30 =	sadd.s32 $0x68, s26  }
0x1db: {  	v61 =	vmov s30  }
0x1dc: {  	v4 =	vshrl.u32 v61, $0x3  }
0x1dd: {  	v4 =	vshll.u32 v4, v0  }
0x1de: {  	v4 =	vbroadcast v4, $0x0;
	v3 =	vshll.u32 v3, $0x1  }
0x1df: {  	v3 =	vor.u32 v2, v3  }
0x1e0: {  	v4 =	vor.u32 v1, v4;
	_ =	sdelay $0x2  }
0x1e1: {  	s1 =	sadd.s32 $0xFFFFFD00, s28  }
0x1e2: {  	[tilespmem:s1], [sflag:$0x3] =	stream.indirect_vreg.gather [hbm4b:s5+s3], $0x10, v3, vm0, $0xb8;
	[tilespmem:$0x1A400] =	vst v63  }
0x1e3: {  	v3 =	vld.idx.msk [tilespmem:v4+s3+$0x0], $0xffff  }
0x1e4: {  	s6 =	sadd.s32 $0x70, s26  }
0x1e5: {  	v62 =	vmov s6  }
0x1e6: {  	v4 =	vshrl.u32 v62, $0x3  }
0x1e7: {  	v4 =	vshll.u32 v4, v0  }
0x1e8: {  	v4 =	vbroadcast v4, $0x0;
	v3 =	vshll.u32 v3, $0x1  }
0x1e9: {  	v3 =	vor.u32 v2, v3  }
0x1ea: {  	v4 =	vor.u32 v1, v4;
	_ =	sdelay $0x2  }
0x1eb: {  	s10 =	sadd.s32 $0xFFFFFE00, s28  }
0x1ec: {  	[tilespmem:s10], [sflag:$0x3] =	stream.indirect_vreg.gather [hbm4b:s5+s3], $0x10, v3, vm0, $0xb8;
	[tilespmem:$0x1A400] =	vst v63  }
0x1ed: {  	v3 =	vld.idx.msk [tilespmem:v4+s3+$0x0], $0xffff  }
0x1ee: {  	s29 =	sadd.s32 $0x78, s26  }
0x1ef: {  	v63 =	vmov s29  }
0x1f0: {  	v4 =	vshrl.u32 v63, $0x3  }
0x1f1: {  	v4 =	vshll.u32 v4, v0  }
0x1f2: {  	v4 =	vbroadcast v4, $0x0;
	v3 =	vshll.u32 v3, $0x1  }
0x1f3: {  	v3 =	vor.u32 v2, v3  }
0x1f4: {  	v4 =	vor.u32 v1, v4;
	_ =	sdelay $0x2  }
0x1f5: {  	s30 =	sadd.s32 $0xFFFFFF00, s28  }
0x1f6: {  	[tilespmem:s30], [sflag:$0x3] =	stream.indirect_vreg.gather [hbm4b:s5+s3], $0x10, v3, vm0, $0xb8;
	[tilespmem:$0x1A400] =	vst v63  }
0x1f7: {  	v3 =	vld.idx.msk [tilespmem:v4+s3+$0x0], $0xffff;
	_ =	sdelay $0x4  }
0x1f8: {  	v3 =	vshll.u32 v3, $0x1  }
0x1f9: {  	s25 =	sadd.s32 $0x10, s25;
	v3 =	vor.u32 v2, v3  }
0x1fa: {  	p0 =	slt.u32 s25, $0x40  }
.Ltmp2:
0x1fb: {  	_ = 	snop;
	(pc) =	sbr.rel @p0 .LBB2_5-.Ltmp2, $4  }
0x1fc: {  	_ = 	snop  }
0x1fd: {  	s0 =	simm.s32 $0x16300  }
0x1fe: {  	[tilespmem:s28], [sflag:$0x3] =	stream.indirect_vreg.gather [hbm4b:s5+s3], $0x10, v3, vm0, $0xb8;
	[tilespmem:$0x1A400] =	vst v63  }
0x1ff: {  	s26 =	sadd.s32 $0x80, s26;
	s1 =	simm.s32 $0x780;
	s28 =	sadd.s32 $0x1000, s28  }
.LBB2_6:
0x200: {  	v3 =	vmov s1  }
0x201: {  	v3 =	vshrl.u32 v3, $0x3  }
0x202: {  	v3 =	vshll.u32 v3, v0  }
0x203: {  	v3 =	vbroadcast v3, $0x0;
	_ =	sdelay $0x1  }
0x204: {  	v3 =	vor.u32 v1, v3;
	_ =	sdelay $0x3  }
0x205: {  	s25 =	simm.s32 $0x0  }
0x206: {  	v3 =	vld.idx.msk [tilespmem:v3+s25+$0x0], $0xffff  }
0x207: {  	s6 =	sadd.s32 $0x8, s1  }
0x208: {  	v4 =	vmov s6  }
0x209: {  	v4 =	vshrl.u32 v4, $0x3  }
0x20a: {  	v4 =	vshll.u32 v4, v0  }
0x20b: {  	v4 =	vbroadcast v4, $0x0;
	v3 =	vshll.u32 v3, $0x1  }
0x20c: {  	v3 =	vor.u32 v2, v3  }
0x20d: {  	v4 =	vor.u32 v1, v4;
	_ =	sdelay $0x2  }
0x20e: {  	s26 =	sadd.s32 $0xFFFFF100, s0  }
0x20f: {  	[tilespmem:s26], [sflag:$0x4] =	stream.indirect_vreg.gather [hbm4b:s5+s25], $0x10, v3, vm0, $0xb8;
	[tilespmem:$0x1A400] =	vst v63  }
0x210: {  	v3 =	vld.idx.msk [tilespmem:v4+s25+$0x0], $0xffff  }
0x211: {  	s10 =	sadd.s32 $0x10, s1  }
0x212: {  	v50 =	vmov s10  }
0x213: {  	v4 =	vshrl.u32 v50, $0x3  }
0x214: {  	v4 =	vshll.u32 v4, v0  }
0x215: {  	v4 =	vbroadcast v4, $0x0;
	v3 =	vshll.u32 v3, $0x1  }
0x216: {  	v3 =	vor.u32 v2, v3  }
0x217: {  	v4 =	vor.u32 v1, v4;
	_ =	sdelay $0x2  }
0x218: {  	s26 =	sadd.s32 $0xFFFFF200, s0  }
0x219: {  	[tilespmem:s26], [sflag:$0x4] =	stream.indirect_vreg.gather [hbm4b:s5+s25], $0x10, v3, vm0, $0xb8;
	[tilespmem:$0x1A400] =	vst v63  }
0x21a: {  	v3 =	vld.idx.msk [tilespmem:v4+s25+$0x0], $0xffff  }
0x21b: {  	s10 =	sadd.s32 $0x18, s1  }
0x21c: {  	v51 =	vmov s10  }
0x21d: {  	v4 =	vshrl.u32 v51, $0x3  }
0x21e: {  	v4 =	vshll.u32 v4, v0  }
0x21f: {  	v4 =	vbroadcast v4, $0x0;
	v3 =	vshll.u32 v3, $0x1  }
0x220: {  	v3 =	vor.u32 v2, v3  }
0x221: {  	v4 =	vor.u32 v1, v4;
	_ =	sdelay $0x2  }
0x222: {  	s26 =	sadd.s32 $0xFFFFF300, s0  }
0x223: {  	[tilespmem:s26], [sflag:$0x4] =	stream.indirect_vreg.gather [hbm4b:s5+s25], $0x10, v3, vm0, $0xb8;
	[tilespmem:$0x1A400] =	vst v63  }
0x224: {  	v3 =	vld.idx.msk [tilespmem:v4+s25+$0x0], $0xffff  }
0x225: {  	s10 =	sadd.s32 $0x20, s1  }
0x226: {  	v52 =	vmov s10  }
0x227: {  	v4 =	vshrl.u32 v52, $0x3  }
0x228: {  	v4 =	vshll.u32 v4, v0  }
0x229: {  	v4 =	vbroadcast v4, $0x0;
	v3 =	vshll.u32 v3, $0x1  }
0x22a: {  	v3 =	vor.u32 v2, v3  }
0x22b: {  	v4 =	vor.u32 v1, v4;
	_ =	sdelay $0x2  }
0x22c: {  	s26 =	sadd.s32 $0xFFFFF400, s0  }
0x22d: {  	[tilespmem:s26], [sflag:$0x4] =	stream.indirect_vreg.gather [hbm4b:s5+s25], $0x10, v3, vm0, $0xb8;
	[tilespmem:$0x1A400] =	vst v63  }
0x22e: {  	v3 =	vld.idx.msk [tilespmem:v4+s25+$0x0], $0xffff  }
0x22f: {  	s10 =	sadd.s32 $0x28, s1  }
0x230: {  	v53 =	vmov s10  }
0x231: {  	v4 =	vshrl.u32 v53, $0x3  }
0x232: {  	v4 =	vshll.u32 v4, v0  }
0x233: {  	v4 =	vbroadcast v4, $0x0;
	v3 =	vshll.u32 v3, $0x1  }
0x234: {  	v3 =	vor.u32 v2, v3  }
0x235: {  	v4 =	vor.u32 v1, v4;
	_ =	sdelay $0x2  }
0x236: {  	s26 =	sadd.s32 $0xFFFFF500, s0  }
0x237: {  	[tilespmem:s26], [sflag:$0x4] =	stream.indirect_vreg.gather [hbm4b:s5+s25], $0x10, v3, vm0, $0xb8;
	[tilespmem:$0x1A400] =	vst v63  }
0x238: {  	v3 =	vld.idx.msk [tilespmem:v4+s25+$0x0], $0xffff  }
0x239: {  	s10 =	sadd.s32 $0x30, s1  }
0x23a: {  	v54 =	vmov s10  }
0x23b: {  	v4 =	vshrl.u32 v54, $0x3  }
0x23c: {  	v4 =	vshll.u32 v4, v0  }
0x23d: {  	v4 =	vbroadcast v4, $0x0;
	v3 =	vshll.u32 v3, $0x1  }
0x23e: {  	v3 =	vor.u32 v2, v3  }
0x23f: {  	v4 =	vor.u32 v1, v4;
	_ =	sdelay $0x2  }
0x240: {  	s26 =	sadd.s32 $0xFFFFF600, s0  }
0x241: {  	[tilespmem:s26], [sflag:$0x4] =	stream.indirect_vreg.gather [hbm4b:s5+s25], $0x10, v3, vm0, $0xb8;
	[tilespmem:$0x1A400] =	vst v63  }
0x242: {  	v3 =	vld.idx.msk [tilespmem:v4+s25+$0x0], $0xffff  }
0x243: {  	s10 =	sadd.s32 $0x38, s1  }
0x244: {  	v55 =	vmov s10  }
0x245: {  	v4 =	vshrl.u32 v55, $0x3  }
0x246: {  	v4 =	vshll.u32 v4, v0  }
0x247: {  	v4 =	vbroadcast v4, $0x0;
	v3 =	vshll.u32 v3, $0x1  }
0x248: {  	v3 =	vor.u32 v2, v3  }
0x249: {  	v4 =	vor.u32 v1, v4;
	_ =	sdelay $0x2  }
0x24a: {  	s26 =	sadd.s32 $0xFFFFF700, s0  }
0x24b: {  	[tilespmem:s26], [sflag:$0x4] =	stream.indirect_vreg.gather [hbm4b:s5+s25], $0x10, v3, vm0, $0xb8;
	[tilespmem:$0x1A400] =	vst v63  }
0x24c: {  	v3 =	vld.idx.msk [tilespmem:v4+s25+$0x0], $0xffff  }
0x24d: {  	s10 =	sadd.s32 $0x40, s1  }
0x24e: {  	v56 =	vmov s10  }
0x24f: {  	v4 =	vshrl.u32 v56, $0x3  }
0x250: {  	v4 =	vshll.u32 v4, v0  }
0x251: {  	v4 =	vbroadcast v4, $0x0;
	v3 =	vshll.u32 v3, $0x1  }
0x252: {  	v3 =	vor.u32 v2, v3  }
0x253: {  	v4 =	vor.u32 v1, v4;
	_ =	sdelay $0x2  }
0x254: {  	s26 =	sadd.s32 $0xFFFFF800, s0  }
0x255: {  	[tilespmem:s26], [sflag:$0x4] =	stream.indirect_vreg.gather [hbm4b:s5+s25], $0x10, v3, vm0, $0xb8;
	[tilespmem:$0x1A400] =	vst v63  }
0x256: {  	v3 =	vld.idx.msk [tilespmem:v4+s25+$0x0], $0xffff  }
0x257: {  	s10 =	sadd.s32 $0x48, s1  }
0x258: {  	v57 =	vmov s10  }
0x259: {  	v4 =	vshrl.u32 v57, $0x3  }
0x25a: {  	v4 =	vshll.u32 v4, v0  }
0x25b: {  	v4 =	vbroadcast v4, $0x0;
	v3 =	vshll.u32 v3, $0x1  }
0x25c: {  	v3 =	vor.u32 v2, v3  }
0x25d: {  	v4 =	vor.u32 v1, v4;
	_ =	sdelay $0x2  }
0x25e: {  	s26 =	sadd.s32 $0xFFFFF900, s0  }
0x25f: {  	[tilespmem:s26], [sflag:$0x4] =	stream.indirect_vreg.gather [hbm4b:s5+s25], $0x10, v3, vm0, $0xb8;
	[tilespmem:$0x1A400] =	vst v63  }
0x260: {  	v3 =	vld.idx.msk [tilespmem:v4+s25+$0x0], $0xffff  }
0x261: {  	s10 =	sadd.s32 $0x50, s1  }
0x262: {  	v58 =	vmov s10  }
0x263: {  	v4 =	vshrl.u32 v58, $0x3  }
0x264: {  	v4 =	vshll.u32 v4, v0  }
0x265: {  	v4 =	vbroadcast v4, $0x0;
	v3 =	vshll.u32 v3, $0x1  }
0x266: {  	v3 =	vor.u32 v2, v3  }
0x267: {  	v4 =	vor.u32 v1, v4;
	_ =	sdelay $0x2  }
0x268: {  	s26 =	sadd.s32 $0xFFFFFA00, s0  }
0x269: {  	[tilespmem:s26], [sflag:$0x4] =	stream.indirect_vreg.gather [hbm4b:s5+s25], $0x10, v3, vm0, $0xb8;
	[tilespmem:$0x1A400] =	vst v63  }
0x26a: {  	v3 =	vld.idx.msk [tilespmem:v4+s25+$0x0], $0xffff  }
0x26b: {  	s10 =	sadd.s32 $0x58, s1  }
0x26c: {  	v59 =	vmov s10  }
0x26d: {  	v4 =	vshrl.u32 v59, $0x3  }
0x26e: {  	v4 =	vshll.u32 v4, v0  }
0x26f: {  	v4 =	vbroadcast v4, $0x0;
	v3 =	vshll.u32 v3, $0x1  }
0x270: {  	v3 =	vor.u32 v2, v3  }
0x271: {  	v4 =	vor.u32 v1, v4;
	_ =	sdelay $0x2  }
0x272: {  	s26 =	sadd.s32 $0xFFFFFB00, s0  }
0x273: {  	[tilespmem:s26], [sflag:$0x4] =	stream.indirect_vreg.gather [hbm4b:s5+s25], $0x10, v3, vm0, $0xb8;
	[tilespmem:$0x1A400] =	vst v63  }
0x274: {  	v3 =	vld.idx.msk [tilespmem:v4+s25+$0x0], $0xffff  }
0x275: {  	s10 =	sadd.s32 $0x60, s1  }
0x276: {  	v60 =	vmov s10  }
0x277: {  	v4 =	vshrl.u32 v60, $0x3  }
0x278: {  	v4 =	vshll.u32 v4, v0  }
0x279: {  	v4 =	vbroadcast v4, $0x0;
	v3 =	vshll.u32 v3, $0x1  }
0x27a: {  	v3 =	vor.u32 v2, v3  }
0x27b: {  	v4 =	vor.u32 v1, v4;
	_ =	sdelay $0x2  }
0x27c: {  	s26 =	sadd.s32 $0xFFFFFC00, s0  }
0x27d: {  	[tilespmem:s26], [sflag:$0x4] =	stream.indirect_vreg.gather [hbm4b:s5+s25], $0x10, v3, vm0, $0xb8;
	[tilespmem:$0x1A400] =	vst v63  }
0x27e: {  	v3 =	vld.idx.msk [tilespmem:v4+s25+$0x0], $0xffff  }
0x27f: {  	s10 =	sadd.s32 $0x68, s1  }
0x280: {  	v61 =	vmov s10  }
0x281: {  	v4 =	vshrl.u32 v61, $0x3  }
0x282: {  	v4 =	vshll.u32 v4, v0  }
0x283: {  	v4 =	vbroadcast v4, $0x0;
	v3 =	vshll.u32 v3, $0x1  }
0x284: {  	v3 =	vor.u32 v2, v3  }
0x285: {  	v4 =	vor.u32 v1, v4;
	_ =	sdelay $0x2  }
0x286: {  	s26 =	sadd.s32 $0xFFFFFD00, s0  }
0x287: {  	[tilespmem:s26], [sflag:$0x4] =	stream.indirect_vreg.gather [hbm4b:s5+s25], $0x10, v3, vm0, $0xb8;
	[tilespmem:$0x1A400] =	vst v63  }
0x288: {  	v3 =	vld.idx.msk [tilespmem:v4+s25+$0x0], $0xffff  }
0x289: {  	s10 =	sadd.s32 $0x70, s1  }
0x28a: {  	v62 =	vmov s10  }
0x28b: {  	v4 =	vshrl.u32 v62, $0x3  }
0x28c: {  	v4 =	vshll.u32 v4, v0  }
0x28d: {  	v4 =	vbroadcast v4, $0x0;
	v3 =	vshll.u32 v3, $0x1  }
0x28e: {  	v3 =	vor.u32 v2, v3  }
0x28f: {  	v4 =	vor.u32 v1, v4;
	_ =	sdelay $0x2  }
0x290: {  	s26 =	sadd.s32 $0xFFFFFE00, s0  }
0x291: {  	[tilespmem:s26], [sflag:$0x4] =	stream.indirect_vreg.gather [hbm4b:s5+s25], $0x10, v3, vm0, $0xb8;
	[tilespmem:$0x1A400] =	vst v63  }
0x292: {  	v3 =	vld.idx.msk [tilespmem:v4+s25+$0x0], $0xffff  }
0x293: {  	s10 =	sadd.s32 $0x78, s1  }
0x294: {  	v63 =	vmov s10  }
0x295: {  	v4 =	vshrl.u32 v63, $0x3  }
0x296: {  	v4 =	vshll.u32 v4, v0  }
0x297: {  	v4 =	vbroadcast v4, $0x0;
	v3 =	vshll.u32 v3, $0x1  }
0x298: {  	v3 =	vor.u32 v2, v3  }
0x299: {  	v4 =	vor.u32 v1, v4;
	_ =	sdelay $0x2  }
0x29a: {  	s26 =	sadd.s32 $0xFFFFFF00, s0  }
0x29b: {  	[tilespmem:s26], [sflag:$0x4] =	stream.indirect_vreg.gather [hbm4b:s5+s25], $0x10, v3, vm0, $0xb8;
	[tilespmem:$0x1A400] =	vst v63  }
0x29c: {  	v3 =	vld.idx.msk [tilespmem:v4+s25+$0x0], $0xffff;
	_ =	sdelay $0x4  }
0x29d: {  	v3 =	vshll.u32 v3, $0x1  }
0x29e: {  	s31 =	sadd.s32 $0x10, s31;
	v3 =	vor.u32 v2, v3  }
0x29f: {  	p0 =	slt.u32 s31, $0x40  }
.Ltmp3:
0x2a0: {  	_ = 	snop;
	(pc) =	sbr.rel @p0 .LBB2_6-.Ltmp3, $4  }
0x2a1: {  	_ = 	snop  }
0x2a2: {  	s28 =	simm.s32 $0xC80;
	s29 =	simm.s32 $0xF00;
	s30 =	simm.s32 $0x1180  }
0x2a3: {  	[tilespmem:s0], [sflag:$0x4] =	stream.indirect_vreg.gather [hbm4b:s5+s25], $0x10, v3, vm0, $0xb8;
	[tilespmem:$0x1A400] =	vst v63  }
0x2a4: {  	s6 =	simm.s32 $0xA00;
	s1 =	sadd.s32 $0x80, s1;
	s0 =	sadd.s32 $0x1000, s0  }
.Ltmp4:
0x2a5: {  	_ = 	snop;
	(pc) =	sbr.rel .LBB2_7-.Ltmp4, $1  }
0x2a6: {  	_ =	sdelay $0x3  }
.LBB2_17:
0x2a7: {  	_ =	swait.ge [sflag:s23], $0x5000  }
0x2a8: {  	s0 =	simm.s32 $0xFFFFFFF0;
	[sflag:s23] =	ssyncset.done $0x0  }
0x2a9: {  	s1 =	simm.s32 $0x16300;
	s26 =	smov.u32 s30;
	[sflag:s23] =	ssyncadd.s32 $0xFFFFB000  }
.LBB2_18:
0x2aa: {  	v3 =	vmov s26  }
0x2ab: {  	v3 =	vshrl.u32 v3, $0x3  }
0x2ac: {  	v3 =	vshll.u32 v3, v0  }
0x2ad: {  	v3 =	vbroadcast v3, $0x0;
	_ =	sdelay $0x1  }
0x2ae: {  	v3 =	vor.u32 v1, v3;
	_ =	sdelay $0x4  }
0x2af: {  	v3 =	vld.idx.msk [tilespmem:v3+s3+$0x0], $0xffff  }
0x2b0: {  	s10 =	sadd.s32 $0x8, s26  }
0x2b1: {  	v4 =	vmov s10  }
0x2b2: {  	v4 =	vshrl.u32 v4, $0x3  }
0x2b3: {  	v4 =	vshll.u32 v4, v0  }
0x2b4: {  	v4 =	vbroadcast v4, $0x0;
	v3 =	vshll.u32 v3, $0x1  }
0x2b5: {  	v3 =	vor.u32 v2, v3  }
0x2b6: {  	v4 =	vor.u32 v1, v4;
	_ =	sdelay $0x2  }
0x2b7: {  	s31 =	sadd.s32 $0xFFFFF100, s1  }
0x2b8: {  	[tilespmem:s31], [sflag:$0x4] =	stream.indirect_vreg.gather [hbm4b:s5+s3], $0x10, v3, vm0, $0xb8;
	[tilespmem:$0x1A400] =	vst v63  }
0x2b9: {  	v3 =	vld.idx.msk [tilespmem:v4+s3+$0x0], $0xffff  }
0x2ba: {  	s31 =	sadd.s32 $0x10, s26  }
0x2bb: {  	v50 =	vmov s31  }
0x2bc: {  	v4 =	vshrl.u32 v50, $0x3  }
0x2bd: {  	v4 =	vshll.u32 v4, v0  }
0x2be: {  	v4 =	vbroadcast v4, $0x0;
	v3 =	vshll.u32 v3, $0x1  }
0x2bf: {  	v3 =	vor.u32 v2, v3  }
0x2c0: {  	v4 =	vor.u32 v1, v4;
	_ =	sdelay $0x2  }
0x2c1: {  	s31 =	sadd.s32 $0xFFFFF200, s1  }
0x2c2: {  	[tilespmem:s31], [sflag:$0x4] =	stream.indirect_vreg.gather [hbm4b:s5+s3], $0x10, v3, vm0, $0xb8;
	[tilespmem:$0x1A400] =	vst v63  }
0x2c3: {  	v3 =	vld.idx.msk [tilespmem:v4+s3+$0x0], $0xffff  }
0x2c4: {  	s31 =	sadd.s32 $0x18, s26  }
0x2c5: {  	v51 =	vmov s31  }
0x2c6: {  	v4 =	vshrl.u32 v51, $0x3  }
0x2c7: {  	v4 =	vshll.u32 v4, v0  }
0x2c8: {  	v4 =	vbroadcast v4, $0x0;
	v3 =	vshll.u32 v3, $0x1  }
0x2c9: {  	v3 =	vor.u32 v2, v3  }
0x2ca: {  	v4 =	vor.u32 v1, v4;
	_ =	sdelay $0x2  }
0x2cb: {  	s31 =	sadd.s32 $0xFFFFF300, s1  }
0x2cc: {  	[tilespmem:s31], [sflag:$0x4] =	stream.indirect_vreg.gather [hbm4b:s5+s3], $0x10, v3, vm0, $0xb8;
	[tilespmem:$0x1A400] =	vst v63  }
0x2cd: {  	v3 =	vld.idx.msk [tilespmem:v4+s3+$0x0], $0xffff  }
0x2ce: {  	s31 =	sadd.s32 $0x20, s26  }
0x2cf: {  	v52 =	vmov s31  }
0x2d0: {  	v4 =	vshrl.u32 v52, $0x3  }
0x2d1: {  	v4 =	vshll.u32 v4, v0  }
0x2d2: {  	v4 =	vbroadcast v4, $0x0;
	v3 =	vshll.u32 v3, $0x1  }
0x2d3: {  	v3 =	vor.u32 v2, v3  }
0x2d4: {  	v4 =	vor.u32 v1, v4;
	_ =	sdelay $0x2  }
0x2d5: {  	s31 =	sadd.s32 $0xFFFFF400, s1  }
0x2d6: {  	[tilespmem:s31], [sflag:$0x4] =	stream.indirect_vreg.gather [hbm4b:s5+s3], $0x10, v3, vm0, $0xb8;
	[tilespmem:$0x1A400] =	vst v63  }
0x2d7: {  	v3 =	vld.idx.msk [tilespmem:v4+s3+$0x0], $0xffff  }
0x2d8: {  	s31 =	sadd.s32 $0x28, s26  }
0x2d9: {  	v53 =	vmov s31  }
0x2da: {  	v4 =	vshrl.u32 v53, $0x3  }
0x2db: {  	v4 =	vshll.u32 v4, v0  }
0x2dc: {  	v4 =	vbroadcast v4, $0x0;
	v3 =	vshll.u32 v3, $0x1  }
0x2dd: {  	v3 =	vor.u32 v2, v3  }
0x2de: {  	v4 =	vor.u32 v1, v4;
	_ =	sdelay $0x2  }
0x2df: {  	s31 =	sadd.s32 $0xFFFFF500, s1  }
0x2e0: {  	[tilespmem:s31], [sflag:$0x4] =	stream.indirect_vreg.gather [hbm4b:s5+s3], $0x10, v3, vm0, $0xb8;
	[tilespmem:$0x1A400] =	vst v63  }
0x2e1: {  	v3 =	vld.idx.msk [tilespmem:v4+s3+$0x0], $0xffff  }
0x2e2: {  	s31 =	sadd.s32 $0x30, s26  }
0x2e3: {  	v54 =	vmov s31  }
0x2e4: {  	v4 =	vshrl.u32 v54, $0x3  }
0x2e5: {  	v4 =	vshll.u32 v4, v0  }
0x2e6: {  	v4 =	vbroadcast v4, $0x0;
	v3 =	vshll.u32 v3, $0x1  }
0x2e7: {  	v3 =	vor.u32 v2, v3  }
0x2e8: {  	v4 =	vor.u32 v1, v4;
	_ =	sdelay $0x2  }
0x2e9: {  	s31 =	sadd.s32 $0xFFFFF600, s1  }
0x2ea: {  	[tilespmem:s31], [sflag:$0x4] =	stream.indirect_vreg.gather [hbm4b:s5+s3], $0x10, v3, vm0, $0xb8;
	[tilespmem:$0x1A400] =	vst v63  }
0x2eb: {  	v3 =	vld.idx.msk [tilespmem:v4+s3+$0x0], $0xffff  }
0x2ec: {  	s31 =	sadd.s32 $0x38, s26  }
0x2ed: {  	v55 =	vmov s31  }
0x2ee: {  	v4 =	vshrl.u32 v55, $0x3  }
0x2ef: {  	v4 =	vshll.u32 v4, v0  }
0x2f0: {  	v4 =	vbroadcast v4, $0x0;
	v3 =	vshll.u32 v3, $0x1  }
0x2f1: {  	v3 =	vor.u32 v2, v3  }
0x2f2: {  	v4 =	vor.u32 v1, v4;
	_ =	sdelay $0x2  }
0x2f3: {  	s31 =	sadd.s32 $0xFFFFF700, s1  }
0x2f4: {  	[tilespmem:s31], [sflag:$0x4] =	stream.indirect_vreg.gather [hbm4b:s5+s3], $0x10, v3, vm0, $0xb8;
	[tilespmem:$0x1A400] =	vst v63  }
0x2f5: {  	v3 =	vld.idx.msk [tilespmem:v4+s3+$0x0], $0xffff  }
0x2f6: {  	s31 =	sadd.s32 $0x40, s26  }
0x2f7: {  	v56 =	vmov s31  }
0x2f8: {  	v4 =	vshrl.u32 v56, $0x3  }
0x2f9: {  	v4 =	vshll.u32 v4, v0  }
0x2fa: {  	v4 =	vbroadcast v4, $0x0;
	v3 =	vshll.u32 v3, $0x1  }
0x2fb: {  	v3 =	vor.u32 v2, v3  }
0x2fc: {  	v4 =	vor.u32 v1, v4;
	_ =	sdelay $0x2  }
0x2fd: {  	s31 =	sadd.s32 $0xFFFFF800, s1  }
0x2fe: {  	[tilespmem:s31], [sflag:$0x4] =	stream.indirect_vreg.gather [hbm4b:s5+s3], $0x10, v3, vm0, $0xb8;
	[tilespmem:$0x1A400] =	vst v63  }
0x2ff: {  	v3 =	vld.idx.msk [tilespmem:v4+s3+$0x0], $0xffff  }
0x300: {  	s31 =	sadd.s32 $0x48, s26  }
0x301: {  	v57 =	vmov s31  }
0x302: {  	v4 =	vshrl.u32 v57, $0x3  }
0x303: {  	v4 =	vshll.u32 v4, v0  }
0x304: {  	v4 =	vbroadcast v4, $0x0;
	v3 =	vshll.u32 v3, $0x1  }
0x305: {  	v3 =	vor.u32 v2, v3  }
0x306: {  	v4 =	vor.u32 v1, v4;
	_ =	sdelay $0x2  }
0x307: {  	s31 =	sadd.s32 $0xFFFFF900, s1  }
0x308: {  	[tilespmem:s31], [sflag:$0x4] =	stream.indirect_vreg.gather [hbm4b:s5+s3], $0x10, v3, vm0, $0xb8;
	[tilespmem:$0x1A400] =	vst v63  }
0x309: {  	v3 =	vld.idx.msk [tilespmem:v4+s3+$0x0], $0xffff  }
0x30a: {  	s31 =	sadd.s32 $0x50, s26  }
0x30b: {  	v58 =	vmov s31  }
0x30c: {  	v4 =	vshrl.u32 v58, $0x3  }
0x30d: {  	v4 =	vshll.u32 v4, v0  }
0x30e: {  	v4 =	vbroadcast v4, $0x0;
	v3 =	vshll.u32 v3, $0x1  }
0x30f: {  	v3 =	vor.u32 v2, v3  }
0x310: {  	v4 =	vor.u32 v1, v4;
	_ =	sdelay $0x2  }
0x311: {  	s31 =	sadd.s32 $0xFFFFFA00, s1  }
0x312: {  	[tilespmem:s31], [sflag:$0x4] =	stream.indirect_vreg.gather [hbm4b:s5+s3], $0x10, v3, vm0, $0xb8;
	[tilespmem:$0x1A400] =	vst v63  }
0x313: {  	v3 =	vld.idx.msk [tilespmem:v4+s3+$0x0], $0xffff  }
0x314: {  	s31 =	sadd.s32 $0x58, s26  }
0x315: {  	v59 =	vmov s31  }
0x316: {  	v4 =	vshrl.u32 v59, $0x3  }
0x317: {  	v4 =	vshll.u32 v4, v0  }
0x318: {  	v4 =	vbroadcast v4, $0x0;
	v3 =	vshll.u32 v3, $0x1  }
0x319: {  	v3 =	vor.u32 v2, v3  }
0x31a: {  	v4 =	vor.u32 v1, v4;
	_ =	sdelay $0x2  }
0x31b: {  	s31 =	sadd.s32 $0xFFFFFB00, s1  }
0x31c: {  	[tilespmem:s31], [sflag:$0x4] =	stream.indirect_vreg.gather [hbm4b:s5+s3], $0x10, v3, vm0, $0xb8;
	[tilespmem:$0x1A400] =	vst v63  }
0x31d: {  	v3 =	vld.idx.msk [tilespmem:v4+s3+$0x0], $0xffff  }
0x31e: {  	s31 =	sadd.s32 $0x60, s26  }
0x31f: {  	v60 =	vmov s31  }
0x320: {  	v4 =	vshrl.u32 v60, $0x3  }
0x321: {  	v4 =	vshll.u32 v4, v0  }
0x322: {  	v4 =	vbroadcast v4, $0x0;
	v3 =	vshll.u32 v3, $0x1  }
0x323: {  	v3 =	vor.u32 v2, v3  }
0x324: {  	v4 =	vor.u32 v1, v4;
	_ =	sdelay $0x2  }
0x325: {  	s31 =	sadd.s32 $0xFFFFFC00, s1  }
0x326: {  	[tilespmem:s31], [sflag:$0x4] =	stream.indirect_vreg.gather [hbm4b:s5+s3], $0x10, v3, vm0, $0xb8;
	[tilespmem:$0x1A400] =	vst v63  }
0x327: {  	v3 =	vld.idx.msk [tilespmem:v4+s3+$0x0], $0xffff  }
0x328: {  	s31 =	sadd.s32 $0x68, s26  }
0x329: {  	v61 =	vmov s31  }
0x32a: {  	v4 =	vshrl.u32 v61, $0x3  }
0x32b: {  	v4 =	vshll.u32 v4, v0  }
0x32c: {  	v4 =	vbroadcast v4, $0x0;
	v3 =	vshll.u32 v3, $0x1  }
0x32d: {  	v3 =	vor.u32 v2, v3  }
0x32e: {  	v4 =	vor.u32 v1, v4;
	_ =	sdelay $0x2  }
0x32f: {  	s31 =	sadd.s32 $0xFFFFFD00, s1  }
0x330: {  	[tilespmem:s31], [sflag:$0x4] =	stream.indirect_vreg.gather [hbm4b:s5+s3], $0x10, v3, vm0, $0xb8;
	[tilespmem:$0x1A400] =	vst v63  }
0x331: {  	v3 =	vld.idx.msk [tilespmem:v4+s3+$0x0], $0xffff  }
0x332: {  	s31 =	sadd.s32 $0x70, s26  }
0x333: {  	v62 =	vmov s31  }
0x334: {  	v4 =	vshrl.u32 v62, $0x3  }
0x335: {  	v4 =	vshll.u32 v4, v0  }
0x336: {  	v4 =	vbroadcast v4, $0x0;
	v3 =	vshll.u32 v3, $0x1  }
0x337: {  	v3 =	vor.u32 v2, v3  }
0x338: {  	v4 =	vor.u32 v1, v4;
	_ =	sdelay $0x2  }
0x339: {  	s31 =	sadd.s32 $0xFFFFFE00, s1  }
0x33a: {  	[tilespmem:s31], [sflag:$0x4] =	stream.indirect_vreg.gather [hbm4b:s5+s3], $0x10, v3, vm0, $0xb8;
	[tilespmem:$0x1A400] =	vst v63  }
0x33b: {  	v3 =	vld.idx.msk [tilespmem:v4+s3+$0x0], $0xffff  }
0x33c: {  	s31 =	sadd.s32 $0x78, s26  }
0x33d: {  	v63 =	vmov s31  }
0x33e: {  	v4 =	vshrl.u32 v63, $0x3  }
0x33f: {  	v4 =	vshll.u32 v4, v0  }
0x340: {  	v4 =	vbroadcast v4, $0x0;
	v3 =	vshll.u32 v3, $0x1  }
0x341: {  	v3 =	vor.u32 v2, v3  }
0x342: {  	v4 =	vor.u32 v1, v4;
	_ =	sdelay $0x2  }
0x343: {  	s31 =	sadd.s32 $0xFFFFFF00, s1  }
0x344: {  	[tilespmem:s31], [sflag:$0x4] =	stream.indirect_vreg.gather [hbm4b:s5+s3], $0x10, v3, vm0, $0xb8;
	[tilespmem:$0x1A400] =	vst v63  }
0x345: {  	v3 =	vld.idx.msk [tilespmem:v4+s3+$0x0], $0xffff;
	_ =	sdelay $0x4  }
0x346: {  	v3 =	vshll.u32 v3, $0x1  }
0x347: {  	s0 =	sadd.s32 $0x10, s0;
	v3 =	vor.u32 v2, v3  }
0x348: {  	p0 =	slt.u32 s0, $0x40  }
.Ltmp5:
0x349: {  	_ = 	snop;
	(pc) =	sbr.rel @p0 .LBB2_18-.Ltmp5, $3  }
0x34a: {  	_ =	sdelay $0x1  }
0x34b: {  	[tilespmem:s1], [sflag:$0x4] =	stream.indirect_vreg.gather [hbm4b:s5+s3], $0x10, v3, vm0, $0xb8;
	[tilespmem:$0x1A400] =	vst v63  }
0x34c: {  	s26 =	sadd.s32 $0x80, s26;
	s1 =	sadd.s32 $0x1000, s1  }
0x34d: {  	s25 =	sadd.s32 $0x1, s25;
	s6 =	sadd.s32 $0xA00, s6  }
0x34e: {  	s28 =	sadd.s32 $0xA00, s28;
	s29 =	sadd.s32 $0xA00, s29;
	s30 =	sadd.s32 $0xA00, s30  }
.LBB2_7:
0x34f: {  	s31 =	smul.u32 $0xA00, s25;
	p0 =	seq.s32 s25, $0x9  }
.Ltmp6:
0x350: {  	_ = 	snop;
	(pc) =	sbr.rel @p0 .LBB2_10-.Ltmp6, $4  }
0x351: {  	_ =	swait.ge [sflag:s12], $0x5000;
	s0 =	sadd.s32 s4, s31  }
0x352: {  	[sflag:s12] =	ssyncset.done $0x0;
	s0 =	sshll.u32 s0, $0x2  }
0x353: {  	[sflag:s12] =	ssyncadd.s32 $0xFFFFB000;
	s0 =	sadd.s32 s2, s0  }
0x354: {  	[hbm4b:s0+s3] =	stream.linear.scatter [tilespmem:s13], [sflag:$0x5], $0x5000, $0x38;
	[tilespmem:$0x1A400] =	vst v63  }
0x355: {  	_ =	swait.ge [sflag:s20], $0x5000  }
0x356: {  	s0 =	simm.s32 $0xFFFFFFF0;
	[sflag:s20] =	ssyncset.done $0x0  }
0x357: {  	s1 =	simm.s32 $0x7300;
	s26 =	smov.u32 s6;
	[sflag:s20] =	ssyncadd.s32 $0xFFFFB000  }
.LBB2_9:
0x358: {  	v3 =	vmov s26  }
0x359: {  	v3 =	vshrl.u32 v3, $0x3  }
0x35a: {  	v3 =	vshll.u32 v3, v0  }
0x35b: {  	v3 =	vbroadcast v3, $0x0;
	_ =	sdelay $0x1  }
0x35c: {  	v3 =	vor.u32 v1, v3;
	_ =	sdelay $0x4  }
0x35d: {  	v3 =	vld.idx.msk [tilespmem:v3+s3+$0x0], $0xffff  }
0x35e: {  	s10 =	sadd.s32 $0x8, s26  }
0x35f: {  	v4 =	vmov s10  }
0x360: {  	v4 =	vshrl.u32 v4, $0x3  }
0x361: {  	v4 =	vshll.u32 v4, v0  }
0x362: {  	v4 =	vbroadcast v4, $0x0;
	v3 =	vshll.u32 v3, $0x1  }
0x363: {  	v3 =	vor.u32 v2, v3  }
0x364: {  	v4 =	vor.u32 v1, v4;
	_ =	sdelay $0x2  }
0x365: {  	s10 =	sadd.s32 $0xFFFFF100, s1  }
0x366: {  	[tilespmem:s10], [sflag:$0x1] =	stream.indirect_vreg.gather [hbm4b:s5+s3], $0x10, v3, vm0, $0xb8;
	[tilespmem:$0x1A400] =	vst v63  }
0x367: {  	v3 =	vld.idx.msk [tilespmem:v4+s3+$0x0], $0xffff  }
0x368: {  	s10 =	sadd.s32 $0x10, s26  }
0x369: {  	v50 =	vmov s10  }
0x36a: {  	v4 =	vshrl.u32 v50, $0x3  }
0x36b: {  	v4 =	vshll.u32 v4, v0  }
0x36c: {  	v4 =	vbroadcast v4, $0x0;
	v3 =	vshll.u32 v3, $0x1  }
0x36d: {  	v3 =	vor.u32 v2, v3  }
0x36e: {  	v4 =	vor.u32 v1, v4;
	_ =	sdelay $0x2  }
0x36f: {  	s10 =	sadd.s32 $0xFFFFF200, s1  }
0x370: {  	[tilespmem:s10], [sflag:$0x1] =	stream.indirect_vreg.gather [hbm4b:s5+s3], $0x10, v3, vm0, $0xb8;
	[tilespmem:$0x1A400] =	vst v63  }
0x371: {  	v3 =	vld.idx.msk [tilespmem:v4+s3+$0x0], $0xffff  }
0x372: {  	s10 =	sadd.s32 $0x18, s26  }
0x373: {  	v51 =	vmov s10  }
0x374: {  	v4 =	vshrl.u32 v51, $0x3  }
0x375: {  	v4 =	vshll.u32 v4, v0  }
0x376: {  	v4 =	vbroadcast v4, $0x0;
	v3 =	vshll.u32 v3, $0x1  }
0x377: {  	v3 =	vor.u32 v2, v3  }
0x378: {  	v4 =	vor.u32 v1, v4;
	_ =	sdelay $0x2  }
0x379: {  	s10 =	sadd.s32 $0xFFFFF300, s1  }
0x37a: {  	[tilespmem:s10], [sflag:$0x1] =	stream.indirect_vreg.gather [hbm4b:s5+s3], $0x10, v3, vm0, $0xb8;
	[tilespmem:$0x1A400] =	vst v63  }
0x37b: {  	v3 =	vld.idx.msk [tilespmem:v4+s3+$0x0], $0xffff  }
0x37c: {  	s10 =	sadd.s32 $0x20, s26  }
0x37d: {  	v52 =	vmov s10  }
0x37e: {  	v4 =	vshrl.u32 v52, $0x3  }
0x37f: {  	v4 =	vshll.u32 v4, v0  }
0x380: {  	v4 =	vbroadcast v4, $0x0;
	v3 =	vshll.u32 v3, $0x1  }
0x381: {  	v3 =	vor.u32 v2, v3  }
0x382: {  	v4 =	vor.u32 v1, v4;
	_ =	sdelay $0x2  }
0x383: {  	s10 =	sadd.s32 $0xFFFFF400, s1  }
0x384: {  	[tilespmem:s10], [sflag:$0x1] =	stream.indirect_vreg.gather [hbm4b:s5+s3], $0x10, v3, vm0, $0xb8;
	[tilespmem:$0x1A400] =	vst v63  }
0x385: {  	v3 =	vld.idx.msk [tilespmem:v4+s3+$0x0], $0xffff  }
0x386: {  	s10 =	sadd.s32 $0x28, s26  }
0x387: {  	v53 =	vmov s10  }
0x388: {  	v4 =	vshrl.u32 v53, $0x3  }
0x389: {  	v4 =	vshll.u32 v4, v0  }
0x38a: {  	v4 =	vbroadcast v4, $0x0;
	v3 =	vshll.u32 v3, $0x1  }
0x38b: {  	v3 =	vor.u32 v2, v3  }
0x38c: {  	v4 =	vor.u32 v1, v4;
	_ =	sdelay $0x2  }
0x38d: {  	s10 =	sadd.s32 $0xFFFFF500, s1  }
0x38e: {  	[tilespmem:s10], [sflag:$0x1] =	stream.indirect_vreg.gather [hbm4b:s5+s3], $0x10, v3, vm0, $0xb8;
	[tilespmem:$0x1A400] =	vst v63  }
0x38f: {  	v3 =	vld.idx.msk [tilespmem:v4+s3+$0x0], $0xffff  }
0x390: {  	s10 =	sadd.s32 $0x30, s26  }
0x391: {  	v54 =	vmov s10  }
0x392: {  	v4 =	vshrl.u32 v54, $0x3  }
0x393: {  	v4 =	vshll.u32 v4, v0  }
0x394: {  	v4 =	vbroadcast v4, $0x0;
	v3 =	vshll.u32 v3, $0x1  }
0x395: {  	v3 =	vor.u32 v2, v3  }
0x396: {  	v4 =	vor.u32 v1, v4;
	_ =	sdelay $0x2  }
0x397: {  	s10 =	sadd.s32 $0xFFFFF600, s1  }
0x398: {  	[tilespmem:s10], [sflag:$0x1] =	stream.indirect_vreg.gather [hbm4b:s5+s3], $0x10, v3, vm0, $0xb8;
	[tilespmem:$0x1A400] =	vst v63  }
0x399: {  	v3 =	vld.idx.msk [tilespmem:v4+s3+$0x0], $0xffff  }
0x39a: {  	s10 =	sadd.s32 $0x38, s26  }
0x39b: {  	v55 =	vmov s10  }
0x39c: {  	v4 =	vshrl.u32 v55, $0x3  }
0x39d: {  	v4 =	vshll.u32 v4, v0  }
0x39e: {  	v4 =	vbroadcast v4, $0x0;
	v3 =	vshll.u32 v3, $0x1  }
0x39f: {  	v3 =	vor.u32 v2, v3  }
0x3a0: {  	v4 =	vor.u32 v1, v4;
	_ =	sdelay $0x2  }
0x3a1: {  	s10 =	sadd.s32 $0xFFFFF700, s1  }
0x3a2: {  	[tilespmem:s10], [sflag:$0x1] =	stream.indirect_vreg.gather [hbm4b:s5+s3], $0x10, v3, vm0, $0xb8;
	[tilespmem:$0x1A400] =	vst v63  }
0x3a3: {  	v3 =	vld.idx.msk [tilespmem:v4+s3+$0x0], $0xffff  }
0x3a4: {  	s10 =	sadd.s32 $0x40, s26  }
0x3a5: {  	v56 =	vmov s10  }
0x3a6: {  	v4 =	vshrl.u32 v56, $0x3  }
0x3a7: {  	v4 =	vshll.u32 v4, v0  }
0x3a8: {  	v4 =	vbroadcast v4, $0x0;
	v3 =	vshll.u32 v3, $0x1  }
0x3a9: {  	v3 =	vor.u32 v2, v3  }
0x3aa: {  	v4 =	vor.u32 v1, v4;
	_ =	sdelay $0x2  }
0x3ab: {  	s10 =	sadd.s32 $0xFFFFF800, s1  }
0x3ac: {  	[tilespmem:s10], [sflag:$0x1] =	stream.indirect_vreg.gather [hbm4b:s5+s3], $0x10, v3, vm0, $0xb8;
	[tilespmem:$0x1A400] =	vst v63  }
0x3ad: {  	v3 =	vld.idx.msk [tilespmem:v4+s3+$0x0], $0xffff  }
0x3ae: {  	s10 =	sadd.s32 $0x48, s26  }
0x3af: {  	v57 =	vmov s10  }
0x3b0: {  	v4 =	vshrl.u32 v57, $0x3  }
0x3b1: {  	v4 =	vshll.u32 v4, v0  }
0x3b2: {  	v4 =	vbroadcast v4, $0x0;
	v3 =	vshll.u32 v3, $0x1  }
0x3b3: {  	v3 =	vor.u32 v2, v3  }
0x3b4: {  	v4 =	vor.u32 v1, v4;
	_ =	sdelay $0x2  }
0x3b5: {  	s10 =	sadd.s32 $0xFFFFF900, s1  }
0x3b6: {  	[tilespmem:s10], [sflag:$0x1] =	stream.indirect_vreg.gather [hbm4b:s5+s3], $0x10, v3, vm0, $0xb8;
	[tilespmem:$0x1A400] =	vst v63  }
0x3b7: {  	v3 =	vld.idx.msk [tilespmem:v4+s3+$0x0], $0xffff  }
0x3b8: {  	s10 =	sadd.s32 $0x50, s26  }
0x3b9: {  	v58 =	vmov s10  }
0x3ba: {  	v4 =	vshrl.u32 v58, $0x3  }
0x3bb: {  	v4 =	vshll.u32 v4, v0  }
0x3bc: {  	v4 =	vbroadcast v4, $0x0;
	v3 =	vshll.u32 v3, $0x1  }
0x3bd: {  	v3 =	vor.u32 v2, v3  }
0x3be: {  	v4 =	vor.u32 v1, v4;
	_ =	sdelay $0x2  }
0x3bf: {  	s10 =	sadd.s32 $0xFFFFFA00, s1  }
0x3c0: {  	[tilespmem:s10], [sflag:$0x1] =	stream.indirect_vreg.gather [hbm4b:s5+s3], $0x10, v3, vm0, $0xb8;
	[tilespmem:$0x1A400] =	vst v63  }
0x3c1: {  	v3 =	vld.idx.msk [tilespmem:v4+s3+$0x0], $0xffff  }
0x3c2: {  	s10 =	sadd.s32 $0x58, s26  }
0x3c3: {  	v59 =	vmov s10  }
0x3c4: {  	v4 =	vshrl.u32 v59, $0x3  }
0x3c5: {  	v4 =	vshll.u32 v4, v0  }
0x3c6: {  	v4 =	vbroadcast v4, $0x0;
	v3 =	vshll.u32 v3, $0x1  }
0x3c7: {  	v3 =	vor.u32 v2, v3  }
0x3c8: {  	v4 =	vor.u32 v1, v4;
	_ =	sdelay $0x2  }
0x3c9: {  	s10 =	sadd.s32 $0xFFFFFB00, s1  }
0x3ca: {  	[tilespmem:s10], [sflag:$0x1] =	stream.indirect_vreg.gather [hbm4b:s5+s3], $0x10, v3, vm0, $0xb8;
	[tilespmem:$0x1A400] =	vst v63  }
0x3cb: {  	v3 =	vld.idx.msk [tilespmem:v4+s3+$0x0], $0xffff  }
0x3cc: {  	s10 =	sadd.s32 $0x60, s26  }
0x3cd: {  	v60 =	vmov s10  }
0x3ce: {  	v4 =	vshrl.u32 v60, $0x3  }
0x3cf: {  	v4 =	vshll.u32 v4, v0  }
0x3d0: {  	v4 =	vbroadcast v4, $0x0;
	v3 =	vshll.u32 v3, $0x1  }
0x3d1: {  	v3 =	vor.u32 v2, v3  }
0x3d2: {  	v4 =	vor.u32 v1, v4;
	_ =	sdelay $0x2  }
0x3d3: {  	s10 =	sadd.s32 $0xFFFFFC00, s1  }
0x3d4: {  	[tilespmem:s10], [sflag:$0x1] =	stream.indirect_vreg.gather [hbm4b:s5+s3], $0x10, v3, vm0, $0xb8;
	[tilespmem:$0x1A400] =	vst v63  }
0x3d5: {  	v3 =	vld.idx.msk [tilespmem:v4+s3+$0x0], $0xffff  }
0x3d6: {  	s10 =	sadd.s32 $0x68, s26  }
0x3d7: {  	v61 =	vmov s10  }
0x3d8: {  	v4 =	vshrl.u32 v61, $0x3  }
0x3d9: {  	v4 =	vshll.u32 v4, v0  }
0x3da: {  	v4 =	vbroadcast v4, $0x0;
	v3 =	vshll.u32 v3, $0x1  }
0x3db: {  	v3 =	vor.u32 v2, v3  }
0x3dc: {  	v4 =	vor.u32 v1, v4;
	_ =	sdelay $0x2  }
0x3dd: {  	s10 =	sadd.s32 $0xFFFFFD00, s1  }
0x3de: {  	[tilespmem:s10], [sflag:$0x1] =	stream.indirect_vreg.gather [hbm4b:s5+s3], $0x10, v3, vm0, $0xb8;
	[tilespmem:$0x1A400] =	vst v63  }
0x3df: {  	v3 =	vld.idx.msk [tilespmem:v4+s3+$0x0], $0xffff  }
0x3e0: {  	s10 =	sadd.s32 $0x70, s26  }
0x3e1: {  	v62 =	vmov s10  }
0x3e2: {  	v4 =	vshrl.u32 v62, $0x3  }
0x3e3: {  	v4 =	vshll.u32 v4, v0  }
0x3e4: {  	v4 =	vbroadcast v4, $0x0;
	v3 =	vshll.u32 v3, $0x1  }
0x3e5: {  	v3 =	vor.u32 v2, v3  }
0x3e6: {  	v4 =	vor.u32 v1, v4;
	_ =	sdelay $0x2  }
0x3e7: {  	s10 =	sadd.s32 $0xFFFFFE00, s1  }
0x3e8: {  	[tilespmem:s10], [sflag:$0x1] =	stream.indirect_vreg.gather [hbm4b:s5+s3], $0x10, v3, vm0, $0xb8;
	[tilespmem:$0x1A400] =	vst v63  }
0x3e9: {  	v3 =	vld.idx.msk [tilespmem:v4+s3+$0x0], $0xffff  }
0x3ea: {  	s10 =	sadd.s32 $0x78, s26  }
0x3eb: {  	v63 =	vmov s10  }
0x3ec: {  	v4 =	vshrl.u32 v63, $0x3  }
0x3ed: {  	v4 =	vshll.u32 v4, v0  }
0x3ee: {  	v4 =	vbroadcast v4, $0x0;
	v3 =	vshll.u32 v3, $0x1  }
0x3ef: {  	v3 =	vor.u32 v2, v3  }
0x3f0: {  	v4 =	vor.u32 v1, v4;
	_ =	sdelay $0x2  }
0x3f1: {  	s10 =	sadd.s32 $0xFFFFFF00, s1  }
0x3f2: {  	[tilespmem:s10], [sflag:$0x1] =	stream.indirect_vreg.gather [hbm4b:s5+s3], $0x10, v3, vm0, $0xb8;
	[tilespmem:$0x1A400] =	vst v63  }
0x3f3: {  	v3 =	vld.idx.msk [tilespmem:v4+s3+$0x0], $0xffff;
	_ =	sdelay $0x4  }
0x3f4: {  	v3 =	vshll.u32 v3, $0x1  }
0x3f5: {  	s0 =	sadd.s32 $0x10, s0;
	v3 =	vor.u32 v2, v3  }
0x3f6: {  	p1 =	slt.u32 s0, $0x40  }
.Ltmp7:
0x3f7: {  	_ = 	snop;
	(pc) =	sbr.rel @p1 .LBB2_9-.Ltmp7, $3  }
0x3f8: {  	_ =	sdelay $0x1  }
0x3f9: {  	[tilespmem:s1], [sflag:$0x1] =	stream.indirect_vreg.gather [hbm4b:s5+s3], $0x10, v3, vm0, $0xb8;
	[tilespmem:$0x1A400] =	vst v63  }
0x3fa: {  	s26 =	sadd.s32 $0x80, s26;
	s1 =	sadd.s32 $0x1000, s1  }
.LBB2_10:
.Ltmp8:
0x3fb: {  	s0 =	sadd.s32 s31, s7;
	(pc) =	sbr.rel @p0 .LBB2_13-.Ltmp8, $4  }
0x3fc: {  	_ =	swait.ge [sflag:s14], $0x5000;
	s0 =	sshll.u32 s0, $0x2  }
0x3fd: {  	[sflag:s14] =	ssyncset.done $0x0;
	s0 =	sand.u32 $0x1FFFFA00, s0  }
0x3fe: {  	[sflag:s14] =	ssyncadd.s32 $0xFFFFB000;
	s0 =	sadd.s32 s2, s0  }
0x3ff: {  	[hbm4b:s0+s3] =	stream.linear.scatter [tilespmem:s15], [sflag:$0x6], $0x5000, $0x38;
	[tilespmem:$0x1A400] =	vst v63  }
0x400: {  	_ =	swait.ge [sflag:s21], $0x5000  }
0x401: {  	s0 =	simm.s32 $0xFFFFFFF0;
	[sflag:s21] =	ssyncset.done $0x0  }
0x402: {  	s1 =	simm.s32 $0xC300;
	s26 =	smov.u32 s28;
	[sflag:s21] =	ssyncadd.s32 $0xFFFFB000  }
.LBB2_12:
0x403: {  	v3 =	vmov s26  }
0x404: {  	v3 =	vshrl.u32 v3, $0x3  }
0x405: {  	v3 =	vshll.u32 v3, v0  }
0x406: {  	v3 =	vbroadcast v3, $0x0;
	_ =	sdelay $0x1  }
0x407: {  	v3 =	vor.u32 v1, v3;
	_ =	sdelay $0x4  }
0x408: {  	v3 =	vld.idx.msk [tilespmem:v3+s3+$0x0], $0xffff  }
0x409: {  	s10 =	sadd.s32 $0x8, s26  }
0x40a: {  	v4 =	vmov s10  }
0x40b: {  	v4 =	vshrl.u32 v4, $0x3  }
0x40c: {  	v4 =	vshll.u32 v4, v0  }
0x40d: {  	v4 =	vbroadcast v4, $0x0;
	v3 =	vshll.u32 v3, $0x1  }
0x40e: {  	v3 =	vor.u32 v2, v3  }
0x40f: {  	v4 =	vor.u32 v1, v4;
	_ =	sdelay $0x2  }
0x410: {  	s10 =	sadd.s32 $0xFFFFF100, s1  }
0x411: {  	[tilespmem:s10], [sflag:$0x2] =	stream.indirect_vreg.gather [hbm4b:s5+s3], $0x10, v3, vm0, $0xb8;
	[tilespmem:$0x1A400] =	vst v63  }
0x412: {  	v3 =	vld.idx.msk [tilespmem:v4+s3+$0x0], $0xffff  }
0x413: {  	s10 =	sadd.s32 $0x10, s26  }
0x414: {  	v50 =	vmov s10  }
0x415: {  	v4 =	vshrl.u32 v50, $0x3  }
0x416: {  	v4 =	vshll.u32 v4, v0  }
0x417: {  	v4 =	vbroadcast v4, $0x0;
	v3 =	vshll.u32 v3, $0x1  }
0x418: {  	v3 =	vor.u32 v2, v3  }
0x419: {  	v4 =	vor.u32 v1, v4;
	_ =	sdelay $0x2  }
0x41a: {  	s10 =	sadd.s32 $0xFFFFF200, s1  }
0x41b: {  	[tilespmem:s10], [sflag:$0x2] =	stream.indirect_vreg.gather [hbm4b:s5+s3], $0x10, v3, vm0, $0xb8;
	[tilespmem:$0x1A400] =	vst v63  }
0x41c: {  	v3 =	vld.idx.msk [tilespmem:v4+s3+$0x0], $0xffff  }
0x41d: {  	s10 =	sadd.s32 $0x18, s26  }
0x41e: {  	v51 =	vmov s10  }
0x41f: {  	v4 =	vshrl.u32 v51, $0x3  }
0x420: {  	v4 =	vshll.u32 v4, v0  }
0x421: {  	v4 =	vbroadcast v4, $0x0;
	v3 =	vshll.u32 v3, $0x1  }
0x422: {  	v3 =	vor.u32 v2, v3  }
0x423: {  	v4 =	vor.u32 v1, v4;
	_ =	sdelay $0x2  }
0x424: {  	s10 =	sadd.s32 $0xFFFFF300, s1  }
0x425: {  	[tilespmem:s10], [sflag:$0x2] =	stream.indirect_vreg.gather [hbm4b:s5+s3], $0x10, v3, vm0, $0xb8;
	[tilespmem:$0x1A400] =	vst v63  }
0x426: {  	v3 =	vld.idx.msk [tilespmem:v4+s3+$0x0], $0xffff  }
0x427: {  	s10 =	sadd.s32 $0x20, s26  }
0x428: {  	v52 =	vmov s10  }
0x429: {  	v4 =	vshrl.u32 v52, $0x3  }
0x42a: {  	v4 =	vshll.u32 v4, v0  }
0x42b: {  	v4 =	vbroadcast v4, $0x0;
	v3 =	vshll.u32 v3, $0x1  }
0x42c: {  	v3 =	vor.u32 v2, v3  }
0x42d: {  	v4 =	vor.u32 v1, v4;
	_ =	sdelay $0x2  }
0x42e: {  	s10 =	sadd.s32 $0xFFFFF400, s1  }
0x42f: {  	[tilespmem:s10], [sflag:$0x2] =	stream.indirect_vreg.gather [hbm4b:s5+s3], $0x10, v3, vm0, $0xb8;
	[tilespmem:$0x1A400] =	vst v63  }
0x430: {  	v3 =	vld.idx.msk [tilespmem:v4+s3+$0x0], $0xffff  }
0x431: {  	s10 =	sadd.s32 $0x28, s26  }
0x432: {  	v53 =	vmov s10  }
0x433: {  	v4 =	vshrl.u32 v53, $0x3  }
0x434: {  	v4 =	vshll.u32 v4, v0  }
0x435: {  	v4 =	vbroadcast v4, $0x0;
	v3 =	vshll.u32 v3, $0x1  }
0x436: {  	v3 =	vor.u32 v2, v3  }
0x437: {  	v4 =	vor.u32 v1, v4;
	_ =	sdelay $0x2  }
0x438: {  	s10 =	sadd.s32 $0xFFFFF500, s1  }
0x439: {  	[tilespmem:s10], [sflag:$0x2] =	stream.indirect_vreg.gather [hbm4b:s5+s3], $0x10, v3, vm0, $0xb8;
	[tilespmem:$0x1A400] =	vst v63  }
0x43a: {  	v3 =	vld.idx.msk [tilespmem:v4+s3+$0x0], $0xffff  }
0x43b: {  	s10 =	sadd.s32 $0x30, s26  }
0x43c: {  	v54 =	vmov s10  }
0x43d: {  	v4 =	vshrl.u32 v54, $0x3  }
0x43e: {  	v4 =	vshll.u32 v4, v0  }
0x43f: {  	v4 =	vbroadcast v4, $0x0;
	v3 =	vshll.u32 v3, $0x1  }
0x440: {  	v3 =	vor.u32 v2, v3  }
0x441: {  	v4 =	vor.u32 v1, v4;
	_ =	sdelay $0x2  }
0x442: {  	s10 =	sadd.s32 $0xFFFFF600, s1  }
0x443: {  	[tilespmem:s10], [sflag:$0x2] =	stream.indirect_vreg.gather [hbm4b:s5+s3], $0x10, v3, vm0, $0xb8;
	[tilespmem:$0x1A400] =	vst v63  }
0x444: {  	v3 =	vld.idx.msk [tilespmem:v4+s3+$0x0], $0xffff  }
0x445: {  	s10 =	sadd.s32 $0x38, s26  }
0x446: {  	v55 =	vmov s10  }
0x447: {  	v4 =	vshrl.u32 v55, $0x3  }
0x448: {  	v4 =	vshll.u32 v4, v0  }
0x449: {  	v4 =	vbroadcast v4, $0x0;
	v3 =	vshll.u32 v3, $0x1  }
0x44a: {  	v3 =	vor.u32 v2, v3  }
0x44b: {  	v4 =	vor.u32 v1, v4;
	_ =	sdelay $0x2  }
0x44c: {  	s10 =	sadd.s32 $0xFFFFF700, s1  }
0x44d: {  	[tilespmem:s10], [sflag:$0x2] =	stream.indirect_vreg.gather [hbm4b:s5+s3], $0x10, v3, vm0, $0xb8;
	[tilespmem:$0x1A400] =	vst v63  }
0x44e: {  	v3 =	vld.idx.msk [tilespmem:v4+s3+$0x0], $0xffff  }
0x44f: {  	s10 =	sadd.s32 $0x40, s26  }
0x450: {  	v56 =	vmov s10  }
0x451: {  	v4 =	vshrl.u32 v56, $0x3  }
0x452: {  	v4 =	vshll.u32 v4, v0  }
0x453: {  	v4 =	vbroadcast v4, $0x0;
	v3 =	vshll.u32 v3, $0x1  }
0x454: {  	v3 =	vor.u32 v2, v3  }
0x455: {  	v4 =	vor.u32 v1, v4;
	_ =	sdelay $0x2  }
0x456: {  	s10 =	sadd.s32 $0xFFFFF800, s1  }
0x457: {  	[tilespmem:s10], [sflag:$0x2] =	stream.indirect_vreg.gather [hbm4b:s5+s3], $0x10, v3, vm0, $0xb8;
	[tilespmem:$0x1A400] =	vst v63  }
0x458: {  	v3 =	vld.idx.msk [tilespmem:v4+s3+$0x0], $0xffff  }
0x459: {  	s10 =	sadd.s32 $0x48, s26  }
0x45a: {  	v57 =	vmov s10  }
0x45b: {  	v4 =	vshrl.u32 v57, $0x3  }
0x45c: {  	v4 =	vshll.u32 v4, v0  }
0x45d: {  	v4 =	vbroadcast v4, $0x0;
	v3 =	vshll.u32 v3, $0x1  }
0x45e: {  	v3 =	vor.u32 v2, v3  }
0x45f: {  	v4 =	vor.u32 v1, v4;
	_ =	sdelay $0x2  }
0x460: {  	s10 =	sadd.s32 $0xFFFFF900, s1  }
0x461: {  	[tilespmem:s10], [sflag:$0x2] =	stream.indirect_vreg.gather [hbm4b:s5+s3], $0x10, v3, vm0, $0xb8;
	[tilespmem:$0x1A400] =	vst v63  }
0x462: {  	v3 =	vld.idx.msk [tilespmem:v4+s3+$0x0], $0xffff  }
0x463: {  	s10 =	sadd.s32 $0x50, s26  }
0x464: {  	v58 =	vmov s10  }
0x465: {  	v4 =	vshrl.u32 v58, $0x3  }
0x466: {  	v4 =	vshll.u32 v4, v0  }
0x467: {  	v4 =	vbroadcast v4, $0x0;
	v3 =	vshll.u32 v3, $0x1  }
0x468: {  	v3 =	vor.u32 v2, v3  }
0x469: {  	v4 =	vor.u32 v1, v4;
	_ =	sdelay $0x2  }
0x46a: {  	s10 =	sadd.s32 $0xFFFFFA00, s1  }
0x46b: {  	[tilespmem:s10], [sflag:$0x2] =	stream.indirect_vreg.gather [hbm4b:s5+s3], $0x10, v3, vm0, $0xb8;
	[tilespmem:$0x1A400] =	vst v63  }
0x46c: {  	v3 =	vld.idx.msk [tilespmem:v4+s3+$0x0], $0xffff  }
0x46d: {  	s10 =	sadd.s32 $0x58, s26  }
0x46e: {  	v59 =	vmov s10  }
0x46f: {  	v4 =	vshrl.u32 v59, $0x3  }
0x470: {  	v4 =	vshll.u32 v4, v0  }
0x471: {  	v4 =	vbroadcast v4, $0x0;
	v3 =	vshll.u32 v3, $0x1  }
0x472: {  	v3 =	vor.u32 v2, v3  }
0x473: {  	v4 =	vor.u32 v1, v4;
	_ =	sdelay $0x2  }
0x474: {  	s10 =	sadd.s32 $0xFFFFFB00, s1  }
0x475: {  	[tilespmem:s10], [sflag:$0x2] =	stream.indirect_vreg.gather [hbm4b:s5+s3], $0x10, v3, vm0, $0xb8;
	[tilespmem:$0x1A400] =	vst v63  }
0x476: {  	v3 =	vld.idx.msk [tilespmem:v4+s3+$0x0], $0xffff  }
0x477: {  	s10 =	sadd.s32 $0x60, s26  }
0x478: {  	v60 =	vmov s10  }
0x479: {  	v4 =	vshrl.u32 v60, $0x3  }
0x47a: {  	v4 =	vshll.u32 v4, v0  }
0x47b: {  	v4 =	vbroadcast v4, $0x0;
	v3 =	vshll.u32 v3, $0x1  }
0x47c: {  	v3 =	vor.u32 v2, v3  }
0x47d: {  	v4 =	vor.u32 v1, v4;
	_ =	sdelay $0x2  }
0x47e: {  	s10 =	sadd.s32 $0xFFFFFC00, s1  }
0x47f: {  	[tilespmem:s10], [sflag:$0x2] =	stream.indirect_vreg.gather [hbm4b:s5+s3], $0x10, v3, vm0, $0xb8;
	[tilespmem:$0x1A400] =	vst v63  }
0x480: {  	v3 =	vld.idx.msk [tilespmem:v4+s3+$0x0], $0xffff  }
0x481: {  	s10 =	sadd.s32 $0x68, s26  }
0x482: {  	v61 =	vmov s10  }
0x483: {  	v4 =	vshrl.u32 v61, $0x3  }
0x484: {  	v4 =	vshll.u32 v4, v0  }
0x485: {  	v4 =	vbroadcast v4, $0x0;
	v3 =	vshll.u32 v3, $0x1  }
0x486: {  	v3 =	vor.u32 v2, v3  }
0x487: {  	v4 =	vor.u32 v1, v4;
	_ =	sdelay $0x2  }
0x488: {  	s10 =	sadd.s32 $0xFFFFFD00, s1  }
0x489: {  	[tilespmem:s10], [sflag:$0x2] =	stream.indirect_vreg.gather [hbm4b:s5+s3], $0x10, v3, vm0, $0xb8;
	[tilespmem:$0x1A400] =	vst v63  }
0x48a: {  	v3 =	vld.idx.msk [tilespmem:v4+s3+$0x0], $0xffff  }
0x48b: {  	s10 =	sadd.s32 $0x70, s26  }
0x48c: {  	v62 =	vmov s10  }
0x48d: {  	v4 =	vshrl.u32 v62, $0x3  }
0x48e: {  	v4 =	vshll.u32 v4, v0  }
0x48f: {  	v4 =	vbroadcast v4, $0x0;
	v3 =	vshll.u32 v3, $0x1  }
0x490: {  	v3 =	vor.u32 v2, v3  }
0x491: {  	v4 =	vor.u32 v1, v4;
	_ =	sdelay $0x2  }
0x492: {  	s10 =	sadd.s32 $0xFFFFFE00, s1  }
0x493: {  	[tilespmem:s10], [sflag:$0x2] =	stream.indirect_vreg.gather [hbm4b:s5+s3], $0x10, v3, vm0, $0xb8;
	[tilespmem:$0x1A400] =	vst v63  }
0x494: {  	v3 =	vld.idx.msk [tilespmem:v4+s3+$0x0], $0xffff  }
0x495: {  	s10 =	sadd.s32 $0x78, s26  }
0x496: {  	v63 =	vmov s10  }
0x497: {  	v4 =	vshrl.u32 v63, $0x3  }
0x498: {  	v4 =	vshll.u32 v4, v0  }
0x499: {  	v4 =	vbroadcast v4, $0x0;
	v3 =	vshll.u32 v3, $0x1  }
0x49a: {  	v3 =	vor.u32 v2, v3  }
0x49b: {  	v4 =	vor.u32 v1, v4;
	_ =	sdelay $0x2  }
0x49c: {  	s10 =	sadd.s32 $0xFFFFFF00, s1  }
0x49d: {  	[tilespmem:s10], [sflag:$0x2] =	stream.indirect_vreg.gather [hbm4b:s5+s3], $0x10, v3, vm0, $0xb8;
	[tilespmem:$0x1A400] =	vst v63  }
0x49e: {  	v3 =	vld.idx.msk [tilespmem:v4+s3+$0x0], $0xffff;
	_ =	sdelay $0x4  }
0x49f: {  	v3 =	vshll.u32 v3, $0x1  }
0x4a0: {  	s0 =	sadd.s32 $0x10, s0;
	v3 =	vor.u32 v2, v3  }
0x4a1: {  	p1 =	slt.u32 s0, $0x40  }
.Ltmp9:
0x4a2: {  	_ = 	snop;
	(pc) =	sbr.rel @p1 .LBB2_12-.Ltmp9, $3  }
0x4a3: {  	_ =	sdelay $0x1  }
0x4a4: {  	[tilespmem:s1], [sflag:$0x2] =	stream.indirect_vreg.gather [hbm4b:s5+s3], $0x10, v3, vm0, $0xb8;
	[tilespmem:$0x1A400] =	vst v63  }
0x4a5: {  	s26 =	sadd.s32 $0x80, s26;
	s1 =	sadd.s32 $0x1000, s1  }
.LBB2_13:
.Ltmp10:
0x4a6: {  	s0 =	sadd.s32 s31, s8;
	(pc) =	sbr.rel @p0 .LBB2_16-.Ltmp10, $4  }
0x4a7: {  	_ =	swait.ge [sflag:s16], $0x5000;
	s0 =	sshll.u32 s0, $0x2  }
0x4a8: {  	[sflag:s16] =	ssyncset.done $0x0;
	s0 =	sand.u32 $0x1FFFFC00, s0  }
0x4a9: {  	[sflag:s16] =	ssyncadd.s32 $0xFFFFB000;
	s0 =	sadd.s32 s2, s0  }
0x4aa: {  	[hbm4b:s0+s3] =	stream.linear.scatter [tilespmem:s17], [sflag:$0x7], $0x5000, $0x38;
	[tilespmem:$0x1A400] =	vst v63  }
0x4ab: {  	_ =	swait.ge [sflag:s22], $0x5000  }
0x4ac: {  	s0 =	simm.s32 $0xFFFFFFF0;
	[sflag:s22] =	ssyncset.done $0x0  }
0x4ad: {  	s1 =	simm.s32 $0x11300;
	s26 =	smov.u32 s29;
	[sflag:s22] =	ssyncadd.s32 $0xFFFFB000  }
.LBB2_15:
0x4ae: {  	v3 =	vmov s26  }
0x4af: {  	v3 =	vshrl.u32 v3, $0x3  }
0x4b0: {  	v3 =	vshll.u32 v3, v0  }
0x4b1: {  	v3 =	vbroadcast v3, $0x0;
	_ =	sdelay $0x1  }
0x4b2: {  	v3 =	vor.u32 v1, v3;
	_ =	sdelay $0x4  }
0x4b3: {  	v3 =	vld.idx.msk [tilespmem:v3+s3+$0x0], $0xffff  }
0x4b4: {  	s10 =	sadd.s32 $0x8, s26  }
0x4b5: {  	v4 =	vmov s10  }
0x4b6: {  	v4 =	vshrl.u32 v4, $0x3  }
0x4b7: {  	v4 =	vshll.u32 v4, v0  }
0x4b8: {  	v4 =	vbroadcast v4, $0x0;
	v3 =	vshll.u32 v3, $0x1  }
0x4b9: {  	v3 =	vor.u32 v2, v3  }
0x4ba: {  	v4 =	vor.u32 v1, v4;
	_ =	sdelay $0x2  }
0x4bb: {  	s10 =	sadd.s32 $0xFFFFF100, s1  }
0x4bc: {  	[tilespmem:s10], [sflag:$0x3] =	stream.indirect_vreg.gather [hbm4b:s5+s3], $0x10, v3, vm0, $0xb8;
	[tilespmem:$0x1A400] =	vst v63  }
0x4bd: {  	v3 =	vld.idx.msk [tilespmem:v4+s3+$0x0], $0xffff  }
0x4be: {  	s10 =	sadd.s32 $0x10, s26  }
0x4bf: {  	v50 =	vmov s10  }
0x4c0: {  	v4 =	vshrl.u32 v50, $0x3  }
0x4c1: {  	v4 =	vshll.u32 v4, v0  }
0x4c2: {  	v4 =	vbroadcast v4, $0x0;
	v3 =	vshll.u32 v3, $0x1  }
0x4c3: {  	v3 =	vor.u32 v2, v3  }
0x4c4: {  	v4 =	vor.u32 v1, v4;
	_ =	sdelay $0x2  }
0x4c5: {  	s10 =	sadd.s32 $0xFFFFF200, s1  }
0x4c6: {  	[tilespmem:s10], [sflag:$0x3] =	stream.indirect_vreg.gather [hbm4b:s5+s3], $0x10, v3, vm0, $0xb8;
	[tilespmem:$0x1A400] =	vst v63  }
0x4c7: {  	v3 =	vld.idx.msk [tilespmem:v4+s3+$0x0], $0xffff  }
0x4c8: {  	s10 =	sadd.s32 $0x18, s26  }
0x4c9: {  	v51 =	vmov s10  }
0x4ca: {  	v4 =	vshrl.u32 v51, $0x3  }
0x4cb: {  	v4 =	vshll.u32 v4, v0  }
0x4cc: {  	v4 =	vbroadcast v4, $0x0;
	v3 =	vshll.u32 v3, $0x1  }
0x4cd: {  	v3 =	vor.u32 v2, v3  }
0x4ce: {  	v4 =	vor.u32 v1, v4;
	_ =	sdelay $0x2  }
0x4cf: {  	s10 =	sadd.s32 $0xFFFFF300, s1  }
0x4d0: {  	[tilespmem:s10], [sflag:$0x3] =	stream.indirect_vreg.gather [hbm4b:s5+s3], $0x10, v3, vm0, $0xb8;
	[tilespmem:$0x1A400] =	vst v63  }
0x4d1: {  	v3 =	vld.idx.msk [tilespmem:v4+s3+$0x0], $0xffff  }
0x4d2: {  	s10 =	sadd.s32 $0x20, s26  }
0x4d3: {  	v52 =	vmov s10  }
0x4d4: {  	v4 =	vshrl.u32 v52, $0x3  }
0x4d5: {  	v4 =	vshll.u32 v4, v0  }
0x4d6: {  	v4 =	vbroadcast v4, $0x0;
	v3 =	vshll.u32 v3, $0x1  }
0x4d7: {  	v3 =	vor.u32 v2, v3  }
0x4d8: {  	v4 =	vor.u32 v1, v4;
	_ =	sdelay $0x2  }
0x4d9: {  	s10 =	sadd.s32 $0xFFFFF400, s1  }
0x4da: {  	[tilespmem:s10], [sflag:$0x3] =	stream.indirect_vreg.gather [hbm4b:s5+s3], $0x10, v3, vm0, $0xb8;
	[tilespmem:$0x1A400] =	vst v63  }
0x4db: {  	v3 =	vld.idx.msk [tilespmem:v4+s3+$0x0], $0xffff  }
0x4dc: {  	s10 =	sadd.s32 $0x28, s26  }
0x4dd: {  	v53 =	vmov s10  }
0x4de: {  	v4 =	vshrl.u32 v53, $0x3  }
0x4df: {  	v4 =	vshll.u32 v4, v0  }
0x4e0: {  	v4 =	vbroadcast v4, $0x0;
	v3 =	vshll.u32 v3, $0x1  }
0x4e1: {  	v3 =	vor.u32 v2, v3  }
0x4e2: {  	v4 =	vor.u32 v1, v4;
	_ =	sdelay $0x2  }
0x4e3: {  	s10 =	sadd.s32 $0xFFFFF500, s1  }
0x4e4: {  	[tilespmem:s10], [sflag:$0x3] =	stream.indirect_vreg.gather [hbm4b:s5+s3], $0x10, v3, vm0, $0xb8;
	[tilespmem:$0x1A400] =	vst v63  }
0x4e5: {  	v3 =	vld.idx.msk [tilespmem:v4+s3+$0x0], $0xffff  }
0x4e6: {  	s10 =	sadd.s32 $0x30, s26  }
0x4e7: {  	v54 =	vmov s10  }
0x4e8: {  	v4 =	vshrl.u32 v54, $0x3  }
0x4e9: {  	v4 =	vshll.u32 v4, v0  }
0x4ea: {  	v4 =	vbroadcast v4, $0x0;
	v3 =	vshll.u32 v3, $0x1  }
0x4eb: {  	v3 =	vor.u32 v2, v3  }
0x4ec: {  	v4 =	vor.u32 v1, v4;
	_ =	sdelay $0x2  }
0x4ed: {  	s10 =	sadd.s32 $0xFFFFF600, s1  }
0x4ee: {  	[tilespmem:s10], [sflag:$0x3] =	stream.indirect_vreg.gather [hbm4b:s5+s3], $0x10, v3, vm0, $0xb8;
	[tilespmem:$0x1A400] =	vst v63  }
0x4ef: {  	v3 =	vld.idx.msk [tilespmem:v4+s3+$0x0], $0xffff  }
0x4f0: {  	s10 =	sadd.s32 $0x38, s26  }
0x4f1: {  	v55 =	vmov s10  }
0x4f2: {  	v4 =	vshrl.u32 v55, $0x3  }
0x4f3: {  	v4 =	vshll.u32 v4, v0  }
0x4f4: {  	v4 =	vbroadcast v4, $0x0;
	v3 =	vshll.u32 v3, $0x1  }
0x4f5: {  	v3 =	vor.u32 v2, v3  }
0x4f6: {  	v4 =	vor.u32 v1, v4;
	_ =	sdelay $0x2  }
0x4f7: {  	s10 =	sadd.s32 $0xFFFFF700, s1  }
0x4f8: {  	[tilespmem:s10], [sflag:$0x3] =	stream.indirect_vreg.gather [hbm4b:s5+s3], $0x10, v3, vm0, $0xb8;
	[tilespmem:$0x1A400] =	vst v63  }
0x4f9: {  	v3 =	vld.idx.msk [tilespmem:v4+s3+$0x0], $0xffff  }
0x4fa: {  	s10 =	sadd.s32 $0x40, s26  }
0x4fb: {  	v56 =	vmov s10  }
0x4fc: {  	v4 =	vshrl.u32 v56, $0x3  }
0x4fd: {  	v4 =	vshll.u32 v4, v0  }
0x4fe: {  	v4 =	vbroadcast v4, $0x0;
	v3 =	vshll.u32 v3, $0x1  }
0x4ff: {  	v3 =	vor.u32 v2, v3  }
0x500: {  	v4 =	vor.u32 v1, v4;
	_ =	sdelay $0x2  }
0x501: {  	s10 =	sadd.s32 $0xFFFFF800, s1  }
0x502: {  	[tilespmem:s10], [sflag:$0x3] =	stream.indirect_vreg.gather [hbm4b:s5+s3], $0x10, v3, vm0, $0xb8;
	[tilespmem:$0x1A400] =	vst v63  }
0x503: {  	v3 =	vld.idx.msk [tilespmem:v4+s3+$0x0], $0xffff  }
0x504: {  	s10 =	sadd.s32 $0x48, s26  }
0x505: {  	v57 =	vmov s10  }
0x506: {  	v4 =	vshrl.u32 v57, $0x3  }
0x507: {  	v4 =	vshll.u32 v4, v0  }
0x508: {  	v4 =	vbroadcast v4, $0x0;
	v3 =	vshll.u32 v3, $0x1  }
0x509: {  	v3 =	vor.u32 v2, v3  }
0x50a: {  	v4 =	vor.u32 v1, v4;
	_ =	sdelay $0x2  }
0x50b: {  	s10 =	sadd.s32 $0xFFFFF900, s1  }
0x50c: {  	[tilespmem:s10], [sflag:$0x3] =	stream.indirect_vreg.gather [hbm4b:s5+s3], $0x10, v3, vm0, $0xb8;
	[tilespmem:$0x1A400] =	vst v63  }
0x50d: {  	v3 =	vld.idx.msk [tilespmem:v4+s3+$0x0], $0xffff  }
0x50e: {  	s10 =	sadd.s32 $0x50, s26  }
0x50f: {  	v58 =	vmov s10  }
0x510: {  	v4 =	vshrl.u32 v58, $0x3  }
0x511: {  	v4 =	vshll.u32 v4, v0  }
0x512: {  	v4 =	vbroadcast v4, $0x0;
	v3 =	vshll.u32 v3, $0x1  }
0x513: {  	v3 =	vor.u32 v2, v3  }
0x514: {  	v4 =	vor.u32 v1, v4;
	_ =	sdelay $0x2  }
0x515: {  	s10 =	sadd.s32 $0xFFFFFA00, s1  }
0x516: {  	[tilespmem:s10], [sflag:$0x3] =	stream.indirect_vreg.gather [hbm4b:s5+s3], $0x10, v3, vm0, $0xb8;
	[tilespmem:$0x1A400] =	vst v63  }
0x517: {  	v3 =	vld.idx.msk [tilespmem:v4+s3+$0x0], $0xffff  }
0x518: {  	s10 =	sadd.s32 $0x58, s26  }
0x519: {  	v59 =	vmov s10  }
0x51a: {  	v4 =	vshrl.u32 v59, $0x3  }
0x51b: {  	v4 =	vshll.u32 v4, v0  }
0x51c: {  	v4 =	vbroadcast v4, $0x0;
	v3 =	vshll.u32 v3, $0x1  }
0x51d: {  	v3 =	vor.u32 v2, v3  }
0x51e: {  	v4 =	vor.u32 v1, v4;
	_ =	sdelay $0x2  }
0x51f: {  	s10 =	sadd.s32 $0xFFFFFB00, s1  }
0x520: {  	[tilespmem:s10], [sflag:$0x3] =	stream.indirect_vreg.gather [hbm4b:s5+s3], $0x10, v3, vm0, $0xb8;
	[tilespmem:$0x1A400] =	vst v63  }
0x521: {  	v3 =	vld.idx.msk [tilespmem:v4+s3+$0x0], $0xffff  }
0x522: {  	s10 =	sadd.s32 $0x60, s26  }
0x523: {  	v60 =	vmov s10  }
0x524: {  	v4 =	vshrl.u32 v60, $0x3  }
0x525: {  	v4 =	vshll.u32 v4, v0  }
0x526: {  	v4 =	vbroadcast v4, $0x0;
	v3 =	vshll.u32 v3, $0x1  }
0x527: {  	v3 =	vor.u32 v2, v3  }
0x528: {  	v4 =	vor.u32 v1, v4;
	_ =	sdelay $0x2  }
0x529: {  	s10 =	sadd.s32 $0xFFFFFC00, s1  }
0x52a: {  	[tilespmem:s10], [sflag:$0x3] =	stream.indirect_vreg.gather [hbm4b:s5+s3], $0x10, v3, vm0, $0xb8;
	[tilespmem:$0x1A400] =	vst v63  }
0x52b: {  	v3 =	vld.idx.msk [tilespmem:v4+s3+$0x0], $0xffff  }
0x52c: {  	s10 =	sadd.s32 $0x68, s26  }
0x52d: {  	v61 =	vmov s10  }
0x52e: {  	v4 =	vshrl.u32 v61, $0x3  }
0x52f: {  	v4 =	vshll.u32 v4, v0  }
0x530: {  	v4 =	vbroadcast v4, $0x0;
	v3 =	vshll.u32 v3, $0x1  }
0x531: {  	v3 =	vor.u32 v2, v3  }
0x532: {  	v4 =	vor.u32 v1, v4;
	_ =	sdelay $0x2  }
0x533: {  	s10 =	sadd.s32 $0xFFFFFD00, s1  }
0x534: {  	[tilespmem:s10], [sflag:$0x3] =	stream.indirect_vreg.gather [hbm4b:s5+s3], $0x10, v3, vm0, $0xb8;
	[tilespmem:$0x1A400] =	vst v63  }
0x535: {  	v3 =	vld.idx.msk [tilespmem:v4+s3+$0x0], $0xffff  }
0x536: {  	s10 =	sadd.s32 $0x70, s26  }
0x537: {  	v62 =	vmov s10  }
0x538: {  	v4 =	vshrl.u32 v62, $0x3  }
0x539: {  	v4 =	vshll.u32 v4, v0  }
0x53a: {  	v4 =	vbroadcast v4, $0x0;
	v3 =	vshll.u32 v3, $0x1  }
0x53b: {  	v3 =	vor.u32 v2, v3  }
0x53c: {  	v4 =	vor.u32 v1, v4;
	_ =	sdelay $0x2  }
0x53d: {  	s10 =	sadd.s32 $0xFFFFFE00, s1  }
0x53e: {  	[tilespmem:s10], [sflag:$0x3] =	stream.indirect_vreg.gather [hbm4b:s5+s3], $0x10, v3, vm0, $0xb8;
	[tilespmem:$0x1A400] =	vst v63  }
0x53f: {  	v3 =	vld.idx.msk [tilespmem:v4+s3+$0x0], $0xffff  }
0x540: {  	s10 =	sadd.s32 $0x78, s26  }
0x541: {  	v63 =	vmov s10  }
0x542: {  	v4 =	vshrl.u32 v63, $0x3  }
0x543: {  	v4 =	vshll.u32 v4, v0  }
0x544: {  	v4 =	vbroadcast v4, $0x0;
	v3 =	vshll.u32 v3, $0x1  }
0x545: {  	v3 =	vor.u32 v2, v3  }
0x546: {  	v4 =	vor.u32 v1, v4;
	_ =	sdelay $0x2  }
0x547: {  	s10 =	sadd.s32 $0xFFFFFF00, s1  }
0x548: {  	[tilespmem:s10], [sflag:$0x3] =	stream.indirect_vreg.gather [hbm4b:s5+s3], $0x10, v3, vm0, $0xb8;
	[tilespmem:$0x1A400] =	vst v63  }
0x549: {  	v3 =	vld.idx.msk [tilespmem:v4+s3+$0x0], $0xffff;
	_ =	sdelay $0x4  }
0x54a: {  	v3 =	vshll.u32 v3, $0x1  }
0x54b: {  	s0 =	sadd.s32 $0x10, s0;
	v3 =	vor.u32 v2, v3  }
0x54c: {  	p1 =	slt.u32 s0, $0x40  }
.Ltmp11:
0x54d: {  	_ = 	snop;
	(pc) =	sbr.rel @p1 .LBB2_15-.Ltmp11, $3  }
0x54e: {  	_ =	sdelay $0x1  }
0x54f: {  	[tilespmem:s1], [sflag:$0x3] =	stream.indirect_vreg.gather [hbm4b:s5+s3], $0x10, v3, vm0, $0xb8;
	[tilespmem:$0x1A400] =	vst v63  }
0x550: {  	s26 =	sadd.s32 $0x80, s26;
	s1 =	sadd.s32 $0x1000, s1  }
.LBB2_16:
.Ltmp12:
0x551: {  	s0 =	sadd.s32 s31, s9;
	(pc) =	sbr.rel @!p0 .LBB2_17-.Ltmp12, $4  }
0x552: {  	_ =	swait.ge [sflag:s18], $0x5000;
	s0 =	sshll.u32 s0, $0x2  }
0x553: {  	[sflag:s18] =	ssyncset.done $0x0;
	s0 =	sand.u32 $0x1FFFFE00, s0  }
0x554: {  	[sflag:s18] =	ssyncadd.s32 $0xFFFFB000;
	s0 =	sadd.s32 s2, s0  }
0x555: {  	[hbm4b:s0+s3] =	stream.linear.scatter [tilespmem:s19], [sflag:$0x8], $0x5000, $0x38;
	[tilespmem:$0x1A400] =	vst v63  }
0x556: {  	_ =	swait.ge [sflag:s20], $0x5000  }
0x557: {  	[sflag:s20] =	ssyncset.done $0x0  }
0x558: {  	[sflag:s20] =	ssyncadd.s32 $0xFFFFB000  }
0x559: {  	_ =	swait.ge [sflag:s21], $0x5000  }
0x55a: {  	[sflag:s21] =	ssyncset.done $0x0  }
0x55b: {  	[sflag:s21] =	ssyncadd.s32 $0xFFFFB000  }
0x55c: {  	_ =	swait.ge [sflag:s22], $0x5000  }
0x55d: {  	[sflag:s22] =	ssyncset.done $0x0  }
0x55e: {  	[sflag:s22] =	ssyncadd.s32 $0xFFFFB000  }
0x55f: {  	_ =	swait.ge [sflag:s23], $0x5000  }
0x560: {  	s24 =	sadd.s32 $0x1, s24;
	s0 =	rddreg [dreg:$0x5]  }
0x561: {  	p0 =	sne.s32 s24, s0  }
.Ltmp13:
0x562: {  	_ = 	snop;
	(pc) =	sbr.rel @p0 .LBB2_1-.Ltmp13, $3  }
0x563: {  	_ =	sdelay $0x1  }
0x564: {  	[sflag:s23] =	ssyncset.done $0x0  }
0x565: {  	[sflag:s23] =	ssyncadd.s32 $0xFFFFB000  }
0x566: {  	_ =	sfence.sel $0x180000  }
0x567: {  	[bflag:$0x0] =	sbarrier.arrive $0xFFFF  }
0x568: {  	_ =	strace $0x90000047  }
0x569: {  	s0 =	stileid.u32;
	[bflag:$0x2] =	sbarrier.arrive $0xFFFF  }
0x56a: {  	p0 =	sne.s32 s0, $0x0;
	s0 =	rddreg [dreg:$0x3]  }
0x56b: {  	s0 =	sadd.s32 @!p0 $0x100000, s0  }
0x56c: {  	[sflag:s0] =	ssyncadd.tile.s32 @!p0 $0x1;
	_ =	shalt  }
.Lfunc_end2:
_tile_overlayer_lowered:
.L_overlay_start_2:
0x56d: {  	(tag) =	ssettag $0x2  }
0x56e: {  	s0 =	rddreg [dreg:$0x0];
	s2 =	stileid.u32  }
0x56f: {  	s1 =	rddreg [dreg:$0x1];
	p0 =	sne.s32 s2, $0x0  }
0x570: {  	s3 =	rddreg [dreg:$0x2];
	[bflag:$0x3] =	sbarrier.arrive $0xFFFF;
	s2 =	simm.s32 @!p0 $0x1C09  }
0x571: {  	[timem:s3], [sflag:s2] =	dma.local @!p0 [hbm:s0], s1  }
0x572: {  	s0 =	simm.s32 @!p0 $0x9  }
0x573: {  	_ =	swait.ge @!p0 [sflag:s0], s1  }
0x574: {  	s1 =	ssub.s32 @!p0 $0x0, s1;
	[sflag:s0] =	ssyncset.done @!p0 $0x0  }
0x575: {  	[sflag:s0] =	ssyncadd.s32 @!p0 s1  }
0x576: {  	[bflag:$0x3] =	sbarrier.arrive $0xFFFF  }
0x577: {  	_ =	shalt  }

// kernel: sparse-core-data-format-call.cloned.1.call-start
scs
called_computation_lowered:
.L_overlay_start_0:
0x0: {  	s2 =	sld [smem:$0x3FD9]  }
0x1: {  	s3 =	sld [smem:$0x3FFE];
	_ =	sdelay $0x1  }
0x2: {  	s1 =	srdreg.scid  }
0x3: {  	s0 =	sand.u32 $0x1, s1  }
0x4: {  	s18 =	sshll.u32 s0, $0xA;
	s2 =	sadd.s32 s3, s2  }
0x5: {  	s2 =	sadd.s32 s2, s18  }
0x6: {  	[smem:$0x3FC6] =	sst s2  }
0x7: {  	_ = 	snop  }
0x8: {  	s2 =	sld [smem:$0x3FD0];
	(tm) =	ssettm $0x1  }
0x9: {  	s19 =	sld [smem:$0x3FFB];
	_ =	sdelay $0x3  }
0xa: {  	_ =	strace s19  }
0xb: {  	s3 =	sld [smem:$0x3FFC];
	_ =	sdelay $0x3  }
0xc: {  	_ =	strace s3  }
0xd: {  	s3 =	sld [smem:$0x3FFD];
	_ =	sdelay $0x3  }
0xe: {  	_ =	strace s3  }
0xf: {  	_ =	strace $0x8FFFFFFF  }
0x10: {  	s20 =	sld [smem:$0x3FDB];
	_ =	sdelay $0x1  }
0x11: {  	s4 =	simm.s32 $_scs_section_size  }
0x12: {  	s5 =	simm.s32 $_size__tile_overlayer_lowered;
	s6 =	simm.s32 $_tile_overlayer_lowered  }
0x13: {  	s23 =	simm.s32 $0x1BFF;
	s22 =	sshll.u32 s6, $0x1;
	s3 =	sadd.s32 s4, s20  }
0x14: {  	s7 =	simm.s32 $0x0;
	s21 =	sshll.u32 s5, $0x1;
	s5 =	sadd.s32 s22, s3  }
0x15: {  	[timem:s7], [sflag:s23] =	dma.local [hbm:s5], s21  }
0x16: {  	_ =	swait.ge [sflag:s23], s21  }
0x17: {  	s4 =	ssub.s32 $0x0, s21;
	[sflag:s23] =	ssyncset.done $0x0  }
0x18: {  	[sflag:s23] =	ssyncadd.s32 s4;
	_ =	sdelay $0x1  }
0x19: {  	s24 =	simm.s32 $0x1B8B  }
0x1a: {  	_ =	swait.ge [sflag:s24], $0x1  }
0x1b: {  	[sflag:s24] =	ssyncset.done $0x0  }
0x1c: {  	s26 =	simm.s32 $0x1B8E;
	s25 =	sld [smem:$0x3FFE];
	[sflag:s24] =	ssyncadd.s32 $0xFFFFFFFF  }
0x1d: {  	s27 =	simm.s32 $execute0_lowered;
	[smem:$0x3FD2] =	sst s26  }
0x1e: {  	s5 =	sshll.u32 s27, $0x1;
	_ =	strace $0x80000049;
	[dreg:$0x1] =	wrdreg $0xFFFFFFFF  }
0x1f: {  	s28 =	simm.s32 $_size_execute0_lowered;
	s3 =	sadd.s32 s3, s5;
	[dreg:$0x0] =	wrdreg $0x0  }
0x20: {  	s5 =	sshll.u32 s28, $0x1;
	[dreg:$0x2] =	wrdreg s3  }
0x21: {  	[dreg:$0x3] =	wrdreg s5  }
0x22: {  	[dreg:$0x4] =	wrdreg $0xC0  }
0x23: {  	_ =	task [dreg:s7], $0x5FFFF  }
0x24: {  	[dreg:$0x1] =	wrdreg $0xFFFFFFFF  }
0x25: {  	[dreg:$0x0] =	wrdreg $0x60  }
0x26: {  	[dreg:$0x2] =	wrdreg s25  }
0x27: {  	[dreg:$0x3] =	wrdreg s2  }
0x28: {  	[dreg:$0x4] =	wrdreg $0x9  }
0x29: {  	_ =	task.clear_ibuf [dreg:s7], $0x5FFFF;
	_ =	strace $0x90000049  }
0x2a: {  	s29 =	simm.s32 $0x9;
	_ =	strace $0x8000004B  }
0x2b: {  	_ =	swait.ge [sflag:s29], $0x1  }
0x2c: {  	[sflag:s29] =	ssyncadd.s32 $0xFFFFFFFF  }
0x2d: {  	_ =	strace $0x9000004B  }
0x2e: {  	_ =	sfence  }
0x2f: {  	s30 =	sld [smem:$0x0];
	_ =	sdelay $0x2  }
0x30: {  	s31 =	sshll.u32 s1, $0xD;
	s1 =	sshrl.u32 s1, $0x2  }
0x31: {  	s3 =	sand.u32 $0x4000, s31;
	s1 =	sadd.s32 s1, s30  }
0x32: {  	s0 =	sor.u32 s3, s0;
	s1 =	sshll.u32 s1, $0x11  }
0x33: {  	s0 =	sor.u32 s1, s0  }
0x34: {  	s0 =	sadd.s32 $0x8F2B, s0  }
0x35: {  	[sflag:s0] =	ssyncadd.remote.s32 $0x1  }
0x36: {  	_ =	sfence.sel $0xFFFF  }
0x37: {  	[dreg:$0x0] =	wrdreg $0xFFFFFFFF;
	(pc) =	sbr.abs _section_cstart, $3  }
0x38: {  	[dreg:$0x1] =	wrdreg $0xFFFFFFFF  }
0x39: {  	_ =	task.clear_ibuf [dreg:s7], $0x2FFFF;
	_ =	strace $0x9FFFFFFF  }
0x3a: {  	(tm) =	ssettm $0x7FFFFFFF  }
0x3b: {  	_ =	shalt  }
tec
execute0_lowered:
.L_overlay_start_1:
0x0: {  	(tag) =	ssettag $0x1  }
0x1: {  	s0 =	srdreg.scid  }
0x2: {  	s1 =	sshll.u32 s0, $0x4  }
0x3: {  	s4 =	rddreg [dreg:$0x0];
	s0 =	stileid.u32;
	s1 =	sand.u32 $0x10, s1  }
0x4: {  	s2 =	rddreg [dreg:$0x1];
	s7 =	simm.s32 $0x1;
	s1 =	sor.u32 s0, s1  }
0x5: {  	s8 =	simm.s32 $0x2;
	s11 =	simm.s32 $0x0;
	s3 =	sshll.u32 s1, $0x7  }
0x6: {  	s10 =	simm.s32 $0x0;
	s4 =	sadd.s32 $0x800, s4;
	s6 =	ssub.s32 $0x190000, s3  }
.Ltmp0:
0x7: {  	s1 =	rddreg [dreg:$0x2];
	s5 =	sand.u32 $0xF80, s6;
	(pc) =	sbr.rel .LBB1_1-.Ltmp0, $4  }
0x8: {  	_ =	strace $0x8000004A;
	s9 =	smov.u32 s3;
	p0 =	sne.s32 s5, $0x0  }
0x9: {  	s6 =	sshrl.u32 s6, $0xC;
	s5 =	simm.s32 $0x1;
	s7 =	simm.s32 @!p0 $0x0  }
0xa: {  	[sflag:s5] =	ssyncpa.u1 $0x0;
	p0 =	por $0x0, $0x0;
	s6 =	sadd.s32 s7, s6  }
0xb: {  	[sflag:s8] =	ssyncpa.u1 $0x0;
	s8 =	simm.s32 $0xC80000;
	s7 =	sadd.s32 $0x1, s6  }
.LBB1_4:
0xc: {  	s14 =	sshll.u32 s11, $0x3  }
0xd: {  	s30 =	sand.u32 $0x7F, s11;
	s15 =	sand.u32 $0xFFFFFC00, s14  }
0xe: {  	s11 =	sor.u32 s30, s15  }
0xf: {  	s15 =	smulhi.u32 $0x51EB851F, s11  }
0x10: {  	s14 =	smulhi.u32 $0x51EB851F, s14  }
0x11: {  	s15 =	sshrl.u32 s15, $0x13  }
0x12: {  	s14 =	sshrl.u32 s14, $0x13;
	s15 =	smul.u32 $0x190000, s15  }
0x13: {  	[tilespmem:s12+$0xFFFFFFFC ss:$0x81] =	vst.msk $0xffff, v1;
	s14 =	sand.u32 $0xF, s14  }
0x14: {  	[tilespmem:s12+$0xFFFFFFFD ss:$0x81] =	vst.msk $0xffff, v2;
	s14 =	smul.u32 $0x32000, s14;
	s11 =	ssub.s32 s11, s15  }
0x15: {  	[tilespmem:s12+$0xFFFFFFFE ss:$0x81] =	vst.msk $0xffff, v0;
	s15 =	sand.u32 $0x7, s11  }
0x16: {  	[tilespmem:s12+$0xFFFFFFFF ss:$0x81] =	vst.msk $0xffff, v4;
	s14 =	sadd.s32 s2, s14;
	s11 =	sshrl.u32 s11, $0x3;
	s15 =	sshll.u32 s15, $0x12  }
0x17: {  	[tilespmem:s12+$0xFFFFFFF9 ss:$0x81] =	vst.msk $0xffff, v3;
	s11 =	sadd.s32 s11, s14;
	s31 =	sor.u32 $0x400, s15  }
0x18: {  	[hbm4b:s11+s31] =	stream.strided.scatter [tilespmem:s13], [sflag:$0x2], $0x800, s8, s31, $0x20;
	[tilespmem:$0x2020] =	vst v63  }
.LBB1_5:
0x19: {  	s13 =	sadd.s32 $0x1000, s9  }
0x1a: {  	p2 =	sgt.s32 s13, $0x18FFFF  }
0x1b: {  	s13 =	smov.u32 @p2 s3;
	p2 =	sne.s32 s10, s7  }
.Ltmp1:
0x1c: {  	p1 =	slt.u32 s10, $0x2;
	(pc) =	sbr.rel @!p2 .LBB1_6-.Ltmp1, $4  }
0x1d: {  	s12 =	simm.s32 @!p1 $0x2  }
0x1e: {  	s14 =	sadd.s32 $0x1, s10;
	_ =	swait.ge @!p1 [sflag:s12], $0x800  }
0x1f: {  	s11 =	smov.u32 s9;
	p0 =	por !p0, !p0;
	[sflag:s12] =	ssyncset.done @!p1 $0x0  }
0x20: {  	s10 =	smov.u32 s14;
	s9 =	smov.u32 s13;
	[sflag:s12] =	ssyncadd.s32 @!p1 $0xFFFFF800  }
.LBB1_1:
0x21: {  	p1 =	sge.u32 s10, s6  }
0x22: {  	s12 =	sand.u32 @!p1 $0x1FFFFFF, s9  }
0x23: {  	s13 =	smulhi.u32 @!p1 $0x147AE15, s12;
	_ =	sdelay $0x1  }
0x24: {  	s13 =	sshrl.u32 @!p1 s13, $0xD  }
0x25: {  	s13 =	smul.u32 @!p1 $0x190000, s13;
	_ =	sdelay $0x1  }
0x26: {  	s31 =	sadd.s32 $0xFFFFFFFF, s10;
	s14 =	sxor.u32 @!p1 $0xFFFFFFFF, s10;
	s12 =	ssub.s32 @!p1 s12, s13  }
0x27: {  	s15 =	simm.s32 @!p1 $0x80;
	s14 =	sshll.u32 @!p1 s14, $0xB;
	s12 =	sshll.u32 @!p1 s12, $0x4  }
0x28: {  	s13 =	sand.u32 @!p1 $0x800, s14;
	s14 =	simm.s32 @!p1 $0x10;
	s12 =	sadd.s32 @!p1 s4, s12  }
0x29: {  	[tilespmem:s13], [sflag:$0x1] =	stream.strided.gather @!p1 [hbm4b:s12+s14], $0x800, s15, s14, $0x38;
	[tilespmem:$0x2020] =	vst v63  }
0x2a: {  	p1 =	sge.u32 s31, s6  }
.Ltmp2:
0x2b: {  	_ = 	snop;
	(pc) =	sbr.rel @p1 .LBB1_5-.Ltmp2, $1  }
0x2c: {  	_ =	sdelay $0x3  }
0x2d: {  	s12 =	simm.s32 $0x1  }
0x2e: {  	_ =	swait.ge [sflag:s5], $0x800;
	s12 =	simm.s32 @!p0 $0x0  }
0x2f: {  	[sflag:s5] =	ssyncset.done $0x0;
	s13 =	sshll.u32 s12, $0xB  }
0x30: {  	[sflag:s5] =	ssyncadd.s32 $0xFFFFF800;
	s15 =	sor.u32 $0x40, s13  }
0x31: {  	v3 =	vld [tilespmem:s15+$0x30]  }
0x32: {  	s12 =	smul.u32 $0x2040, s12;
	v4 =	vld [tilespmem:s15+$0xFFFFFFD0]  }
0x33: {  	v5 =	vld [tilespmem:s15+$0xFFFFFFE0]  }
0x34: {  	s31 =	sand.u32 $0x1, s10;
	s12 =	sshrl.u32 s12, $0x2;
	v1 =	vld [tilespmem:s15+$0xFFFFFFF0]  }
0x35: {  	s13 =	smul.u32 $0x2040, s31;
	v2 =	vld [tilespmem:s15+$0x0];
	s12 =	sor.u32 $0x1007, s12  }
0x36: {  	v0 =	vld [tilespmem:s15+$0x10];
	[tilespmem:s12+$0x0 ss:$0x81] =	vst.msk $0xffff, v3  }
0x37: {  	s13 =	sshrl.u32 s13, $0x2;
	[tilespmem:s12+$0xFFFFFFFA ss:$0x81] =	vst.msk $0xffff, v4;
	v4 =	vld [tilespmem:s15+$0x20]  }
0x38: {  	s14 =	simm.s32 $0x0;
	s13 =	sor.u32 $0x1000, s13;
	v3 =	vld [tilespmem:s15+$0xFFFFFFC0];
	[tilespmem:s12+$0xFFFFFFFB ss:$0x81] =	vst.msk $0xffff, v5;
	s15 =	sadd.s32 $0x80, s15  }
.LBB1_3:
0x39: {  	v5 =	vld [tilespmem:s15+$0x30];
	s14 =	sadd.s32 $0x8, s14;
	[tilespmem:s12+$0xFFFFFFFC ss:$0x81] =	vst.msk $0xffff, v1  }
0x3a: {  	v6 =	vld [tilespmem:s15+$0xFFFFFFD0];
	p1 =	slt.u32 s14, $0x78;
	[tilespmem:s12+$0xFFFFFFFD ss:$0x81] =	vst.msk $0xffff, v2  }
0x3b: {  	v7 =	vld [tilespmem:s15+$0xFFFFFFE0];
	[tilespmem:s12+$0xFFFFFFFE ss:$0x81] =	vst.msk $0xffff, v0  }
.Ltmp3:
0x3c: {  	v1 =	vld [tilespmem:s15+$0xFFFFFFF0];
	[tilespmem:s12+$0xFFFFFFFF ss:$0x81] =	vst.msk $0xffff, v4;
	(pc) =	sbr.rel @p1 .LBB1_3-.Ltmp3, $4  }
0x3d: {  	v2 =	vld [tilespmem:s15+$0x0];
	[tilespmem:s12+$0xFFFFFFF9 ss:$0x81] =	vst.msk $0xffff, v3;
	s12 =	sadd.s32 $0x8, s12  }
0x3e: {  	v0 =	vld [tilespmem:s15+$0x10];
	[tilespmem:s12+$0x0 ss:$0x81] =	vst.msk $0xffff, v5  }
0x3f: {  	[tilespmem:s12+$0xFFFFFFFA ss:$0x81] =	vst.msk $0xffff, v6;
	v4 =	vld [tilespmem:s15+$0x20]  }
0x40: {  	v3 =	vld [tilespmem:s15+$0xFFFFFFC0];
	[tilespmem:s12+$0xFFFFFFFB ss:$0x81] =	vst.msk $0xffff, v7;
	s15 =	sadd.s32 $0x80, s15  }
.Ltmp4:
0x41: {  	_ = 	snop;
	(pc) =	sbr.rel .LBB1_4-.Ltmp4, $1  }
0x42: {  	_ =	sdelay $0x3  }
.LBB1_6:
0x43: {  	_ =	sfence.sel $0x180000  }
0x44: {  	s2 =	simm.s32 $0x1;
	[bflag:$0x0] =	sbarrier.arrive $0xFFFF  }
0x45: {  	s31 =	simm.s32 $0x2;
	[sflag:s2] =	ssyncpa.u1 $0x1  }
0x46: {  	[sflag:s31] =	ssyncpa.u1 $0x1  }
0x47: {  	p0 =	sne.s32 s0, $0x0;
	_ =	strace $0x9000004A  }
0x48: {  	s0 =	sadd.s32 @!p0 $0x100000, s1;
	[bflag:$0x2] =	sbarrier.arrive $0xFFFF  }
0x49: {  	[sflag:s0] =	ssyncadd.tile.s32 @!p0 $0x1;
	_ =	shalt  }
.Lfunc_end1:
_tile_overlayer_lowered:
.L_overlay_start_2:
0x4a: {  	(tag) =	ssettag $0x2  }
0x4b: {  	s0 =	rddreg [dreg:$0x0];
	s2 =	stileid.u32  }
0x4c: {  	s1 =	rddreg [dreg:$0x1];
	p0 =	sne.s32 s2, $0x0  }
0x4d: {  	s3 =	rddreg [dreg:$0x2];
	[bflag:$0x3] =	sbarrier.arrive $0xFFFF;
	s2 =	simm.s32 @!p0 $0x1C01  }
0x4e: {  	[timem:s3], [sflag:s2] =	dma.local @!p0 [hbm:s0], s1  }
0x4f: {  	s0 =	simm.s32 @!p0 $0x1  }
0x50: {  	_ =	swait.ge @!p0 [sflag:s0], s1  }
0x51: {  	s1 =	ssub.s32 @!p0 $0x0, s1;
	[sflag:s0] =	ssyncset.done @!p0 $0x0  }
0x52: {  	[sflag:s0] =	ssyncadd.s32 @!p0 s1  }
0x53: {  	[bflag:$0x3] =	sbarrier.arrive $0xFFFF  }
0x54: {  	_ =	shalt  }

</sc_bundles>
